<compile_context>
chip_gen: v7x
topology: tpu7x:2x2x1
jax: 0.10.2.dev20260603
libtpu: 0.0.44.dev20260713+nightly
codegen_flags: <defaults>
</compile_context>

<pallas_src>
import functools

import jax
import jax.numpy as jnp
from jax import lax
from jax.experimental import pallas as pl
from jax.experimental.pallas import tpu as pltpu
from jax.experimental.pallas import tpu_sc as plsc

C = 8
G = 50000
S = 16
L = 2
B = 8

NC = 2
NS = 16
NL = 16

CH_G = 400
CH_UNITS = CH_G // NL
CHUNKS_PER_C = G // CH_G
JC = (CHUNKS_PER_C + NS - 1) // NS
NCH = C * JC


def _body(xp_hbm, i_hbm, out_hbm, xp0_v, xp1_v, ib_a, ib_b, ob_a, ob_b,
          sld_a, sld_b, sst_a, sst_b):
  group = lax.axis_index("s")
  bh = lax.axis_index("c")

  xoff = bh * (2 * G)
  pltpu.sync_copy(xp_hbm.at[pl.ds(xoff, G)], xp0_v)
  pltpu.sync_copy(xp_hbm.at[pl.ds(xoff + G, G)], xp1_v)

  def params(n):
    n = jnp.minimum(n, NCH - 1)
    c = lax.shift_right_logical(n, 3)
    m = lax.bitwise_and(n, JC - 1)
    k = jnp.minimum(group + NS * m, CHUNKS_PER_C - 1)
    return c, k

  def issue_load(n, ib, sem):
    c, k = params(n)
    base = c * (S * L * G) + k * CH_G
    for m in range(S * L):
      pltpu.async_copy(
          i_hbm.at[pl.ds(base + m * G, CH_G)],
          ib.at[pl.ds(m * CH_G, CH_G)], sem)

  def wait_load(ib, sem):
    pltpu.make_async_copy(
        i_hbm.at[pl.ds(0, S * L * CH_G)], ib, sem).wait()

  def issue_store(n, ob, sem):
    c, k = params(n)
    base = (c * B + bh * 4) * G + k * CH_G
    for t in range(4):
      pltpu.async_copy(
          ob.at[pl.ds(t * CH_G, CH_G)],
          out_hbm.at[pl.ds(base + t * G, CH_G)], sem)

  def wait_store(ob, sem):
    pltpu.make_async_copy(
        ob, out_hbm.at[pl.ds(0, 4 * CH_G)], sem).wait()

  def compute(ib, ob):
    @plsc.parallel_loop(0, CH_UNITS, 1, unroll=2)
    def u_body(u):
      off = u * NL
      acc_a = jnp.zeros((2 * NL,), jnp.bfloat16)
      acc_b = jnp.zeros((2 * NL,), jnp.bfloat16)
      for s in range(S):
        i0 = ib[pl.ds((2 * s) * CH_G + off, NL)]
        i1 = ib[pl.ds((2 * s + 1) * CH_G + off, NL)]
        a0 = plsc.load_gather(xp0_v, [i0])
        a1 = plsc.load_gather(xp0_v, [i1])
        b0 = plsc.load_gather(xp1_v, [i0])
        b1 = plsc.load_gather(xp1_v, [i1])
        acc_a += plsc.bitcast(a0, jnp.bfloat16) * plsc.bitcast(a1, jnp.bfloat16)
        acc_b += plsc.bitcast(b0, jnp.bfloat16) * plsc.bitcast(b1, jnp.bfloat16)
      e0, e1 = plsc.unpack(acc_a, format=plsc.PackFormat.INTERLEAVED)
      e2, e3 = plsc.unpack(acc_b, format=plsc.PackFormat.INTERLEAVED)
      for t, e in enumerate((e0, e1, e2, e3)):
        ob[pl.ds(t * CH_G + off, NL)] = e

  issue_load(0, ib_a, sld_a)

  def p_body(p, _):
    n0 = 2 * p
    issue_load(n0 + 1, ib_b, sld_b)
    wait_load(ib_a, sld_a)

    @pl.when(p > 0)
    def _():
      wait_store(ob_a, sst_a)

    compute(ib_a, ob_a)
    issue_store(n0, ob_a, sst_a)
    issue_load(n0 + 2, ib_a, sld_a)
    wait_load(ib_b, sld_b)

    @pl.when(p > 0)
    def _():
      wait_store(ob_b, sst_b)

    compute(ib_b, ob_b)
    issue_store(n0 + 1, ob_b, sst_b)
    return 0

  lax.fori_loop(0, NCH // 2, p_body, 0)
  wait_load(ib_a, sld_a)
  wait_store(ob_a, sst_a)
  wait_store(ob_b, sst_b)


@jax.jit
def kernel(x, I):
  xb = x.astype(jnp.bfloat16)
  pairs = xb.reshape(4, 2, G).transpose(0, 2, 1)
  xp = lax.bitcast_convert_type(pairs, jnp.int32)
  xp_flat = xp.reshape(4 * G)
  i_rows = I.transpose(0, 2, 3, 1).reshape(C * S * L * G)

  mesh = plsc.VectorSubcoreMesh(
      core_axis_name="c", subcore_axis_name="s", num_cores=NC, num_subcores=NS
  )
  run = pl.kernel(
      _body,
      out_type=jax.ShapeDtypeStruct((C * B * G,), jnp.float32),
      mesh=mesh,
      scratch_types=[
          pltpu.VMEM((G,), jnp.int32),
          pltpu.VMEM((G,), jnp.int32),
          pltpu.VMEM((S * L * CH_G,), jnp.int32),
          pltpu.VMEM((S * L * CH_G,), jnp.int32),
          pltpu.VMEM((4 * CH_G,), jnp.float32),
          pltpu.VMEM((4 * CH_G,), jnp.float32),
          pltpu.SemaphoreType.DMA,
          pltpu.SemaphoreType.DMA,
          pltpu.SemaphoreType.DMA,
          pltpu.SemaphoreType.DMA,
      ],
      compiler_params=pltpu.CompilerParams(needs_layout_passes=False),
  )
  out2 = run(xp_flat, i_rows)
  return out2.reshape(C, B, G)

# --- scband reference (transcript-rebuilt; emitter-appended) ---
"""Pipeline reference for scband-clause-body-infer-module-18227841204321 (READ-ONLY COPY).

The authoritative reference and input builder live on the scoring server;
editing this copy changes nothing except your own understanding.
"""

import jax, jax.numpy as jnp
import numpy as np

C, G, S, L, B = 8, 50000, 16, 2, 8


def setup_inputs(seed: int = 0) -> dict:
    key = jax.random.key(seed)
    kx, kI = jax.random.split(key)
    x = jax.random.uniform(kx, (B, G), dtype=jnp.float32)
    # I: clause index tensor, values index into the G (atom) dimension of x
    I = jax.random.randint(kI, (C, G, S, L), 0, G, dtype=jnp.int32)
    return {"x": x, "I": I}


def reference(x, I):
    # Faithful translation of ClauseBodyInferModule.r_cb with ClauseBodySumFunction bodies.
    # For each clause i:
    #   V_tild[b,g,s,l] = x[b, I[i,g,s,l]]  (gather along atom dim)
    #   C_i[b,g] = sum_s prod_l V_tild[b,g,s,l]
    # Output: stack over clauses -> [C, B, G]
    num_clauses = I.shape[0]
    outs = []
    for i in range(num_clauses):
        gathered = x[:, I[i]]  # [B, G, S, L] gather (memory-bound)
        body = jnp.prod(gathered, axis=3)  # conjunction over body literals -> [B, G, S]
        c_i = jnp.sum(body, axis=2)  # sum over substitutions -> [B, G]
        outs.append(c_i)
    return jnp.stack(outs, axis=0)

if __name__ == "__main__":
    import jax
    _d = setup_inputs()
    print(jax.jit(kernel)(*tuple(_d.values())))

</pallas_src>

<mosaic_0001>
#map = affine_map<(d0, d1) -> (0)>
module attributes {stable_mosaic.version = 14 : i64} {
  func.func @_body(%arg0: i32, %arg1: i32, %arg2: memref<200000xi32, #tpu.memory_space<hbm>>, %arg3: memref<12800000xi32, #tpu.memory_space<hbm>>, %arg4: memref<3200000xf32, #tpu.memory_space<hbm>>, %arg5: memref<50000xi32, #tpu.memory_space<vmem>>, %arg6: memref<50000xi32, #tpu.memory_space<vmem>>, %arg7: memref<12800xi32, #tpu.memory_space<vmem>>, %arg8: memref<12800xi32, #tpu.memory_space<vmem>>, %arg9: memref<1600xf32, #tpu.memory_space<vmem>>, %arg10: memref<1600xf32, #tpu.memory_space<vmem>>, %arg11: memref<!tpu.dma_semaphore, #tpu.memory_space<semaphore_mem>>, %arg12: memref<!tpu.dma_semaphore, #tpu.memory_space<semaphore_mem>>, %arg13: memref<!tpu.dma_semaphore, #tpu.memory_space<semaphore_mem>>, %arg14: memref<!tpu.dma_semaphore, #tpu.memory_space<semaphore_mem>>) attributes {dimension_semantics = [#tpu.dimension_semantics<core_parallel>, #tpu.dimension_semantics<subcore_parallel>], iteration_bounds = array<i64: 2, 16>, scalar_prefetch = 0 : i64, scratch_operands = 10 : i64, tpu.core_type = #tpu.core_type<sc_vector_subcore>, window_params = [{transform_indices = #map}, {transform_indices = #map}, {transform_indices = #map}]} {
    %mul3A = arith.constant 100000 : i32
    %mul3A_0 = arith.muli %arg0, %mul3A : i32
    "tpu.region"() ({
      %run_scoped3A = tpu.sem_alloc : memref<!tpu.dma_semaphore, #tpu.memory_space<semaphore_mem>>
      %dma_start3A_288 = tpu.memref_slice %arg2[%mul3A_0] : memref<200000xi32, #tpu.memory_space<hbm>> -> memref<50000xi32, #tpu.memory_space<hbm>>
      %dma_start3A_289 = tpu.memref_slice %arg2[%mul3A_0] : memref<200000xi32, #tpu.memory_space<hbm>> -> memref<50000xi32, #tpu.memory_space<hbm>>
      tpu.enqueue_dma source(%dma_start3A_289 : memref<50000xi32, #tpu.memory_space<hbm>>) target(%arg5 : memref<50000xi32, #tpu.memory_space<vmem>>) target_semaphore(%run_scoped3A : memref<!tpu.dma_semaphore, #tpu.memory_space<semaphore_mem>>)
      %dma_wait3A_290 = tpu.memref_slice %arg2[%mul3A_0] : memref<200000xi32, #tpu.memory_space<hbm>> -> memref<50000xi32, #tpu.memory_space<hbm>>
      %dma_wait3A_291 = tpu.memref_slice %arg2[%mul3A_0] : memref<200000xi32, #tpu.memory_space<hbm>> -> memref<50000xi32, #tpu.memory_space<hbm>>
      tpu.wait_dma2 semaphore(%run_scoped3A : memref<!tpu.dma_semaphore, #tpu.memory_space<semaphore_mem>>) src(%dma_wait3A_291 : memref<50000xi32, #tpu.memory_space<hbm>>) dst(%arg5 : memref<50000xi32, #tpu.memory_space<vmem>>)
      tpu.yield
    }) : () -> ()
    %add3A = arith.constant 50000 : i32
    %add3A_1 = arith.addi %mul3A_0, %add3A : i32
    "tpu.region"() ({
      %run_scoped3A = tpu.sem_alloc : memref<!tpu.dma_semaphore, #tpu.memory_space<semaphore_mem>>
      %dma_start3A_288 = tpu.memref_slice %arg2[%add3A_1] : memref<200000xi32, #tpu.memory_space<hbm>> -> memref<50000xi32, #tpu.memory_space<hbm>>
      %dma_start3A_289 = tpu.memref_slice %arg2[%add3A_1] : memref<200000xi32, #tpu.memory_space<hbm>> -> memref<50000xi32, #tpu.memory_space<hbm>>
      tpu.enqueue_dma source(%dma_start3A_289 : memref<50000xi32, #tpu.memory_space<hbm>>) target(%arg6 : memref<50000xi32, #tpu.memory_space<vmem>>) target_semaphore(%run_scoped3A : memref<!tpu.dma_semaphore, #tpu.memory_space<semaphore_mem>>)
      %dma_wait3A_290 = tpu.memref_slice %arg2[%add3A_1] : memref<200000xi32, #tpu.memory_space<hbm>> -> memref<50000xi32, #tpu.memory_space<hbm>>
      %dma_wait3A_291 = tpu.memref_slice %arg2[%add3A_1] : memref<200000xi32, #tpu.memory_space<hbm>> -> memref<50000xi32, #tpu.memory_space<hbm>>
      tpu.wait_dma2 semaphore(%run_scoped3A : memref<!tpu.dma_semaphore, #tpu.memory_space<semaphore_mem>>) src(%dma_wait3A_291 : memref<50000xi32, #tpu.memory_space<hbm>>) dst(%arg6 : memref<50000xi32, #tpu.memory_space<vmem>>)
      tpu.yield
    }) : () -> ()
    %min3A = arith.constant 0 : i32
    %min3A_2 = arith.constant 63 : i32
    %min3A_3 = arith.minsi %min3A, %min3A_2 : i32
    %shift_right_logical3A = arith.constant 3 : i32
    %shift_right_logical3A_4 = arith.shrui %min3A_3, %shift_right_logical3A : i32
    %and3A = arith.constant 7 : i32
    %and3A_5 = arith.andi %min3A_3, %and3A : i32
    %mul3A_6 = arith.constant 16 : i32
    %mul3A_7 = arith.muli %mul3A_6, %and3A_5 : i32
    %add3A_8 = arith.addi %arg1, %mul3A_7 : i32
    %min3A_9 = arith.constant 124 : i32
    %min3A_10 = arith.minsi %add3A_8, %min3A_9 : i32
    %mul3A_11 = arith.constant 1600000 : i32
    %mul3A_12 = arith.muli %shift_right_logical3A_4, %mul3A_11 : i32
    %mul3A_13 = arith.constant 400 : i32
    %mul3A_14 = arith.muli %min3A_10, %mul3A_13 : i32
    %add3A_15 = arith.addi %mul3A_12, %mul3A_14 : i32
    %add3A_16 = arith.constant 0 : i32
    %add3A_17 = arith.addi %add3A_15, %add3A_16 : i32
    %dma_start3A = arith.constant 0 : i32
    %dma_start3A_18 = tpu.memref_slice %arg7[%dma_start3A] : memref<12800xi32, #tpu.memory_space<vmem>> -> memref<400xi32, #tpu.memory_space<vmem>>
    %dma_start3A_19 = tpu.memref_slice %arg3[%add3A_17] : memref<12800000xi32, #tpu.memory_space<hbm>> -> memref<400xi32, #tpu.memory_space<hbm>>
    %dma_start3A_20 = arith.constant 0 : i32
    %dma_start3A_21 = tpu.memref_slice %arg7[%dma_start3A_20] : memref<12800xi32, #tpu.memory_space<vmem>> -> memref<400xi32, #tpu.memory_space<vmem>>
    %dma_start3A_22 = tpu.memref_slice %arg3[%add3A_17] : memref<12800000xi32, #tpu.memory_space<hbm>> -> memref<400xi32, #tpu.memory_space<hbm>>
    tpu.enqueue_dma source(%dma_start3A_22 : memref<400xi32, #tpu.memory_space<hbm>>) target(%dma_start3A_21 : memref<400xi32, #tpu.memory_space<vmem>>) target_semaphore(%arg11 : memref<!tpu.dma_semaphore, #tpu.memory_space<semaphore_mem>>)
    %add3A_23 = arith.constant 50000 : i32
    %add3A_24 = arith.addi %add3A_15, %add3A_23 : i32
    %dma_start3A_25 = arith.constant 400 : i32
    %dma_start3A_26 = tpu.memref_slice %arg7[%dma_start3A_25] : memref<12800xi32, #tpu.memory_space<vmem>> -> memref<400xi32, #tpu.memory_space<vmem>>
    %dma_start3A_27 = tpu.memref_slice %arg3[%add3A_24] : memref<12800000xi32, #tpu.memory_space<hbm>> -> memref<400xi32, #tpu.memory_space<hbm>>
    %dma_start3A_28 = arith.constant 400 : i32
    %dma_start3A_29 = tpu.memref_slice %arg7[%dma_start3A_28] : memref<12800xi32, #tpu.memory_space<vmem>> -> memref<400xi32, #tpu.memory_space<vmem>>
    %dma_start3A_30 = tpu.memref_slice %arg3[%add3A_24] : memref<12800000xi32, #tpu.memory_space<hbm>> -> memref<400xi32, #tpu.memory_space<hbm>>
    tpu.enqueue_dma source(%dma_start3A_30 : memref<400xi32, #tpu.memory_space<hbm>>) target(%dma_start3A_29 : memref<400xi32, #tpu.memory_space<vmem>>) target_semaphore(%arg11 : memref<!tpu.dma_semaphore, #tpu.memory_space<semaphore_mem>>)
    %add3A_31 = arith.constant 100000 : i32
    %add3A_32 = arith.addi %add3A_15, %add3A_31 : i32
    %dma_start3A_33 = arith.constant 800 : i32
    %dma_start3A_34 = tpu.memref_slice %arg7[%dma_start3A_33] : memref<12800xi32, #tpu.memory_space<vmem>> -> memref<400xi32, #tpu.memory_space<vmem>>
    %dma_start3A_35 = tpu.memref_slice %arg3[%add3A_32] : memref<12800000xi32, #tpu.memory_space<hbm>> -> memref<400xi32, #tpu.memory_space<hbm>>
    %dma_start3A_36 = arith.constant 800 : i32
    %dma_start3A_37 = tpu.memref_slice %arg7[%dma_start3A_36] : memref<12800xi32, #tpu.memory_space<vmem>> -> memref<400xi32, #tpu.memory_space<vmem>>
    %dma_start3A_38 = tpu.memref_slice %arg3[%add3A_32] : memref<12800000xi32, #tpu.memory_space<hbm>> -> memref<400xi32, #tpu.memory_space<hbm>>
    tpu.enqueue_dma source(%dma_start3A_38 : memref<400xi32, #tpu.memory_space<hbm>>) target(%dma_start3A_37 : memref<400xi32, #tpu.memory_space<vmem>>) target_semaphore(%arg11 : memref<!tpu.dma_semaphore, #tpu.memory_space<semaphore_mem>>)
    %add3A_39 = arith.constant 150000 : i32
    %add3A_40 = arith.addi %add3A_15, %add3A_39 : i32
    %dma_start3A_41 = arith.constant 1200 : i32
    %dma_start3A_42 = tpu.memref_slice %arg7[%dma_start3A_41] : memref<12800xi32, #tpu.memory_space<vmem>> -> memref<400xi32, #tpu.memory_space<vmem>>
    %dma_start3A_43 = tpu.memref_slice %arg3[%add3A_40] : memref<12800000xi32, #tpu.memory_space<hbm>> -> memref<400xi32, #tpu.memory_space<hbm>>
    %dma_start3A_44 = arith.constant 1200 : i32
    %dma_start3A_45 = tpu.memref_slice %arg7[%dma_start3A_44] : memref<12800xi32, #tpu.memory_space<vmem>> -> memref<400xi32, #tpu.memory_space<vmem>>
    %dma_start3A_46 = tpu.memref_slice %arg3[%add3A_40] : memref<12800000xi32, #tpu.memory_space<hbm>> -> memref<400xi32, #tpu.memory_space<hbm>>
    tpu.enqueue_dma source(%dma_start3A_46 : memref<400xi32, #tpu.memory_space<hbm>>) target(%dma_start3A_45 : memref<400xi32, #tpu.memory_space<vmem>>) target_semaphore(%arg11 : memref<!tpu.dma_semaphore, #tpu.memory_space<semaphore_mem>>)
    %add3A_47 = arith.constant 200000 : i32
    %add3A_48 = arith.addi %add3A_15, %add3A_47 : i32
    %dma_start3A_49 = arith.constant 1600 : i32
    %dma_start3A_50 = tpu.memref_slice %arg7[%dma_start3A_49] : memref<12800xi32, #tpu.memory_space<vmem>> -> memref<400xi32, #tpu.memory_space<vmem>>
    %dma_start3A_51 = tpu.memref_slice %arg3[%add3A_48] : memref<12800000xi32, #tpu.memory_space<hbm>> -> memref<400xi32, #tpu.memory_space<hbm>>
    %dma_start3A_52 = arith.constant 1600 : i32
    %dma_start3A_53 = tpu.memref_slice %arg7[%dma_start3A_52] : memref<12800xi32, #tpu.memory_space<vmem>> -> memref<400xi32, #tpu.memory_space<vmem>>
    %dma_start3A_54 = tpu.memref_slice %arg3[%add3A_48] : memref<12800000xi32, #tpu.memory_space<hbm>> -> memref<400xi32, #tpu.memory_space<hbm>>
    tpu.enqueue_dma source(%dma_start3A_54 : memref<400xi32, #tpu.memory_space<hbm>>) target(%dma_start3A_53 : memref<400xi32, #tpu.memory_space<vmem>>) target_semaphore(%arg11 : memref<!tpu.dma_semaphore, #tpu.memory_space<semaphore_mem>>)
    %add3A_55 = arith.constant 250000 : i32
    %add3A_56 = arith.addi %add3A_15, %add3A_55 : i32
    %dma_start3A_57 = arith.constant 2000 : i32
    %dma_start3A_58 = tpu.memref_slice %arg7[%dma_start3A_57] : memref<12800xi32, #tpu.memory_space<vmem>> -> memref<400xi32, #tpu.memory_space<vmem>>
    %dma_start3A_59 = tpu.memref_slice %arg3[%add3A_56] : memref<12800000xi32, #tpu.memory_space<hbm>> -> memref<400xi32, #tpu.memory_space<hbm>>
    %dma_start3A_60 = arith.constant 2000 : i32
    %dma_start3A_61 = tpu.memref_slice %arg7[%dma_start3A_60] : memref<12800xi32, #tpu.memory_space<vmem>> -> memref<400xi32, #tpu.memory_space<vmem>>
    %dma_start3A_62 = tpu.memref_slice %arg3[%add3A_56] : memref<12800000xi32, #tpu.memory_space<hbm>> -> memref<400xi32, #tpu.memory_space<hbm>>
    tpu.enqueue_dma source(%dma_start3A_62 : memref<400xi32, #tpu.memory_space<hbm>>) target(%dma_start3A_61 : memref<400xi32, #tpu.memory_space<vmem>>) target_semaphore(%arg11 : memref<!tpu.dma_semaphore, #tpu.memory_space<semaphore_mem>>)
    %add3A_63 = arith.constant 300000 : i32
    %add3A_64 = arith.addi %add3A_15, %add3A_63 : i32
    %dma_start3A_65 = arith.constant 2400 : i32
    %dma_start3A_66 = tpu.memref_slice %arg7[%dma_start3A_65] : memref<12800xi32, #tpu.memory_space<vmem>> -> memref<400xi32, #tpu.memory_space<vmem>>
    %dma_start3A_67 = tpu.memref_slice %arg3[%add3A_64] : memref<12800000xi32, #tpu.memory_space<hbm>> -> memref<400xi32, #tpu.memory_space<hbm>>
    %dma_start3A_68 = arith.constant 2400 : i32
    %dma_start3A_69 = tpu.memref_slice %arg7[%dma_start3A_68] : memref<12800xi32, #tpu.memory_space<vmem>> -> memref<400xi32, #tpu.memory_space<vmem>>
    %dma_start3A_70 = tpu.memref_slice %arg3[%add3A_64] : memref<12800000xi32, #tpu.memory_space<hbm>> -> memref<400xi32, #tpu.memory_space<hbm>>
    tpu.enqueue_dma source(%dma_start3A_70 : memref<400xi32, #tpu.memory_space<hbm>>) target(%dma_start3A_69 : memref<400xi32, #tpu.memory_space<vmem>>) target_semaphore(%arg11 : memref<!tpu.dma_semaphore, #tpu.memory_space<semaphore_mem>>)
    %add3A_71 = arith.constant 350000 : i32
    %add3A_72 = arith.addi %add3A_15, %add3A_71 : i32
    %dma_start3A_73 = arith.constant 2800 : i32
    %dma_start3A_74 = tpu.memref_slice %arg7[%dma_start3A_73] : memref<12800xi32, #tpu.memory_space<vmem>> -> memref<400xi32, #tpu.memory_space<vmem>>
    %dma_start3A_75 = tpu.memref_slice %arg3[%add3A_72] : memref<12800000xi32, #tpu.memory_space<hbm>> -> memref<400xi32, #tpu.memory_space<hbm>>
    %dma_start3A_76 = arith.constant 2800 : i32
    %dma_start3A_77 = tpu.memref_slice %arg7[%dma_start3A_76] : memref<12800xi32, #tpu.memory_space<vmem>> -> memref<400xi32, #tpu.memory_space<vmem>>
    %dma_start3A_78 = tpu.memref_slice %arg3[%add3A_72] : memref<12800000xi32, #tpu.memory_space<hbm>> -> memref<400xi32, #tpu.memory_space<hbm>>
    tpu.enqueue_dma source(%dma_start3A_78 : memref<400xi32, #tpu.memory_space<hbm>>) target(%dma_start3A_77 : memref<400xi32, #tpu.memory_space<vmem>>) target_semaphore(%arg11 : memref<!tpu.dma_semaphore, #tpu.memory_space<semaphore_mem>>)
    %add3A_79 = arith.constant 400000 : i32
    %add3A_80 = arith.addi %add3A_15, %add3A_79 : i32
    %dma_start3A_81 = arith.constant 3200 : i32
    %dma_start3A_82 = tpu.memref_slice %arg7[%dma_start3A_81] : memref<12800xi32, #tpu.memory_space<vmem>> -> memref<400xi32, #tpu.memory_space<vmem>>
    %dma_start3A_83 = tpu.memref_slice %arg3[%add3A_80] : memref<12800000xi32, #tpu.memory_space<hbm>> -> memref<400xi32, #tpu.memory_space<hbm>>
    %dma_start3A_84 = arith.constant 3200 : i32
    %dma_start3A_85 = tpu.memref_slice %arg7[%dma_start3A_84] : memref<12800xi32, #tpu.memory_space<vmem>> -> memref<400xi32, #tpu.memory_space<vmem>>
    %dma_start3A_86 = tpu.memref_slice %arg3[%add3A_80] : memref<12800000xi32, #tpu.memory_space<hbm>> -> memref<400xi32, #tpu.memory_space<hbm>>
    tpu.enqueue_dma source(%dma_start3A_86 : memref<400xi32, #tpu.memory_space<hbm>>) target(%dma_start3A_85 : memref<400xi32, #tpu.memory_space<vmem>>) target_semaphore(%arg11 : memref<!tpu.dma_semaphore, #tpu.memory_space<semaphore_mem>>)
    %add3A_87 = arith.constant 450000 : i32
    %add3A_88 = arith.addi %add3A_15, %add3A_87 : i32
    %dma_start3A_89 = arith.constant 3600 : i32
    %dma_start3A_90 = tpu.memref_slice %arg7[%dma_start3A_89] : memref<12800xi32, #tpu.memory_space<vmem>> -> memref<400xi32, #tpu.memory_space<vmem>>
    %dma_start3A_91 = tpu.memref_slice %arg3[%add3A_88] : memref<12800000xi32, #tpu.memory_space<hbm>> -> memref<400xi32, #tpu.memory_space<hbm>>
    %dma_start3A_92 = arith.constant 3600 : i32
    %dma_start3A_93 = tpu.memref_slice %arg7[%dma_start3A_92] : memref<12800xi32, #tpu.memory_space<vmem>> -> memref<400xi32, #tpu.memory_space<vmem>>
    %dma_start3A_94 = tpu.memref_slice %arg3[%add3A_88] : memref<12800000xi32, #tpu.memory_space<hbm>> -> memref<400xi32, #tpu.memory_space<hbm>>
    tpu.enqueue_dma source(%dma_start3A_94 : memref<400xi32, #tpu.memory_space<hbm>>) target(%dma_start3A_93 : memref<400xi32, #tpu.memory_space<vmem>>) target_semaphore(%arg11 : memref<!tpu.dma_semaphore, #tpu.memory_space<semaphore_mem>>)
    %add3A_95 = arith.constant 500000 : i32
    %add3A_96 = arith.addi %add3A_15, %add3A_95 : i32
    %dma_start3A_97 = arith.constant 4000 : i32
    %dma_start3A_98 = tpu.memref_slice %arg7[%dma_start3A_97] : memref<12800xi32, #tpu.memory_space<vmem>> -> memref<400xi32, #tpu.memory_space<vmem>>
    %dma_start3A_99 = tpu.memref_slice %arg3[%add3A_96] : memref<12800000xi32, #tpu.memory_space<hbm>> -> memref<400xi32, #tpu.memory_space<hbm>>
    %dma_start3A_100 = arith.constant 4000 : i32
    %dma_start3A_101 = tpu.memref_slice %arg7[%dma_start3A_100] : memref<12800xi32, #tpu.memory_space<vmem>> -> memref<400xi32, #tpu.memory_space<vmem>>
    %dma_start3A_102 = tpu.memref_slice %arg3[%add3A_96] : memref<12800000xi32, #tpu.memory_space<hbm>> -> memref<400xi32, #tpu.memory_space<hbm>>
    tpu.enqueue_dma source(%dma_start3A_102 : memref<400xi32, #tpu.memory_space<hbm>>) target(%dma_start3A_101 : memref<400xi32, #tpu.memory_space<vmem>>) target_semaphore(%arg11 : memref<!tpu.dma_semaphore, #tpu.memory_space<semaphore_mem>>)
    %add3A_103 = arith.constant 550000 : i32
    %add3A_104 = arith.addi %add3A_15, %add3A_103 : i32
    %dma_start3A_105 = arith.constant 4400 : i32
    %dma_start3A_106 = tpu.memref_slice %arg7[%dma_start3A_105] : memref<12800xi32, #tpu.memory_space<vmem>> -> memref<400xi32, #tpu.memory_space<vmem>>
    %dma_start3A_107 = tpu.memref_slice %arg3[%add3A_104] : memref<12800000xi32, #tpu.memory_space<hbm>> -> memref<400xi32, #tpu.memory_space<hbm>>
    %dma_start3A_108 = arith.constant 4400 : i32
    %dma_start3A_109 = tpu.memref_slice %arg7[%dma_start3A_108] : memref<12800xi32, #tpu.memory_space<vmem>> -> memref<400xi32, #tpu.memory_space<vmem>>
    %dma_start3A_110 = tpu.memref_slice %arg3[%add3A_104] : memref<12800000xi32, #tpu.memory_space<hbm>> -> memref<400xi32, #tpu.memory_space<hbm>>
    tpu.enqueue_dma source(%dma_start3A_110 : memref<400xi32, #tpu.memory_space<hbm>>) target(%dma_start3A_109 : memref<400xi32, #tpu.memory_space<vmem>>) target_semaphore(%arg11 : memref<!tpu.dma_semaphore, #tpu.memory_space<semaphore_mem>>)
    %add3A_111 = arith.constant 600000 : i32
    %add3A_112 = arith.addi %add3A_15, %add3A_111 : i32
    %dma_start3A_113 = arith.constant 4800 : i32
    %dma_start3A_114 = tpu.memref_slice %arg7[%dma_start3A_113] : memref<12800xi32, #tpu.memory_space<vmem>> -> memref<400xi32, #tpu.memory_space<vmem>>
    %dma_start3A_115 = tpu.memref_slice %arg3[%add3A_112] : memref<12800000xi32, #tpu.memory_space<hbm>> -> memref<400xi32, #tpu.memory_space<hbm>>
    %dma_start3A_116 = arith.constant 4800 : i32
    %dma_start3A_117 = tpu.memref_slice %arg7[%dma_start3A_116] : memref<12800xi32, #tpu.memory_space<vmem>> -> memref<400xi32, #tpu.memory_space<vmem>>
    %dma_start3A_118 = tpu.memref_slice %arg3[%add3A_112] : memref<12800000xi32, #tpu.memory_space<hbm>> -> memref<400xi32, #tpu.memory_space<hbm>>
    tpu.enqueue_dma source(%dma_start3A_118 : memref<400xi32, #tpu.memory_space<hbm>>) target(%dma_start3A_117 : memref<400xi32, #tpu.memory_space<vmem>>) target_semaphore(%arg11 : memref<!tpu.dma_semaphore, #tpu.memory_space<semaphore_mem>>)
    %add3A_119 = arith.constant 650000 : i32
    %add3A_120 = arith.addi %add3A_15, %add3A_119 : i32
    %dma_start3A_121 = arith.constant 5200 : i32
    %dma_start3A_122 = tpu.memref_slice %arg7[%dma_start3A_121] : memref<12800xi32, #tpu.memory_space<vmem>> -> memref<400xi32, #tpu.memory_space<vmem>>
    %dma_start3A_123 = tpu.memref_slice %arg3[%add3A_120] : memref<12800000xi32, #tpu.memory_space<hbm>> -> memref<400xi32, #tpu.memory_space<hbm>>
    %dma_start3A_124 = arith.constant 5200 : i32
    %dma_start3A_125 = tpu.memref_slice %arg7[%dma_start3A_124] : memref<12800xi32, #tpu.memory_space<vmem>> -> memref<400xi32, #tpu.memory_space<vmem>>
    %dma_start3A_126 = tpu.memref_slice %arg3[%add3A_120] : memref<12800000xi32, #tpu.memory_space<hbm>> -> memref<400xi32, #tpu.memory_space<hbm>>
    tpu.enqueue_dma source(%dma_start3A_126 : memref<400xi32, #tpu.memory_space<hbm>>) target(%dma_start3A_125 : memref<400xi32, #tpu.memory_space<vmem>>) target_semaphore(%arg11 : memref<!tpu.dma_semaphore, #tpu.memory_space<semaphore_mem>>)
    %add3A_127 = arith.constant 700000 : i32
    %add3A_128 = arith.addi %add3A_15, %add3A_127 : i32
    %dma_start3A_129 = arith.constant 5600 : i32
    %dma_start3A_130 = tpu.memref_slice %arg7[%dma_start3A_129] : memref<12800xi32, #tpu.memory_space<vmem>> -> memref<400xi32, #tpu.memory_space<vmem>>
    %dma_start3A_131 = tpu.memref_slice %arg3[%add3A_128] : memref<12800000xi32, #tpu.memory_space<hbm>> -> memref<400xi32, #tpu.memory_space<hbm>>
    %dma_start3A_132 = arith.constant 5600 : i32
    %dma_start3A_133 = tpu.memref_slice %arg7[%dma_start3A_132] : memref<12800xi32, #tpu.memory_space<vmem>> -> memref<400xi32, #tpu.memory_space<vmem>>
    %dma_start3A_134 = tpu.memref_slice %arg3[%add3A_128] : memref<12800000xi32, #tpu.memory_space<hbm>> -> memref<400xi32, #tpu.memory_space<hbm>>
    tpu.enqueue_dma source(%dma_start3A_134 : memref<400xi32, #tpu.memory_space<hbm>>) target(%dma_start3A_133 : memref<400xi32, #tpu.memory_space<vmem>>) target_semaphore(%arg11 : memref<!tpu.dma_semaphore, #tpu.memory_space<semaphore_mem>>)
    %add3A_135 = arith.constant 750000 : i32
    %add3A_136 = arith.addi %add3A_15, %add3A_135 : i32
    %dma_start3A_137 = arith.constant 6000 : i32
    %dma_start3A_138 = tpu.memref_slice %arg7[%dma_start3A_137] : memref<12800xi32, #tpu.memory_space<vmem>> -> memref<400xi32, #tpu.memory_space<vmem>>
    %dma_start3A_139 = tpu.memref_slice %arg3[%add3A_136] : memref<12800000xi32, #tpu.memory_space<hbm>> -> memref<400xi32, #tpu.memory_space<hbm>>
    %dma_start3A_140 = arith.constant 6000 : i32
    %dma_start3A_141 = tpu.memref_slice %arg7[%dma_start3A_140] : memref<12800xi32, #tpu.memory_space<vmem>> -> memref<400xi32, #tpu.memory_space<vmem>>
    %dma_start3A_142 = tpu.memref_slice %arg3[%add3A_136] : memref<12800000xi32, #tpu.memory_space<hbm>> -> memref<400xi32, #tpu.memory_space<hbm>>
    tpu.enqueue_dma source(%dma_start3A_142 : memref<400xi32, #tpu.memory_space<hbm>>) target(%dma_start3A_141 : memref<400xi32, #tpu.memory_space<vmem>>) target_semaphore(%arg11 : memref<!tpu.dma_semaphore, #tpu.memory_space<semaphore_mem>>)
    %add3A_143 = arith.constant 800000 : i32
    %add3A_144 = arith.addi %add3A_15, %add3A_143 : i32
    %dma_start3A_145 = arith.constant 6400 : i32
    %dma_start3A_146 = tpu.memref_slice %arg7[%dma_start3A_145] : memref<12800xi32, #tpu.memory_space<vmem>> -> memref<400xi32, #tpu.memory_space<vmem>>
    %dma_start3A_147 = tpu.memref_slice %arg3[%add3A_144] : memref<12800000xi32, #tpu.memory_space<hbm>> -> memref<400xi32, #tpu.memory_space<hbm>>
    %dma_start3A_148 = arith.constant 6400 : i32
    %dma_start3A_149 = tpu.memref_slice %arg7[%dma_start3A_148] : memref<12800xi32, #tpu.memory_space<vmem>> -> memref<400xi32, #tpu.memory_space<vmem>>
    %dma_start3A_150 = tpu.memref_slice %arg3[%add3A_144] : memref<12800000xi32, #tpu.memory_space<hbm>> -> memref<400xi32, #tpu.memory_space<hbm>>
    tpu.enqueue_dma source(%dma_start3A_150 : memref<400xi32, #tpu.memory_space<hbm>>) target(%dma_start3A_149 : memref<400xi32, #tpu.memory_space<vmem>>) target_semaphore(%arg11 : memref<!tpu.dma_semaphore, #tpu.memory_space<semaphore_mem>>)
    %add3A_151 = arith.constant 850000 : i32
    %add3A_152 = arith.addi %add3A_15, %add3A_151 : i32
    %dma_start3A_153 = arith.constant 6800 : i32
    %dma_start3A_154 = tpu.memref_slice %arg7[%dma_start3A_153] : memref<12800xi32, #tpu.memory_space<vmem>> -> memref<400xi32, #tpu.memory_space<vmem>>
    %dma_start3A_155 = tpu.memref_slice %arg3[%add3A_152] : memref<12800000xi32, #tpu.memory_space<hbm>> -> memref<400xi32, #tpu.memory_space<hbm>>
    %dma_start3A_156 = arith.constant 6800 : i32
    %dma_start3A_157 = tpu.memref_slice %arg7[%dma_start3A_156] : memref<12800xi32, #tpu.memory_space<vmem>> -> memref<400xi32, #tpu.memory_space<vmem>>
    %dma_start3A_158 = tpu.memref_slice %arg3[%add3A_152] : memref<12800000xi32, #tpu.memory_space<hbm>> -> memref<400xi32, #tpu.memory_space<hbm>>
    tpu.enqueue_dma source(%dma_start3A_158 : memref<400xi32, #tpu.memory_space<hbm>>) target(%dma_start3A_157 : memref<400xi32, #tpu.memory_space<vmem>>) target_semaphore(%arg11 : memref<!tpu.dma_semaphore, #tpu.memory_space<semaphore_mem>>)
    %add3A_159 = arith.constant 900000 : i32
    %add3A_160 = arith.addi %add3A_15, %add3A_159 : i32
    %dma_start3A_161 = arith.constant 7200 : i32
    %dma_start3A_162 = tpu.memref_slice %arg7[%dma_start3A_161] : memref<12800xi32, #tpu.memory_space<vmem>> -> memref<400xi32, #tpu.memory_space<vmem>>
    %dma_start3A_163 = tpu.memref_slice %arg3[%add3A_160] : memref<12800000xi32, #tpu.memory_space<hbm>> -> memref<400xi32, #tpu.memory_space<hbm>>
    %dma_start3A_164 = arith.constant 7200 : i32
    %dma_start3A_165 = tpu.memref_slice %arg7[%dma_start3A_164] : memref<12800xi32, #tpu.memory_space<vmem>> -> memref<400xi32, #tpu.memory_space<vmem>>
    %dma_start3A_166 = tpu.memref_slice %arg3[%add3A_160] : memref<12800000xi32, #tpu.memory_space<hbm>> -> memref<400xi32, #tpu.memory_space<hbm>>
    tpu.enqueue_dma source(%dma_start3A_166 : memref<400xi32, #tpu.memory_space<hbm>>) target(%dma_start3A_165 : memref<400xi32, #tpu.memory_space<vmem>>) target_semaphore(%arg11 : memref<!tpu.dma_semaphore, #tpu.memory_space<semaphore_mem>>)
    %add3A_167 = arith.constant 950000 : i32
    %add3A_168 = arith.addi %add3A_15, %add3A_167 : i32
    %dma_start3A_169 = arith.constant 7600 : i32
    %dma_start3A_170 = tpu.memref_slice %arg7[%dma_start3A_169] : memref<12800xi32, #tpu.memory_space<vmem>> -> memref<400xi32, #tpu.memory_space<vmem>>
    %dma_start3A_171 = tpu.memref_slice %arg3[%add3A_168] : memref<12800000xi32, #tpu.memory_space<hbm>> -> memref<400xi32, #tpu.memory_space<hbm>>
    %dma_start3A_172 = arith.constant 7600 : i32
    %dma_start3A_173 = tpu.memref_slice %arg7[%dma_start3A_172] : memref<12800xi32, #tpu.memory_space<vmem>> -> memref<400xi32, #tpu.memory_space<vmem>>
    %dma_start3A_174 = tpu.memref_slice %arg3[%add3A_168] : memref<12800000xi32, #tpu.memory_space<hbm>> -> memref<400xi32, #tpu.memory_space<hbm>>
    tpu.enqueue_dma source(%dma_start3A_174 : memref<400xi32, #tpu.memory_space<hbm>>) target(%dma_start3A_173 : memref<400xi32, #tpu.memory_space<vmem>>) target_semaphore(%arg11 : memref<!tpu.dma_semaphore, #tpu.memory_space<semaphore_mem>>)
    %add3A_175 = arith.constant 1000000 : i32
    %add3A_176 = arith.addi %add3A_15, %add3A_175 : i32
    %dma_start3A_177 = arith.constant 8000 : i32
    %dma_start3A_178 = tpu.memref_slice %arg7[%dma_start3A_177] : memref<12800xi32, #tpu.memory_space<vmem>> -> memref<400xi32, #tpu.memory_space<vmem>>
    %dma_start3A_179 = tpu.memref_slice %arg3[%add3A_176] : memref<12800000xi32, #tpu.memory_space<hbm>> -> memref<400xi32, #tpu.memory_space<hbm>>
    %dma_start3A_180 = arith.constant 8000 : i32
    %dma_start3A_181 = tpu.memref_slice %arg7[%dma_start3A_180] : memref<12800xi32, #tpu.memory_space<vmem>> -> memref<400xi32, #tpu.memory_space<vmem>>
    %dma_start3A_182 = tpu.memref_slice %arg3[%add3A_176] : memref<12800000xi32, #tpu.memory_space<hbm>> -> memref<400xi32, #tpu.memory_space<hbm>>
    tpu.enqueue_dma source(%dma_start3A_182 : memref<400xi32, #tpu.memory_space<hbm>>) target(%dma_start3A_181 : memref<400xi32, #tpu.memory_space<vmem>>) target_semaphore(%arg11 : memref<!tpu.dma_semaphore, #tpu.memory_space<semaphore_mem>>)
    %add3A_183 = arith.constant 1050000 : i32
    %add3A_184 = arith.addi %add3A_15, %add3A_183 : i32
    %dma_start3A_185 = arith.constant 8400 : i32
    %dma_start3A_186 = tpu.memref_slice %arg7[%dma_start3A_185] : memref<12800xi32, #tpu.memory_space<vmem>> -> memref<400xi32, #tpu.memory_space<vmem>>
    %dma_start3A_187 = tpu.memref_slice %arg3[%add3A_184] : memref<12800000xi32, #tpu.memory_space<hbm>> -> memref<400xi32, #tpu.memory_space<hbm>>
    %dma_start3A_188 = arith.constant 8400 : i32
    %dma_start3A_189 = tpu.memref_slice %arg7[%dma_start3A_188] : memref<12800xi32, #tpu.memory_space<vmem>> -> memref<400xi32, #tpu.memory_space<vmem>>
    %dma_start3A_190 = tpu.memref_slice %arg3[%add3A_184] : memref<12800000xi32, #tpu.memory_space<hbm>> -> memref<400xi32, #tpu.memory_space<hbm>>
    tpu.enqueue_dma source(%dma_start3A_190 : memref<400xi32, #tpu.memory_space<hbm>>) target(%dma_start3A_189 : memref<400xi32, #tpu.memory_space<vmem>>) target_semaphore(%arg11 : memref<!tpu.dma_semaphore, #tpu.memory_space<semaphore_mem>>)
    %add3A_191 = arith.constant 1100000 : i32
    %add3A_192 = arith.addi %add3A_15, %add3A_191 : i32
    %dma_start3A_193 = arith.constant 8800 : i32
    %dma_start3A_194 = tpu.memref_slice %arg7[%dma_start3A_193] : memref<12800xi32, #tpu.memory_space<vmem>> -> memref<400xi32, #tpu.memory_space<vmem>>
    %dma_start3A_195 = tpu.memref_slice %arg3[%add3A_192] : memref<12800000xi32, #tpu.memory_space<hbm>> -> memref<400xi32, #tpu.memory_space<hbm>>
    %dma_start3A_196 = arith.constant 8800 : i32
    %dma_start3A_197 = tpu.memref_slice %arg7[%dma_start3A_196] : memref<12800xi32, #tpu.memory_space<vmem>> -> memref<400xi32, #tpu.memory_space<vmem>>
    %dma_start3A_198 = tpu.memref_slice %arg3[%add3A_192] : memref<12800000xi32, #tpu.memory_space<hbm>> -> memref<400xi32, #tpu.memory_space<hbm>>
    tpu.enqueue_dma source(%dma_start3A_198 : memref<400xi32, #tpu.memory_space<hbm>>) target(%dma_start3A_197 : memref<400xi32, #tpu.memory_space<vmem>>) target_semaphore(%arg11 : memref<!tpu.dma_semaphore, #tpu.memory_space<semaphore_mem>>)
    %add3A_199 = arith.constant 1150000 : i32
    %add3A_200 = arith.addi %add3A_15, %add3A_199 : i32
    %dma_start3A_201 = arith.constant 9200 : i32
    %dma_start3A_202 = tpu.memref_slice %arg7[%dma_start3A_201] : memref<12800xi32, #tpu.memory_space<vmem>> -> memref<400xi32, #tpu.memory_space<vmem>>
    %dma_start3A_203 = tpu.memref_slice %arg3[%add3A_200] : memref<12800000xi32, #tpu.memory_space<hbm>> -> memref<400xi32, #tpu.memory_space<hbm>>
    %dma_start3A_204 = arith.constant 9200 : i32
    %dma_start3A_205 = tpu.memref_slice %arg7[%dma_start3A_204] : memref<12800xi32, #tpu.memory_space<vmem>> -> memref<400xi32, #tpu.memory_space<vmem>>
    %dma_start3A_206 = tpu.memref_slice %arg3[%add3A_200] : memref<12800000xi32, #tpu.memory_space<hbm>> -> memref<400xi32, #tpu.memory_space<hbm>>
    tpu.enqueue_dma source(%dma_start3A_206 : memref<400xi32, #tpu.memory_space<hbm>>) target(%dma_start3A_205 : memref<400xi32, #tpu.memory_space<vmem>>) target_semaphore(%arg11 : memref<!tpu.dma_semaphore, #tpu.memory_space<semaphore_mem>>)
    %add3A_207 = arith.constant 1200000 : i32
    %add3A_208 = arith.addi %add3A_15, %add3A_207 : i32
    %dma_start3A_209 = arith.constant 9600 : i32
    %dma_start3A_210 = tpu.memref_slice %arg7[%dma_start3A_209] : memref<12800xi32, #tpu.memory_space<vmem>> -> memref<400xi32, #tpu.memory_space<vmem>>
    %dma_start3A_211 = tpu.memref_slice %arg3[%add3A_208] : memref<12800000xi32, #tpu.memory_space<hbm>> -> memref<400xi32, #tpu.memory_space<hbm>>
    %dma_start3A_212 = arith.constant 9600 : i32
    %dma_start3A_213 = tpu.memref_slice %arg7[%dma_start3A_212] : memref<12800xi32, #tpu.memory_space<vmem>> -> memref<400xi32, #tpu.memory_space<vmem>>
    %dma_start3A_214 = tpu.memref_slice %arg3[%add3A_208] : memref<12800000xi32, #tpu.memory_space<hbm>> -> memref<400xi32, #tpu.memory_space<hbm>>
    tpu.enqueue_dma source(%dma_start3A_214 : memref<400xi32, #tpu.memory_space<hbm>>) target(%dma_start3A_213 : memref<400xi32, #tpu.memory_space<vmem>>) target_semaphore(%arg11 : memref<!tpu.dma_semaphore, #tpu.memory_space<semaphore_mem>>)
    %add3A_215 = arith.constant 1250000 : i32
    %add3A_216 = arith.addi %add3A_15, %add3A_215 : i32
    %dma_start3A_217 = arith.constant 10000 : i32
    %dma_start3A_218 = tpu.memref_slice %arg7[%dma_start3A_217] : memref<12800xi32, #tpu.memory_space<vmem>> -> memref<400xi32, #tpu.memory_space<vmem>>
    %dma_start3A_219 = tpu.memref_slice %arg3[%add3A_216] : memref<12800000xi32, #tpu.memory_space<hbm>> -> memref<400xi32, #tpu.memory_space<hbm>>
    %dma_start3A_220 = arith.constant 10000 : i32
    %dma_start3A_221 = tpu.memref_slice %arg7[%dma_start3A_220] : memref<12800xi32, #tpu.memory_space<vmem>> -> memref<400xi32, #tpu.memory_space<vmem>>
    %dma_start3A_222 = tpu.memref_slice %arg3[%add3A_216] : memref<12800000xi32, #tpu.memory_space<hbm>> -> memref<400xi32, #tpu.memory_space<hbm>>
    tpu.enqueue_dma source(%dma_start3A_222 : memref<400xi32, #tpu.memory_space<hbm>>) target(%dma_start3A_221 : memref<400xi32, #tpu.memory_space<vmem>>) target_semaphore(%arg11 : memref<!tpu.dma_semaphore, #tpu.memory_space<semaphore_mem>>)
    %add3A_223 = arith.constant 1300000 : i32
    %add3A_224 = arith.addi %add3A_15, %add3A_223 : i32
    %dma_start3A_225 = arith.constant 10400 : i32
    %dma_start3A_226 = tpu.memref_slice %arg7[%dma_start3A_225] : memref<12800xi32, #tpu.memory_space<vmem>> -> memref<400xi32, #tpu.memory_space<vmem>>
    %dma_start3A_227 = tpu.memref_slice %arg3[%add3A_224] : memref<12800000xi32, #tpu.memory_space<hbm>> -> memref<400xi32, #tpu.memory_space<hbm>>
    %dma_start3A_228 = arith.constant 10400 : i32
    %dma_start3A_229 = tpu.memref_slice %arg7[%dma_start3A_228] : memref<12800xi32, #tpu.memory_space<vmem>> -> memref<400xi32, #tpu.memory_space<vmem>>
    %dma_start3A_230 = tpu.memref_slice %arg3[%add3A_224] : memref<12800000xi32, #tpu.memory_space<hbm>> -> memref<400xi32, #tpu.memory_space<hbm>>
    tpu.enqueue_dma source(%dma_start3A_230 : memref<400xi32, #tpu.memory_space<hbm>>) target(%dma_start3A_229 : memref<400xi32, #tpu.memory_space<vmem>>) target_semaphore(%arg11 : memref<!tpu.dma_semaphore, #tpu.memory_space<semaphore_mem>>)
    %add3A_231 = arith.constant 1350000 : i32
    %add3A_232 = arith.addi %add3A_15, %add3A_231 : i32
    %dma_start3A_233 = arith.constant 10800 : i32
    %dma_start3A_234 = tpu.memref_slice %arg7[%dma_start3A_233] : memref<12800xi32, #tpu.memory_space<vmem>> -> memref<400xi32, #tpu.memory_space<vmem>>
    %dma_start3A_235 = tpu.memref_slice %arg3[%add3A_232] : memref<12800000xi32, #tpu.memory_space<hbm>> -> memref<400xi32, #tpu.memory_space<hbm>>
    %dma_start3A_236 = arith.constant 10800 : i32
    %dma_start3A_237 = tpu.memref_slice %arg7[%dma_start3A_236] : memref<12800xi32, #tpu.memory_space<vmem>> -> memref<400xi32, #tpu.memory_space<vmem>>
    %dma_start3A_238 = tpu.memref_slice %arg3[%add3A_232] : memref<12800000xi32, #tpu.memory_space<hbm>> -> memref<400xi32, #tpu.memory_space<hbm>>
    tpu.enqueue_dma source(%dma_start3A_238 : memref<400xi32, #tpu.memory_space<hbm>>) target(%dma_start3A_237 : memref<400xi32, #tpu.memory_space<vmem>>) target_semaphore(%arg11 : memref<!tpu.dma_semaphore, #tpu.memory_space<semaphore_mem>>)
    %add3A_239 = arith.constant 1400000 : i32
    %add3A_240 = arith.addi %add3A_15, %add3A_239 : i32
    %dma_start3A_241 = arith.constant 11200 : i32
    %dma_start3A_242 = tpu.memref_slice %arg7[%dma_start3A_241] : memref<12800xi32, #tpu.memory_space<vmem>> -> memref<400xi32, #tpu.memory_space<vmem>>
    %dma_start3A_243 = tpu.memref_slice %arg3[%add3A_240] : memref<12800000xi32, #tpu.memory_space<hbm>> -> memref<400xi32, #tpu.memory_space<hbm>>
    %dma_start3A_244 = arith.constant 11200 : i32
    %dma_start3A_245 = tpu.memref_slice %arg7[%dma_start3A_244] : memref<12800xi32, #tpu.memory_space<vmem>> -> memref<400xi32, #tpu.memory_space<vmem>>
    %dma_start3A_246 = tpu.memref_slice %arg3[%add3A_240] : memref<12800000xi32, #tpu.memory_space<hbm>> -> memref<400xi32, #tpu.memory_space<hbm>>
    tpu.enqueue_dma source(%dma_start3A_246 : memref<400xi32, #tpu.memory_space<hbm>>) target(%dma_start3A_245 : memref<400xi32, #tpu.memory_space<vmem>>) target_semaphore(%arg11 : memref<!tpu.dma_semaphore, #tpu.memory_space<semaphore_mem>>)
    %add3A_247 = arith.constant 1450000 : i32
    %add3A_248 = arith.addi %add3A_15, %add3A_247 : i32
    %dma_start3A_249 = arith.constant 11600 : i32
    %dma_start3A_250 = tpu.memref_slice %arg7[%dma_start3A_249] : memref<12800xi32, #tpu.memory_space<vmem>> -> memref<400xi32, #tpu.memory_space<vmem>>
    %dma_start3A_251 = tpu.memref_slice %arg3[%add3A_248] : memref<12800000xi32, #tpu.memory_space<hbm>> -> memref<400xi32, #tpu.memory_space<hbm>>
    %dma_start3A_252 = arith.constant 11600 : i32
    %dma_start3A_253 = tpu.memref_slice %arg7[%dma_start3A_252] : memref<12800xi32, #tpu.memory_space<vmem>> -> memref<400xi32, #tpu.memory_space<vmem>>
    %dma_start3A_254 = tpu.memref_slice %arg3[%add3A_248] : memref<12800000xi32, #tpu.memory_space<hbm>> -> memref<400xi32, #tpu.memory_space<hbm>>
    tpu.enqueue_dma source(%dma_start3A_254 : memref<400xi32, #tpu.memory_space<hbm>>) target(%dma_start3A_253 : memref<400xi32, #tpu.memory_space<vmem>>) target_semaphore(%arg11 : memref<!tpu.dma_semaphore, #tpu.memory_space<semaphore_mem>>)
    %add3A_255 = arith.constant 1500000 : i32
    %add3A_256 = arith.addi %add3A_15, %add3A_255 : i32
    %dma_start3A_257 = arith.constant 12000 : i32
    %dma_start3A_258 = tpu.memref_slice %arg7[%dma_start3A_257] : memref<12800xi32, #tpu.memory_space<vmem>> -> memref<400xi32, #tpu.memory_space<vmem>>
    %dma_start3A_259 = tpu.memref_slice %arg3[%add3A_256] : memref<12800000xi32, #tpu.memory_space<hbm>> -> memref<400xi32, #tpu.memory_space<hbm>>
    %dma_start3A_260 = arith.constant 12000 : i32
    %dma_start3A_261 = tpu.memref_slice %arg7[%dma_start3A_260] : memref<12800xi32, #tpu.memory_space<vmem>> -> memref<400xi32, #tpu.memory_space<vmem>>
    %dma_start3A_262 = tpu.memref_slice %arg3[%add3A_256] : memref<12800000xi32, #tpu.memory_space<hbm>> -> memref<400xi32, #tpu.memory_space<hbm>>
    tpu.enqueue_dma source(%dma_start3A_262 : memref<400xi32, #tpu.memory_space<hbm>>) target(%dma_start3A_261 : memref<400xi32, #tpu.memory_space<vmem>>) target_semaphore(%arg11 : memref<!tpu.dma_semaphore, #tpu.memory_space<semaphore_mem>>)
    %add3A_263 = arith.constant 1550000 : i32
    %add3A_264 = arith.addi %add3A_15, %add3A_263 : i32
    %dma_start3A_265 = arith.constant 12400 : i32
    %dma_start3A_266 = tpu.memref_slice %arg7[%dma_start3A_265] : memref<12800xi32, #tpu.memory_space<vmem>> -> memref<400xi32, #tpu.memory_space<vmem>>
    %dma_start3A_267 = tpu.memref_slice %arg3[%add3A_264] : memref<12800000xi32, #tpu.memory_space<hbm>> -> memref<400xi32, #tpu.memory_space<hbm>>
    %dma_start3A_268 = arith.constant 12400 : i32
    %dma_start3A_269 = tpu.memref_slice %arg7[%dma_start3A_268] : memref<12800xi32, #tpu.memory_space<vmem>> -> memref<400xi32, #tpu.memory_space<vmem>>
    %dma_start3A_270 = tpu.memref_slice %arg3[%add3A_264] : memref<12800000xi32, #tpu.memory_space<hbm>> -> memref<400xi32, #tpu.memory_space<hbm>>
    tpu.enqueue_dma source(%dma_start3A_270 : memref<400xi32, #tpu.memory_space<hbm>>) target(%dma_start3A_269 : memref<400xi32, #tpu.memory_space<vmem>>) target_semaphore(%arg11 : memref<!tpu.dma_semaphore, #tpu.memory_space<semaphore_mem>>)
    %scan3A = arith.constant 0 : i32
    %scan3A_271 = arith.constant 0 : i32
    %scan3A_272 = arith.constant 32 : i32
    %scan3A_273 = arith.addi %scan3A_271, %scan3A_272 : i32
    %scan3A_274 = arith.constant 1 : i32
    %scan3A_275 = scf.for %scan3A_288 = %scan3A_271 to %scan3A_273 step %scan3A_274 iter_args(%scan3A_289 = %scan3A) -> (i32)  : i32 {
      %mul3A_290 = arith.constant 2 : i32
      %mul3A_291 = arith.muli %mul3A_290, %scan3A_288 : i32
      %add3A_292 = arith.constant 1 : i32
      %add3A_293 = arith.addi %mul3A_291, %add3A_292 : i32
      %min3A_294 = arith.constant 63 : i32
      %min3A_295 = arith.minsi %add3A_293, %min3A_294 : i32
      %shift_right_logical3A_296 = arith.constant 3 : i32
      %shift_right_logical3A_297 = arith.shrui %min3A_295, %shift_right_logical3A_296 : i32
      %and3A_298 = arith.constant 7 : i32
      %and3A_299 = arith.andi %min3A_295, %and3A_298 : i32
      %mul3A_300 = arith.constant 16 : i32
      %mul3A_301 = arith.muli %mul3A_300, %and3A_299 : i32
      %add3A_302 = arith.addi %arg1, %mul3A_301 : i32
      %min3A_303 = arith.constant 124 : i32
      %min3A_304 = arith.minsi %add3A_302, %min3A_303 : i32
      %mul3A_305 = arith.constant 1600000 : i32
      %mul3A_306 = arith.muli %shift_right_logical3A_297, %mul3A_305 : i32
      %mul3A_307 = arith.constant 400 : i32
      %mul3A_308 = arith.muli %min3A_304, %mul3A_307 : i32
      %add3A_309 = arith.addi %mul3A_306, %mul3A_308 : i32
      %add3A_310 = arith.constant 0 : i32
      %add3A_311 = arith.addi %add3A_309, %add3A_310 : i32
      %dma_start3A_312 = arith.constant 0 : i32
      %dma_start3A_313 = tpu.memref_slice %arg8[%dma_start3A_312] : memref<12800xi32, #tpu.memory_space<vmem>> -> memref<400xi32, #tpu.memory_space<vmem>>
      %dma_start3A_314 = tpu.memref_slice %arg3[%add3A_311] : memref<12800000xi32, #tpu.memory_space<hbm>> -> memref<400xi32, #tpu.memory_space<hbm>>
      %dma_start3A_315 = arith.constant 0 : i32
      %dma_start3A_316 = tpu.memref_slice %arg8[%dma_start3A_315] : memref<12800xi32, #tpu.memory_space<vmem>> -> memref<400xi32, #tpu.memory_space<vmem>>
      %dma_start3A_317 = tpu.memref_slice %arg3[%add3A_311] : memref<12800000xi32, #tpu.memory_space<hbm>> -> memref<400xi32, #tpu.memory_space<hbm>>
      tpu.enqueue_dma source(%dma_start3A_317 : memref<400xi32, #tpu.memory_space<hbm>>) target(%dma_start3A_316 : memref<400xi32, #tpu.memory_space<vmem>>) target_semaphore(%arg12 : memref<!tpu.dma_semaphore, #tpu.memory_space<semaphore_mem>>)
      %add3A_318 = arith.constant 50000 : i32
      %add3A_319 = arith.addi %add3A_309, %add3A_318 : i32
      %dma_start3A_320 = arith.constant 400 : i32
      %dma_start3A_321 = tpu.memref_slice %arg8[%dma_start3A_320] : memref<12800xi32, #tpu.memory_space<vmem>> -> memref<400xi32, #tpu.memory_space<vmem>>
      %dma_start3A_322 = tpu.memref_slice %arg3[%add3A_319] : memref<12800000xi32, #tpu.memory_space<hbm>> -> memref<400xi32, #tpu.memory_space<hbm>>
      %dma_start3A_323 = arith.constant 400 : i32
      %dma_start3A_324 = tpu.memref_slice %arg8[%dma_start3A_323] : memref<12800xi32, #tpu.memory_space<vmem>> -> memref<400xi32, #tpu.memory_space<vmem>>
      %dma_start3A_325 = tpu.memref_slice %arg3[%add3A_319] : memref<12800000xi32, #tpu.memory_space<hbm>> -> memref<400xi32, #tpu.memory_space<hbm>>
      tpu.enqueue_dma source(%dma_start3A_325 : memref<400xi32, #tpu.memory_space<hbm>>) target(%dma_start3A_324 : memref<400xi32, #tpu.memory_space<vmem>>) target_semaphore(%arg12 : memref<!tpu.dma_semaphore, #tpu.memory_space<semaphore_mem>>)
      %add3A_326 = arith.constant 100000 : i32
      %add3A_327 = arith.addi %add3A_309, %add3A_326 : i32
      %dma_start3A_328 = arith.constant 800 : i32
      %dma_start3A_329 = tpu.memref_slice %arg8[%dma_start3A_328] : memref<12800xi32, #tpu.memory_space<vmem>> -> memref<400xi32, #tpu.memory_space<vmem>>
      %dma_start3A_330 = tpu.memref_slice %arg3[%add3A_327] : memref<12800000xi32, #tpu.memory_space<hbm>> -> memref<400xi32, #tpu.memory_space<hbm>>
      %dma_start3A_331 = arith.constant 800 : i32
      %dma_start3A_332 = tpu.memref_slice %arg8[%dma_start3A_331] : memref<12800xi32, #tpu.memory_space<vmem>> -> memref<400xi32, #tpu.memory_space<vmem>>
      %dma_start3A_333 = tpu.memref_slice %arg3[%add3A_327] : memref<12800000xi32, #tpu.memory_space<hbm>> -> memref<400xi32, #tpu.memory_space<hbm>>
      tpu.enqueue_dma source(%dma_start3A_333 : memref<400xi32, #tpu.memory_space<hbm>>) target(%dma_start3A_332 : memref<400xi32, #tpu.memory_space<vmem>>) target_semaphore(%arg12 : memref<!tpu.dma_semaphore, #tpu.memory_space<semaphore_mem>>)
      %add3A_334 = arith.constant 150000 : i32
      %add3A_335 = arith.addi %add3A_309, %add3A_334 : i32
      %dma_start3A_336 = arith.constant 1200 : i32
      %dma_start3A_337 = tpu.memref_slice %arg8[%dma_start3A_336] : memref<12800xi32, #tpu.memory_space<vmem>> -> memref<400xi32, #tpu.memory_space<vmem>>
      %dma_start3A_338 = tpu.memref_slice %arg3[%add3A_335] : memref<12800000xi32, #tpu.memory_space<hbm>> -> memref<400xi32, #tpu.memory_space<hbm>>
      %dma_start3A_339 = arith.constant 1200 : i32
      %dma_start3A_340 = tpu.memref_slice %arg8[%dma_start3A_339] : memref<12800xi32, #tpu.memory_space<vmem>> -> memref<400xi32, #tpu.memory_space<vmem>>
      %dma_start3A_341 = tpu.memref_slice %arg3[%add3A_335] : memref<12800000xi32, #tpu.memory_space<hbm>> -> memref<400xi32, #tpu.memory_space<hbm>>
      tpu.enqueue_dma source(%dma_start3A_341 : memref<400xi32, #tpu.memory_space<hbm>>) target(%dma_start3A_340 : memref<400xi32, #tpu.memory_space<vmem>>) target_semaphore(%arg12 : memref<!tpu.dma_semaphore, #tpu.memory_space<semaphore_mem>>)
      %add3A_342 = arith.constant 200000 : i32
      %add3A_343 = arith.addi %add3A_309, %add3A_342 : i32
      %dma_start3A_344 = arith.constant 1600 : i32
      %dma_start3A_345 = tpu.memref_slice %arg8[%dma_start3A_344] : memref<12800xi32, #tpu.memory_space<vmem>> -> memref<400xi32, #tpu.memory_space<vmem>>
      %dma_start3A_346 = tpu.memref_slice %arg3[%add3A_343] : memref<12800000xi32, #tpu.memory_space<hbm>> -> memref<400xi32, #tpu.memory_space<hbm>>
      %dma_start3A_347 = arith.constant 1600 : i32
      %dma_start3A_348 = tpu.memref_slice %arg8[%dma_start3A_347] : memref<12800xi32, #tpu.memory_space<vmem>> -> memref<400xi32, #tpu.memory_space<vmem>>
      %dma_start3A_349 = tpu.memref_slice %arg3[%add3A_343] : memref<12800000xi32, #tpu.memory_space<hbm>> -> memref<400xi32, #tpu.memory_space<hbm>>
      tpu.enqueue_dma source(%dma_start3A_349 : memref<400xi32, #tpu.memory_space<hbm>>) target(%dma_start3A_348 : memref<400xi32, #tpu.memory_space<vmem>>) target_semaphore(%arg12 : memref<!tpu.dma_semaphore, #tpu.memory_space<semaphore_mem>>)
      %add3A_350 = arith.constant 250000 : i32
      %add3A_351 = arith.addi %add3A_309, %add3A_350 : i32
      %dma_start3A_352 = arith.constant 2000 : i32
      %dma_start3A_353 = tpu.memref_slice %arg8[%dma_start3A_352] : memref<12800xi32, #tpu.memory_space<vmem>> -> memref<400xi32, #tpu.memory_space<vmem>>
      %dma_start3A_354 = tpu.memref_slice %arg3[%add3A_351] : memref<12800000xi32, #tpu.memory_space<hbm>> -> memref<400xi32, #tpu.memory_space<hbm>>
      %dma_start3A_355 = arith.constant 2000 : i32
      %dma_start3A_356 = tpu.memref_slice %arg8[%dma_start3A_355] : memref<12800xi32, #tpu.memory_space<vmem>> -> memref<400xi32, #tpu.memory_space<vmem>>
      %dma_start3A_357 = tpu.memref_slice %arg3[%add3A_351] : memref<12800000xi32, #tpu.memory_space<hbm>> -> memref<400xi32, #tpu.memory_space<hbm>>
      tpu.enqueue_dma source(%dma_start3A_357 : memref<400xi32, #tpu.memory_space<hbm>>) target(%dma_start3A_356 : memref<400xi32, #tpu.memory_space<vmem>>) target_semaphore(%arg12 : memref<!tpu.dma_semaphore, #tpu.memory_space<semaphore_mem>>)
      %add3A_358 = arith.constant 300000 : i32
      %add3A_359 = arith.addi %add3A_309, %add3A_358 : i32
      %dma_start3A_360 = arith.constant 2400 : i32
      %dma_start3A_361 = tpu.memref_slice %arg8[%dma_start3A_360] : memref<12800xi32, #tpu.memory_space<vmem>> -> memref<400xi32, #tpu.memory_space<vmem>>
      %dma_start3A_362 = tpu.memref_slice %arg3[%add3A_359] : memref<12800000xi32, #tpu.memory_space<hbm>> -> memref<400xi32, #tpu.memory_space<hbm>>
      %dma_start3A_363 = arith.constant 2400 : i32
      %dma_start3A_364 = tpu.memref_slice %arg8[%dma_start3A_363] : memref<12800xi32, #tpu.memory_space<vmem>> -> memref<400xi32, #tpu.memory_space<vmem>>
      %dma_start3A_365 = tpu.memref_slice %arg3[%add3A_359] : memref<12800000xi32, #tpu.memory_space<hbm>> -> memref<400xi32, #tpu.memory_space<hbm>>
      tpu.enqueue_dma source(%dma_start3A_365 : memref<400xi32, #tpu.memory_space<hbm>>) target(%dma_start3A_364 : memref<400xi32, #tpu.memory_space<vmem>>) target_semaphore(%arg12 : memref<!tpu.dma_semaphore, #tpu.memory_space<semaphore_mem>>)
      %add3A_366 = arith.constant 350000 : i32
      %add3A_367 = arith.addi %add3A_309, %add3A_366 : i32
      %dma_start3A_368 = arith.constant 2800 : i32
      %dma_start3A_369 = tpu.memref_slice %arg8[%dma_start3A_368] : memref<12800xi32, #tpu.memory_space<vmem>> -> memref<400xi32, #tpu.memory_space<vmem>>
      %dma_start3A_370 = tpu.memref_slice %arg3[%add3A_367] : memref<12800000xi32, #tpu.memory_space<hbm>> -> memref<400xi32, #tpu.memory_space<hbm>>
      %dma_start3A_371 = arith.constant 2800 : i32
      %dma_start3A_372 = tpu.memref_slice %arg8[%dma_start3A_371] : memref<12800xi32, #tpu.memory_space<vmem>> -> memref<400xi32, #tpu.memory_space<vmem>>
      %dma_start3A_373 = tpu.memref_slice %arg3[%add3A_367] : memref<12800000xi32, #tpu.memory_space<hbm>> -> memref<400xi32, #tpu.memory_space<hbm>>
      tpu.enqueue_dma source(%dma_start3A_373 : memref<400xi32, #tpu.memory_space<hbm>>) target(%dma_start3A_372 : memref<400xi32, #tpu.memory_space<vmem>>) target_semaphore(%arg12 : memref<!tpu.dma_semaphore, #tpu.memory_space<semaphore_mem>>)
      %add3A_374 = arith.constant 400000 : i32
      %add3A_375 = arith.addi %add3A_309, %add3A_374 : i32
      %dma_start3A_376 = arith.constant 3200 : i32
      %dma_start3A_377 = tpu.memref_slice %arg8[%dma_start3A_376] : memref<12800xi32, #tpu.memory_space<vmem>> -> memref<400xi32, #tpu.memory_space<vmem>>
      %dma_start3A_378 = tpu.memref_slice %arg3[%add3A_375] : memref<12800000xi32, #tpu.memory_space<hbm>> -> memref<400xi32, #tpu.memory_space<hbm>>
      %dma_start3A_379 = arith.constant 3200 : i32
      %dma_start3A_380 = tpu.memref_slice %arg8[%dma_start3A_379] : memref<12800xi32, #tpu.memory_space<vmem>> -> memref<400xi32, #tpu.memory_space<vmem>>
      %dma_start3A_381 = tpu.memref_slice %arg3[%add3A_375] : memref<12800000xi32, #tpu.memory_space<hbm>> -> memref<400xi32, #tpu.memory_space<hbm>>
      tpu.enqueue_dma source(%dma_start3A_381 : memref<400xi32, #tpu.memory_space<hbm>>) target(%dma_start3A_380 : memref<400xi32, #tpu.memory_space<vmem>>) target_semaphore(%arg12 : memref<!tpu.dma_semaphore, #tpu.memory_space<semaphore_mem>>)
      %add3A_382 = arith.constant 450000 : i32
      %add3A_383 = arith.addi %add3A_309, %add3A_382 : i32
      %dma_start3A_384 = arith.constant 3600 : i32
      %dma_start3A_385 = tpu.memref_slice %arg8[%dma_start3A_384] : memref<12800xi32, #tpu.memory_space<vmem>> -> memref<400xi32, #tpu.memory_space<vmem>>
      %dma_start3A_386 = tpu.memref_slice %arg3[%add3A_383] : memref<12800000xi32, #tpu.memory_space<hbm>> -> memref<400xi32, #tpu.memory_space<hbm>>
      %dma_start3A_387 = arith.constant 3600 : i32
      %dma_start3A_388 = tpu.memref_slice %arg8[%dma_start3A_387] : memref<12800xi32, #tpu.memory_space<vmem>> -> memref<400xi32, #tpu.memory_space<vmem>>
      %dma_start3A_389 = tpu.memref_slice %arg3[%add3A_383] : memref<12800000xi32, #tpu.memory_space<hbm>> -> memref<400xi32, #tpu.memory_space<hbm>>
      tpu.enqueue_dma source(%dma_start3A_389 : memref<400xi32, #tpu.memory_space<hbm>>) target(%dma_start3A_388 : memref<400xi32, #tpu.memory_space<vmem>>) target_semaphore(%arg12 : memref<!tpu.dma_semaphore, #tpu.memory_space<semaphore_mem>>)
      %add3A_390 = arith.constant 500000 : i32
      %add3A_391 = arith.addi %add3A_309, %add3A_390 : i32
      %dma_start3A_392 = arith.constant 4000 : i32
      %dma_start3A_393 = tpu.memref_slice %arg8[%dma_start3A_392] : memref<12800xi32, #tpu.memory_space<vmem>> -> memref<400xi32, #tpu.memory_space<vmem>>
      %dma_start3A_394 = tpu.memref_slice %arg3[%add3A_391] : memref<12800000xi32, #tpu.memory_space<hbm>> -> memref<400xi32, #tpu.memory_space<hbm>>
      %dma_start3A_395 = arith.constant 4000 : i32
      %dma_start3A_396 = tpu.memref_slice %arg8[%dma_start3A_395] : memref<12800xi32, #tpu.memory_space<vmem>> -> memref<400xi32, #tpu.memory_space<vmem>>
      %dma_start3A_397 = tpu.memref_slice %arg3[%add3A_391] : memref<12800000xi32, #tpu.memory_space<hbm>> -> memref<400xi32, #tpu.memory_space<hbm>>
      tpu.enqueue_dma source(%dma_start3A_397 : memref<400xi32, #tpu.memory_space<hbm>>) target(%dma_start3A_396 : memref<400xi32, #tpu.memory_space<vmem>>) target_semaphore(%arg12 : memref<!tpu.dma_semaphore, #tpu.memory_space<semaphore_mem>>)
      %add3A_398 = arith.constant 550000 : i32
      %add3A_399 = arith.addi %add3A_309, %add3A_398 : i32
      %dma_start3A_400 = arith.constant 4400 : i32
      %dma_start3A_401 = tpu.memref_slice %arg8[%dma_start3A_400] : memref<12800xi32, #tpu.memory_space<vmem>> -> memref<400xi32, #tpu.memory_space<vmem>>
      %dma_start3A_402 = tpu.memref_slice %arg3[%add3A_399] : memref<12800000xi32, #tpu.memory_space<hbm>> -> memref<400xi32, #tpu.memory_space<hbm>>
      %dma_start3A_403 = arith.constant 4400 : i32
      %dma_start3A_404 = tpu.memref_slice %arg8[%dma_start3A_403] : memref<12800xi32, #tpu.memory_space<vmem>> -> memref<400xi32, #tpu.memory_space<vmem>>
      %dma_start3A_405 = tpu.memref_slice %arg3[%add3A_399] : memref<12800000xi32, #tpu.memory_space<hbm>> -> memref<400xi32, #tpu.memory_space<hbm>>
      tpu.enqueue_dma source(%dma_start3A_405 : memref<400xi32, #tpu.memory_space<hbm>>) target(%dma_start3A_404 : memref<400xi32, #tpu.memory_space<vmem>>) target_semaphore(%arg12 : memref<!tpu.dma_semaphore, #tpu.memory_space<semaphore_mem>>)
      %add3A_406 = arith.constant 600000 : i32
      %add3A_407 = arith.addi %add3A_309, %add3A_406 : i32
      %dma_start3A_408 = arith.constant 4800 : i32
      %dma_start3A_409 = tpu.memref_slice %arg8[%dma_start3A_408] : memref<12800xi32, #tpu.memory_space<vmem>> -> memref<400xi32, #tpu.memory_space<vmem>>
      %dma_start3A_410 = tpu.memref_slice %arg3[%add3A_407] : memref<12800000xi32, #tpu.memory_space<hbm>> -> memref<400xi32, #tpu.memory_space<hbm>>
      %dma_start3A_411 = arith.constant 4800 : i32
      %dma_start3A_412 = tpu.memref_slice %arg8[%dma_start3A_411] : memref<12800xi32, #tpu.memory_space<vmem>> -> memref<400xi32, #tpu.memory_space<vmem>>
      %dma_start3A_413 = tpu.memref_slice %arg3[%add3A_407] : memref<12800000xi32, #tpu.memory_space<hbm>> -> memref<400xi32, #tpu.memory_space<hbm>>
      tpu.enqueue_dma source(%dma_start3A_413 : memref<400xi32, #tpu.memory_space<hbm>>) target(%dma_start3A_412 : memref<400xi32, #tpu.memory_space<vmem>>) target_semaphore(%arg12 : memref<!tpu.dma_semaphore, #tpu.memory_space<semaphore_mem>>)
      %add3A_414 = arith.constant 650000 : i32
      %add3A_415 = arith.addi %add3A_309, %add3A_414 : i32
      %dma_start3A_416 = arith.constant 5200 : i32
      %dma_start3A_417 = tpu.memref_slice %arg8[%dma_start3A_416] : memref<12800xi32, #tpu.memory_space<vmem>> -> memref<400xi32, #tpu.memory_space<vmem>>
      %dma_start3A_418 = tpu.memref_slice %arg3[%add3A_415] : memref<12800000xi32, #tpu.memory_space<hbm>> -> memref<400xi32, #tpu.memory_space<hbm>>
      %dma_start3A_419 = arith.constant 5200 : i32
      %dma_start3A_420 = tpu.memref_slice %arg8[%dma_start3A_419] : memref<12800xi32, #tpu.memory_space<vmem>> -> memref<400xi32, #tpu.memory_space<vmem>>
      %dma_start3A_421 = tpu.memref_slice %arg3[%add3A_415] : memref<12800000xi32, #tpu.memory_space<hbm>> -> memref<400xi32, #tpu.memory_space<hbm>>
      tpu.enqueue_dma source(%dma_start3A_421 : memref<400xi32, #tpu.memory_space<hbm>>) target(%dma_start3A_420 : memref<400xi32, #tpu.memory_space<vmem>>) target_semaphore(%arg12 : memref<!tpu.dma_semaphore, #tpu.memory_space<semaphore_mem>>)
      %add3A_422 = arith.constant 700000 : i32
      %add3A_423 = arith.addi %add3A_309, %add3A_422 : i32
      %dma_start3A_424 = arith.constant 5600 : i32
      %dma_start3A_425 = tpu.memref_slice %arg8[%dma_start3A_424] : memref<12800xi32, #tpu.memory_space<vmem>> -> memref<400xi32, #tpu.memory_space<vmem>>
      %dma_start3A_426 = tpu.memref_slice %arg3[%add3A_423] : memref<12800000xi32, #tpu.memory_space<hbm>> -> memref<400xi32, #tpu.memory_space<hbm>>
      %dma_start3A_427 = arith.constant 5600 : i32
      %dma_start3A_428 = tpu.memref_slice %arg8[%dma_start3A_427] : memref<12800xi32, #tpu.memory_space<vmem>> -> memref<400xi32, #tpu.memory_space<vmem>>
      %dma_start3A_429 = tpu.memref_slice %arg3[%add3A_423] : memref<12800000xi32, #tpu.memory_space<hbm>> -> memref<400xi32, #tpu.memory_space<hbm>>
      tpu.enqueue_dma source(%dma_start3A_429 : memref<400xi32, #tpu.memory_space<hbm>>) target(%dma_start3A_428 : memref<400xi32, #tpu.memory_space<vmem>>) target_semaphore(%arg12 : memref<!tpu.dma_semaphore, #tpu.memory_space<semaphore_mem>>)
      %add3A_430 = arith.constant 750000 : i32
      %add3A_431 = arith.addi %add3A_309, %add3A_430 : i32
      %dma_start3A_432 = arith.constant 6000 : i32
      %dma_start3A_433 = tpu.memref_slice %arg8[%dma_start3A_432] : memref<12800xi32, #tpu.memory_space<vmem>> -> memref<400xi32, #tpu.memory_space<vmem>>
      %dma_start3A_434 = tpu.memref_slice %arg3[%add3A_431] : memref<12800000xi32, #tpu.memory_space<hbm>> -> memref<400xi32, #tpu.memory_space<hbm>>
      %dma_start3A_435 = arith.constant 6000 : i32
      %dma_start3A_436 = tpu.memref_slice %arg8[%dma_start3A_435] : memref<12800xi32, #tpu.memory_space<vmem>> -> memref<400xi32, #tpu.memory_space<vmem>>
      %dma_start3A_437 = tpu.memref_slice %arg3[%add3A_431] : memref<12800000xi32, #tpu.memory_space<hbm>> -> memref<400xi32, #tpu.memory_space<hbm>>
      tpu.enqueue_dma source(%dma_start3A_437 : memref<400xi32, #tpu.memory_space<hbm>>) target(%dma_start3A_436 : memref<400xi32, #tpu.memory_space<vmem>>) target_semaphore(%arg12 : memref<!tpu.dma_semaphore, #tpu.memory_space<semaphore_mem>>)
      %add3A_438 = arith.constant 800000 : i32
      %add3A_439 = arith.addi %add3A_309, %add3A_438 : i32
      %dma_start3A_440 = arith.constant 6400 : i32
      %dma_start3A_441 = tpu.memref_slice %arg8[%dma_start3A_440] : memref<12800xi32, #tpu.memory_space<vmem>> -> memref<400xi32, #tpu.memory_space<vmem>>
      %dma_start3A_442 = tpu.memref_slice %arg3[%add3A_439] : memref<12800000xi32, #tpu.memory_space<hbm>> -> memref<400xi32, #tpu.memory_space<hbm>>
      %dma_start3A_443 = arith.constant 6400 : i32
      %dma_start3A_444 = tpu.memref_slice %arg8[%dma_start3A_443] : memref<12800xi32, #tpu.memory_space<vmem>> -> memref<400xi32, #tpu.memory_space<vmem>>
      %dma_start3A_445 = tpu.memref_slice %arg3[%add3A_439] : memref<12800000xi32, #tpu.memory_space<hbm>> -> memref<400xi32, #tpu.memory_space<hbm>>
      tpu.enqueue_dma source(%dma_start3A_445 : memref<400xi32, #tpu.memory_space<hbm>>) target(%dma_start3A_444 : memref<400xi32, #tpu.memory_space<vmem>>) target_semaphore(%arg12 : memref<!tpu.dma_semaphore, #tpu.memory_space<semaphore_mem>>)
      %add3A_446 = arith.constant 850000 : i32
      %add3A_447 = arith.addi %add3A_309, %add3A_446 : i32
      %dma_start3A_448 = arith.constant 6800 : i32
      %dma_start3A_449 = tpu.memref_slice %arg8[%dma_start3A_448] : memref<12800xi32, #tpu.memory_space<vmem>> -> memref<400xi32, #tpu.memory_space<vmem>>
      %dma_start3A_450 = tpu.memref_slice %arg3[%add3A_447] : memref<12800000xi32, #tpu.memory_space<hbm>> -> memref<400xi32, #tpu.memory_space<hbm>>
      %dma_start3A_451 = arith.constant 6800 : i32
      %dma_start3A_452 = tpu.memref_slice %arg8[%dma_start3A_451] : memref<12800xi32, #tpu.memory_space<vmem>> -> memref<400xi32, #tpu.memory_space<vmem>>
      %dma_start3A_453 = tpu.memref_slice %arg3[%add3A_447] : memref<12800000xi32, #tpu.memory_space<hbm>> -> memref<400xi32, #tpu.memory_space<hbm>>
      tpu.enqueue_dma source(%dma_start3A_453 : memref<400xi32, #tpu.memory_space<hbm>>) target(%dma_start3A_452 : memref<400xi32, #tpu.memory_space<vmem>>) target_semaphore(%arg12 : memref<!tpu.dma_semaphore, #tpu.memory_space<semaphore_mem>>)
      %add3A_454 = arith.constant 900000 : i32
      %add3A_455 = arith.addi %add3A_309, %add3A_454 : i32
      %dma_start3A_456 = arith.constant 7200 : i32
      %dma_start3A_457 = tpu.memref_slice %arg8[%dma_start3A_456] : memref<12800xi32, #tpu.memory_space<vmem>> -> memref<400xi32, #tpu.memory_space<vmem>>
      %dma_start3A_458 = tpu.memref_slice %arg3[%add3A_455] : memref<12800000xi32, #tpu.memory_space<hbm>> -> memref<400xi32, #tpu.memory_space<hbm>>
      %dma_start3A_459 = arith.constant 7200 : i32
      %dma_start3A_460 = tpu.memref_slice %arg8[%dma_start3A_459] : memref<12800xi32, #tpu.memory_space<vmem>> -> memref<400xi32, #tpu.memory_space<vmem>>
      %dma_start3A_461 = tpu.memref_slice %arg3[%add3A_455] : memref<12800000xi32, #tpu.memory_space<hbm>> -> memref<400xi32, #tpu.memory_space<hbm>>
      tpu.enqueue_dma source(%dma_start3A_461 : memref<400xi32, #tpu.memory_space<hbm>>) target(%dma_start3A_460 : memref<400xi32, #tpu.memory_space<vmem>>) target_semaphore(%arg12 : memref<!tpu.dma_semaphore, #tpu.memory_space<semaphore_mem>>)
      %add3A_462 = arith.constant 950000 : i32
      %add3A_463 = arith.addi %add3A_309, %add3A_462 : i32
      %dma_start3A_464 = arith.constant 7600 : i32
      %dma_start3A_465 = tpu.memref_slice %arg8[%dma_start3A_464] : memref<12800xi32, #tpu.memory_space<vmem>> -> memref<400xi32, #tpu.memory_space<vmem>>
      %dma_start3A_466 = tpu.memref_slice %arg3[%add3A_463] : memref<12800000xi32, #tpu.memory_space<hbm>> -> memref<400xi32, #tpu.memory_space<hbm>>
      %dma_start3A_467 = arith.constant 7600 : i32
      %dma_start3A_468 = tpu.memref_slice %arg8[%dma_start3A_467] : memref<12800xi32, #tpu.memory_space<vmem>> -> memref<400xi32, #tpu.memory_space<vmem>>
      %dma_start3A_469 = tpu.memref_slice %arg3[%add3A_463] : memref<12800000xi32, #tpu.memory_space<hbm>> -> memref<400xi32, #tpu.memory_space<hbm>>
      tpu.enqueue_dma source(%dma_start3A_469 : memref<400xi32, #tpu.memory_space<hbm>>) target(%dma_start3A_468 : memref<400xi32, #tpu.memory_space<vmem>>) target_semaphore(%arg12 : memref<!tpu.dma_semaphore, #tpu.memory_space<semaphore_mem>>)
      %add3A_470 = arith.constant 1000000 : i32
      %add3A_471 = arith.addi %add3A_309, %add3A_470 : i32
      %dma_start3A_472 = arith.constant 8000 : i32
      %dma_start3A_473 = tpu.memref_slice %arg8[%dma_start3A_472] : memref<12800xi32, #tpu.memory_space<vmem>> -> memref<400xi32, #tpu.memory_space<vmem>>
      %dma_start3A_474 = tpu.memref_slice %arg3[%add3A_471] : memref<12800000xi32, #tpu.memory_space<hbm>> -> memref<400xi32, #tpu.memory_space<hbm>>
      %dma_start3A_475 = arith.constant 8000 : i32
      %dma_start3A_476 = tpu.memref_slice %arg8[%dma_start3A_475] : memref<12800xi32, #tpu.memory_space<vmem>> -> memref<400xi32, #tpu.memory_space<vmem>>
      %dma_start3A_477 = tpu.memref_slice %arg3[%add3A_471] : memref<12800000xi32, #tpu.memory_space<hbm>> -> memref<400xi32, #tpu.memory_space<hbm>>
      tpu.enqueue_dma source(%dma_start3A_477 : memref<400xi32, #tpu.memory_space<hbm>>) target(%dma_start3A_476 : memref<400xi32, #tpu.memory_space<vmem>>) target_semaphore(%arg12 : memref<!tpu.dma_semaphore, #tpu.memory_space<semaphore_mem>>)
      %add3A_478 = arith.constant 1050000 : i32
      %add3A_479 = arith.addi %add3A_309, %add3A_478 : i32
      %dma_start3A_480 = arith.constant 8400 : i32
      %dma_start3A_481 = tpu.memref_slice %arg8[%dma_start3A_480] : memref<12800xi32, #tpu.memory_space<vmem>> -> memref<400xi32, #tpu.memory_space<vmem>>
      %dma_start3A_482 = tpu.memref_slice %arg3[%add3A_479] : memref<12800000xi32, #tpu.memory_space<hbm>> -> memref<400xi32, #tpu.memory_space<hbm>>
      %dma_start3A_483 = arith.constant 8400 : i32
      %dma_start3A_484 = tpu.memref_slice %arg8[%dma_start3A_483] : memref<12800xi32, #tpu.memory_space<vmem>> -> memref<400xi32, #tpu.memory_space<vmem>>
      %dma_start3A_485 = tpu.memref_slice %arg3[%add3A_479] : memref<12800000xi32, #tpu.memory_space<hbm>> -> memref<400xi32, #tpu.memory_space<hbm>>
      tpu.enqueue_dma source(%dma_start3A_485 : memref<400xi32, #tpu.memory_space<hbm>>) target(%dma_start3A_484 : memref<400xi32, #tpu.memory_space<vmem>>) target_semaphore(%arg12 : memref<!tpu.dma_semaphore, #tpu.memory_space<semaphore_mem>>)
      %add3A_486 = arith.constant 1100000 : i32
      %add3A_487 = arith.addi %add3A_309, %add3A_486 : i32
      %dma_start3A_488 = arith.constant 8800 : i32
      %dma_start3A_489 = tpu.memref_slice %arg8[%dma_start3A_488] : memref<12800xi32, #tpu.memory_space<vmem>> -> memref<400xi32, #tpu.memory_space<vmem>>
      %dma_start3A_490 = tpu.memref_slice %arg3[%add3A_487] : memref<12800000xi32, #tpu.memory_space<hbm>> -> memref<400xi32, #tpu.memory_space<hbm>>
      %dma_start3A_491 = arith.constant 8800 : i32
      %dma_start3A_492 = tpu.memref_slice %arg8[%dma_start3A_491] : memref<12800xi32, #tpu.memory_space<vmem>> -> memref<400xi32, #tpu.memory_space<vmem>>
      %dma_start3A_493 = tpu.memref_slice %arg3[%add3A_487] : memref<12800000xi32, #tpu.memory_space<hbm>> -> memref<400xi32, #tpu.memory_space<hbm>>
      tpu.enqueue_dma source(%dma_start3A_493 : memref<400xi32, #tpu.memory_space<hbm>>) target(%dma_start3A_492 : memref<400xi32, #tpu.memory_space<vmem>>) target_semaphore(%arg12 : memref<!tpu.dma_semaphore, #tpu.memory_space<semaphore_mem>>)
      %add3A_494 = arith.constant 1150000 : i32
      %add3A_495 = arith.addi %add3A_309, %add3A_494 : i32
      %dma_start3A_496 = arith.constant 9200 : i32
      %dma_start3A_497 = tpu.memref_slice %arg8[%dma_start3A_496] : memref<12800xi32, #tpu.memory_space<vmem>> -> memref<400xi32, #tpu.memory_space<vmem>>
      %dma_start3A_498 = tpu.memref_slice %arg3[%add3A_495] : memref<12800000xi32, #tpu.memory_space<hbm>> -> memref<400xi32, #tpu.memory_space<hbm>>
      %dma_start3A_499 = arith.constant 9200 : i32
      %dma_start3A_500 = tpu.memref_slice %arg8[%dma_start3A_499] : memref<12800xi32, #tpu.memory_space<vmem>> -> memref<400xi32, #tpu.memory_space<vmem>>
      %dma_start3A_501 = tpu.memref_slice %arg3[%add3A_495] : memref<12800000xi32, #tpu.memory_space<hbm>> -> memref<400xi32, #tpu.memory_space<hbm>>
      tpu.enqueue_dma source(%dma_start3A_501 : memref<400xi32, #tpu.memory_space<hbm>>) target(%dma_start3A_500 : memref<400xi32, #tpu.memory_space<vmem>>) target_semaphore(%arg12 : memref<!tpu.dma_semaphore, #tpu.memory_space<semaphore_mem>>)
      %add3A_502 = arith.constant 1200000 : i32
      %add3A_503 = arith.addi %add3A_309, %add3A_502 : i32
      %dma_start3A_504 = arith.constant 9600 : i32
      %dma_start3A_505 = tpu.memref_slice %arg8[%dma_start3A_504] : memref<12800xi32, #tpu.memory_space<vmem>> -> memref<400xi32, #tpu.memory_space<vmem>>
      %dma_start3A_506 = tpu.memref_slice %arg3[%add3A_503] : memref<12800000xi32, #tpu.memory_space<hbm>> -> memref<400xi32, #tpu.memory_space<hbm>>
      %dma_start3A_507 = arith.constant 9600 : i32
      %dma_start3A_508 = tpu.memref_slice %arg8[%dma_start3A_507] : memref<12800xi32, #tpu.memory_space<vmem>> -> memref<400xi32, #tpu.memory_space<vmem>>
      %dma_start3A_509 = tpu.memref_slice %arg3[%add3A_503] : memref<12800000xi32, #tpu.memory_space<hbm>> -> memref<400xi32, #tpu.memory_space<hbm>>
      tpu.enqueue_dma source(%dma_start3A_509 : memref<400xi32, #tpu.memory_space<hbm>>) target(%dma_start3A_508 : memref<400xi32, #tpu.memory_space<vmem>>) target_semaphore(%arg12 : memref<!tpu.dma_semaphore, #tpu.memory_space<semaphore_mem>>)
      %add3A_510 = arith.constant 1250000 : i32
      %add3A_511 = arith.addi %add3A_309, %add3A_510 : i32
      %dma_start3A_512 = arith.constant 10000 : i32
      %dma_start3A_513 = tpu.memref_slice %arg8[%dma_start3A_512] : memref<12800xi32, #tpu.memory_space<vmem>> -> memref<400xi32, #tpu.memory_space<vmem>>
      %dma_start3A_514 = tpu.memref_slice %arg3[%add3A_511] : memref<12800000xi32, #tpu.memory_space<hbm>> -> memref<400xi32, #tpu.memory_space<hbm>>
      %dma_start3A_515 = arith.constant 10000 : i32
      %dma_start3A_516 = tpu.memref_slice %arg8[%dma_start3A_515] : memref<12800xi32, #tpu.memory_space<vmem>> -> memref<400xi32, #tpu.memory_space<vmem>>
      %dma_start3A_517 = tpu.memref_slice %arg3[%add3A_511] : memref<12800000xi32, #tpu.memory_space<hbm>> -> memref<400xi32, #tpu.memory_space<hbm>>
      tpu.enqueue_dma source(%dma_start3A_517 : memref<400xi32, #tpu.memory_space<hbm>>) target(%dma_start3A_516 : memref<400xi32, #tpu.memory_space<vmem>>) target_semaphore(%arg12 : memref<!tpu.dma_semaphore, #tpu.memory_space<semaphore_mem>>)
      %add3A_518 = arith.constant 1300000 : i32
      %add3A_519 = arith.addi %add3A_309, %add3A_518 : i32
      %dma_start3A_520 = arith.constant 10400 : i32
      %dma_start3A_521 = tpu.memref_slice %arg8[%dma_start3A_520] : memref<12800xi32, #tpu.memory_space<vmem>> -> memref<400xi32, #tpu.memory_space<vmem>>
      %dma_start3A_522 = tpu.memref_slice %arg3[%add3A_519] : memref<12800000xi32, #tpu.memory_space<hbm>> -> memref<400xi32, #tpu.memory_space<hbm>>
      %dma_start3A_523 = arith.constant 10400 : i32
      %dma_start3A_524 = tpu.memref_slice %arg8[%dma_start3A_523] : memref<12800xi32, #tpu.memory_space<vmem>> -> memref<400xi32, #tpu.memory_space<vmem>>
      %dma_start3A_525 = tpu.memref_slice %arg3[%add3A_519] : memref<12800000xi32, #tpu.memory_space<hbm>> -> memref<400xi32, #tpu.memory_space<hbm>>
      tpu.enqueue_dma source(%dma_start3A_525 : memref<400xi32, #tpu.memory_space<hbm>>) target(%dma_start3A_524 : memref<400xi32, #tpu.memory_space<vmem>>) target_semaphore(%arg12 : memref<!tpu.dma_semaphore, #tpu.memory_space<semaphore_mem>>)
      %add3A_526 = arith.constant 1350000 : i32
      %add3A_527 = arith.addi %add3A_309, %add3A_526 : i32
      %dma_start3A_528 = arith.constant 10800 : i32
      %dma_start3A_529 = tpu.memref_slice %arg8[%dma_start3A_528] : memref<12800xi32, #tpu.memory_space<vmem>> -> memref<400xi32, #tpu.memory_space<vmem>>
      %dma_start3A_530 = tpu.memref_slice %arg3[%add3A_527] : memref<12800000xi32, #tpu.memory_space<hbm>> -> memref<400xi32, #tpu.memory_space<hbm>>
      %dma_start3A_531 = arith.constant 10800 : i32
      %dma_start3A_532 = tpu.memref_slice %arg8[%dma_start3A_531] : memref<12800xi32, #tpu.memory_space<vmem>> -> memref<400xi32, #tpu.memory_space<vmem>>
      %dma_start3A_533 = tpu.memref_slice %arg3[%add3A_527] : memref<12800000xi32, #tpu.memory_space<hbm>> -> memref<400xi32, #tpu.memory_space<hbm>>
      tpu.enqueue_dma source(%dma_start3A_533 : memref<400xi32, #tpu.memory_space<hbm>>) target(%dma_start3A_532 : memref<400xi32, #tpu.memory_space<vmem>>) target_semaphore(%arg12 : memref<!tpu.dma_semaphore, #tpu.memory_space<semaphore_mem>>)
      %add3A_534 = arith.constant 1400000 : i32
      %add3A_535 = arith.addi %add3A_309, %add3A_534 : i32
      %dma_start3A_536 = arith.constant 11200 : i32
      %dma_start3A_537 = tpu.memref_slice %arg8[%dma_start3A_536] : memref<12800xi32, #tpu.memory_space<vmem>> -> memref<400xi32, #tpu.memory_space<vmem>>
      %dma_start3A_538 = tpu.memref_slice %arg3[%add3A_535] : memref<12800000xi32, #tpu.memory_space<hbm>> -> memref<400xi32, #tpu.memory_space<hbm>>
      %dma_start3A_539 = arith.constant 11200 : i32
      %dma_start3A_540 = tpu.memref_slice %arg8[%dma_start3A_539] : memref<12800xi32, #tpu.memory_space<vmem>> -> memref<400xi32, #tpu.memory_space<vmem>>
      %dma_start3A_541 = tpu.memref_slice %arg3[%add3A_535] : memref<12800000xi32, #tpu.memory_space<hbm>> -> memref<400xi32, #tpu.memory_space<hbm>>
      tpu.enqueue_dma source(%dma_start3A_541 : memref<400xi32, #tpu.memory_space<hbm>>) target(%dma_start3A_540 : memref<400xi32, #tpu.memory_space<vmem>>) target_semaphore(%arg12 : memref<!tpu.dma_semaphore, #tpu.memory_space<semaphore_mem>>)
      %add3A_542 = arith.constant 1450000 : i32
      %add3A_543 = arith.addi %add3A_309, %add3A_542 : i32
      %dma_start3A_544 = arith.constant 11600 : i32
      %dma_start3A_545 = tpu.memref_slice %arg8[%dma_start3A_544] : memref<12800xi32, #tpu.memory_space<vmem>> -> memref<400xi32, #tpu.memory_space<vmem>>
      %dma_start3A_546 = tpu.memref_slice %arg3[%add3A_543] : memref<12800000xi32, #tpu.memory_space<hbm>> -> memref<400xi32, #tpu.memory_space<hbm>>
      %dma_start3A_547 = arith.constant 11600 : i32
      %dma_start3A_548 = tpu.memref_slice %arg8[%dma_start3A_547] : memref<12800xi32, #tpu.memory_space<vmem>> -> memref<400xi32, #tpu.memory_space<vmem>>
      %dma_start3A_549 = tpu.memref_slice %arg3[%add3A_543] : memref<12800000xi32, #tpu.memory_space<hbm>> -> memref<400xi32, #tpu.memory_space<hbm>>
      tpu.enqueue_dma source(%dma_start3A_549 : memref<400xi32, #tpu.memory_space<hbm>>) target(%dma_start3A_548 : memref<400xi32, #tpu.memory_space<vmem>>) target_semaphore(%arg12 : memref<!tpu.dma_semaphore, #tpu.memory_space<semaphore_mem>>)
      %add3A_550 = arith.constant 1500000 : i32
      %add3A_551 = arith.addi %add3A_309, %add3A_550 : i32
      %dma_start3A_552 = arith.constant 12000 : i32
      %dma_start3A_553 = tpu.memref_slice %arg8[%dma_start3A_552] : memref<12800xi32, #tpu.memory_space<vmem>> -> memref<400xi32, #tpu.memory_space<vmem>>
      %dma_start3A_554 = tpu.memref_slice %arg3[%add3A_551] : memref<12800000xi32, #tpu.memory_space<hbm>> -> memref<400xi32, #tpu.memory_space<hbm>>
      %dma_start3A_555 = arith.constant 12000 : i32
      %dma_start3A_556 = tpu.memref_slice %arg8[%dma_start3A_555] : memref<12800xi32, #tpu.memory_space<vmem>> -> memref<400xi32, #tpu.memory_space<vmem>>
      %dma_start3A_557 = tpu.memref_slice %arg3[%add3A_551] : memref<12800000xi32, #tpu.memory_space<hbm>> -> memref<400xi32, #tpu.memory_space<hbm>>
      tpu.enqueue_dma source(%dma_start3A_557 : memref<400xi32, #tpu.memory_space<hbm>>) target(%dma_start3A_556 : memref<400xi32, #tpu.memory_space<vmem>>) target_semaphore(%arg12 : memref<!tpu.dma_semaphore, #tpu.memory_space<semaphore_mem>>)
      %add3A_558 = arith.constant 1550000 : i32
      %add3A_559 = arith.addi %add3A_309, %add3A_558 : i32
      %dma_start3A_560 = arith.constant 12400 : i32
      %dma_start3A_561 = tpu.memref_slice %arg8[%dma_start3A_560] : memref<12800xi32, #tpu.memory_space<vmem>> -> memref<400xi32, #tpu.memory_space<vmem>>
      %dma_start3A_562 = tpu.memref_slice %arg3[%add3A_559] : memref<12800000xi32, #tpu.memory_space<hbm>> -> memref<400xi32, #tpu.memory_space<hbm>>
      %dma_start3A_563 = arith.constant 12400 : i32
      %dma_start3A_564 = tpu.memref_slice %arg8[%dma_start3A_563] : memref<12800xi32, #tpu.memory_space<vmem>> -> memref<400xi32, #tpu.memory_space<vmem>>
      %dma_start3A_565 = tpu.memref_slice %arg3[%add3A_559] : memref<12800000xi32, #tpu.memory_space<hbm>> -> memref<400xi32, #tpu.memory_space<hbm>>
      tpu.enqueue_dma source(%dma_start3A_565 : memref<400xi32, #tpu.memory_space<hbm>>) target(%dma_start3A_564 : memref<400xi32, #tpu.memory_space<vmem>>) target_semaphore(%arg12 : memref<!tpu.dma_semaphore, #tpu.memory_space<semaphore_mem>>)
      %dma_wait3A_566 = arith.constant 0 : i32
      %dma_wait3A_567 = tpu.memref_slice %arg3[%dma_wait3A_566] : memref<12800000xi32, #tpu.memory_space<hbm>> -> memref<12800xi32, #tpu.memory_space<hbm>>
      %dma_wait3A_568 = arith.constant 0 : i32
      %dma_wait3A_569 = tpu.memref_slice %arg3[%dma_wait3A_568] : memref<12800000xi32, #tpu.memory_space<hbm>> -> memref<12800xi32, #tpu.memory_space<hbm>>
      tpu.wait_dma2 semaphore(%arg11 : memref<!tpu.dma_semaphore, #tpu.memory_space<semaphore_mem>>) src(%dma_wait3A_569 : memref<12800xi32, #tpu.memory_space<hbm>>) dst(%arg7 : memref<12800xi32, #tpu.memory_space<vmem>>)
      %gt3A = arith.constant 0 : i32
      %gt3A_570 = arith.cmpi sgt, %scan3A_288, %gt3A : i32
      %convert_element_type3A = arith.extui %gt3A_570 : i1 to i32
      %cond3A = arith.constant 0 : i32
      %cond3A_571 = arith.cmpi ne, %convert_element_type3A, %cond3A : i32
      scf.if %cond3A_571 {
        %dma_wait3A_969 = arith.constant 0 : i32
        %dma_wait3A_970 = tpu.memref_slice %arg4[%dma_wait3A_969] : memref<3200000xf32, #tpu.memory_space<hbm>> -> memref<1600xf32, #tpu.memory_space<hbm>>
        %dma_wait3A_971 = arith.constant 0 : i32
        %dma_wait3A_972 = tpu.memref_slice %arg4[%dma_wait3A_971] : memref<3200000xf32, #tpu.memory_space<hbm>> -> memref<1600xf32, #tpu.memory_space<hbm>>
        tpu.wait_dma2 semaphore(%arg13 : memref<!tpu.dma_semaphore, #tpu.memory_space<semaphore_mem>>) src(%arg9 : memref<1600xf32, #tpu.memory_space<vmem>>) dst(%dma_wait3A_972 : memref<1600xf32, #tpu.memory_space<hbm>>)
      } else {
      }
      %parallel_loop3A = arith.constant 0 : i32
      %parallel_loop3A_572 = arith.constant 25 : i32
      %parallel_loop3A_573 = arith.constant 1 : i32
      scf.for %parallel_loop3A_969 = %parallel_loop3A to %parallel_loop3A_572 step %parallel_loop3A_573  : i32 {
        %parallel_loop3A_970 = arith.constant 16 : i32
        %parallel_loop3A_971 = arith.muli %parallel_loop3A_969, %parallel_loop3A_970 : i32
        %parallel_loop3A_972 = arith.constant 0.000000e+00 : bf16
        %parallel_loop3A_973 = vector.broadcast %parallel_loop3A_972 : bf16 to vector<32xbf16>
        %parallel_loop3A_974 = arith.constant 0.000000e+00 : bf16
        %parallel_loop3A_975 = vector.broadcast %parallel_loop3A_974 : bf16 to vector<32xbf16>
        %parallel_loop3A_976 = arith.constant 0 : i32
        %parallel_loop3A_977 = arith.addi %parallel_loop3A_976, %parallel_loop3A_971 : i32
        %parallel_loop3A_978 = arith.index_cast %parallel_loop3A_977 : i32 to index
        %parallel_loop3A_979 = tpu.vector_load %arg7[%parallel_loop3A_978] {strides = array<i32>} : memref<12800xi32, #tpu.memory_space<vmem>>, vector<16xi32>,
        %parallel_loop3A_980 = arith.constant 400 : i32
        %parallel_loop3A_981 = arith.addi %parallel_loop3A_980, %parallel_loop3A_971 : i32
        %parallel_loop3A_982 = arith.index_cast %parallel_loop3A_981 : i32 to index
        %parallel_loop3A_983 = tpu.vector_load %arg7[%parallel_loop3A_982] {strides = array<i32>} : memref<12800xi32, #tpu.memory_space<vmem>>, vector<16xi32>,
        %parallel_loop3A_984 = tpu.vector_load_idx %arg5[%parallel_loop3A_979] : memref<50000xi32, #tpu.memory_space<vmem>>[vector<16xi32>], vector<16xi32>,
        %parallel_loop3A_985 = tpu.vector_load_idx %arg5[%parallel_loop3A_983] : memref<50000xi32, #tpu.memory_space<vmem>>[vector<16xi32>], vector<16xi32>,
        %parallel_loop3A_986 = tpu.vector_load_idx %arg6[%parallel_loop3A_979] : memref<50000xi32, #tpu.memory_space<vmem>>[vector<16xi32>], vector<16xi32>,
        %parallel_loop3A_987 = tpu.vector_load_idx %arg6[%parallel_loop3A_983] : memref<50000xi32, #tpu.memory_space<vmem>>[vector<16xi32>], vector<16xi32>,
        %parallel_loop3A_988 = vector.bitcast %parallel_loop3A_984 : vector<16xi32> to vector<32xbf16>
        %parallel_loop3A_989 = vector.bitcast %parallel_loop3A_985 : vector<16xi32> to vector<32xbf16>
        %parallel_loop3A_990 = arith.mulf %parallel_loop3A_988, %parallel_loop3A_989 : vector<32xbf16>
        %parallel_loop3A_991 = arith.addf %parallel_loop3A_973, %parallel_loop3A_990 : vector<32xbf16>
        %parallel_loop3A_992 = vector.bitcast %parallel_loop3A_986 : vector<16xi32> to vector<32xbf16>
        %parallel_loop3A_993 = vector.bitcast %parallel_loop3A_987 : vector<16xi32> to vector<32xbf16>
        %parallel_loop3A_994 = arith.mulf %parallel_loop3A_992, %parallel_loop3A_993 : vector<32xbf16>
        %parallel_loop3A_995 = arith.addf %parallel_loop3A_975, %parallel_loop3A_994 : vector<32xbf16>
        %parallel_loop3A_996 = arith.constant 800 : i32
        %parallel_loop3A_997 = arith.addi %parallel_loop3A_996, %parallel_loop3A_971 : i32
        %parallel_loop3A_998 = arith.index_cast %parallel_loop3A_997 : i32 to index
        %parallel_loop3A_999 = tpu.vector_load %arg7[%parallel_loop3A_998] {strides = array<i32>} : memref<12800xi32, #tpu.memory_space<vmem>>, vector<16xi32>,
        %parallel_loop3A_1000 = arith.constant 1200 : i32
        %parallel_loop3A_1001 = arith.addi %parallel_loop3A_1000, %parallel_loop3A_971 : i32
        %parallel_loop3A_1002 = arith.index_cast %parallel_loop3A_1001 : i32 to index
        %parallel_loop3A_1003 = tpu.vector_load %arg7[%parallel_loop3A_1002] {strides = array<i32>} : memref<12800xi32, #tpu.memory_space<vmem>>, vector<16xi32>,
        %parallel_loop3A_1004 = tpu.vector_load_idx %arg5[%parallel_loop3A_999] : memref<50000xi32, #tpu.memory_space<vmem>>[vector<16xi32>], vector<16xi32>,
        %parallel_loop3A_1005 = tpu.vector_load_idx %arg5[%parallel_loop3A_1003] : memref<50000xi32, #tpu.memory_space<vmem>>[vector<16xi32>], vector<16xi32>,
        %parallel_loop3A_1006 = tpu.vector_load_idx %arg6[%parallel_loop3A_999] : memref<50000xi32, #tpu.memory_space<vmem>>[vector<16xi32>], vector<16xi32>,
        %parallel_loop3A_1007 = tpu.vector_load_idx %arg6[%parallel_loop3A_1003] : memref<50000xi32, #tpu.memory_space<vmem>>[vector<16xi32>], vector<16xi32>,
        %parallel_loop3A_1008 = vector.bitcast %parallel_loop3A_1004 : vector<16xi32> to vector<32xbf16>
        %parallel_loop3A_1009 = vector.bitcast %parallel_loop3A_1005 : vector<16xi32> to vector<32xbf16>
        %parallel_loop3A_1010 = arith.mulf %parallel_loop3A_1008, %parallel_loop3A_1009 : vector<32xbf16>
        %parallel_loop3A_1011 = arith.addf %parallel_loop3A_991, %parallel_loop3A_1010 : vector<32xbf16>
        %parallel_loop3A_1012 = vector.bitcast %parallel_loop3A_1006 : vector<16xi32> to vector<32xbf16>
        %parallel_loop3A_1013 = vector.bitcast %parallel_loop3A_1007 : vector<16xi32> to vector<32xbf16>
        %parallel_loop3A_1014 = arith.mulf %parallel_loop3A_1012, %parallel_loop3A_1013 : vector<32xbf16>
        %parallel_loop3A_1015 = arith.addf %parallel_loop3A_995, %parallel_loop3A_1014 : vector<32xbf16>
        %parallel_loop3A_1016 = arith.constant 1600 : i32
        %parallel_loop3A_1017 = arith.addi %parallel_loop3A_1016, %parallel_loop3A_971 : i32
        %parallel_loop3A_1018 = arith.index_cast %parallel_loop3A_1017 : i32 to index
        %parallel_loop3A_1019 = tpu.vector_load %arg7[%parallel_loop3A_1018] {strides = array<i32>} : memref<12800xi32, #tpu.memory_space<vmem>>, vector<16xi32>,
        %parallel_loop3A_1020 = arith.constant 2000 : i32
        %parallel_loop3A_1021 = arith.addi %parallel_loop3A_1020, %parallel_loop3A_971 : i32
        %parallel_loop3A_1022 = arith.index_cast %parallel_loop3A_1021 : i32 to index
        %parallel_loop3A_1023 = tpu.vector_load %arg7[%parallel_loop3A_1022] {strides = array<i32>} : memref<12800xi32, #tpu.memory_space<vmem>>, vector<16xi32>,
        %parallel_loop3A_1024 = tpu.vector_load_idx %arg5[%parallel_loop3A_1019] : memref<50000xi32, #tpu.memory_space<vmem>>[vector<16xi32>], vector<16xi32>,
        %parallel_loop3A_1025 = tpu.vector_load_idx %arg5[%parallel_loop3A_1023] : memref<50000xi32, #tpu.memory_space<vmem>>[vector<16xi32>], vector<16xi32>,
        %parallel_loop3A_1026 = tpu.vector_load_idx %arg6[%parallel_loop3A_1019] : memref<50000xi32, #tpu.memory_space<vmem>>[vector<16xi32>], vector<16xi32>,
        %parallel_loop3A_1027 = tpu.vector_load_idx %arg6[%parallel_loop3A_1023] : memref<50000xi32, #tpu.memory_space<vmem>>[vector<16xi32>], vector<16xi32>,
        %parallel_loop3A_1028 = vector.bitcast %parallel_loop3A_1024 : vector<16xi32> to vector<32xbf16>
        %parallel_loop3A_1029 = vector.bitcast %parallel_loop3A_1025 : vector<16xi32> to vector<32xbf16>
        %parallel_loop3A_1030 = arith.mulf %parallel_loop3A_1028, %parallel_loop3A_1029 : vector<32xbf16>
        %parallel_loop3A_1031 = arith.addf %parallel_loop3A_1011, %parallel_loop3A_1030 : vector<32xbf16>
        %parallel_loop3A_1032 = vector.bitcast %parallel_loop3A_1026 : vector<16xi32> to vector<32xbf16>
        %parallel_loop3A_1033 = vector.bitcast %parallel_loop3A_1027 : vector<16xi32> to vector<32xbf16>
        %parallel_loop3A_1034 = arith.mulf %parallel_loop3A_1032, %parallel_loop3A_1033 : vector<32xbf16>
        %parallel_loop3A_1035 = arith.addf %parallel_loop3A_1015, %parallel_loop3A_1034 : vector<32xbf16>
        %parallel_loop3A_1036 = arith.constant 2400 : i32
        %parallel_loop3A_1037 = arith.addi %parallel_loop3A_1036, %parallel_loop3A_971 : i32
        %parallel_loop3A_1038 = arith.index_cast %parallel_loop3A_1037 : i32 to index
        %parallel_loop3A_1039 = tpu.vector_load %arg7[%parallel_loop3A_1038] {strides = array<i32>} : memref<12800xi32, #tpu.memory_space<vmem>>, vector<16xi32>,
        %parallel_loop3A_1040 = arith.constant 2800 : i32
        %parallel_loop3A_1041 = arith.addi %parallel_loop3A_1040, %parallel_loop3A_971 : i32
        %parallel_loop3A_1042 = arith.index_cast %parallel_loop3A_1041 : i32 to index
        %parallel_loop3A_1043 = tpu.vector_load %arg7[%parallel_loop3A_1042] {strides = array<i32>} : memref<12800xi32, #tpu.memory_space<vmem>>, vector<16xi32>,
        %parallel_loop3A_1044 = tpu.vector_load_idx %arg5[%parallel_loop3A_1039] : memref<50000xi32, #tpu.memory_space<vmem>>[vector<16xi32>], vector<16xi32>,
        %parallel_loop3A_1045 = tpu.vector_load_idx %arg5[%parallel_loop3A_1043] : memref<50000xi32, #tpu.memory_space<vmem>>[vector<16xi32>], vector<16xi32>,
        %parallel_loop3A_1046 = tpu.vector_load_idx %arg6[%parallel_loop3A_1039] : memref<50000xi32, #tpu.memory_space<vmem>>[vector<16xi32>], vector<16xi32>,
        %parallel_loop3A_1047 = tpu.vector_load_idx %arg6[%parallel_loop3A_1043] : memref<50000xi32, #tpu.memory_space<vmem>>[vector<16xi32>], vector<16xi32>,
        %parallel_loop3A_1048 = vector.bitcast %parallel_loop3A_1044 : vector<16xi32> to vector<32xbf16>
        %parallel_loop3A_1049 = vector.bitcast %parallel_loop3A_1045 : vector<16xi32> to vector<32xbf16>
        %parallel_loop3A_1050 = arith.mulf %parallel_loop3A_1048, %parallel_loop3A_1049 : vector<32xbf16>
        %parallel_loop3A_1051 = arith.addf %parallel_loop3A_1031, %parallel_loop3A_1050 : vector<32xbf16>
        %parallel_loop3A_1052 = vector.bitcast %parallel_loop3A_1046 : vector<16xi32> to vector<32xbf16>
        %parallel_loop3A_1053 = vector.bitcast %parallel_loop3A_1047 : vector<16xi32> to vector<32xbf16>
        %parallel_loop3A_1054 = arith.mulf %parallel_loop3A_1052, %parallel_loop3A_1053 : vector<32xbf16>
        %parallel_loop3A_1055 = arith.addf %parallel_loop3A_1035, %parallel_loop3A_1054 : vector<32xbf16>
        %parallel_loop3A_1056 = arith.constant 3200 : i32
        %parallel_loop3A_1057 = arith.addi %parallel_loop3A_1056, %parallel_loop3A_971 : i32
        %parallel_loop3A_1058 = arith.index_cast %parallel_loop3A_1057 : i32 to index
        %parallel_loop3A_1059 = tpu.vector_load %arg7[%parallel_loop3A_1058] {strides = array<i32>} : memref<12800xi32, #tpu.memory_space<vmem>>, vector<16xi32>,
        %parallel_loop3A_1060 = arith.constant 3600 : i32
        %parallel_loop3A_1061 = arith.addi %parallel_loop3A_1060, %parallel_loop3A_971 : i32
        %parallel_loop3A_1062 = arith.index_cast %parallel_loop3A_1061 : i32 to index
        %parallel_loop3A_1063 = tpu.vector_load %arg7[%parallel_loop3A_1062] {strides = array<i32>} : memref<12800xi32, #tpu.memory_space<vmem>>, vector<16xi32>,
        %parallel_loop3A_1064 = tpu.vector_load_idx %arg5[%parallel_loop3A_1059] : memref<50000xi32, #tpu.memory_space<vmem>>[vector<16xi32>], vector<16xi32>,
        %parallel_loop3A_1065 = tpu.vector_load_idx %arg5[%parallel_loop3A_1063] : memref<50000xi32, #tpu.memory_space<vmem>>[vector<16xi32>], vector<16xi32>,
        %parallel_loop3A_1066 = tpu.vector_load_idx %arg6[%parallel_loop3A_1059] : memref<50000xi32, #tpu.memory_space<vmem>>[vector<16xi32>], vector<16xi32>,
        %parallel_loop3A_1067 = tpu.vector_load_idx %arg6[%parallel_loop3A_1063] : memref<50000xi32, #tpu.memory_space<vmem>>[vector<16xi32>], vector<16xi32>,
        %parallel_loop3A_1068 = vector.bitcast %parallel_loop3A_1064 : vector<16xi32> to vector<32xbf16>
        %parallel_loop3A_1069 = vector.bitcast %parallel_loop3A_1065 : vector<16xi32> to vector<32xbf16>
        %parallel_loop3A_1070 = arith.mulf %parallel_loop3A_1068, %parallel_loop3A_1069 : vector<32xbf16>
        %parallel_loop3A_1071 = arith.addf %parallel_loop3A_1051, %parallel_loop3A_1070 : vector<32xbf16>
        %parallel_loop3A_1072 = vector.bitcast %parallel_loop3A_1066 : vector<16xi32> to vector<32xbf16>
        %parallel_loop3A_1073 = vector.bitcast %parallel_loop3A_1067 : vector<16xi32> to vector<32xbf16>
        %parallel_loop3A_1074 = arith.mulf %parallel_loop3A_1072, %parallel_loop3A_1073 : vector<32xbf16>
        %parallel_loop3A_1075 = arith.addf %parallel_loop3A_1055, %parallel_loop3A_1074 : vector<32xbf16>
        %parallel_loop3A_1076 = arith.constant 4000 : i32
        %parallel_loop3A_1077 = arith.addi %parallel_loop3A_1076, %parallel_loop3A_971 : i32
        %parallel_loop3A_1078 = arith.index_cast %parallel_loop3A_1077 : i32 to index
        %parallel_loop3A_1079 = tpu.vector_load %arg7[%parallel_loop3A_1078] {strides = array<i32>} : memref<12800xi32, #tpu.memory_space<vmem>>, vector<16xi32>,
        %parallel_loop3A_1080 = arith.constant 4400 : i32
        %parallel_loop3A_1081 = arith.addi %parallel_loop3A_1080, %parallel_loop3A_971 : i32
        %parallel_loop3A_1082 = arith.index_cast %parallel_loop3A_1081 : i32 to index
        %parallel_loop3A_1083 = tpu.vector_load %arg7[%parallel_loop3A_1082] {strides = array<i32>} : memref<12800xi32, #tpu.memory_space<vmem>>, vector<16xi32>,
        %parallel_loop3A_1084 = tpu.vector_load_idx %arg5[%parallel_loop3A_1079] : memref<50000xi32, #tpu.memory_space<vmem>>[vector<16xi32>], vector<16xi32>,
        %parallel_loop3A_1085 = tpu.vector_load_idx %arg5[%parallel_loop3A_1083] : memref<50000xi32, #tpu.memory_space<vmem>>[vector<16xi32>], vector<16xi32>,
        %parallel_loop3A_1086 = tpu.vector_load_idx %arg6[%parallel_loop3A_1079] : memref<50000xi32, #tpu.memory_space<vmem>>[vector<16xi32>], vector<16xi32>,
        %parallel_loop3A_1087 = tpu.vector_load_idx %arg6[%parallel_loop3A_1083] : memref<50000xi32, #tpu.memory_space<vmem>>[vector<16xi32>], vector<16xi32>,
        %parallel_loop3A_1088 = vector.bitcast %parallel_loop3A_1084 : vector<16xi32> to vector<32xbf16>
        %parallel_loop3A_1089 = vector.bitcast %parallel_loop3A_1085 : vector<16xi32> to vector<32xbf16>
        %parallel_loop3A_1090 = arith.mulf %parallel_loop3A_1088, %parallel_loop3A_1089 : vector<32xbf16>
        %parallel_loop3A_1091 = arith.addf %parallel_loop3A_1071, %parallel_loop3A_1090 : vector<32xbf16>
        %parallel_loop3A_1092 = vector.bitcast %parallel_loop3A_1086 : vector<16xi32> to vector<32xbf16>
        %parallel_loop3A_1093 = vector.bitcast %parallel_loop3A_1087 : vector<16xi32> to vector<32xbf16>
        %parallel_loop3A_1094 = arith.mulf %parallel_loop3A_1092, %parallel_loop3A_1093 : vector<32xbf16>
        %parallel_loop3A_1095 = arith.addf %parallel_loop3A_1075, %parallel_loop3A_1094 : vector<32xbf16>
        %parallel_loop3A_1096 = arith.constant 4800 : i32
        %parallel_loop3A_1097 = arith.addi %parallel_loop3A_1096, %parallel_loop3A_971 : i32
        %parallel_loop3A_1098 = arith.index_cast %parallel_loop3A_1097 : i32 to index
        %parallel_loop3A_1099 = tpu.vector_load %arg7[%parallel_loop3A_1098] {strides = array<i32>} : memref<12800xi32, #tpu.memory_space<vmem>>, vector<16xi32>,
        %parallel_loop3A_1100 = arith.constant 5200 : i32
        %parallel_loop3A_1101 = arith.addi %parallel_loop3A_1100, %parallel_loop3A_971 : i32
        %parallel_loop3A_1102 = arith.index_cast %parallel_loop3A_1101 : i32 to index
        %parallel_loop3A_1103 = tpu.vector_load %arg7[%parallel_loop3A_1102] {strides = array<i32>} : memref<12800xi32, #tpu.memory_space<vmem>>, vector<16xi32>,
        %parallel_loop3A_1104 = tpu.vector_load_idx %arg5[%parallel_loop3A_1099] : memref<50000xi32, #tpu.memory_space<vmem>>[vector<16xi32>], vector<16xi32>,
        %parallel_loop3A_1105 = tpu.vector_load_idx %arg5[%parallel_loop3A_1103] : memref<50000xi32, #tpu.memory_space<vmem>>[vector<16xi32>], vector<16xi32>,
        %parallel_loop3A_1106 = tpu.vector_load_idx %arg6[%parallel_loop3A_1099] : memref<50000xi32, #tpu.memory_space<vmem>>[vector<16xi32>], vector<16xi32>,
        %parallel_loop3A_1107 = tpu.vector_load_idx %arg6[%parallel_loop3A_1103] : memref<50000xi32, #tpu.memory_space<vmem>>[vector<16xi32>], vector<16xi32>,
        %parallel_loop3A_1108 = vector.bitcast %parallel_loop3A_1104 : vector<16xi32> to vector<32xbf16>
        %parallel_loop3A_1109 = vector.bitcast %parallel_loop3A_1105 : vector<16xi32> to vector<32xbf16>
        %parallel_loop3A_1110 = arith.mulf %parallel_loop3A_1108, %parallel_loop3A_1109 : vector<32xbf16>
        %parallel_loop3A_1111 = arith.addf %parallel_loop3A_1091, %parallel_loop3A_1110 : vector<32xbf16>
        %parallel_loop3A_1112 = vector.bitcast %parallel_loop3A_1106 : vector<16xi32> to vector<32xbf16>
        %parallel_loop3A_1113 = vector.bitcast %parallel_loop3A_1107 : vector<16xi32> to vector<32xbf16>
        %parallel_loop3A_1114 = arith.mulf %parallel_loop3A_1112, %parallel_loop3A_1113 : vector<32xbf16>
        %parallel_loop3A_1115 = arith.addf %parallel_loop3A_1095, %parallel_loop3A_1114 : vector<32xbf16>
        %parallel_loop3A_1116 = arith.constant 5600 : i32
        %parallel_loop3A_1117 = arith.addi %parallel_loop3A_1116, %parallel_loop3A_971 : i32
        %parallel_loop3A_1118 = arith.index_cast %parallel_loop3A_1117 : i32 to index
        %parallel_loop3A_1119 = tpu.vector_load %arg7[%parallel_loop3A_1118] {strides = array<i32>} : memref<12800xi32, #tpu.memory_space<vmem>>, vector<16xi32>,
        %parallel_loop3A_1120 = arith.constant 6000 : i32
        %parallel_loop3A_1121 = arith.addi %parallel_loop3A_1120, %parallel_loop3A_971 : i32
        %parallel_loop3A_1122 = arith.index_cast %parallel_loop3A_1121 : i32 to index
        %parallel_loop3A_1123 = tpu.vector_load %arg7[%parallel_loop3A_1122] {strides = array<i32>} : memref<12800xi32, #tpu.memory_space<vmem>>, vector<16xi32>,
        %parallel_loop3A_1124 = tpu.vector_load_idx %arg5[%parallel_loop3A_1119] : memref<50000xi32, #tpu.memory_space<vmem>>[vector<16xi32>], vector<16xi32>,
        %parallel_loop3A_1125 = tpu.vector_load_idx %arg5[%parallel_loop3A_1123] : memref<50000xi32, #tpu.memory_space<vmem>>[vector<16xi32>], vector<16xi32>,
        %parallel_loop3A_1126 = tpu.vector_load_idx %arg6[%parallel_loop3A_1119] : memref<50000xi32, #tpu.memory_space<vmem>>[vector<16xi32>], vector<16xi32>,
        %parallel_loop3A_1127 = tpu.vector_load_idx %arg6[%parallel_loop3A_1123] : memref<50000xi32, #tpu.memory_space<vmem>>[vector<16xi32>], vector<16xi32>,
        %parallel_loop3A_1128 = vector.bitcast %parallel_loop3A_1124 : vector<16xi32> to vector<32xbf16>
        %parallel_loop3A_1129 = vector.bitcast %parallel_loop3A_1125 : vector<16xi32> to vector<32xbf16>
        %parallel_loop3A_1130 = arith.mulf %parallel_loop3A_1128, %parallel_loop3A_1129 : vector<32xbf16>
        %parallel_loop3A_1131 = arith.addf %parallel_loop3A_1111, %parallel_loop3A_1130 : vector<32xbf16>
        %parallel_loop3A_1132 = vector.bitcast %parallel_loop3A_1126 : vector<16xi32> to vector<32xbf16>
        %parallel_loop3A_1133 = vector.bitcast %parallel_loop3A_1127 : vector<16xi32> to vector<32xbf16>
        %parallel_loop3A_1134 = arith.mulf %parallel_loop3A_1132, %parallel_loop3A_1133 : vector<32xbf16>
        %parallel_loop3A_1135 = arith.addf %parallel_loop3A_1115, %parallel_loop3A_1134 : vector<32xbf16>
        %parallel_loop3A_1136 = arith.constant 6400 : i32
        %parallel_loop3A_1137 = arith.addi %parallel_loop3A_1136, %parallel_loop3A_971 : i32
        %parallel_loop3A_1138 = arith.index_cast %parallel_loop3A_1137 : i32 to index
        %parallel_loop3A_1139 = tpu.vector_load %arg7[%parallel_loop3A_1138] {strides = array<i32>} : memref<12800xi32, #tpu.memory_space<vmem>>, vector<16xi32>,
        %parallel_loop3A_1140 = arith.constant 6800 : i32
        %parallel_loop3A_1141 = arith.addi %parallel_loop3A_1140, %parallel_loop3A_971 : i32
        %parallel_loop3A_1142 = arith.index_cast %parallel_loop3A_1141 : i32 to index
        %parallel_loop3A_1143 = tpu.vector_load %arg7[%parallel_loop3A_1142] {strides = array<i32>} : memref<12800xi32, #tpu.memory_space<vmem>>, vector<16xi32>,
        %parallel_loop3A_1144 = tpu.vector_load_idx %arg5[%parallel_loop3A_1139] : memref<50000xi32, #tpu.memory_space<vmem>>[vector<16xi32>], vector<16xi32>,
        %parallel_loop3A_1145 = tpu.vector_load_idx %arg5[%parallel_loop3A_1143] : memref<50000xi32, #tpu.memory_space<vmem>>[vector<16xi32>], vector<16xi32>,
        %parallel_loop3A_1146 = tpu.vector_load_idx %arg6[%parallel_loop3A_1139] : memref<50000xi32, #tpu.memory_space<vmem>>[vector<16xi32>], vector<16xi32>,
        %parallel_loop3A_1147 = tpu.vector_load_idx %arg6[%parallel_loop3A_1143] : memref<50000xi32, #tpu.memory_space<vmem>>[vector<16xi32>], vector<16xi32>,
        %parallel_loop3A_1148 = vector.bitcast %parallel_loop3A_1144 : vector<16xi32> to vector<32xbf16>
        %parallel_loop3A_1149 = vector.bitcast %parallel_loop3A_1145 : vector<16xi32> to vector<32xbf16>
        %parallel_loop3A_1150 = arith.mulf %parallel_loop3A_1148, %parallel_loop3A_1149 : vector<32xbf16>
        %parallel_loop3A_1151 = arith.addf %parallel_loop3A_1131, %parallel_loop3A_1150 : vector<32xbf16>
        %parallel_loop3A_1152 = vector.bitcast %parallel_loop3A_1146 : vector<16xi32> to vector<32xbf16>
        %parallel_loop3A_1153 = vector.bitcast %parallel_loop3A_1147 : vector<16xi32> to vector<32xbf16>
        %parallel_loop3A_1154 = arith.mulf %parallel_loop3A_1152, %parallel_loop3A_1153 : vector<32xbf16>
        %parallel_loop3A_1155 = arith.addf %parallel_loop3A_1135, %parallel_loop3A_1154 : vector<32xbf16>
        %parallel_loop3A_1156 = arith.constant 7200 : i32
        %parallel_loop3A_1157 = arith.addi %parallel_loop3A_1156, %parallel_loop3A_971 : i32
        %parallel_loop3A_1158 = arith.index_cast %parallel_loop3A_1157 : i32 to index
        %parallel_loop3A_1159 = tpu.vector_load %arg7[%parallel_loop3A_1158] {strides = array<i32>} : memref<12800xi32, #tpu.memory_space<vmem>>, vector<16xi32>,
        %parallel_loop3A_1160 = arith.constant 7600 : i32
        %parallel_loop3A_1161 = arith.addi %parallel_loop3A_1160, %parallel_loop3A_971 : i32
        %parallel_loop3A_1162 = arith.index_cast %parallel_loop3A_1161 : i32 to index
        %parallel_loop3A_1163 = tpu.vector_load %arg7[%parallel_loop3A_1162] {strides = array<i32>} : memref<12800xi32, #tpu.memory_space<vmem>>, vector<16xi32>,
        %parallel_loop3A_1164 = tpu.vector_load_idx %arg5[%parallel_loop3A_1159] : memref<50000xi32, #tpu.memory_space<vmem>>[vector<16xi32>], vector<16xi32>,
        %parallel_loop3A_1165 = tpu.vector_load_idx %arg5[%parallel_loop3A_1163] : memref<50000xi32, #tpu.memory_space<vmem>>[vector<16xi32>], vector<16xi32>,
        %parallel_loop3A_1166 = tpu.vector_load_idx %arg6[%parallel_loop3A_1159] : memref<50000xi32, #tpu.memory_space<vmem>>[vector<16xi32>], vector<16xi32>,
        %parallel_loop3A_1167 = tpu.vector_load_idx %arg6[%parallel_loop3A_1163] : memref<50000xi32, #tpu.memory_space<vmem>>[vector<16xi32>], vector<16xi32>,
        %parallel_loop3A_1168 = vector.bitcast %parallel_loop3A_1164 : vector<16xi32> to vector<32xbf16>
        %parallel_loop3A_1169 = vector.bitcast %parallel_loop3A_1165 : vector<16xi32> to vector<32xbf16>
        %parallel_loop3A_1170 = arith.mulf %parallel_loop3A_1168, %parallel_loop3A_1169 : vector<32xbf16>
        %parallel_loop3A_1171 = arith.addf %parallel_loop3A_1151, %parallel_loop3A_1170 : vector<32xbf16>
        %parallel_loop3A_1172 = vector.bitcast %parallel_loop3A_1166 : vector<16xi32> to vector<32xbf16>
        %parallel_loop3A_1173 = vector.bitcast %parallel_loop3A_1167 : vector<16xi32> to vector<32xbf16>
        %parallel_loop3A_1174 = arith.mulf %parallel_loop3A_1172, %parallel_loop3A_1173 : vector<32xbf16>
        %parallel_loop3A_1175 = arith.addf %parallel_loop3A_1155, %parallel_loop3A_1174 : vector<32xbf16>
        %parallel_loop3A_1176 = arith.constant 8000 : i32
        %parallel_loop3A_1177 = arith.addi %parallel_loop3A_1176, %parallel_loop3A_971 : i32
        %parallel_loop3A_1178 = arith.index_cast %parallel_loop3A_1177 : i32 to index
        %parallel_loop3A_1179 = tpu.vector_load %arg7[%parallel_loop3A_1178] {strides = array<i32>} : memref<12800xi32, #tpu.memory_space<vmem>>, vector<16xi32>,
        %parallel_loop3A_1180 = arith.constant 8400 : i32
        %parallel_loop3A_1181 = arith.addi %parallel_loop3A_1180, %parallel_loop3A_971 : i32
        %parallel_loop3A_1182 = arith.index_cast %parallel_loop3A_1181 : i32 to index
        %parallel_loop3A_1183 = tpu.vector_load %arg7[%parallel_loop3A_1182] {strides = array<i32>} : memref<12800xi32, #tpu.memory_space<vmem>>, vector<16xi32>,
        %parallel_loop3A_1184 = tpu.vector_load_idx %arg5[%parallel_loop3A_1179] : memref<50000xi32, #tpu.memory_space<vmem>>[vector<16xi32>], vector<16xi32>,
        %parallel_loop3A_1185 = tpu.vector_load_idx %arg5[%parallel_loop3A_1183] : memref<50000xi32, #tpu.memory_space<vmem>>[vector<16xi32>], vector<16xi32>,
        %parallel_loop3A_1186 = tpu.vector_load_idx %arg6[%parallel_loop3A_1179] : memref<50000xi32, #tpu.memory_space<vmem>>[vector<16xi32>], vector<16xi32>,
        %parallel_loop3A_1187 = tpu.vector_load_idx %arg6[%parallel_loop3A_1183] : memref<50000xi32, #tpu.memory_space<vmem>>[vector<16xi32>], vector<16xi32>,
        %parallel_loop3A_1188 = vector.bitcast %parallel_loop3A_1184 : vector<16xi32> to vector<32xbf16>
        %parallel_loop3A_1189 = vector.bitcast %parallel_loop3A_1185 : vector<16xi32> to vector<32xbf16>
        %parallel_loop3A_1190 = arith.mulf %parallel_loop3A_1188, %parallel_loop3A_1189 : vector<32xbf16>
        %parallel_loop3A_1191 = arith.addf %parallel_loop3A_1171, %parallel_loop3A_1190 : vector<32xbf16>
        %parallel_loop3A_1192 = vector.bitcast %parallel_loop3A_1186 : vector<16xi32> to vector<32xbf16>
        %parallel_loop3A_1193 = vector.bitcast %parallel_loop3A_1187 : vector<16xi32> to vector<32xbf16>
        %parallel_loop3A_1194 = arith.mulf %parallel_loop3A_1192, %parallel_loop3A_1193 : vector<32xbf16>
        %parallel_loop3A_1195 = arith.addf %parallel_loop3A_1175, %parallel_loop3A_1194 : vector<32xbf16>
        %parallel_loop3A_1196 = arith.constant 8800 : i32
        %parallel_loop3A_1197 = arith.addi %parallel_loop3A_1196, %parallel_loop3A_971 : i32
        %parallel_loop3A_1198 = arith.index_cast %parallel_loop3A_1197 : i32 to index
        %parallel_loop3A_1199 = tpu.vector_load %arg7[%parallel_loop3A_1198] {strides = array<i32>} : memref<12800xi32, #tpu.memory_space<vmem>>, vector<16xi32>,
        %parallel_loop3A_1200 = arith.constant 9200 : i32
        %parallel_loop3A_1201 = arith.addi %parallel_loop3A_1200, %parallel_loop3A_971 : i32
        %parallel_loop3A_1202 = arith.index_cast %parallel_loop3A_1201 : i32 to index
        %parallel_loop3A_1203 = tpu.vector_load %arg7[%parallel_loop3A_1202] {strides = array<i32>} : memref<12800xi32, #tpu.memory_space<vmem>>, vector<16xi32>,
        %parallel_loop3A_1204 = tpu.vector_load_idx %arg5[%parallel_loop3A_1199] : memref<50000xi32, #tpu.memory_space<vmem>>[vector<16xi32>], vector<16xi32>,
        %parallel_loop3A_1205 = tpu.vector_load_idx %arg5[%parallel_loop3A_1203] : memref<50000xi32, #tpu.memory_space<vmem>>[vector<16xi32>], vector<16xi32>,
        %parallel_loop3A_1206 = tpu.vector_load_idx %arg6[%parallel_loop3A_1199] : memref<50000xi32, #tpu.memory_space<vmem>>[vector<16xi32>], vector<16xi32>,
        %parallel_loop3A_1207 = tpu.vector_load_idx %arg6[%parallel_loop3A_1203] : memref<50000xi32, #tpu.memory_space<vmem>>[vector<16xi32>], vector<16xi32>,
        %parallel_loop3A_1208 = vector.bitcast %parallel_loop3A_1204 : vector<16xi32> to vector<32xbf16>
        %parallel_loop3A_1209 = vector.bitcast %parallel_loop3A_1205 : vector<16xi32> to vector<32xbf16>
        %parallel_loop3A_1210 = arith.mulf %parallel_loop3A_1208, %parallel_loop3A_1209 : vector<32xbf16>
        %parallel_loop3A_1211 = arith.addf %parallel_loop3A_1191, %parallel_loop3A_1210 : vector<32xbf16>
        %parallel_loop3A_1212 = vector.bitcast %parallel_loop3A_1206 : vector<16xi32> to vector<32xbf16>
        %parallel_loop3A_1213 = vector.bitcast %parallel_loop3A_1207 : vector<16xi32> to vector<32xbf16>
        %parallel_loop3A_1214 = arith.mulf %parallel_loop3A_1212, %parallel_loop3A_1213 : vector<32xbf16>
        %parallel_loop3A_1215 = arith.addf %parallel_loop3A_1195, %parallel_loop3A_1214 : vector<32xbf16>
        %parallel_loop3A_1216 = arith.constant 9600 : i32
        %parallel_loop3A_1217 = arith.addi %parallel_loop3A_1216, %parallel_loop3A_971 : i32
        %parallel_loop3A_1218 = arith.index_cast %parallel_loop3A_1217 : i32 to index
        %parallel_loop3A_1219 = tpu.vector_load %arg7[%parallel_loop3A_1218] {strides = array<i32>} : memref<12800xi32, #tpu.memory_space<vmem>>, vector<16xi32>,
        %parallel_loop3A_1220 = arith.constant 10000 : i32
        %parallel_loop3A_1221 = arith.addi %parallel_loop3A_1220, %parallel_loop3A_971 : i32
        %parallel_loop3A_1222 = arith.index_cast %parallel_loop3A_1221 : i32 to index
        %parallel_loop3A_1223 = tpu.vector_load %arg7[%parallel_loop3A_1222] {strides = array<i32>} : memref<12800xi32, #tpu.memory_space<vmem>>, vector<16xi32>,
        %parallel_loop3A_1224 = tpu.vector_load_idx %arg5[%parallel_loop3A_1219] : memref<50000xi32, #tpu.memory_space<vmem>>[vector<16xi32>], vector<16xi32>,
        %parallel_loop3A_1225 = tpu.vector_load_idx %arg5[%parallel_loop3A_1223] : memref<50000xi32, #tpu.memory_space<vmem>>[vector<16xi32>], vector<16xi32>,
        %parallel_loop3A_1226 = tpu.vector_load_idx %arg6[%parallel_loop3A_1219] : memref<50000xi32, #tpu.memory_space<vmem>>[vector<16xi32>], vector<16xi32>,
        %parallel_loop3A_1227 = tpu.vector_load_idx %arg6[%parallel_loop3A_1223] : memref<50000xi32, #tpu.memory_space<vmem>>[vector<16xi32>], vector<16xi32>,
        %parallel_loop3A_1228 = vector.bitcast %parallel_loop3A_1224 : vector<16xi32> to vector<32xbf16>
        %parallel_loop3A_1229 = vector.bitcast %parallel_loop3A_1225 : vector<16xi32> to vector<32xbf16>
        %parallel_loop3A_1230 = arith.mulf %parallel_loop3A_1228, %parallel_loop3A_1229 : vector<32xbf16>
        %parallel_loop3A_1231 = arith.addf %parallel_loop3A_1211, %parallel_loop3A_1230 : vector<32xbf16>
        %parallel_loop3A_1232 = vector.bitcast %parallel_loop3A_1226 : vector<16xi32> to vector<32xbf16>
        %parallel_loop3A_1233 = vector.bitcast %parallel_loop3A_1227 : vector<16xi32> to vector<32xbf16>
        %parallel_loop3A_1234 = arith.mulf %parallel_loop3A_1232, %parallel_loop3A_1233 : vector<32xbf16>
        %parallel_loop3A_1235 = arith.addf %parallel_loop3A_1215, %parallel_loop3A_1234 : vector<32xbf16>
        %parallel_loop3A_1236 = arith.constant 10400 : i32
        %parallel_loop3A_1237 = arith.addi %parallel_loop3A_1236, %parallel_loop3A_971 : i32
        %parallel_loop3A_1238 = arith.index_cast %parallel_loop3A_1237 : i32 to index
        %parallel_loop3A_1239 = tpu.vector_load %arg7[%parallel_loop3A_1238] {strides = array<i32>} : memref<12800xi32, #tpu.memory_space<vmem>>, vector<16xi32>,
        %parallel_loop3A_1240 = arith.constant 10800 : i32
        %parallel_loop3A_1241 = arith.addi %parallel_loop3A_1240, %parallel_loop3A_971 : i32
        %parallel_loop3A_1242 = arith.index_cast %parallel_loop3A_1241 : i32 to index
        %parallel_loop3A_1243 = tpu.vector_load %arg7[%parallel_loop3A_1242] {strides = array<i32>} : memref<12800xi32, #tpu.memory_space<vmem>>, vector<16xi32>,
        %parallel_loop3A_1244 = tpu.vector_load_idx %arg5[%parallel_loop3A_1239] : memref<50000xi32, #tpu.memory_space<vmem>>[vector<16xi32>], vector<16xi32>,
        %parallel_loop3A_1245 = tpu.vector_load_idx %arg5[%parallel_loop3A_1243] : memref<50000xi32, #tpu.memory_space<vmem>>[vector<16xi32>], vector<16xi32>,
        %parallel_loop3A_1246 = tpu.vector_load_idx %arg6[%parallel_loop3A_1239] : memref<50000xi32, #tpu.memory_space<vmem>>[vector<16xi32>], vector<16xi32>,
        %parallel_loop3A_1247 = tpu.vector_load_idx %arg6[%parallel_loop3A_1243] : memref<50000xi32, #tpu.memory_space<vmem>>[vector<16xi32>], vector<16xi32>,
        %parallel_loop3A_1248 = vector.bitcast %parallel_loop3A_1244 : vector<16xi32> to vector<32xbf16>
        %parallel_loop3A_1249 = vector.bitcast %parallel_loop3A_1245 : vector<16xi32> to vector<32xbf16>
        %parallel_loop3A_1250 = arith.mulf %parallel_loop3A_1248, %parallel_loop3A_1249 : vector<32xbf16>
        %parallel_loop3A_1251 = arith.addf %parallel_loop3A_1231, %parallel_loop3A_1250 : vector<32xbf16>
        %parallel_loop3A_1252 = vector.bitcast %parallel_loop3A_1246 : vector<16xi32> to vector<32xbf16>
        %parallel_loop3A_1253 = vector.bitcast %parallel_loop3A_1247 : vector<16xi32> to vector<32xbf16>
        %parallel_loop3A_1254 = arith.mulf %parallel_loop3A_1252, %parallel_loop3A_1253 : vector<32xbf16>
        %parallel_loop3A_1255 = arith.addf %parallel_loop3A_1235, %parallel_loop3A_1254 : vector<32xbf16>
        %parallel_loop3A_1256 = arith.constant 11200 : i32
        %parallel_loop3A_1257 = arith.addi %parallel_loop3A_1256, %parallel_loop3A_971 : i32
        %parallel_loop3A_1258 = arith.index_cast %parallel_loop3A_1257 : i32 to index
        %parallel_loop3A_1259 = tpu.vector_load %arg7[%parallel_loop3A_1258] {strides = array<i32>} : memref<12800xi32, #tpu.memory_space<vmem>>, vector<16xi32>,
        %parallel_loop3A_1260 = arith.constant 11600 : i32
        %parallel_loop3A_1261 = arith.addi %parallel_loop3A_1260, %parallel_loop3A_971 : i32
        %parallel_loop3A_1262 = arith.index_cast %parallel_loop3A_1261 : i32 to index
        %parallel_loop3A_1263 = tpu.vector_load %arg7[%parallel_loop3A_1262] {strides = array<i32>} : memref<12800xi32, #tpu.memory_space<vmem>>, vector<16xi32>,
        %parallel_loop3A_1264 = tpu.vector_load_idx %arg5[%parallel_loop3A_1259] : memref<50000xi32, #tpu.memory_space<vmem>>[vector<16xi32>], vector<16xi32>,
        %parallel_loop3A_1265 = tpu.vector_load_idx %arg5[%parallel_loop3A_1263] : memref<50000xi32, #tpu.memory_space<vmem>>[vector<16xi32>], vector<16xi32>,
        %parallel_loop3A_1266 = tpu.vector_load_idx %arg6[%parallel_loop3A_1259] : memref<50000xi32, #tpu.memory_space<vmem>>[vector<16xi32>], vector<16xi32>,
        %parallel_loop3A_1267 = tpu.vector_load_idx %arg6[%parallel_loop3A_1263] : memref<50000xi32, #tpu.memory_space<vmem>>[vector<16xi32>], vector<16xi32>,
        %parallel_loop3A_1268 = vector.bitcast %parallel_loop3A_1264 : vector<16xi32> to vector<32xbf16>
        %parallel_loop3A_1269 = vector.bitcast %parallel_loop3A_1265 : vector<16xi32> to vector<32xbf16>
        %parallel_loop3A_1270 = arith.mulf %parallel_loop3A_1268, %parallel_loop3A_1269 : vector<32xbf16>
        %parallel_loop3A_1271 = arith.addf %parallel_loop3A_1251, %parallel_loop3A_1270 : vector<32xbf16>
        %parallel_loop3A_1272 = vector.bitcast %parallel_loop3A_1266 : vector<16xi32> to vector<32xbf16>
        %parallel_loop3A_1273 = vector.bitcast %parallel_loop3A_1267 : vector<16xi32> to vector<32xbf16>
        %parallel_loop3A_1274 = arith.mulf %parallel_loop3A_1272, %parallel_loop3A_1273 : vector<32xbf16>
        %parallel_loop3A_1275 = arith.addf %parallel_loop3A_1255, %parallel_loop3A_1274 : vector<32xbf16>
        %parallel_loop3A_1276 = arith.constant 12000 : i32
        %parallel_loop3A_1277 = arith.addi %parallel_loop3A_1276, %parallel_loop3A_971 : i32
        %parallel_loop3A_1278 = arith.index_cast %parallel_loop3A_1277 : i32 to index
        %parallel_loop3A_1279 = tpu.vector_load %arg7[%parallel_loop3A_1278] {strides = array<i32>} : memref<12800xi32, #tpu.memory_space<vmem>>, vector<16xi32>,
        %parallel_loop3A_1280 = arith.constant 12400 : i32
        %parallel_loop3A_1281 = arith.addi %parallel_loop3A_1280, %parallel_loop3A_971 : i32
        %parallel_loop3A_1282 = arith.index_cast %parallel_loop3A_1281 : i32 to index
        %parallel_loop3A_1283 = tpu.vector_load %arg7[%parallel_loop3A_1282] {strides = array<i32>} : memref<12800xi32, #tpu.memory_space<vmem>>, vector<16xi32>,
        %parallel_loop3A_1284 = tpu.vector_load_idx %arg5[%parallel_loop3A_1279] : memref<50000xi32, #tpu.memory_space<vmem>>[vector<16xi32>], vector<16xi32>,
        %parallel_loop3A_1285 = tpu.vector_load_idx %arg5[%parallel_loop3A_1283] : memref<50000xi32, #tpu.memory_space<vmem>>[vector<16xi32>], vector<16xi32>,
        %parallel_loop3A_1286 = tpu.vector_load_idx %arg6[%parallel_loop3A_1279] : memref<50000xi32, #tpu.memory_space<vmem>>[vector<16xi32>], vector<16xi32>,
        %parallel_loop3A_1287 = tpu.vector_load_idx %arg6[%parallel_loop3A_1283] : memref<50000xi32, #tpu.memory_space<vmem>>[vector<16xi32>], vector<16xi32>,
        %parallel_loop3A_1288 = vector.bitcast %parallel_loop3A_1284 : vector<16xi32> to vector<32xbf16>
        %parallel_loop3A_1289 = vector.bitcast %parallel_loop3A_1285 : vector<16xi32> to vector<32xbf16>
        %parallel_loop3A_1290 = arith.mulf %parallel_loop3A_1288, %parallel_loop3A_1289 : vector<32xbf16>
        %parallel_loop3A_1291 = arith.addf %parallel_loop3A_1271, %parallel_loop3A_1290 : vector<32xbf16>
        %parallel_loop3A_1292 = vector.bitcast %parallel_loop3A_1286 : vector<16xi32> to vector<32xbf16>
        %parallel_loop3A_1293 = vector.bitcast %parallel_loop3A_1287 : vector<16xi32> to vector<32xbf16>
        %parallel_loop3A_1294 = arith.mulf %parallel_loop3A_1292, %parallel_loop3A_1293 : vector<32xbf16>
        %parallel_loop3A_1295 = arith.addf %parallel_loop3A_1275, %parallel_loop3A_1294 : vector<32xbf16>
        %parallel_loop3A_1296 = tpu.unpack_subelements %parallel_loop3A_1291, 0 {pack_format = #tpu.pack_format<interleaved>} : vector<32xbf16> -> vector<16xf32>
        %parallel_loop3A_1297 = tpu.unpack_subelements %parallel_loop3A_1291, 1 {pack_format = #tpu.pack_format<interleaved>} : vector<32xbf16> -> vector<16xf32>
        %parallel_loop3A_1298 = tpu.unpack_subelements %parallel_loop3A_1295, 0 {pack_format = #tpu.pack_format<interleaved>} : vector<32xbf16> -> vector<16xf32>
        %parallel_loop3A_1299 = tpu.unpack_subelements %parallel_loop3A_1295, 1 {pack_format = #tpu.pack_format<interleaved>} : vector<32xbf16> -> vector<16xf32>
        %parallel_loop3A_1300 = arith.constant 0 : i32
        %parallel_loop3A_1301 = arith.addi %parallel_loop3A_1300, %parallel_loop3A_971 : i32
        %parallel_loop3A_1302 = arith.index_cast %parallel_loop3A_1301 : i32 to index
        %parallel_loop3A_1303 = tpu.vector_load %arg9[%parallel_loop3A_1302] {strides = array<i32>} : memref<1600xf32, #tpu.memory_space<vmem>>, vector<16xf32>,
        tpu.vector_store %arg9[%parallel_loop3A_1302], %parallel_loop3A_1296 {strides = array<i32>} : memref<1600xf32, #tpu.memory_space<vmem>>, vector<16xf32>,
        %parallel_loop3A_1304 = arith.constant 400 : i32
        %parallel_loop3A_1305 = arith.addi %parallel_loop3A_1304, %parallel_loop3A_971 : i32
        %parallel_loop3A_1306 = arith.index_cast %parallel_loop3A_1305 : i32 to index
        %parallel_loop3A_1307 = tpu.vector_load %arg9[%parallel_loop3A_1306] {strides = array<i32>} : memref<1600xf32, #tpu.memory_space<vmem>>, vector<16xf32>,
        tpu.vector_store %arg9[%parallel_loop3A_1306], %parallel_loop3A_1297 {strides = array<i32>} : memref<1600xf32, #tpu.memory_space<vmem>>, vector<16xf32>,
        %parallel_loop3A_1308 = arith.constant 800 : i32
        %parallel_loop3A_1309 = arith.addi %parallel_loop3A_1308, %parallel_loop3A_971 : i32
        %parallel_loop3A_1310 = arith.index_cast %parallel_loop3A_1309 : i32 to index
        %parallel_loop3A_1311 = tpu.vector_load %arg9[%parallel_loop3A_1310] {strides = array<i32>} : memref<1600xf32, #tpu.memory_space<vmem>>, vector<16xf32>,
        tpu.vector_store %arg9[%parallel_loop3A_1310], %parallel_loop3A_1298 {strides = array<i32>} : memref<1600xf32, #tpu.memory_space<vmem>>, vector<16xf32>,
        %parallel_loop3A_1312 = arith.constant 1200 : i32
        %parallel_loop3A_1313 = arith.addi %parallel_loop3A_1312, %parallel_loop3A_971 : i32
        %parallel_loop3A_1314 = arith.index_cast %parallel_loop3A_1313 : i32 to index
        %parallel_loop3A_1315 = tpu.vector_load %arg9[%parallel_loop3A_1314] {strides = array<i32>} : memref<1600xf32, #tpu.memory_space<vmem>>, vector<16xf32>,
        tpu.vector_store %arg9[%parallel_loop3A_1314], %parallel_loop3A_1299 {strides = array<i32>} : memref<1600xf32, #tpu.memory_space<vmem>>, vector<16xf32>,
      } {sc.loop_unroll_factor = 2 : i64, sc.parallel_access}
      %min3A_574 = arith.constant 63 : i32
      %min3A_575 = arith.minsi %mul3A_291, %min3A_574 : i32
      %shift_right_logical3A_576 = arith.constant 3 : i32
      %shift_right_logical3A_577 = arith.shrui %min3A_575, %shift_right_logical3A_576 : i32
      %and3A_578 = arith.constant 7 : i32
      %and3A_579 = arith.andi %min3A_575, %and3A_578 : i32
      %mul3A_580 = arith.constant 16 : i32
      %mul3A_581 = arith.muli %mul3A_580, %and3A_579 : i32
      %add3A_582 = arith.addi %arg1, %mul3A_581 : i32
      %min3A_583 = arith.constant 124 : i32
      %min3A_584 = arith.minsi %add3A_582, %min3A_583 : i32
      %mul3A_585 = arith.constant 8 : i32
      %mul3A_586 = arith.muli %shift_right_logical3A_577, %mul3A_585 : i32
      %mul3A_587 = arith.constant 4 : i32
      %mul3A_588 = arith.muli %arg0, %mul3A_587 : i32
      %add3A_589 = arith.addi %mul3A_586, %mul3A_588 : i32
      %mul3A_590 = arith.constant 50000 : i32
      %mul3A_591 = arith.muli %add3A_589, %mul3A_590 : i32
      %mul3A_592 = arith.constant 400 : i32
      %mul3A_593 = arith.muli %min3A_584, %mul3A_592 : i32
      %add3A_594 = arith.addi %mul3A_591, %mul3A_593 : i32
      %add3A_595 = arith.constant 0 : i32
      %add3A_596 = arith.addi %add3A_594, %add3A_595 : i32
      %dma_start3A_597 = arith.constant 0 : i32
      %dma_start3A_598 = tpu.memref_slice %arg9[%dma_start3A_597] : memref<1600xf32, #tpu.memory_space<vmem>> -> memref<400xf32, #tpu.memory_space<vmem>>
      %dma_start3A_599 = tpu.memref_slice %arg4[%add3A_596] : memref<3200000xf32, #tpu.memory_space<hbm>> -> memref<400xf32, #tpu.memory_space<hbm>>
      %dma_start3A_600 = tpu.memref_slice %arg4[%add3A_596] : memref<3200000xf32, #tpu.memory_space<hbm>> -> memref<400xf32, #tpu.memory_space<hbm>>
      %dma_start3A_601 = arith.constant 0 : i32
      %dma_start3A_602 = tpu.memref_slice %arg9[%dma_start3A_601] : memref<1600xf32, #tpu.memory_space<vmem>> -> memref<400xf32, #tpu.memory_space<vmem>>
      tpu.enqueue_dma source(%dma_start3A_602 : memref<400xf32, #tpu.memory_space<vmem>>) target(%dma_start3A_600 : memref<400xf32, #tpu.memory_space<hbm>>) target_semaphore(%arg13 : memref<!tpu.dma_semaphore, #tpu.memory_space<semaphore_mem>>)
      %add3A_603 = arith.constant 50000 : i32
      %add3A_604 = arith.addi %add3A_594, %add3A_603 : i32
      %dma_start3A_605 = arith.constant 400 : i32
      %dma_start3A_606 = tpu.memref_slice %arg9[%dma_start3A_605] : memref<1600xf32, #tpu.memory_space<vmem>> -> memref<400xf32, #tpu.memory_space<vmem>>
      %dma_start3A_607 = tpu.memref_slice %arg4[%add3A_604] : memref<3200000xf32, #tpu.memory_space<hbm>> -> memref<400xf32, #tpu.memory_space<hbm>>
      %dma_start3A_608 = tpu.memref_slice %arg4[%add3A_604] : memref<3200000xf32, #tpu.memory_space<hbm>> -> memref<400xf32, #tpu.memory_space<hbm>>
      %dma_start3A_609 = arith.constant 400 : i32
      %dma_start3A_610 = tpu.memref_slice %arg9[%dma_start3A_609] : memref<1600xf32, #tpu.memory_space<vmem>> -> memref<400xf32, #tpu.memory_space<vmem>>
      tpu.enqueue_dma source(%dma_start3A_610 : memref<400xf32, #tpu.memory_space<vmem>>) target(%dma_start3A_608 : memref<400xf32, #tpu.memory_space<hbm>>) target_semaphore(%arg13 : memref<!tpu.dma_semaphore, #tpu.memory_space<semaphore_mem>>)
      %add3A_611 = arith.constant 100000 : i32
      %add3A_612 = arith.addi %add3A_594, %add3A_611 : i32
      %dma_start3A_613 = arith.constant 800 : i32
      %dma_start3A_614 = tpu.memref_slice %arg9[%dma_start3A_613] : memref<1600xf32, #tpu.memory_space<vmem>> -> memref<400xf32, #tpu.memory_space<vmem>>
      %dma_start3A_615 = tpu.memref_slice %arg4[%add3A_612] : memref<3200000xf32, #tpu.memory_space<hbm>> -> memref<400xf32, #tpu.memory_space<hbm>>
      %dma_start3A_616 = tpu.memref_slice %arg4[%add3A_612] : memref<3200000xf32, #tpu.memory_space<hbm>> -> memref<400xf32, #tpu.memory_space<hbm>>
      %dma_start3A_617 = arith.constant 800 : i32
      %dma_start3A_618 = tpu.memref_slice %arg9[%dma_start3A_617] : memref<1600xf32, #tpu.memory_space<vmem>> -> memref<400xf32, #tpu.memory_space<vmem>>
      tpu.enqueue_dma source(%dma_start3A_618 : memref<400xf32, #tpu.memory_space<vmem>>) target(%dma_start3A_616 : memref<400xf32, #tpu.memory_space<hbm>>) target_semaphore(%arg13 : memref<!tpu.dma_semaphore, #tpu.memory_space<semaphore_mem>>)
      %add3A_619 = arith.constant 150000 : i32
      %add3A_620 = arith.addi %add3A_594, %add3A_619 : i32
      %dma_start3A_621 = arith.constant 1200 : i32
      %dma_start3A_622 = tpu.memref_slice %arg9[%dma_start3A_621] : memref<1600xf32, #tpu.memory_space<vmem>> -> memref<400xf32, #tpu.memory_space<vmem>>
      %dma_start3A_623 = tpu.memref_slice %arg4[%add3A_620] : memref<3200000xf32, #tpu.memory_space<hbm>> -> memref<400xf32, #tpu.memory_space<hbm>>
      %dma_start3A_624 = tpu.memref_slice %arg4[%add3A_620] : memref<3200000xf32, #tpu.memory_space<hbm>> -> memref<400xf32, #tpu.memory_space<hbm>>
      %dma_start3A_625 = arith.constant 1200 : i32
      %dma_start3A_626 = tpu.memref_slice %arg9[%dma_start3A_625] : memref<1600xf32, #tpu.memory_space<vmem>> -> memref<400xf32, #tpu.memory_space<vmem>>
      tpu.enqueue_dma source(%dma_start3A_626 : memref<400xf32, #tpu.memory_space<vmem>>) target(%dma_start3A_624 : memref<400xf32, #tpu.memory_space<hbm>>) target_semaphore(%arg13 : memref<!tpu.dma_semaphore, #tpu.memory_space<semaphore_mem>>)
      %add3A_627 = arith.constant 2 : i32
      %add3A_628 = arith.addi %mul3A_291, %add3A_627 : i32
      %min3A_629 = arith.constant 63 : i32
      %min3A_630 = arith.minsi %add3A_628, %min3A_629 : i32
      %shift_right_logical3A_631 = arith.constant 3 : i32
      %shift_right_logical3A_632 = arith.shrui %min3A_630, %shift_right_logical3A_631 : i32
      %and3A_633 = arith.constant 7 : i32
      %and3A_634 = arith.andi %min3A_630, %and3A_633 : i32
      %mul3A_635 = arith.constant 16 : i32
      %mul3A_636 = arith.muli %mul3A_635, %and3A_634 : i32
      %add3A_637 = arith.addi %arg1, %mul3A_636 : i32
      %min3A_638 = arith.constant 124 : i32
      %min3A_639 = arith.minsi %add3A_637, %min3A_638 : i32
      %mul3A_640 = arith.constant 1600000 : i32
      %mul3A_641 = arith.muli %shift_right_logical3A_632, %mul3A_640 : i32
      %mul3A_642 = arith.constant 400 : i32
      %mul3A_643 = arith.muli %min3A_639, %mul3A_642 : i32
      %add3A_644 = arith.addi %mul3A_641, %mul3A_643 : i32
      %add3A_645 = arith.constant 0 : i32
      %add3A_646 = arith.addi %add3A_644, %add3A_645 : i32
      %dma_start3A_647 = arith.constant 0 : i32
      %dma_start3A_648 = tpu.memref_slice %arg7[%dma_start3A_647] : memref<12800xi32, #tpu.memory_space<vmem>> -> memref<400xi32, #tpu.memory_space<vmem>>
      %dma_start3A_649 = tpu.memref_slice %arg3[%add3A_646] : memref<12800000xi32, #tpu.memory_space<hbm>> -> memref<400xi32, #tpu.memory_space<hbm>>
      %dma_start3A_650 = arith.constant 0 : i32
      %dma_start3A_651 = tpu.memref_slice %arg7[%dma_start3A_650] : memref<12800xi32, #tpu.memory_space<vmem>> -> memref<400xi32, #tpu.memory_space<vmem>>
      %dma_start3A_652 = tpu.memref_slice %arg3[%add3A_646] : memref<12800000xi32, #tpu.memory_space<hbm>> -> memref<400xi32, #tpu.memory_space<hbm>>
      tpu.enqueue_dma source(%dma_start3A_652 : memref<400xi32, #tpu.memory_space<hbm>>) target(%dma_start3A_651 : memref<400xi32, #tpu.memory_space<vmem>>) target_semaphore(%arg11 : memref<!tpu.dma_semaphore, #tpu.memory_space<semaphore_mem>>)
      %add3A_653 = arith.constant 50000 : i32
      %add3A_654 = arith.addi %add3A_644, %add3A_653 : i32
      %dma_start3A_655 = arith.constant 400 : i32
      %dma_start3A_656 = tpu.memref_slice %arg7[%dma_start3A_655] : memref<12800xi32, #tpu.memory_space<vmem>> -> memref<400xi32, #tpu.memory_space<vmem>>
      %dma_start3A_657 = tpu.memref_slice %arg3[%add3A_654] : memref<12800000xi32, #tpu.memory_space<hbm>> -> memref<400xi32, #tpu.memory_space<hbm>>
      %dma_start3A_658 = arith.constant 400 : i32
      %dma_start3A_659 = tpu.memref_slice %arg7[%dma_start3A_658] : memref<12800xi32, #tpu.memory_space<vmem>> -> memref<400xi32, #tpu.memory_space<vmem>>
      %dma_start3A_660 = tpu.memref_slice %arg3[%add3A_654] : memref<12800000xi32, #tpu.memory_space<hbm>> -> memref<400xi32, #tpu.memory_space<hbm>>
      tpu.enqueue_dma source(%dma_start3A_660 : memref<400xi32, #tpu.memory_space<hbm>>) target(%dma_start3A_659 : memref<400xi32, #tpu.memory_space<vmem>>) target_semaphore(%arg11 : memref<!tpu.dma_semaphore, #tpu.memory_space<semaphore_mem>>)
      %add3A_661 = arith.constant 100000 : i32
      %add3A_662 = arith.addi %add3A_644, %add3A_661 : i32
      %dma_start3A_663 = arith.constant 800 : i32
      %dma_start3A_664 = tpu.memref_slice %arg7[%dma_start3A_663] : memref<12800xi32, #tpu.memory_space<vmem>> -> memref<400xi32, #tpu.memory_space<vmem>>
      %dma_start3A_665 = tpu.memref_slice %arg3[%add3A_662] : memref<12800000xi32, #tpu.memory_space<hbm>> -> memref<400xi32, #tpu.memory_space<hbm>>
      %dma_start3A_666 = arith.constant 800 : i32
      %dma_start3A_667 = tpu.memref_slice %arg7[%dma_start3A_666] : memref<12800xi32, #tpu.memory_space<vmem>> -> memref<400xi32, #tpu.memory_space<vmem>>
      %dma_start3A_668 = tpu.memref_slice %arg3[%add3A_662] : memref<12800000xi32, #tpu.memory_space<hbm>> -> memref<400xi32, #tpu.memory_space<hbm>>
      tpu.enqueue_dma source(%dma_start3A_668 : memref<400xi32, #tpu.memory_space<hbm>>) target(%dma_start3A_667 : memref<400xi32, #tpu.memory_space<vmem>>) target_semaphore(%arg11 : memref<!tpu.dma_semaphore, #tpu.memory_space<semaphore_mem>>)
      %add3A_669 = arith.constant 150000 : i32
      %add3A_670 = arith.addi %add3A_644, %add3A_669 : i32
      %dma_start3A_671 = arith.constant 1200 : i32
      %dma_start3A_672 = tpu.memref_slice %arg7[%dma_start3A_671] : memref<12800xi32, #tpu.memory_space<vmem>> -> memref<400xi32, #tpu.memory_space<vmem>>
      %dma_start3A_673 = tpu.memref_slice %arg3[%add3A_670] : memref<12800000xi32, #tpu.memory_space<hbm>> -> memref<400xi32, #tpu.memory_space<hbm>>
      %dma_start3A_674 = arith.constant 1200 : i32
      %dma_start3A_675 = tpu.memref_slice %arg7[%dma_start3A_674] : memref<12800xi32, #tpu.memory_space<vmem>> -> memref<400xi32, #tpu.memory_space<vmem>>
      %dma_start3A_676 = tpu.memref_slice %arg3[%add3A_670] : memref<12800000xi32, #tpu.memory_space<hbm>> -> memref<400xi32, #tpu.memory_space<hbm>>
      tpu.enqueue_dma source(%dma_start3A_676 : memref<400xi32, #tpu.memory_space<hbm>>) target(%dma_start3A_675 : memref<400xi32, #tpu.memory_space<vmem>>) target_semaphore(%arg11 : memref<!tpu.dma_semaphore, #tpu.memory_space<semaphore_mem>>)
      %add3A_677 = arith.constant 200000 : i32
      %add3A_678 = arith.addi %add3A_644, %add3A_677 : i32
      %dma_start3A_679 = arith.constant 1600 : i32
      %dma_start3A_680 = tpu.memref_slice %arg7[%dma_start3A_679] : memref<12800xi32, #tpu.memory_space<vmem>> -> memref<400xi32, #tpu.memory_space<vmem>>
      %dma_start3A_681 = tpu.memref_slice %arg3[%add3A_678] : memref<12800000xi32, #tpu.memory_space<hbm>> -> memref<400xi32, #tpu.memory_space<hbm>>
      %dma_start3A_682 = arith.constant 1600 : i32
      %dma_start3A_683 = tpu.memref_slice %arg7[%dma_start3A_682] : memref<12800xi32, #tpu.memory_space<vmem>> -> memref<400xi32, #tpu.memory_space<vmem>>
      %dma_start3A_684 = tpu.memref_slice %arg3[%add3A_678] : memref<12800000xi32, #tpu.memory_space<hbm>> -> memref<400xi32, #tpu.memory_space<hbm>>
      tpu.enqueue_dma source(%dma_start3A_684 : memref<400xi32, #tpu.memory_space<hbm>>) target(%dma_start3A_683 : memref<400xi32, #tpu.memory_space<vmem>>) target_semaphore(%arg11 : memref<!tpu.dma_semaphore, #tpu.memory_space<semaphore_mem>>)
      %add3A_685 = arith.constant 250000 : i32
      %add3A_686 = arith.addi %add3A_644, %add3A_685 : i32
      %dma_start3A_687 = arith.constant 2000 : i32
      %dma_start3A_688 = tpu.memref_slice %arg7[%dma_start3A_687] : memref<12800xi32, #tpu.memory_space<vmem>> -> memref<400xi32, #tpu.memory_space<vmem>>
      %dma_start3A_689 = tpu.memref_slice %arg3[%add3A_686] : memref<12800000xi32, #tpu.memory_space<hbm>> -> memref<400xi32, #tpu.memory_space<hbm>>
      %dma_start3A_690 = arith.constant 2000 : i32
      %dma_start3A_691 = tpu.memref_slice %arg7[%dma_start3A_690] : memref<12800xi32, #tpu.memory_space<vmem>> -> memref<400xi32, #tpu.memory_space<vmem>>
      %dma_start3A_692 = tpu.memref_slice %arg3[%add3A_686] : memref<12800000xi32, #tpu.memory_space<hbm>> -> memref<400xi32, #tpu.memory_space<hbm>>
      tpu.enqueue_dma source(%dma_start3A_692 : memref<400xi32, #tpu.memory_space<hbm>>) target(%dma_start3A_691 : memref<400xi32, #tpu.memory_space<vmem>>) target_semaphore(%arg11 : memref<!tpu.dma_semaphore, #tpu.memory_space<semaphore_mem>>)
      %add3A_693 = arith.constant 300000 : i32
      %add3A_694 = arith.addi %add3A_644, %add3A_693 : i32
      %dma_start3A_695 = arith.constant 2400 : i32
      %dma_start3A_696 = tpu.memref_slice %arg7[%dma_start3A_695] : memref<12800xi32, #tpu.memory_space<vmem>> -> memref<400xi32, #tpu.memory_space<vmem>>
      %dma_start3A_697 = tpu.memref_slice %arg3[%add3A_694] : memref<12800000xi32, #tpu.memory_space<hbm>> -> memref<400xi32, #tpu.memory_space<hbm>>
      %dma_start3A_698 = arith.constant 2400 : i32
      %dma_start3A_699 = tpu.memref_slice %arg7[%dma_start3A_698] : memref<12800xi32, #tpu.memory_space<vmem>> -> memref<400xi32, #tpu.memory_space<vmem>>
      %dma_start3A_700 = tpu.memref_slice %arg3[%add3A_694] : memref<12800000xi32, #tpu.memory_space<hbm>> -> memref<400xi32, #tpu.memory_space<hbm>>
      tpu.enqueue_dma source(%dma_start3A_700 : memref<400xi32, #tpu.memory_space<hbm>>) target(%dma_start3A_699 : memref<400xi32, #tpu.memory_space<vmem>>) target_semaphore(%arg11 : memref<!tpu.dma_semaphore, #tpu.memory_space<semaphore_mem>>)
      %add3A_701 = arith.constant 350000 : i32
      %add3A_702 = arith.addi %add3A_644, %add3A_701 : i32
      %dma_start3A_703 = arith.constant 2800 : i32
      %dma_start3A_704 = tpu.memref_slice %arg7[%dma_start3A_703] : memref<12800xi32, #tpu.memory_space<vmem>> -> memref<400xi32, #tpu.memory_space<vmem>>
      %dma_start3A_705 = tpu.memref_slice %arg3[%add3A_702] : memref<12800000xi32, #tpu.memory_space<hbm>> -> memref<400xi32, #tpu.memory_space<hbm>>
      %dma_start3A_706 = arith.constant 2800 : i32
      %dma_start3A_707 = tpu.memref_slice %arg7[%dma_start3A_706] : memref<12800xi32, #tpu.memory_space<vmem>> -> memref<400xi32, #tpu.memory_space<vmem>>
      %dma_start3A_708 = tpu.memref_slice %arg3[%add3A_702] : memref<12800000xi32, #tpu.memory_space<hbm>> -> memref<400xi32, #tpu.memory_space<hbm>>
      tpu.enqueue_dma source(%dma_start3A_708 : memref<400xi32, #tpu.memory_space<hbm>>) target(%dma_start3A_707 : memref<400xi32, #tpu.memory_space<vmem>>) target_semaphore(%arg11 : memref<!tpu.dma_semaphore, #tpu.memory_space<semaphore_mem>>)
      %add3A_709 = arith.constant 400000 : i32
      %add3A_710 = arith.addi %add3A_644, %add3A_709 : i32
      %dma_start3A_711 = arith.constant 3200 : i32
      %dma_start3A_712 = tpu.memref_slice %arg7[%dma_start3A_711] : memref<12800xi32, #tpu.memory_space<vmem>> -> memref<400xi32, #tpu.memory_space<vmem>>
      %dma_start3A_713 = tpu.memref_slice %arg3[%add3A_710] : memref<12800000xi32, #tpu.memory_space<hbm>> -> memref<400xi32, #tpu.memory_space<hbm>>
      %dma_start3A_714 = arith.constant 3200 : i32
      %dma_start3A_715 = tpu.memref_slice %arg7[%dma_start3A_714] : memref<12800xi32, #tpu.memory_space<vmem>> -> memref<400xi32, #tpu.memory_space<vmem>>
      %dma_start3A_716 = tpu.memref_slice %arg3[%add3A_710] : memref<12800000xi32, #tpu.memory_space<hbm>> -> memref<400xi32, #tpu.memory_space<hbm>>
      tpu.enqueue_dma source(%dma_start3A_716 : memref<400xi32, #tpu.memory_space<hbm>>) target(%dma_start3A_715 : memref<400xi32, #tpu.memory_space<vmem>>) target_semaphore(%arg11 : memref<!tpu.dma_semaphore, #tpu.memory_space<semaphore_mem>>)
      %add3A_717 = arith.constant 450000 : i32
      %add3A_718 = arith.addi %add3A_644, %add3A_717 : i32
      %dma_start3A_719 = arith.constant 3600 : i32
      %dma_start3A_720 = tpu.memref_slice %arg7[%dma_start3A_719] : memref<12800xi32, #tpu.memory_space<vmem>> -> memref<400xi32, #tpu.memory_space<vmem>>
      %dma_start3A_721 = tpu.memref_slice %arg3[%add3A_718] : memref<12800000xi32, #tpu.memory_space<hbm>> -> memref<400xi32, #tpu.memory_space<hbm>>
      %dma_start3A_722 = arith.constant 3600 : i32
      %dma_start3A_723 = tpu.memref_slice %arg7[%dma_start3A_722] : memref<12800xi32, #tpu.memory_space<vmem>> -> memref<400xi32, #tpu.memory_space<vmem>>
      %dma_start3A_724 = tpu.memref_slice %arg3[%add3A_718] : memref<12800000xi32, #tpu.memory_space<hbm>> -> memref<400xi32, #tpu.memory_space<hbm>>
      tpu.enqueue_dma source(%dma_start3A_724 : memref<400xi32, #tpu.memory_space<hbm>>) target(%dma_start3A_723 : memref<400xi32, #tpu.memory_space<vmem>>) target_semaphore(%arg11 : memref<!tpu.dma_semaphore, #tpu.memory_space<semaphore_mem>>)
      %add3A_725 = arith.constant 500000 : i32
      %add3A_726 = arith.addi %add3A_644, %add3A_725 : i32
      %dma_start3A_727 = arith.constant 4000 : i32
      %dma_start3A_728 = tpu.memref_slice %arg7[%dma_start3A_727] : memref<12800xi32, #tpu.memory_space<vmem>> -> memref<400xi32, #tpu.memory_space<vmem>>
      %dma_start3A_729 = tpu.memref_slice %arg3[%add3A_726] : memref<12800000xi32, #tpu.memory_space<hbm>> -> memref<400xi32, #tpu.memory_space<hbm>>
      %dma_start3A_730 = arith.constant 4000 : i32
      %dma_start3A_731 = tpu.memref_slice %arg7[%dma_start3A_730] : memref<12800xi32, #tpu.memory_space<vmem>> -> memref<400xi32, #tpu.memory_space<vmem>>
      %dma_start3A_732 = tpu.memref_slice %arg3[%add3A_726] : memref<12800000xi32, #tpu.memory_space<hbm>> -> memref<400xi32, #tpu.memory_space<hbm>>
      tpu.enqueue_dma source(%dma_start3A_732 : memref<400xi32, #tpu.memory_space<hbm>>) target(%dma_start3A_731 : memref<400xi32, #tpu.memory_space<vmem>>) target_semaphore(%arg11 : memref<!tpu.dma_semaphore, #tpu.memory_space<semaphore_mem>>)
      %add3A_733 = arith.constant 550000 : i32
      %add3A_734 = arith.addi %add3A_644, %add3A_733 : i32
      %dma_start3A_735 = arith.constant 4400 : i32
      %dma_start3A_736 = tpu.memref_slice %arg7[%dma_start3A_735] : memref<12800xi32, #tpu.memory_space<vmem>> -> memref<400xi32, #tpu.memory_space<vmem>>
      %dma_start3A_737 = tpu.memref_slice %arg3[%add3A_734] : memref<12800000xi32, #tpu.memory_space<hbm>> -> memref<400xi32, #tpu.memory_space<hbm>>
      %dma_start3A_738 = arith.constant 4400 : i32
      %dma_start3A_739 = tpu.memref_slice %arg7[%dma_start3A_738] : memref<12800xi32, #tpu.memory_space<vmem>> -> memref<400xi32, #tpu.memory_space<vmem>>
      %dma_start3A_740 = tpu.memref_slice %arg3[%add3A_734] : memref<12800000xi32, #tpu.memory_space<hbm>> -> memref<400xi32, #tpu.memory_space<hbm>>
      tpu.enqueue_dma source(%dma_start3A_740 : memref<400xi32, #tpu.memory_space<hbm>>) target(%dma_start3A_739 : memref<400xi32, #tpu.memory_space<vmem>>) target_semaphore(%arg11 : memref<!tpu.dma_semaphore, #tpu.memory_space<semaphore_mem>>)
      %add3A_741 = arith.constant 600000 : i32
      %add3A_742 = arith.addi %add3A_644, %add3A_741 : i32
      %dma_start3A_743 = arith.constant 4800 : i32
      %dma_start3A_744 = tpu.memref_slice %arg7[%dma_start3A_743] : memref<12800xi32, #tpu.memory_space<vmem>> -> memref<400xi32, #tpu.memory_space<vmem>>
      %dma_start3A_745 = tpu.memref_slice %arg3[%add3A_742] : memref<12800000xi32, #tpu.memory_space<hbm>> -> memref<400xi32, #tpu.memory_space<hbm>>
      %dma_start3A_746 = arith.constant 4800 : i32
      %dma_start3A_747 = tpu.memref_slice %arg7[%dma_start3A_746] : memref<12800xi32, #tpu.memory_space<vmem>> -> memref<400xi32, #tpu.memory_space<vmem>>
      %dma_start3A_748 = tpu.memref_slice %arg3[%add3A_742] : memref<12800000xi32, #tpu.memory_space<hbm>> -> memref<400xi32, #tpu.memory_space<hbm>>
      tpu.enqueue_dma source(%dma_start3A_748 : memref<400xi32, #tpu.memory_space<hbm>>) target(%dma_start3A_747 : memref<400xi32, #tpu.memory_space<vmem>>) target_semaphore(%arg11 : memref<!tpu.dma_semaphore, #tpu.memory_space<semaphore_mem>>)
      %add3A_749 = arith.constant 650000 : i32
      %add3A_750 = arith.addi %add3A_644, %add3A_749 : i32
      %dma_start3A_751 = arith.constant 5200 : i32
      %dma_start3A_752 = tpu.memref_slice %arg7[%dma_start3A_751] : memref<12800xi32, #tpu.memory_space<vmem>> -> memref<400xi32, #tpu.memory_space<vmem>>
      %dma_start3A_753 = tpu.memref_slice %arg3[%add3A_750] : memref<12800000xi32, #tpu.memory_space<hbm>> -> memref<400xi32, #tpu.memory_space<hbm>>
      %dma_start3A_754 = arith.constant 5200 : i32
      %dma_start3A_755 = tpu.memref_slice %arg7[%dma_start3A_754] : memref<12800xi32, #tpu.memory_space<vmem>> -> memref<400xi32, #tpu.memory_space<vmem>>
      %dma_start3A_756 = tpu.memref_slice %arg3[%add3A_750] : memref<12800000xi32, #tpu.memory_space<hbm>> -> memref<400xi32, #tpu.memory_space<hbm>>
      tpu.enqueue_dma source(%dma_start3A_756 : memref<400xi32, #tpu.memory_space<hbm>>) target(%dma_start3A_755 : memref<400xi32, #tpu.memory_space<vmem>>) target_semaphore(%arg11 : memref<!tpu.dma_semaphore, #tpu.memory_space<semaphore_mem>>)
      %add3A_757 = arith.constant 700000 : i32
      %add3A_758 = arith.addi %add3A_644, %add3A_757 : i32
      %dma_start3A_759 = arith.constant 5600 : i32
      %dma_start3A_760 = tpu.memref_slice %arg7[%dma_start3A_759] : memref<12800xi32, #tpu.memory_space<vmem>> -> memref<400xi32, #tpu.memory_space<vmem>>
      %dma_start3A_761 = tpu.memref_slice %arg3[%add3A_758] : memref<12800000xi32, #tpu.memory_space<hbm>> -> memref<400xi32, #tpu.memory_space<hbm>>
      %dma_start3A_762 = arith.constant 5600 : i32
      %dma_start3A_763 = tpu.memref_slice %arg7[%dma_start3A_762] : memref<12800xi32, #tpu.memory_space<vmem>> -> memref<400xi32, #tpu.memory_space<vmem>>
      %dma_start3A_764 = tpu.memref_slice %arg3[%add3A_758] : memref<12800000xi32, #tpu.memory_space<hbm>> -> memref<400xi32, #tpu.memory_space<hbm>>
      tpu.enqueue_dma source(%dma_start3A_764 : memref<400xi32, #tpu.memory_space<hbm>>) target(%dma_start3A_763 : memref<400xi32, #tpu.memory_space<vmem>>) target_semaphore(%arg11 : memref<!tpu.dma_semaphore, #tpu.memory_space<semaphore_mem>>)
      %add3A_765 = arith.constant 750000 : i32
      %add3A_766 = arith.addi %add3A_644, %add3A_765 : i32
      %dma_start3A_767 = arith.constant 6000 : i32
      %dma_start3A_768 = tpu.memref_slice %arg7[%dma_start3A_767] : memref<12800xi32, #tpu.memory_space<vmem>> -> memref<400xi32, #tpu.memory_space<vmem>>
      %dma_start3A_769 = tpu.memref_slice %arg3[%add3A_766] : memref<12800000xi32, #tpu.memory_space<hbm>> -> memref<400xi32, #tpu.memory_space<hbm>>
      %dma_start3A_770 = arith.constant 6000 : i32
      %dma_start3A_771 = tpu.memref_slice %arg7[%dma_start3A_770] : memref<12800xi32, #tpu.memory_space<vmem>> -> memref<400xi32, #tpu.memory_space<vmem>>
      %dma_start3A_772 = tpu.memref_slice %arg3[%add3A_766] : memref<12800000xi32, #tpu.memory_space<hbm>> -> memref<400xi32, #tpu.memory_space<hbm>>
      tpu.enqueue_dma source(%dma_start3A_772 : memref<400xi32, #tpu.memory_space<hbm>>) target(%dma_start3A_771 : memref<400xi32, #tpu.memory_space<vmem>>) target_semaphore(%arg11 : memref<!tpu.dma_semaphore, #tpu.memory_space<semaphore_mem>>)
      %add3A_773 = arith.constant 800000 : i32
      %add3A_774 = arith.addi %add3A_644, %add3A_773 : i32
      %dma_start3A_775 = arith.constant 6400 : i32
      %dma_start3A_776 = tpu.memref_slice %arg7[%dma_start3A_775] : memref<12800xi32, #tpu.memory_space<vmem>> -> memref<400xi32, #tpu.memory_space<vmem>>
      %dma_start3A_777 = tpu.memref_slice %arg3[%add3A_774] : memref<12800000xi32, #tpu.memory_space<hbm>> -> memref<400xi32, #tpu.memory_space<hbm>>
      %dma_start3A_778 = arith.constant 6400 : i32
      %dma_start3A_779 = tpu.memref_slice %arg7[%dma_start3A_778] : memref<12800xi32, #tpu.memory_space<vmem>> -> memref<400xi32, #tpu.memory_space<vmem>>
      %dma_start3A_780 = tpu.memref_slice %arg3[%add3A_774] : memref<12800000xi32, #tpu.memory_space<hbm>> -> memref<400xi32, #tpu.memory_space<hbm>>
      tpu.enqueue_dma source(%dma_start3A_780 : memref<400xi32, #tpu.memory_space<hbm>>) target(%dma_start3A_779 : memref<400xi32, #tpu.memory_space<vmem>>) target_semaphore(%arg11 : memref<!tpu.dma_semaphore, #tpu.memory_space<semaphore_mem>>)
      %add3A_781 = arith.constant 850000 : i32
      %add3A_782 = arith.addi %add3A_644, %add3A_781 : i32
      %dma_start3A_783 = arith.constant 6800 : i32
      %dma_start3A_784 = tpu.memref_slice %arg7[%dma_start3A_783] : memref<12800xi32, #tpu.memory_space<vmem>> -> memref<400xi32, #tpu.memory_space<vmem>>
      %dma_start3A_785 = tpu.memref_slice %arg3[%add3A_782] : memref<12800000xi32, #tpu.memory_space<hbm>> -> memref<400xi32, #tpu.memory_space<hbm>>
      %dma_start3A_786 = arith.constant 6800 : i32
      %dma_start3A_787 = tpu.memref_slice %arg7[%dma_start3A_786] : memref<12800xi32, #tpu.memory_space<vmem>> -> memref<400xi32, #tpu.memory_space<vmem>>
      %dma_start3A_788 = tpu.memref_slice %arg3[%add3A_782] : memref<12800000xi32, #tpu.memory_space<hbm>> -> memref<400xi32, #tpu.memory_space<hbm>>
      tpu.enqueue_dma source(%dma_start3A_788 : memref<400xi32, #tpu.memory_space<hbm>>) target(%dma_start3A_787 : memref<400xi32, #tpu.memory_space<vmem>>) target_semaphore(%arg11 : memref<!tpu.dma_semaphore, #tpu.memory_space<semaphore_mem>>)
      %add3A_789 = arith.constant 900000 : i32
      %add3A_790 = arith.addi %add3A_644, %add3A_789 : i32
      %dma_start3A_791 = arith.constant 7200 : i32
      %dma_start3A_792 = tpu.memref_slice %arg7[%dma_start3A_791] : memref<12800xi32, #tpu.memory_space<vmem>> -> memref<400xi32, #tpu.memory_space<vmem>>
      %dma_start3A_793 = tpu.memref_slice %arg3[%add3A_790] : memref<12800000xi32, #tpu.memory_space<hbm>> -> memref<400xi32, #tpu.memory_space<hbm>>
      %dma_start3A_794 = arith.constant 7200 : i32
      %dma_start3A_795 = tpu.memref_slice %arg7[%dma_start3A_794] : memref<12800xi32, #tpu.memory_space<vmem>> -> memref<400xi32, #tpu.memory_space<vmem>>
      %dma_start3A_796 = tpu.memref_slice %arg3[%add3A_790] : memref<12800000xi32, #tpu.memory_space<hbm>> -> memref<400xi32, #tpu.memory_space<hbm>>
      tpu.enqueue_dma source(%dma_start3A_796 : memref<400xi32, #tpu.memory_space<hbm>>) target(%dma_start3A_795 : memref<400xi32, #tpu.memory_space<vmem>>) target_semaphore(%arg11 : memref<!tpu.dma_semaphore, #tpu.memory_space<semaphore_mem>>)
      %add3A_797 = arith.constant 950000 : i32
      %add3A_798 = arith.addi %add3A_644, %add3A_797 : i32
      %dma_start3A_799 = arith.constant 7600 : i32
      %dma_start3A_800 = tpu.memref_slice %arg7[%dma_start3A_799] : memref<12800xi32, #tpu.memory_space<vmem>> -> memref<400xi32, #tpu.memory_space<vmem>>
      %dma_start3A_801 = tpu.memref_slice %arg3[%add3A_798] : memref<12800000xi32, #tpu.memory_space<hbm>> -> memref<400xi32, #tpu.memory_space<hbm>>
      %dma_start3A_802 = arith.constant 7600 : i32
      %dma_start3A_803 = tpu.memref_slice %arg7[%dma_start3A_802] : memref<12800xi32, #tpu.memory_space<vmem>> -> memref<400xi32, #tpu.memory_space<vmem>>
      %dma_start3A_804 = tpu.memref_slice %arg3[%add3A_798] : memref<12800000xi32, #tpu.memory_space<hbm>> -> memref<400xi32, #tpu.memory_space<hbm>>
      tpu.enqueue_dma source(%dma_start3A_804 : memref<400xi32, #tpu.memory_space<hbm>>) target(%dma_start3A_803 : memref<400xi32, #tpu.memory_space<vmem>>) target_semaphore(%arg11 : memref<!tpu.dma_semaphore, #tpu.memory_space<semaphore_mem>>)
      %add3A_805 = arith.constant 1000000 : i32
      %add3A_806 = arith.addi %add3A_644, %add3A_805 : i32
      %dma_start3A_807 = arith.constant 8000 : i32
      %dma_start3A_808 = tpu.memref_slice %arg7[%dma_start3A_807] : memref<12800xi32, #tpu.memory_space<vmem>> -> memref<400xi32, #tpu.memory_space<vmem>>
      %dma_start3A_809 = tpu.memref_slice %arg3[%add3A_806] : memref<12800000xi32, #tpu.memory_space<hbm>> -> memref<400xi32, #tpu.memory_space<hbm>>
      %dma_start3A_810 = arith.constant 8000 : i32
      %dma_start3A_811 = tpu.memref_slice %arg7[%dma_start3A_810] : memref<12800xi32, #tpu.memory_space<vmem>> -> memref<400xi32, #tpu.memory_space<vmem>>
      %dma_start3A_812 = tpu.memref_slice %arg3[%add3A_806] : memref<12800000xi32, #tpu.memory_space<hbm>> -> memref<400xi32, #tpu.memory_space<hbm>>
      tpu.enqueue_dma source(%dma_start3A_812 : memref<400xi32, #tpu.memory_space<hbm>>) target(%dma_start3A_811 : memref<400xi32, #tpu.memory_space<vmem>>) target_semaphore(%arg11 : memref<!tpu.dma_semaphore, #tpu.memory_space<semaphore_mem>>)
      %add3A_813 = arith.constant 1050000 : i32
      %add3A_814 = arith.addi %add3A_644, %add3A_813 : i32
      %dma_start3A_815 = arith.constant 8400 : i32
      %dma_start3A_816 = tpu.memref_slice %arg7[%dma_start3A_815] : memref<12800xi32, #tpu.memory_space<vmem>> -> memref<400xi32, #tpu.memory_space<vmem>>
      %dma_start3A_817 = tpu.memref_slice %arg3[%add3A_814] : memref<12800000xi32, #tpu.memory_space<hbm>> -> memref<400xi32, #tpu.memory_space<hbm>>
      %dma_start3A_818 = arith.constant 8400 : i32
      %dma_start3A_819 = tpu.memref_slice %arg7[%dma_start3A_818] : memref<12800xi32, #tpu.memory_space<vmem>> -> memref<400xi32, #tpu.memory_space<vmem>>
      %dma_start3A_820 = tpu.memref_slice %arg3[%add3A_814] : memref<12800000xi32, #tpu.memory_space<hbm>> -> memref<400xi32, #tpu.memory_space<hbm>>
      tpu.enqueue_dma source(%dma_start3A_820 : memref<400xi32, #tpu.memory_space<hbm>>) target(%dma_start3A_819 : memref<400xi32, #tpu.memory_space<vmem>>) target_semaphore(%arg11 : memref<!tpu.dma_semaphore, #tpu.memory_space<semaphore_mem>>)
      %add3A_821 = arith.constant 1100000 : i32
      %add3A_822 = arith.addi %add3A_644, %add3A_821 : i32
      %dma_start3A_823 = arith.constant 8800 : i32
      %dma_start3A_824 = tpu.memref_slice %arg7[%dma_start3A_823] : memref<12800xi32, #tpu.memory_space<vmem>> -> memref<400xi32, #tpu.memory_space<vmem>>
      %dma_start3A_825 = tpu.memref_slice %arg3[%add3A_822] : memref<12800000xi32, #tpu.memory_space<hbm>> -> memref<400xi32, #tpu.memory_space<hbm>>
      %dma_start3A_826 = arith.constant 8800 : i32
      %dma_start3A_827 = tpu.memref_slice %arg7[%dma_start3A_826] : memref<12800xi32, #tpu.memory_space<vmem>> -> memref<400xi32, #tpu.memory_space<vmem>>
      %dma_start3A_828 = tpu.memref_slice %arg3[%add3A_822] : memref<12800000xi32, #tpu.memory_space<hbm>> -> memref<400xi32, #tpu.memory_space<hbm>>
      tpu.enqueue_dma source(%dma_start3A_828 : memref<400xi32, #tpu.memory_space<hbm>>) target(%dma_start3A_827 : memref<400xi32, #tpu.memory_space<vmem>>) target_semaphore(%arg11 : memref<!tpu.dma_semaphore, #tpu.memory_space<semaphore_mem>>)
      %add3A_829 = arith.constant 1150000 : i32
      %add3A_830 = arith.addi %add3A_644, %add3A_829 : i32
      %dma_start3A_831 = arith.constant 9200 : i32
      %dma_start3A_832 = tpu.memref_slice %arg7[%dma_start3A_831] : memref<12800xi32, #tpu.memory_space<vmem>> -> memref<400xi32, #tpu.memory_space<vmem>>
      %dma_start3A_833 = tpu.memref_slice %arg3[%add3A_830] : memref<12800000xi32, #tpu.memory_space<hbm>> -> memref<400xi32, #tpu.memory_space<hbm>>
      %dma_start3A_834 = arith.constant 9200 : i32
      %dma_start3A_835 = tpu.memref_slice %arg7[%dma_start3A_834] : memref<12800xi32, #tpu.memory_space<vmem>> -> memref<400xi32, #tpu.memory_space<vmem>>
      %dma_start3A_836 = tpu.memref_slice %arg3[%add3A_830] : memref<12800000xi32, #tpu.memory_space<hbm>> -> memref<400xi32, #tpu.memory_space<hbm>>
      tpu.enqueue_dma source(%dma_start3A_836 : memref<400xi32, #tpu.memory_space<hbm>>) target(%dma_start3A_835 : memref<400xi32, #tpu.memory_space<vmem>>) target_semaphore(%arg11 : memref<!tpu.dma_semaphore, #tpu.memory_space<semaphore_mem>>)
      %add3A_837 = arith.constant 1200000 : i32
      %add3A_838 = arith.addi %add3A_644, %add3A_837 : i32
      %dma_start3A_839 = arith.constant 9600 : i32
      %dma_start3A_840 = tpu.memref_slice %arg7[%dma_start3A_839] : memref<12800xi32, #tpu.memory_space<vmem>> -> memref<400xi32, #tpu.memory_space<vmem>>
      %dma_start3A_841 = tpu.memref_slice %arg3[%add3A_838] : memref<12800000xi32, #tpu.memory_space<hbm>> -> memref<400xi32, #tpu.memory_space<hbm>>
      %dma_start3A_842 = arith.constant 9600 : i32
      %dma_start3A_843 = tpu.memref_slice %arg7[%dma_start3A_842] : memref<12800xi32, #tpu.memory_space<vmem>> -> memref<400xi32, #tpu.memory_space<vmem>>
      %dma_start3A_844 = tpu.memref_slice %arg3[%add3A_838] : memref<12800000xi32, #tpu.memory_space<hbm>> -> memref<400xi32, #tpu.memory_space<hbm>>
      tpu.enqueue_dma source(%dma_start3A_844 : memref<400xi32, #tpu.memory_space<hbm>>) target(%dma_start3A_843 : memref<400xi32, #tpu.memory_space<vmem>>) target_semaphore(%arg11 : memref<!tpu.dma_semaphore, #tpu.memory_space<semaphore_mem>>)
      %add3A_845 = arith.constant 1250000 : i32
      %add3A_846 = arith.addi %add3A_644, %add3A_845 : i32
      %dma_start3A_847 = arith.constant 10000 : i32
      %dma_start3A_848 = tpu.memref_slice %arg7[%dma_start3A_847] : memref<12800xi32, #tpu.memory_space<vmem>> -> memref<400xi32, #tpu.memory_space<vmem>>
      %dma_start3A_849 = tpu.memref_slice %arg3[%add3A_846] : memref<12800000xi32, #tpu.memory_space<hbm>> -> memref<400xi32, #tpu.memory_space<hbm>>
      %dma_start3A_850 = arith.constant 10000 : i32
      %dma_start3A_851 = tpu.memref_slice %arg7[%dma_start3A_850] : memref<12800xi32, #tpu.memory_space<vmem>> -> memref<400xi32, #tpu.memory_space<vmem>>
      %dma_start3A_852 = tpu.memref_slice %arg3[%add3A_846] : memref<12800000xi32, #tpu.memory_space<hbm>> -> memref<400xi32, #tpu.memory_space<hbm>>
      tpu.enqueue_dma source(%dma_start3A_852 : memref<400xi32, #tpu.memory_space<hbm>>) target(%dma_start3A_851 : memref<400xi32, #tpu.memory_space<vmem>>) target_semaphore(%arg11 : memref<!tpu.dma_semaphore, #tpu.memory_space<semaphore_mem>>)
      %add3A_853 = arith.constant 1300000 : i32
      %add3A_854 = arith.addi %add3A_644, %add3A_853 : i32
      %dma_start3A_855 = arith.constant 10400 : i32
      %dma_start3A_856 = tpu.memref_slice %arg7[%dma_start3A_855] : memref<12800xi32, #tpu.memory_space<vmem>> -> memref<400xi32, #tpu.memory_space<vmem>>
      %dma_start3A_857 = tpu.memref_slice %arg3[%add3A_854] : memref<12800000xi32, #tpu.memory_space<hbm>> -> memref<400xi32, #tpu.memory_space<hbm>>
      %dma_start3A_858 = arith.constant 10400 : i32
      %dma_start3A_859 = tpu.memref_slice %arg7[%dma_start3A_858] : memref<12800xi32, #tpu.memory_space<vmem>> -> memref<400xi32, #tpu.memory_space<vmem>>
      %dma_start3A_860 = tpu.memref_slice %arg3[%add3A_854] : memref<12800000xi32, #tpu.memory_space<hbm>> -> memref<400xi32, #tpu.memory_space<hbm>>
      tpu.enqueue_dma source(%dma_start3A_860 : memref<400xi32, #tpu.memory_space<hbm>>) target(%dma_start3A_859 : memref<400xi32, #tpu.memory_space<vmem>>) target_semaphore(%arg11 : memref<!tpu.dma_semaphore, #tpu.memory_space<semaphore_mem>>)
      %add3A_861 = arith.constant 1350000 : i32
      %add3A_862 = arith.addi %add3A_644, %add3A_861 : i32
      %dma_start3A_863 = arith.constant 10800 : i32
      %dma_start3A_864 = tpu.memref_slice %arg7[%dma_start3A_863] : memref<12800xi32, #tpu.memory_space<vmem>> -> memref<400xi32, #tpu.memory_space<vmem>>
      %dma_start3A_865 = tpu.memref_slice %arg3[%add3A_862] : memref<12800000xi32, #tpu.memory_space<hbm>> -> memref<400xi32, #tpu.memory_space<hbm>>
      %dma_start3A_866 = arith.constant 10800 : i32
      %dma_start3A_867 = tpu.memref_slice %arg7[%dma_start3A_866] : memref<12800xi32, #tpu.memory_space<vmem>> -> memref<400xi32, #tpu.memory_space<vmem>>
      %dma_start3A_868 = tpu.memref_slice %arg3[%add3A_862] : memref<12800000xi32, #tpu.memory_space<hbm>> -> memref<400xi32, #tpu.memory_space<hbm>>
      tpu.enqueue_dma source(%dma_start3A_868 : memref<400xi32, #tpu.memory_space<hbm>>) target(%dma_start3A_867 : memref<400xi32, #tpu.memory_space<vmem>>) target_semaphore(%arg11 : memref<!tpu.dma_semaphore, #tpu.memory_space<semaphore_mem>>)
      %add3A_869 = arith.constant 1400000 : i32
      %add3A_870 = arith.addi %add3A_644, %add3A_869 : i32
      %dma_start3A_871 = arith.constant 11200 : i32
      %dma_start3A_872 = tpu.memref_slice %arg7[%dma_start3A_871] : memref<12800xi32, #tpu.memory_space<vmem>> -> memref<400xi32, #tpu.memory_space<vmem>>
      %dma_start3A_873 = tpu.memref_slice %arg3[%add3A_870] : memref<12800000xi32, #tpu.memory_space<hbm>> -> memref<400xi32, #tpu.memory_space<hbm>>
      %dma_start3A_874 = arith.constant 11200 : i32
      %dma_start3A_875 = tpu.memref_slice %arg7[%dma_start3A_874] : memref<12800xi32, #tpu.memory_space<vmem>> -> memref<400xi32, #tpu.memory_space<vmem>>
      %dma_start3A_876 = tpu.memref_slice %arg3[%add3A_870] : memref<12800000xi32, #tpu.memory_space<hbm>> -> memref<400xi32, #tpu.memory_space<hbm>>
      tpu.enqueue_dma source(%dma_start3A_876 : memref<400xi32, #tpu.memory_space<hbm>>) target(%dma_start3A_875 : memref<400xi32, #tpu.memory_space<vmem>>) target_semaphore(%arg11 : memref<!tpu.dma_semaphore, #tpu.memory_space<semaphore_mem>>)
      %add3A_877 = arith.constant 1450000 : i32
      %add3A_878 = arith.addi %add3A_644, %add3A_877 : i32
      %dma_start3A_879 = arith.constant 11600 : i32
      %dma_start3A_880 = tpu.memref_slice %arg7[%dma_start3A_879] : memref<12800xi32, #tpu.memory_space<vmem>> -> memref<400xi32, #tpu.memory_space<vmem>>
      %dma_start3A_881 = tpu.memref_slice %arg3[%add3A_878] : memref<12800000xi32, #tpu.memory_space<hbm>> -> memref<400xi32, #tpu.memory_space<hbm>>
      %dma_start3A_882 = arith.constant 11600 : i32
      %dma_start3A_883 = tpu.memref_slice %arg7[%dma_start3A_882] : memref<12800xi32, #tpu.memory_space<vmem>> -> memref<400xi32, #tpu.memory_space<vmem>>
      %dma_start3A_884 = tpu.memref_slice %arg3[%add3A_878] : memref<12800000xi32, #tpu.memory_space<hbm>> -> memref<400xi32, #tpu.memory_space<hbm>>
      tpu.enqueue_dma source(%dma_start3A_884 : memref<400xi32, #tpu.memory_space<hbm>>) target(%dma_start3A_883 : memref<400xi32, #tpu.memory_space<vmem>>) target_semaphore(%arg11 : memref<!tpu.dma_semaphore, #tpu.memory_space<semaphore_mem>>)
      %add3A_885 = arith.constant 1500000 : i32
      %add3A_886 = arith.addi %add3A_644, %add3A_885 : i32
      %dma_start3A_887 = arith.constant 12000 : i32
      %dma_start3A_888 = tpu.memref_slice %arg7[%dma_start3A_887] : memref<12800xi32, #tpu.memory_space<vmem>> -> memref<400xi32, #tpu.memory_space<vmem>>
      %dma_start3A_889 = tpu.memref_slice %arg3[%add3A_886] : memref<12800000xi32, #tpu.memory_space<hbm>> -> memref<400xi32, #tpu.memory_space<hbm>>
      %dma_start3A_890 = arith.constant 12000 : i32
      %dma_start3A_891 = tpu.memref_slice %arg7[%dma_start3A_890] : memref<12800xi32, #tpu.memory_space<vmem>> -> memref<400xi32, #tpu.memory_space<vmem>>
      %dma_start3A_892 = tpu.memref_slice %arg3[%add3A_886] : memref<12800000xi32, #tpu.memory_space<hbm>> -> memref<400xi32, #tpu.memory_space<hbm>>
      tpu.enqueue_dma source(%dma_start3A_892 : memref<400xi32, #tpu.memory_space<hbm>>) target(%dma_start3A_891 : memref<400xi32, #tpu.memory_space<vmem>>) target_semaphore(%arg11 : memref<!tpu.dma_semaphore, #tpu.memory_space<semaphore_mem>>)
      %add3A_893 = arith.constant 1550000 : i32
      %add3A_894 = arith.addi %add3A_644, %add3A_893 : i32
      %dma_start3A_895 = arith.constant 12400 : i32
      %dma_start3A_896 = tpu.memref_slice %arg7[%dma_start3A_895] : memref<12800xi32, #tpu.memory_space<vmem>> -> memref<400xi32, #tpu.memory_space<vmem>>
      %dma_start3A_897 = tpu.memref_slice %arg3[%add3A_894] : memref<12800000xi32, #tpu.memory_space<hbm>> -> memref<400xi32, #tpu.memory_space<hbm>>
      %dma_start3A_898 = arith.constant 12400 : i32
      %dma_start3A_899 = tpu.memref_slice %arg7[%dma_start3A_898] : memref<12800xi32, #tpu.memory_space<vmem>> -> memref<400xi32, #tpu.memory_space<vmem>>
      %dma_start3A_900 = tpu.memref_slice %arg3[%add3A_894] : memref<12800000xi32, #tpu.memory_space<hbm>> -> memref<400xi32, #tpu.memory_space<hbm>>
      tpu.enqueue_dma source(%dma_start3A_900 : memref<400xi32, #tpu.memory_space<hbm>>) target(%dma_start3A_899 : memref<400xi32, #tpu.memory_space<vmem>>) target_semaphore(%arg11 : memref<!tpu.dma_semaphore, #tpu.memory_space<semaphore_mem>>)
      %dma_wait3A_901 = arith.constant 0 : i32
      %dma_wait3A_902 = tpu.memref_slice %arg3[%dma_wait3A_901] : memref<12800000xi32, #tpu.memory_space<hbm>> -> memref<12800xi32, #tpu.memory_space<hbm>>
      %dma_wait3A_903 = arith.constant 0 : i32
      %dma_wait3A_904 = tpu.memref_slice %arg3[%dma_wait3A_903] : memref<12800000xi32, #tpu.memory_space<hbm>> -> memref<12800xi32, #tpu.memory_space<hbm>>
      tpu.wait_dma2 semaphore(%arg12 : memref<!tpu.dma_semaphore, #tpu.memory_space<semaphore_mem>>) src(%dma_wait3A_904 : memref<12800xi32, #tpu.memory_space<hbm>>) dst(%arg8 : memref<12800xi32, #tpu.memory_space<vmem>>)
      %gt3A_905 = arith.constant 0 : i32
      %gt3A_906 = arith.cmpi sgt, %scan3A_288, %gt3A_905 : i32
      %convert_element_type3A_907 = arith.extui %gt3A_906 : i1 to i32
      %cond3A_908 = arith.constant 0 : i32
      %cond3A_909 = arith.cmpi ne, %convert_element_type3A_907, %cond3A_908 : i32
      scf.if %cond3A_909 {
        %dma_wait3A_969 = arith.constant 0 : i32
        %dma_wait3A_970 = tpu.memref_slice %arg4[%dma_wait3A_969] : memref<3200000xf32, #tpu.memory_space<hbm>> -> memref<1600xf32, #tpu.memory_space<hbm>>
        %dma_wait3A_971 = arith.constant 0 : i32
        %dma_wait3A_972 = tpu.memref_slice %arg4[%dma_wait3A_971] : memref<3200000xf32, #tpu.memory_space<hbm>> -> memref<1600xf32, #tpu.memory_space<hbm>>
        tpu.wait_dma2 semaphore(%arg14 : memref<!tpu.dma_semaphore, #tpu.memory_space<semaphore_mem>>) src(%arg10 : memref<1600xf32, #tpu.memory_space<vmem>>) dst(%dma_wait3A_972 : memref<1600xf32, #tpu.memory_space<hbm>>)
      } else {
      }
      %parallel_loop3A_910 = arith.constant 0 : i32
      %parallel_loop3A_911 = arith.constant 25 : i32
      %parallel_loop3A_912 = arith.constant 1 : i32
      scf.for %parallel_loop3A_969 = %parallel_loop3A_910 to %parallel_loop3A_911 step %parallel_loop3A_912  : i32 {
        %parallel_loop3A_970 = arith.constant 16 : i32
        %parallel_loop3A_971 = arith.muli %parallel_loop3A_969, %parallel_loop3A_970 : i32
        %parallel_loop3A_972 = arith.constant 0.000000e+00 : bf16
        %parallel_loop3A_973 = vector.broadcast %parallel_loop3A_972 : bf16 to vector<32xbf16>
        %parallel_loop3A_974 = arith.constant 0.000000e+00 : bf16
        %parallel_loop3A_975 = vector.broadcast %parallel_loop3A_974 : bf16 to vector<32xbf16>
        %parallel_loop3A_976 = arith.constant 0 : i32
        %parallel_loop3A_977 = arith.addi %parallel_loop3A_976, %parallel_loop3A_971 : i32
        %parallel_loop3A_978 = arith.index_cast %parallel_loop3A_977 : i32 to index
        %parallel_loop3A_979 = tpu.vector_load %arg8[%parallel_loop3A_978] {strides = array<i32>} : memref<12800xi32, #tpu.memory_space<vmem>>, vector<16xi32>,
        %parallel_loop3A_980 = arith.constant 400 : i32
        %parallel_loop3A_981 = arith.addi %parallel_loop3A_980, %parallel_loop3A_971 : i32
        %parallel_loop3A_982 = arith.index_cast %parallel_loop3A_981 : i32 to index
        %parallel_loop3A_983 = tpu.vector_load %arg8[%parallel_loop3A_982] {strides = array<i32>} : memref<12800xi32, #tpu.memory_space<vmem>>, vector<16xi32>,
        %parallel_loop3A_984 = tpu.vector_load_idx %arg5[%parallel_loop3A_979] : memref<50000xi32, #tpu.memory_space<vmem>>[vector<16xi32>], vector<16xi32>,
        %parallel_loop3A_985 = tpu.vector_load_idx %arg5[%parallel_loop3A_983] : memref<50000xi32, #tpu.memory_space<vmem>>[vector<16xi32>], vector<16xi32>,
        %parallel_loop3A_986 = tpu.vector_load_idx %arg6[%parallel_loop3A_979] : memref<50000xi32, #tpu.memory_space<vmem>>[vector<16xi32>], vector<16xi32>,
        %parallel_loop3A_987 = tpu.vector_load_idx %arg6[%parallel_loop3A_983] : memref<50000xi32, #tpu.memory_space<vmem>>[vector<16xi32>], vector<16xi32>,
        %parallel_loop3A_988 = vector.bitcast %parallel_loop3A_984 : vector<16xi32> to vector<32xbf16>
        %parallel_loop3A_989 = vector.bitcast %parallel_loop3A_985 : vector<16xi32> to vector<32xbf16>
        %parallel_loop3A_990 = arith.mulf %parallel_loop3A_988, %parallel_loop3A_989 : vector<32xbf16>
        %parallel_loop3A_991 = arith.addf %parallel_loop3A_973, %parallel_loop3A_990 : vector<32xbf16>
        %parallel_loop3A_992 = vector.bitcast %parallel_loop3A_986 : vector<16xi32> to vector<32xbf16>
        %parallel_loop3A_993 = vector.bitcast %parallel_loop3A_987 : vector<16xi32> to vector<32xbf16>
        %parallel_loop3A_994 = arith.mulf %parallel_loop3A_992, %parallel_loop3A_993 : vector<32xbf16>
        %parallel_loop3A_995 = arith.addf %parallel_loop3A_975, %parallel_loop3A_994 : vector<32xbf16>
        %parallel_loop3A_996 = arith.constant 800 : i32
        %parallel_loop3A_997 = arith.addi %parallel_loop3A_996, %parallel_loop3A_971 : i32
        %parallel_loop3A_998 = arith.index_cast %parallel_loop3A_997 : i32 to index
        %parallel_loop3A_999 = tpu.vector_load %arg8[%parallel_loop3A_998] {strides = array<i32>} : memref<12800xi32, #tpu.memory_space<vmem>>, vector<16xi32>,
        %parallel_loop3A_1000 = arith.constant 1200 : i32
        %parallel_loop3A_1001 = arith.addi %parallel_loop3A_1000, %parallel_loop3A_971 : i32
        %parallel_loop3A_1002 = arith.index_cast %parallel_loop3A_1001 : i32 to index
        %parallel_loop3A_1003 = tpu.vector_load %arg8[%parallel_loop3A_1002] {strides = array<i32>} : memref<12800xi32, #tpu.memory_space<vmem>>, vector<16xi32>,
        %parallel_loop3A_1004 = tpu.vector_load_idx %arg5[%parallel_loop3A_999] : memref<50000xi32, #tpu.memory_space<vmem>>[vector<16xi32>], vector<16xi32>,
        %parallel_loop3A_1005 = tpu.vector_load_idx %arg5[%parallel_loop3A_1003] : memref<50000xi32, #tpu.memory_space<vmem>>[vector<16xi32>], vector<16xi32>,
        %parallel_loop3A_1006 = tpu.vector_load_idx %arg6[%parallel_loop3A_999] : memref<50000xi32, #tpu.memory_space<vmem>>[vector<16xi32>], vector<16xi32>,
        %parallel_loop3A_1007 = tpu.vector_load_idx %arg6[%parallel_loop3A_1003] : memref<50000xi32, #tpu.memory_space<vmem>>[vector<16xi32>], vector<16xi32>,
        %parallel_loop3A_1008 = vector.bitcast %parallel_loop3A_1004 : vector<16xi32> to vector<32xbf16>
        %parallel_loop3A_1009 = vector.bitcast %parallel_loop3A_1005 : vector<16xi32> to vector<32xbf16>
        %parallel_loop3A_1010 = arith.mulf %parallel_loop3A_1008, %parallel_loop3A_1009 : vector<32xbf16>
        %parallel_loop3A_1011 = arith.addf %parallel_loop3A_991, %parallel_loop3A_1010 : vector<32xbf16>
        %parallel_loop3A_1012 = vector.bitcast %parallel_loop3A_1006 : vector<16xi32> to vector<32xbf16>
        %parallel_loop3A_1013 = vector.bitcast %parallel_loop3A_1007 : vector<16xi32> to vector<32xbf16>
        %parallel_loop3A_1014 = arith.mulf %parallel_loop3A_1012, %parallel_loop3A_1013 : vector<32xbf16>
        %parallel_loop3A_1015 = arith.addf %parallel_loop3A_995, %parallel_loop3A_1014 : vector<32xbf16>
        %parallel_loop3A_1016 = arith.constant 1600 : i32
        %parallel_loop3A_1017 = arith.addi %parallel_loop3A_1016, %parallel_loop3A_971 : i32
        %parallel_loop3A_1018 = arith.index_cast %parallel_loop3A_1017 : i32 to index
        %parallel_loop3A_1019 = tpu.vector_load %arg8[%parallel_loop3A_1018] {strides = array<i32>} : memref<12800xi32, #tpu.memory_space<vmem>>, vector<16xi32>,
        %parallel_loop3A_1020 = arith.constant 2000 : i32
        %parallel_loop3A_1021 = arith.addi %parallel_loop3A_1020, %parallel_loop3A_971 : i32
        %parallel_loop3A_1022 = arith.index_cast %parallel_loop3A_1021 : i32 to index
        %parallel_loop3A_1023 = tpu.vector_load %arg8[%parallel_loop3A_1022] {strides = array<i32>} : memref<12800xi32, #tpu.memory_space<vmem>>, vector<16xi32>,
        %parallel_loop3A_1024 = tpu.vector_load_idx %arg5[%parallel_loop3A_1019] : memref<50000xi32, #tpu.memory_space<vmem>>[vector<16xi32>], vector<16xi32>,
        %parallel_loop3A_1025 = tpu.vector_load_idx %arg5[%parallel_loop3A_1023] : memref<50000xi32, #tpu.memory_space<vmem>>[vector<16xi32>], vector<16xi32>,
        %parallel_loop3A_1026 = tpu.vector_load_idx %arg6[%parallel_loop3A_1019] : memref<50000xi32, #tpu.memory_space<vmem>>[vector<16xi32>], vector<16xi32>,
        %parallel_loop3A_1027 = tpu.vector_load_idx %arg6[%parallel_loop3A_1023] : memref<50000xi32, #tpu.memory_space<vmem>>[vector<16xi32>], vector<16xi32>,
        %parallel_loop3A_1028 = vector.bitcast %parallel_loop3A_1024 : vector<16xi32> to vector<32xbf16>
        %parallel_loop3A_1029 = vector.bitcast %parallel_loop3A_1025 : vector<16xi32> to vector<32xbf16>
        %parallel_loop3A_1030 = arith.mulf %parallel_loop3A_1028, %parallel_loop3A_1029 : vector<32xbf16>
        %parallel_loop3A_1031 = arith.addf %parallel_loop3A_1011, %parallel_loop3A_1030 : vector<32xbf16>
        %parallel_loop3A_1032 = vector.bitcast %parallel_loop3A_1026 : vector<16xi32> to vector<32xbf16>
        %parallel_loop3A_1033 = vector.bitcast %parallel_loop3A_1027 : vector<16xi32> to vector<32xbf16>
        %parallel_loop3A_1034 = arith.mulf %parallel_loop3A_1032, %parallel_loop3A_1033 : vector<32xbf16>
        %parallel_loop3A_1035 = arith.addf %parallel_loop3A_1015, %parallel_loop3A_1034 : vector<32xbf16>
        %parallel_loop3A_1036 = arith.constant 2400 : i32
        %parallel_loop3A_1037 = arith.addi %parallel_loop3A_1036, %parallel_loop3A_971 : i32
        %parallel_loop3A_1038 = arith.index_cast %parallel_loop3A_1037 : i32 to index
        %parallel_loop3A_1039 = tpu.vector_load %arg8[%parallel_loop3A_1038] {strides = array<i32>} : memref<12800xi32, #tpu.memory_space<vmem>>, vector<16xi32>,
        %parallel_loop3A_1040 = arith.constant 2800 : i32
        %parallel_loop3A_1041 = arith.addi %parallel_loop3A_1040, %parallel_loop3A_971 : i32
        %parallel_loop3A_1042 = arith.index_cast %parallel_loop3A_1041 : i32 to index
        %parallel_loop3A_1043 = tpu.vector_load %arg8[%parallel_loop3A_1042] {strides = array<i32>} : memref<12800xi32, #tpu.memory_space<vmem>>, vector<16xi32>,
        %parallel_loop3A_1044 = tpu.vector_load_idx %arg5[%parallel_loop3A_1039] : memref<50000xi32, #tpu.memory_space<vmem>>[vector<16xi32>], vector<16xi32>,
        %parallel_loop3A_1045 = tpu.vector_load_idx %arg5[%parallel_loop3A_1043] : memref<50000xi32, #tpu.memory_space<vmem>>[vector<16xi32>], vector<16xi32>,
        %parallel_loop3A_1046 = tpu.vector_load_idx %arg6[%parallel_loop3A_1039] : memref<50000xi32, #tpu.memory_space<vmem>>[vector<16xi32>], vector<16xi32>,
        %parallel_loop3A_1047 = tpu.vector_load_idx %arg6[%parallel_loop3A_1043] : memref<50000xi32, #tpu.memory_space<vmem>>[vector<16xi32>], vector<16xi32>,
        %parallel_loop3A_1048 = vector.bitcast %parallel_loop3A_1044 : vector<16xi32> to vector<32xbf16>
        %parallel_loop3A_1049 = vector.bitcast %parallel_loop3A_1045 : vector<16xi32> to vector<32xbf16>
        %parallel_loop3A_1050 = arith.mulf %parallel_loop3A_1048, %parallel_loop3A_1049 : vector<32xbf16>
        %parallel_loop3A_1051 = arith.addf %parallel_loop3A_1031, %parallel_loop3A_1050 : vector<32xbf16>
        %parallel_loop3A_1052 = vector.bitcast %parallel_loop3A_1046 : vector<16xi32> to vector<32xbf16>
        %parallel_loop3A_1053 = vector.bitcast %parallel_loop3A_1047 : vector<16xi32> to vector<32xbf16>
        %parallel_loop3A_1054 = arith.mulf %parallel_loop3A_1052, %parallel_loop3A_1053 : vector<32xbf16>
        %parallel_loop3A_1055 = arith.addf %parallel_loop3A_1035, %parallel_loop3A_1054 : vector<32xbf16>
        %parallel_loop3A_1056 = arith.constant 3200 : i32
        %parallel_loop3A_1057 = arith.addi %parallel_loop3A_1056, %parallel_loop3A_971 : i32
        %parallel_loop3A_1058 = arith.index_cast %parallel_loop3A_1057 : i32 to index
        %parallel_loop3A_1059 = tpu.vector_load %arg8[%parallel_loop3A_1058] {strides = array<i32>} : memref<12800xi32, #tpu.memory_space<vmem>>, vector<16xi32>,
        %parallel_loop3A_1060 = arith.constant 3600 : i32
        %parallel_loop3A_1061 = arith.addi %parallel_loop3A_1060, %parallel_loop3A_971 : i32
        %parallel_loop3A_1062 = arith.index_cast %parallel_loop3A_1061 : i32 to index
        %parallel_loop3A_1063 = tpu.vector_load %arg8[%parallel_loop3A_1062] {strides = array<i32>} : memref<12800xi32, #tpu.memory_space<vmem>>, vector<16xi32>,
        %parallel_loop3A_1064 = tpu.vector_load_idx %arg5[%parallel_loop3A_1059] : memref<50000xi32, #tpu.memory_space<vmem>>[vector<16xi32>], vector<16xi32>,
        %parallel_loop3A_1065 = tpu.vector_load_idx %arg5[%parallel_loop3A_1063] : memref<50000xi32, #tpu.memory_space<vmem>>[vector<16xi32>], vector<16xi32>,
        %parallel_loop3A_1066 = tpu.vector_load_idx %arg6[%parallel_loop3A_1059] : memref<50000xi32, #tpu.memory_space<vmem>>[vector<16xi32>], vector<16xi32>,
        %parallel_loop3A_1067 = tpu.vector_load_idx %arg6[%parallel_loop3A_1063] : memref<50000xi32, #tpu.memory_space<vmem>>[vector<16xi32>], vector<16xi32>,
        %parallel_loop3A_1068 = vector.bitcast %parallel_loop3A_1064 : vector<16xi32> to vector<32xbf16>
        %parallel_loop3A_1069 = vector.bitcast %parallel_loop3A_1065 : vector<16xi32> to vector<32xbf16>
        %parallel_loop3A_1070 = arith.mulf %parallel_loop3A_1068, %parallel_loop3A_1069 : vector<32xbf16>
        %parallel_loop3A_1071 = arith.addf %parallel_loop3A_1051, %parallel_loop3A_1070 : vector<32xbf16>
        %parallel_loop3A_1072 = vector.bitcast %parallel_loop3A_1066 : vector<16xi32> to vector<32xbf16>
        %parallel_loop3A_1073 = vector.bitcast %parallel_loop3A_1067 : vector<16xi32> to vector<32xbf16>
        %parallel_loop3A_1074 = arith.mulf %parallel_loop3A_1072, %parallel_loop3A_1073 : vector<32xbf16>
        %parallel_loop3A_1075 = arith.addf %parallel_loop3A_1055, %parallel_loop3A_1074 : vector<32xbf16>
        %parallel_loop3A_1076 = arith.constant 4000 : i32
        %parallel_loop3A_1077 = arith.addi %parallel_loop3A_1076, %parallel_loop3A_971 : i32
        %parallel_loop3A_1078 = arith.index_cast %parallel_loop3A_1077 : i32 to index
        %parallel_loop3A_1079 = tpu.vector_load %arg8[%parallel_loop3A_1078] {strides = array<i32>} : memref<12800xi32, #tpu.memory_space<vmem>>, vector<16xi32>,
        %parallel_loop3A_1080 = arith.constant 4400 : i32
        %parallel_loop3A_1081 = arith.addi %parallel_loop3A_1080, %parallel_loop3A_971 : i32
        %parallel_loop3A_1082 = arith.index_cast %parallel_loop3A_1081 : i32 to index
        %parallel_loop3A_1083 = tpu.vector_load %arg8[%parallel_loop3A_1082] {strides = array<i32>} : memref<12800xi32, #tpu.memory_space<vmem>>, vector<16xi32>,
        %parallel_loop3A_1084 = tpu.vector_load_idx %arg5[%parallel_loop3A_1079] : memref<50000xi32, #tpu.memory_space<vmem>>[vector<16xi32>], vector<16xi32>,
        %parallel_loop3A_1085 = tpu.vector_load_idx %arg5[%parallel_loop3A_1083] : memref<50000xi32, #tpu.memory_space<vmem>>[vector<16xi32>], vector<16xi32>,
        %parallel_loop3A_1086 = tpu.vector_load_idx %arg6[%parallel_loop3A_1079] : memref<50000xi32, #tpu.memory_space<vmem>>[vector<16xi32>], vector<16xi32>,
        %parallel_loop3A_1087 = tpu.vector_load_idx %arg6[%parallel_loop3A_1083] : memref<50000xi32, #tpu.memory_space<vmem>>[vector<16xi32>], vector<16xi32>,
        %parallel_loop3A_1088 = vector.bitcast %parallel_loop3A_1084 : vector<16xi32> to vector<32xbf16>
        %parallel_loop3A_1089 = vector.bitcast %parallel_loop3A_1085 : vector<16xi32> to vector<32xbf16>
        %parallel_loop3A_1090 = arith.mulf %parallel_loop3A_1088, %parallel_loop3A_1089 : vector<32xbf16>
        %parallel_loop3A_1091 = arith.addf %parallel_loop3A_1071, %parallel_loop3A_1090 : vector<32xbf16>
        %parallel_loop3A_1092 = vector.bitcast %parallel_loop3A_1086 : vector<16xi32> to vector<32xbf16>
        %parallel_loop3A_1093 = vector.bitcast %parallel_loop3A_1087 : vector<16xi32> to vector<32xbf16>
        %parallel_loop3A_1094 = arith.mulf %parallel_loop3A_1092, %parallel_loop3A_1093 : vector<32xbf16>
        %parallel_loop3A_1095 = arith.addf %parallel_loop3A_1075, %parallel_loop3A_1094 : vector<32xbf16>
        %parallel_loop3A_1096 = arith.constant 4800 : i32
        %parallel_loop3A_1097 = arith.addi %parallel_loop3A_1096, %parallel_loop3A_971 : i32
        %parallel_loop3A_1098 = arith.index_cast %parallel_loop3A_1097 : i32 to index
        %parallel_loop3A_1099 = tpu.vector_load %arg8[%parallel_loop3A_1098] {strides = array<i32>} : memref<12800xi32, #tpu.memory_space<vmem>>, vector<16xi32>,
        %parallel_loop3A_1100 = arith.constant 5200 : i32
        %parallel_loop3A_1101 = arith.addi %parallel_loop3A_1100, %parallel_loop3A_971 : i32
        %parallel_loop3A_1102 = arith.index_cast %parallel_loop3A_1101 : i32 to index
        %parallel_loop3A_1103 = tpu.vector_load %arg8[%parallel_loop3A_1102] {strides = array<i32>} : memref<12800xi32, #tpu.memory_space<vmem>>, vector<16xi32>,
        %parallel_loop3A_1104 = tpu.vector_load_idx %arg5[%parallel_loop3A_1099] : memref<50000xi32, #tpu.memory_space<vmem>>[vector<16xi32>], vector<16xi32>,
        %parallel_loop3A_1105 = tpu.vector_load_idx %arg5[%parallel_loop3A_1103] : memref<50000xi32, #tpu.memory_space<vmem>>[vector<16xi32>], vector<16xi32>,
        %parallel_loop3A_1106 = tpu.vector_load_idx %arg6[%parallel_loop3A_1099] : memref<50000xi32, #tpu.memory_space<vmem>>[vector<16xi32>], vector<16xi32>,
        %parallel_loop3A_1107 = tpu.vector_load_idx %arg6[%parallel_loop3A_1103] : memref<50000xi32, #tpu.memory_space<vmem>>[vector<16xi32>], vector<16xi32>,
        %parallel_loop3A_1108 = vector.bitcast %parallel_loop3A_1104 : vector<16xi32> to vector<32xbf16>
        %parallel_loop3A_1109 = vector.bitcast %parallel_loop3A_1105 : vector<16xi32> to vector<32xbf16>
        %parallel_loop3A_1110 = arith.mulf %parallel_loop3A_1108, %parallel_loop3A_1109 : vector<32xbf16>
        %parallel_loop3A_1111 = arith.addf %parallel_loop3A_1091, %parallel_loop3A_1110 : vector<32xbf16>
        %parallel_loop3A_1112 = vector.bitcast %parallel_loop3A_1106 : vector<16xi32> to vector<32xbf16>
        %parallel_loop3A_1113 = vector.bitcast %parallel_loop3A_1107 : vector<16xi32> to vector<32xbf16>
        %parallel_loop3A_1114 = arith.mulf %parallel_loop3A_1112, %parallel_loop3A_1113 : vector<32xbf16>
        %parallel_loop3A_1115 = arith.addf %parallel_loop3A_1095, %parallel_loop3A_1114 : vector<32xbf16>
        %parallel_loop3A_1116 = arith.constant 5600 : i32
        %parallel_loop3A_1117 = arith.addi %parallel_loop3A_1116, %parallel_loop3A_971 : i32
        %parallel_loop3A_1118 = arith.index_cast %parallel_loop3A_1117 : i32 to index
        %parallel_loop3A_1119 = tpu.vector_load %arg8[%parallel_loop3A_1118] {strides = array<i32>} : memref<12800xi32, #tpu.memory_space<vmem>>, vector<16xi32>,
        %parallel_loop3A_1120 = arith.constant 6000 : i32
        %parallel_loop3A_1121 = arith.addi %parallel_loop3A_1120, %parallel_loop3A_971 : i32
        %parallel_loop3A_1122 = arith.index_cast %parallel_loop3A_1121 : i32 to index
        %parallel_loop3A_1123 = tpu.vector_load %arg8[%parallel_loop3A_1122] {strides = array<i32>} : memref<12800xi32, #tpu.memory_space<vmem>>, vector<16xi32>,
        %parallel_loop3A_1124 = tpu.vector_load_idx %arg5[%parallel_loop3A_1119] : memref<50000xi32, #tpu.memory_space<vmem>>[vector<16xi32>], vector<16xi32>,
        %parallel_loop3A_1125 = tpu.vector_load_idx %arg5[%parallel_loop3A_1123] : memref<50000xi32, #tpu.memory_space<vmem>>[vector<16xi32>], vector<16xi32>,
        %parallel_loop3A_1126 = tpu.vector_load_idx %arg6[%parallel_loop3A_1119] : memref<50000xi32, #tpu.memory_space<vmem>>[vector<16xi32>], vector<16xi32>,
        %parallel_loop3A_1127 = tpu.vector_load_idx %arg6[%parallel_loop3A_1123] : memref<50000xi32, #tpu.memory_space<vmem>>[vector<16xi32>], vector<16xi32>,
        %parallel_loop3A_1128 = vector.bitcast %parallel_loop3A_1124 : vector<16xi32> to vector<32xbf16>
        %parallel_loop3A_1129 = vector.bitcast %parallel_loop3A_1125 : vector<16xi32> to vector<32xbf16>
        %parallel_loop3A_1130 = arith.mulf %parallel_loop3A_1128, %parallel_loop3A_1129 : vector<32xbf16>
        %parallel_loop3A_1131 = arith.addf %parallel_loop3A_1111, %parallel_loop3A_1130 : vector<32xbf16>
        %parallel_loop3A_1132 = vector.bitcast %parallel_loop3A_1126 : vector<16xi32> to vector<32xbf16>
        %parallel_loop3A_1133 = vector.bitcast %parallel_loop3A_1127 : vector<16xi32> to vector<32xbf16>
        %parallel_loop3A_1134 = arith.mulf %parallel_loop3A_1132, %parallel_loop3A_1133 : vector<32xbf16>
        %parallel_loop3A_1135 = arith.addf %parallel_loop3A_1115, %parallel_loop3A_1134 : vector<32xbf16>
        %parallel_loop3A_1136 = arith.constant 6400 : i32
        %parallel_loop3A_1137 = arith.addi %parallel_loop3A_1136, %parallel_loop3A_971 : i32
        %parallel_loop3A_1138 = arith.index_cast %parallel_loop3A_1137 : i32 to index
        %parallel_loop3A_1139 = tpu.vector_load %arg8[%parallel_loop3A_1138] {strides = array<i32>} : memref<12800xi32, #tpu.memory_space<vmem>>, vector<16xi32>,
        %parallel_loop3A_1140 = arith.constant 6800 : i32
        %parallel_loop3A_1141 = arith.addi %parallel_loop3A_1140, %parallel_loop3A_971 : i32
        %parallel_loop3A_1142 = arith.index_cast %parallel_loop3A_1141 : i32 to index
        %parallel_loop3A_1143 = tpu.vector_load %arg8[%parallel_loop3A_1142] {strides = array<i32>} : memref<12800xi32, #tpu.memory_space<vmem>>, vector<16xi32>,
        %parallel_loop3A_1144 = tpu.vector_load_idx %arg5[%parallel_loop3A_1139] : memref<50000xi32, #tpu.memory_space<vmem>>[vector<16xi32>], vector<16xi32>,
        %parallel_loop3A_1145 = tpu.vector_load_idx %arg5[%parallel_loop3A_1143] : memref<50000xi32, #tpu.memory_space<vmem>>[vector<16xi32>], vector<16xi32>,
        %parallel_loop3A_1146 = tpu.vector_load_idx %arg6[%parallel_loop3A_1139] : memref<50000xi32, #tpu.memory_space<vmem>>[vector<16xi32>], vector<16xi32>,
        %parallel_loop3A_1147 = tpu.vector_load_idx %arg6[%parallel_loop3A_1143] : memref<50000xi32, #tpu.memory_space<vmem>>[vector<16xi32>], vector<16xi32>,
        %parallel_loop3A_1148 = vector.bitcast %parallel_loop3A_1144 : vector<16xi32> to vector<32xbf16>
        %parallel_loop3A_1149 = vector.bitcast %parallel_loop3A_1145 : vector<16xi32> to vector<32xbf16>
        %parallel_loop3A_1150 = arith.mulf %parallel_loop3A_1148, %parallel_loop3A_1149 : vector<32xbf16>
        %parallel_loop3A_1151 = arith.addf %parallel_loop3A_1131, %parallel_loop3A_1150 : vector<32xbf16>
        %parallel_loop3A_1152 = vector.bitcast %parallel_loop3A_1146 : vector<16xi32> to vector<32xbf16>
        %parallel_loop3A_1153 = vector.bitcast %parallel_loop3A_1147 : vector<16xi32> to vector<32xbf16>
        %parallel_loop3A_1154 = arith.mulf %parallel_loop3A_1152, %parallel_loop3A_1153 : vector<32xbf16>
        %parallel_loop3A_1155 = arith.addf %parallel_loop3A_1135, %parallel_loop3A_1154 : vector<32xbf16>
        %parallel_loop3A_1156 = arith.constant 7200 : i32
        %parallel_loop3A_1157 = arith.addi %parallel_loop3A_1156, %parallel_loop3A_971 : i32
        %parallel_loop3A_1158 = arith.index_cast %parallel_loop3A_1157 : i32 to index
        %parallel_loop3A_1159 = tpu.vector_load %arg8[%parallel_loop3A_1158] {strides = array<i32>} : memref<12800xi32, #tpu.memory_space<vmem>>, vector<16xi32>,
        %parallel_loop3A_1160 = arith.constant 7600 : i32
        %parallel_loop3A_1161 = arith.addi %parallel_loop3A_1160, %parallel_loop3A_971 : i32
        %parallel_loop3A_1162 = arith.index_cast %parallel_loop3A_1161 : i32 to index
        %parallel_loop3A_1163 = tpu.vector_load %arg8[%parallel_loop3A_1162] {strides = array<i32>} : memref<12800xi32, #tpu.memory_space<vmem>>, vector<16xi32>,
        %parallel_loop3A_1164 = tpu.vector_load_idx %arg5[%parallel_loop3A_1159] : memref<50000xi32, #tpu.memory_space<vmem>>[vector<16xi32>], vector<16xi32>,
        %parallel_loop3A_1165 = tpu.vector_load_idx %arg5[%parallel_loop3A_1163] : memref<50000xi32, #tpu.memory_space<vmem>>[vector<16xi32>], vector<16xi32>,
        %parallel_loop3A_1166 = tpu.vector_load_idx %arg6[%parallel_loop3A_1159] : memref<50000xi32, #tpu.memory_space<vmem>>[vector<16xi32>], vector<16xi32>,
        %parallel_loop3A_1167 = tpu.vector_load_idx %arg6[%parallel_loop3A_1163] : memref<50000xi32, #tpu.memory_space<vmem>>[vector<16xi32>], vector<16xi32>,
        %parallel_loop3A_1168 = vector.bitcast %parallel_loop3A_1164 : vector<16xi32> to vector<32xbf16>
        %parallel_loop3A_1169 = vector.bitcast %parallel_loop3A_1165 : vector<16xi32> to vector<32xbf16>
        %parallel_loop3A_1170 = arith.mulf %parallel_loop3A_1168, %parallel_loop3A_1169 : vector<32xbf16>
        %parallel_loop3A_1171 = arith.addf %parallel_loop3A_1151, %parallel_loop3A_1170 : vector<32xbf16>
        %parallel_loop3A_1172 = vector.bitcast %parallel_loop3A_1166 : vector<16xi32> to vector<32xbf16>
        %parallel_loop3A_1173 = vector.bitcast %parallel_loop3A_1167 : vector<16xi32> to vector<32xbf16>
        %parallel_loop3A_1174 = arith.mulf %parallel_loop3A_1172, %parallel_loop3A_1173 : vector<32xbf16>
        %parallel_loop3A_1175 = arith.addf %parallel_loop3A_1155, %parallel_loop3A_1174 : vector<32xbf16>
        %parallel_loop3A_1176 = arith.constant 8000 : i32
        %parallel_loop3A_1177 = arith.addi %parallel_loop3A_1176, %parallel_loop3A_971 : i32
        %parallel_loop3A_1178 = arith.index_cast %parallel_loop3A_1177 : i32 to index
        %parallel_loop3A_1179 = tpu.vector_load %arg8[%parallel_loop3A_1178] {strides = array<i32>} : memref<12800xi32, #tpu.memory_space<vmem>>, vector<16xi32>,
        %parallel_loop3A_1180 = arith.constant 8400 : i32
        %parallel_loop3A_1181 = arith.addi %parallel_loop3A_1180, %parallel_loop3A_971 : i32
        %parallel_loop3A_1182 = arith.index_cast %parallel_loop3A_1181 : i32 to index
        %parallel_loop3A_1183 = tpu.vector_load %arg8[%parallel_loop3A_1182] {strides = array<i32>} : memref<12800xi32, #tpu.memory_space<vmem>>, vector<16xi32>,
        %parallel_loop3A_1184 = tpu.vector_load_idx %arg5[%parallel_loop3A_1179] : memref<50000xi32, #tpu.memory_space<vmem>>[vector<16xi32>], vector<16xi32>,
        %parallel_loop3A_1185 = tpu.vector_load_idx %arg5[%parallel_loop3A_1183] : memref<50000xi32, #tpu.memory_space<vmem>>[vector<16xi32>], vector<16xi32>,
        %parallel_loop3A_1186 = tpu.vector_load_idx %arg6[%parallel_loop3A_1179] : memref<50000xi32, #tpu.memory_space<vmem>>[vector<16xi32>], vector<16xi32>,
        %parallel_loop3A_1187 = tpu.vector_load_idx %arg6[%parallel_loop3A_1183] : memref<50000xi32, #tpu.memory_space<vmem>>[vector<16xi32>], vector<16xi32>,
        %parallel_loop3A_1188 = vector.bitcast %parallel_loop3A_1184 : vector<16xi32> to vector<32xbf16>
        %parallel_loop3A_1189 = vector.bitcast %parallel_loop3A_1185 : vector<16xi32> to vector<32xbf16>
        %parallel_loop3A_1190 = arith.mulf %parallel_loop3A_1188, %parallel_loop3A_1189 : vector<32xbf16>
        %parallel_loop3A_1191 = arith.addf %parallel_loop3A_1171, %parallel_loop3A_1190 : vector<32xbf16>
        %parallel_loop3A_1192 = vector.bitcast %parallel_loop3A_1186 : vector<16xi32> to vector<32xbf16>
        %parallel_loop3A_1193 = vector.bitcast %parallel_loop3A_1187 : vector<16xi32> to vector<32xbf16>
        %parallel_loop3A_1194 = arith.mulf %parallel_loop3A_1192, %parallel_loop3A_1193 : vector<32xbf16>
        %parallel_loop3A_1195 = arith.addf %parallel_loop3A_1175, %parallel_loop3A_1194 : vector<32xbf16>
        %parallel_loop3A_1196 = arith.constant 8800 : i32
        %parallel_loop3A_1197 = arith.addi %parallel_loop3A_1196, %parallel_loop3A_971 : i32
        %parallel_loop3A_1198 = arith.index_cast %parallel_loop3A_1197 : i32 to index
        %parallel_loop3A_1199 = tpu.vector_load %arg8[%parallel_loop3A_1198] {strides = array<i32>} : memref<12800xi32, #tpu.memory_space<vmem>>, vector<16xi32>,
        %parallel_loop3A_1200 = arith.constant 9200 : i32
        %parallel_loop3A_1201 = arith.addi %parallel_loop3A_1200, %parallel_loop3A_971 : i32
        %parallel_loop3A_1202 = arith.index_cast %parallel_loop3A_1201 : i32 to index
        %parallel_loop3A_1203 = tpu.vector_load %arg8[%parallel_loop3A_1202] {strides = array<i32>} : memref<12800xi32, #tpu.memory_space<vmem>>, vector<16xi32>,
        %parallel_loop3A_1204 = tpu.vector_load_idx %arg5[%parallel_loop3A_1199] : memref<50000xi32, #tpu.memory_space<vmem>>[vector<16xi32>], vector<16xi32>,
        %parallel_loop3A_1205 = tpu.vector_load_idx %arg5[%parallel_loop3A_1203] : memref<50000xi32, #tpu.memory_space<vmem>>[vector<16xi32>], vector<16xi32>,
        %parallel_loop3A_1206 = tpu.vector_load_idx %arg6[%parallel_loop3A_1199] : memref<50000xi32, #tpu.memory_space<vmem>>[vector<16xi32>], vector<16xi32>,
        %parallel_loop3A_1207 = tpu.vector_load_idx %arg6[%parallel_loop3A_1203] : memref<50000xi32, #tpu.memory_space<vmem>>[vector<16xi32>], vector<16xi32>,
        %parallel_loop3A_1208 = vector.bitcast %parallel_loop3A_1204 : vector<16xi32> to vector<32xbf16>
        %parallel_loop3A_1209 = vector.bitcast %parallel_loop3A_1205 : vector<16xi32> to vector<32xbf16>
        %parallel_loop3A_1210 = arith.mulf %parallel_loop3A_1208, %parallel_loop3A_1209 : vector<32xbf16>
        %parallel_loop3A_1211 = arith.addf %parallel_loop3A_1191, %parallel_loop3A_1210 : vector<32xbf16>
        %parallel_loop3A_1212 = vector.bitcast %parallel_loop3A_1206 : vector<16xi32> to vector<32xbf16>
        %parallel_loop3A_1213 = vector.bitcast %parallel_loop3A_1207 : vector<16xi32> to vector<32xbf16>
        %parallel_loop3A_1214 = arith.mulf %parallel_loop3A_1212, %parallel_loop3A_1213 : vector<32xbf16>
        %parallel_loop3A_1215 = arith.addf %parallel_loop3A_1195, %parallel_loop3A_1214 : vector<32xbf16>
        %parallel_loop3A_1216 = arith.constant 9600 : i32
        %parallel_loop3A_1217 = arith.addi %parallel_loop3A_1216, %parallel_loop3A_971 : i32
        %parallel_loop3A_1218 = arith.index_cast %parallel_loop3A_1217 : i32 to index
        %parallel_loop3A_1219 = tpu.vector_load %arg8[%parallel_loop3A_1218] {strides = array<i32>} : memref<12800xi32, #tpu.memory_space<vmem>>, vector<16xi32>,
        %parallel_loop3A_1220 = arith.constant 10000 : i32
        %parallel_loop3A_1221 = arith.addi %parallel_loop3A_1220, %parallel_loop3A_971 : i32
        %parallel_loop3A_1222 = arith.index_cast %parallel_loop3A_1221 : i32 to index
        %parallel_loop3A_1223 = tpu.vector_load %arg8[%parallel_loop3A_1222] {strides = array<i32>} : memref<12800xi32, #tpu.memory_space<vmem>>, vector<16xi32>,
        %parallel_loop3A_1224 = tpu.vector_load_idx %arg5[%parallel_loop3A_1219] : memref<50000xi32, #tpu.memory_space<vmem>>[vector<16xi32>], vector<16xi32>,
        %parallel_loop3A_1225 = tpu.vector_load_idx %arg5[%parallel_loop3A_1223] : memref<50000xi32, #tpu.memory_space<vmem>>[vector<16xi32>], vector<16xi32>,
        %parallel_loop3A_1226 = tpu.vector_load_idx %arg6[%parallel_loop3A_1219] : memref<50000xi32, #tpu.memory_space<vmem>>[vector<16xi32>], vector<16xi32>,
        %parallel_loop3A_1227 = tpu.vector_load_idx %arg6[%parallel_loop3A_1223] : memref<50000xi32, #tpu.memory_space<vmem>>[vector<16xi32>], vector<16xi32>,
        %parallel_loop3A_1228 = vector.bitcast %parallel_loop3A_1224 : vector<16xi32> to vector<32xbf16>
        %parallel_loop3A_1229 = vector.bitcast %parallel_loop3A_1225 : vector<16xi32> to vector<32xbf16>
        %parallel_loop3A_1230 = arith.mulf %parallel_loop3A_1228, %parallel_loop3A_1229 : vector<32xbf16>
        %parallel_loop3A_1231 = arith.addf %parallel_loop3A_1211, %parallel_loop3A_1230 : vector<32xbf16>
        %parallel_loop3A_1232 = vector.bitcast %parallel_loop3A_1226 : vector<16xi32> to vector<32xbf16>
        %parallel_loop3A_1233 = vector.bitcast %parallel_loop3A_1227 : vector<16xi32> to vector<32xbf16>
        %parallel_loop3A_1234 = arith.mulf %parallel_loop3A_1232, %parallel_loop3A_1233 : vector<32xbf16>
        %parallel_loop3A_1235 = arith.addf %parallel_loop3A_1215, %parallel_loop3A_1234 : vector<32xbf16>
        %parallel_loop3A_1236 = arith.constant 10400 : i32
        %parallel_loop3A_1237 = arith.addi %parallel_loop3A_1236, %parallel_loop3A_971 : i32
        %parallel_loop3A_1238 = arith.index_cast %parallel_loop3A_1237 : i32 to index
        %parallel_loop3A_1239 = tpu.vector_load %arg8[%parallel_loop3A_1238] {strides = array<i32>} : memref<12800xi32, #tpu.memory_space<vmem>>, vector<16xi32>,
        %parallel_loop3A_1240 = arith.constant 10800 : i32
        %parallel_loop3A_1241 = arith.addi %parallel_loop3A_1240, %parallel_loop3A_971 : i32
        %parallel_loop3A_1242 = arith.index_cast %parallel_loop3A_1241 : i32 to index
        %parallel_loop3A_1243 = tpu.vector_load %arg8[%parallel_loop3A_1242] {strides = array<i32>} : memref<12800xi32, #tpu.memory_space<vmem>>, vector<16xi32>,
        %parallel_loop3A_1244 = tpu.vector_load_idx %arg5[%parallel_loop3A_1239] : memref<50000xi32, #tpu.memory_space<vmem>>[vector<16xi32>], vector<16xi32>,
        %parallel_loop3A_1245 = tpu.vector_load_idx %arg5[%parallel_loop3A_1243] : memref<50000xi32, #tpu.memory_space<vmem>>[vector<16xi32>], vector<16xi32>,
        %parallel_loop3A_1246 = tpu.vector_load_idx %arg6[%parallel_loop3A_1239] : memref<50000xi32, #tpu.memory_space<vmem>>[vector<16xi32>], vector<16xi32>,
        %parallel_loop3A_1247 = tpu.vector_load_idx %arg6[%parallel_loop3A_1243] : memref<50000xi32, #tpu.memory_space<vmem>>[vector<16xi32>], vector<16xi32>,
        %parallel_loop3A_1248 = vector.bitcast %parallel_loop3A_1244 : vector<16xi32> to vector<32xbf16>
        %parallel_loop3A_1249 = vector.bitcast %parallel_loop3A_1245 : vector<16xi32> to vector<32xbf16>
        %parallel_loop3A_1250 = arith.mulf %parallel_loop3A_1248, %parallel_loop3A_1249 : vector<32xbf16>
        %parallel_loop3A_1251 = arith.addf %parallel_loop3A_1231, %parallel_loop3A_1250 : vector<32xbf16>
        %parallel_loop3A_1252 = vector.bitcast %parallel_loop3A_1246 : vector<16xi32> to vector<32xbf16>
        %parallel_loop3A_1253 = vector.bitcast %parallel_loop3A_1247 : vector<16xi32> to vector<32xbf16>
        %parallel_loop3A_1254 = arith.mulf %parallel_loop3A_1252, %parallel_loop3A_1253 : vector<32xbf16>
        %parallel_loop3A_1255 = arith.addf %parallel_loop3A_1235, %parallel_loop3A_1254 : vector<32xbf16>
        %parallel_loop3A_1256 = arith.constant 11200 : i32
        %parallel_loop3A_1257 = arith.addi %parallel_loop3A_1256, %parallel_loop3A_971 : i32
        %parallel_loop3A_1258 = arith.index_cast %parallel_loop3A_1257 : i32 to index
        %parallel_loop3A_1259 = tpu.vector_load %arg8[%parallel_loop3A_1258] {strides = array<i32>} : memref<12800xi32, #tpu.memory_space<vmem>>, vector<16xi32>,
        %parallel_loop3A_1260 = arith.constant 11600 : i32
        %parallel_loop3A_1261 = arith.addi %parallel_loop3A_1260, %parallel_loop3A_971 : i32
        %parallel_loop3A_1262 = arith.index_cast %parallel_loop3A_1261 : i32 to index
        %parallel_loop3A_1263 = tpu.vector_load %arg8[%parallel_loop3A_1262] {strides = array<i32>} : memref<12800xi32, #tpu.memory_space<vmem>>, vector<16xi32>,
        %parallel_loop3A_1264 = tpu.vector_load_idx %arg5[%parallel_loop3A_1259] : memref<50000xi32, #tpu.memory_space<vmem>>[vector<16xi32>], vector<16xi32>,
        %parallel_loop3A_1265 = tpu.vector_load_idx %arg5[%parallel_loop3A_1263] : memref<50000xi32, #tpu.memory_space<vmem>>[vector<16xi32>], vector<16xi32>,
        %parallel_loop3A_1266 = tpu.vector_load_idx %arg6[%parallel_loop3A_1259] : memref<50000xi32, #tpu.memory_space<vmem>>[vector<16xi32>], vector<16xi32>,
        %parallel_loop3A_1267 = tpu.vector_load_idx %arg6[%parallel_loop3A_1263] : memref<50000xi32, #tpu.memory_space<vmem>>[vector<16xi32>], vector<16xi32>,
        %parallel_loop3A_1268 = vector.bitcast %parallel_loop3A_1264 : vector<16xi32> to vector<32xbf16>
        %parallel_loop3A_1269 = vector.bitcast %parallel_loop3A_1265 : vector<16xi32> to vector<32xbf16>
        %parallel_loop3A_1270 = arith.mulf %parallel_loop3A_1268, %parallel_loop3A_1269 : vector<32xbf16>
        %parallel_loop3A_1271 = arith.addf %parallel_loop3A_1251, %parallel_loop3A_1270 : vector<32xbf16>
        %parallel_loop3A_1272 = vector.bitcast %parallel_loop3A_1266 : vector<16xi32> to vector<32xbf16>
        %parallel_loop3A_1273 = vector.bitcast %parallel_loop3A_1267 : vector<16xi32> to vector<32xbf16>
        %parallel_loop3A_1274 = arith.mulf %parallel_loop3A_1272, %parallel_loop3A_1273 : vector<32xbf16>
        %parallel_loop3A_1275 = arith.addf %parallel_loop3A_1255, %parallel_loop3A_1274 : vector<32xbf16>
        %parallel_loop3A_1276 = arith.constant 12000 : i32
        %parallel_loop3A_1277 = arith.addi %parallel_loop3A_1276, %parallel_loop3A_971 : i32
        %parallel_loop3A_1278 = arith.index_cast %parallel_loop3A_1277 : i32 to index
        %parallel_loop3A_1279 = tpu.vector_load %arg8[%parallel_loop3A_1278] {strides = array<i32>} : memref<12800xi32, #tpu.memory_space<vmem>>, vector<16xi32>,
        %parallel_loop3A_1280 = arith.constant 12400 : i32
        %parallel_loop3A_1281 = arith.addi %parallel_loop3A_1280, %parallel_loop3A_971 : i32
        %parallel_loop3A_1282 = arith.index_cast %parallel_loop3A_1281 : i32 to index
        %parallel_loop3A_1283 = tpu.vector_load %arg8[%parallel_loop3A_1282] {strides = array<i32>} : memref<12800xi32, #tpu.memory_space<vmem>>, vector<16xi32>,
        %parallel_loop3A_1284 = tpu.vector_load_idx %arg5[%parallel_loop3A_1279] : memref<50000xi32, #tpu.memory_space<vmem>>[vector<16xi32>], vector<16xi32>,
        %parallel_loop3A_1285 = tpu.vector_load_idx %arg5[%parallel_loop3A_1283] : memref<50000xi32, #tpu.memory_space<vmem>>[vector<16xi32>], vector<16xi32>,
        %parallel_loop3A_1286 = tpu.vector_load_idx %arg6[%parallel_loop3A_1279] : memref<50000xi32, #tpu.memory_space<vmem>>[vector<16xi32>], vector<16xi32>,
        %parallel_loop3A_1287 = tpu.vector_load_idx %arg6[%parallel_loop3A_1283] : memref<50000xi32, #tpu.memory_space<vmem>>[vector<16xi32>], vector<16xi32>,
        %parallel_loop3A_1288 = vector.bitcast %parallel_loop3A_1284 : vector<16xi32> to vector<32xbf16>
        %parallel_loop3A_1289 = vector.bitcast %parallel_loop3A_1285 : vector<16xi32> to vector<32xbf16>
        %parallel_loop3A_1290 = arith.mulf %parallel_loop3A_1288, %parallel_loop3A_1289 : vector<32xbf16>
        %parallel_loop3A_1291 = arith.addf %parallel_loop3A_1271, %parallel_loop3A_1290 : vector<32xbf16>
        %parallel_loop3A_1292 = vector.bitcast %parallel_loop3A_1286 : vector<16xi32> to vector<32xbf16>
        %parallel_loop3A_1293 = vector.bitcast %parallel_loop3A_1287 : vector<16xi32> to vector<32xbf16>
        %parallel_loop3A_1294 = arith.mulf %parallel_loop3A_1292, %parallel_loop3A_1293 : vector<32xbf16>
        %parallel_loop3A_1295 = arith.addf %parallel_loop3A_1275, %parallel_loop3A_1294 : vector<32xbf16>
        %parallel_loop3A_1296 = tpu.unpack_subelements %parallel_loop3A_1291, 0 {pack_format = #tpu.pack_format<interleaved>} : vector<32xbf16> -> vector<16xf32>
        %parallel_loop3A_1297 = tpu.unpack_subelements %parallel_loop3A_1291, 1 {pack_format = #tpu.pack_format<interleaved>} : vector<32xbf16> -> vector<16xf32>
        %parallel_loop3A_1298 = tpu.unpack_subelements %parallel_loop3A_1295, 0 {pack_format = #tpu.pack_format<interleaved>} : vector<32xbf16> -> vector<16xf32>
        %parallel_loop3A_1299 = tpu.unpack_subelements %parallel_loop3A_1295, 1 {pack_format = #tpu.pack_format<interleaved>} : vector<32xbf16> -> vector<16xf32>
        %parallel_loop3A_1300 = arith.constant 0 : i32
        %parallel_loop3A_1301 = arith.addi %parallel_loop3A_1300, %parallel_loop3A_971 : i32
        %parallel_loop3A_1302 = arith.index_cast %parallel_loop3A_1301 : i32 to index
        %parallel_loop3A_1303 = tpu.vector_load %arg10[%parallel_loop3A_1302] {strides = array<i32>} : memref<1600xf32, #tpu.memory_space<vmem>>, vector<16xf32>,
        tpu.vector_store %arg10[%parallel_loop3A_1302], %parallel_loop3A_1296 {strides = array<i32>} : memref<1600xf32, #tpu.memory_space<vmem>>, vector<16xf32>,
        %parallel_loop3A_1304 = arith.constant 400 : i32
        %parallel_loop3A_1305 = arith.addi %parallel_loop3A_1304, %parallel_loop3A_971 : i32
        %parallel_loop3A_1306 = arith.index_cast %parallel_loop3A_1305 : i32 to index
        %parallel_loop3A_1307 = tpu.vector_load %arg10[%parallel_loop3A_1306] {strides = array<i32>} : memref<1600xf32, #tpu.memory_space<vmem>>, vector<16xf32>,
        tpu.vector_store %arg10[%parallel_loop3A_1306], %parallel_loop3A_1297 {strides = array<i32>} : memref<1600xf32, #tpu.memory_space<vmem>>, vector<16xf32>,
        %parallel_loop3A_1308 = arith.constant 800 : i32
        %parallel_loop3A_1309 = arith.addi %parallel_loop3A_1308, %parallel_loop3A_971 : i32
        %parallel_loop3A_1310 = arith.index_cast %parallel_loop3A_1309 : i32 to index
        %parallel_loop3A_1311 = tpu.vector_load %arg10[%parallel_loop3A_1310] {strides = array<i32>} : memref<1600xf32, #tpu.memory_space<vmem>>, vector<16xf32>,
        tpu.vector_store %arg10[%parallel_loop3A_1310], %parallel_loop3A_1298 {strides = array<i32>} : memref<1600xf32, #tpu.memory_space<vmem>>, vector<16xf32>,
        %parallel_loop3A_1312 = arith.constant 1200 : i32
        %parallel_loop3A_1313 = arith.addi %parallel_loop3A_1312, %parallel_loop3A_971 : i32
        %parallel_loop3A_1314 = arith.index_cast %parallel_loop3A_1313 : i32 to index
        %parallel_loop3A_1315 = tpu.vector_load %arg10[%parallel_loop3A_1314] {strides = array<i32>} : memref<1600xf32, #tpu.memory_space<vmem>>, vector<16xf32>,
        tpu.vector_store %arg10[%parallel_loop3A_1314], %parallel_loop3A_1299 {strides = array<i32>} : memref<1600xf32, #tpu.memory_space<vmem>>, vector<16xf32>,
      } {sc.loop_unroll_factor = 2 : i64, sc.parallel_access}
      %add3A_913 = arith.constant 1 : i32
      %add3A_914 = arith.addi %mul3A_291, %add3A_913 : i32
      %min3A_915 = arith.constant 63 : i32
      %min3A_916 = arith.minsi %add3A_914, %min3A_915 : i32
      %shift_right_logical3A_917 = arith.constant 3 : i32
      %shift_right_logical3A_918 = arith.shrui %min3A_916, %shift_right_logical3A_917 : i32
      %and3A_919 = arith.constant 7 : i32
      %and3A_920 = arith.andi %min3A_916, %and3A_919 : i32
      %mul3A_921 = arith.constant 16 : i32
      %mul3A_922 = arith.muli %mul3A_921, %and3A_920 : i32
      %add3A_923 = arith.addi %arg1, %mul3A_922 : i32
      %min3A_924 = arith.constant 124 : i32
      %min3A_925 = arith.minsi %add3A_923, %min3A_924 : i32
      %mul3A_926 = arith.constant 8 : i32
      %mul3A_927 = arith.muli %shift_right_logical3A_918, %mul3A_926 : i32
      %mul3A_928 = arith.constant 4 : i32
      %mul3A_929 = arith.muli %arg0, %mul3A_928 : i32
      %add3A_930 = arith.addi %mul3A_927, %mul3A_929 : i32
      %mul3A_931 = arith.constant 50000 : i32
      %mul3A_932 = arith.muli %add3A_930, %mul3A_931 : i32
      %mul3A_933 = arith.constant 400 : i32
      %mul3A_934 = arith.muli %min3A_925, %mul3A_933 : i32
      %add3A_935 = arith.addi %mul3A_932, %mul3A_934 : i32
      %add3A_936 = arith.constant 0 : i32
      %add3A_937 = arith.addi %add3A_935, %add3A_936 : i32
      %dma_start3A_938 = arith.constant 0 : i32
      %dma_start3A_939 = tpu.memref_slice %arg10[%dma_start3A_938] : memref<1600xf32, #tpu.memory_space<vmem>> -> memref<400xf32, #tpu.memory_space<vmem>>
      %dma_start3A_940 = tpu.memref_slice %arg4[%add3A_937] : memref<3200000xf32, #tpu.memory_space<hbm>> -> memref<400xf32, #tpu.memory_space<hbm>>
      %dma_start3A_941 = tpu.memref_slice %arg4[%add3A_937] : memref<3200000xf32, #tpu.memory_space<hbm>> -> memref<400xf32, #tpu.memory_space<hbm>>
      %dma_start3A_942 = arith.constant 0 : i32
      %dma_start3A_943 = tpu.memref_slice %arg10[%dma_start3A_942] : memref<1600xf32, #tpu.memory_space<vmem>> -> memref<400xf32, #tpu.memory_space<vmem>>
      tpu.enqueue_dma source(%dma_start3A_943 : memref<400xf32, #tpu.memory_space<vmem>>) target(%dma_start3A_941 : memref<400xf32, #tpu.memory_space<hbm>>) target_semaphore(%arg14 : memref<!tpu.dma_semaphore, #tpu.memory_space<semaphore_mem>>)
      %add3A_944 = arith.constant 50000 : i32
      %add3A_945 = arith.addi %add3A_935, %add3A_944 : i32
      %dma_start3A_946 = arith.constant 400 : i32
      %dma_start3A_947 = tpu.memref_slice %arg10[%dma_start3A_946] : memref<1600xf32, #tpu.memory_space<vmem>> -> memref<400xf32, #tpu.memory_space<vmem>>
      %dma_start3A_948 = tpu.memref_slice %arg4[%add3A_945] : memref<3200000xf32, #tpu.memory_space<hbm>> -> memref<400xf32, #tpu.memory_space<hbm>>
      %dma_start3A_949 = tpu.memref_slice %arg4[%add3A_945] : memref<3200000xf32, #tpu.memory_space<hbm>> -> memref<400xf32, #tpu.memory_space<hbm>>
      %dma_start3A_950 = arith.constant 400 : i32
      %dma_start3A_951 = tpu.memref_slice %arg10[%dma_start3A_950] : memref<1600xf32, #tpu.memory_space<vmem>> -> memref<400xf32, #tpu.memory_space<vmem>>
      tpu.enqueue_dma source(%dma_start3A_951 : memref<400xf32, #tpu.memory_space<vmem>>) target(%dma_start3A_949 : memref<400xf32, #tpu.memory_space<hbm>>) target_semaphore(%arg14 : memref<!tpu.dma_semaphore, #tpu.memory_space<semaphore_mem>>)
      %add3A_952 = arith.constant 100000 : i32
      %add3A_953 = arith.addi %add3A_935, %add3A_952 : i32
      %dma_start3A_954 = arith.constant 800 : i32
      %dma_start3A_955 = tpu.memref_slice %arg10[%dma_start3A_954] : memref<1600xf32, #tpu.memory_space<vmem>> -> memref<400xf32, #tpu.memory_space<vmem>>
      %dma_start3A_956 = tpu.memref_slice %arg4[%add3A_953] : memref<3200000xf32, #tpu.memory_space<hbm>> -> memref<400xf32, #tpu.memory_space<hbm>>
      %dma_start3A_957 = tpu.memref_slice %arg4[%add3A_953] : memref<3200000xf32, #tpu.memory_space<hbm>> -> memref<400xf32, #tpu.memory_space<hbm>>
      %dma_start3A_958 = arith.constant 800 : i32
      %dma_start3A_959 = tpu.memref_slice %arg10[%dma_start3A_958] : memref<1600xf32, #tpu.memory_space<vmem>> -> memref<400xf32, #tpu.memory_space<vmem>>
      tpu.enqueue_dma source(%dma_start3A_959 : memref<400xf32, #tpu.memory_space<vmem>>) target(%dma_start3A_957 : memref<400xf32, #tpu.memory_space<hbm>>) target_semaphore(%arg14 : memref<!tpu.dma_semaphore, #tpu.memory_space<semaphore_mem>>)
      %add3A_960 = arith.constant 150000 : i32
      %add3A_961 = arith.addi %add3A_935, %add3A_960 : i32
      %dma_start3A_962 = arith.constant 1200 : i32
      %dma_start3A_963 = tpu.memref_slice %arg10[%dma_start3A_962] : memref<1600xf32, #tpu.memory_space<vmem>> -> memref<400xf32, #tpu.memory_space<vmem>>
      %dma_start3A_964 = tpu.memref_slice %arg4[%add3A_961] : memref<3200000xf32, #tpu.memory_space<hbm>> -> memref<400xf32, #tpu.memory_space<hbm>>
      %dma_start3A_965 = tpu.memref_slice %arg4[%add3A_961] : memref<3200000xf32, #tpu.memory_space<hbm>> -> memref<400xf32, #tpu.memory_space<hbm>>
      %dma_start3A_966 = arith.constant 1200 : i32
      %dma_start3A_967 = tpu.memref_slice %arg10[%dma_start3A_966] : memref<1600xf32, #tpu.memory_space<vmem>> -> memref<400xf32, #tpu.memory_space<vmem>>
      tpu.enqueue_dma source(%dma_start3A_967 : memref<400xf32, #tpu.memory_space<vmem>>) target(%dma_start3A_965 : memref<400xf32, #tpu.memory_space<hbm>>) target_semaphore(%arg14 : memref<!tpu.dma_semaphore, #tpu.memory_space<semaphore_mem>>)
      %scan3A_968 = arith.constant 0 : i32
      scf.yield %scan3A_968 : i32
    }
    %scan3A_276 = arith.constant 32 : i32
    %dma_wait3A = arith.constant 0 : i32
    %dma_wait3A_277 = tpu.memref_slice %arg3[%dma_wait3A] : memref<12800000xi32, #tpu.memory_space<hbm>> -> memref<12800xi32, #tpu.memory_space<hbm>>
    %dma_wait3A_278 = arith.constant 0 : i32
    %dma_wait3A_279 = tpu.memref_slice %arg3[%dma_wait3A_278] : memref<12800000xi32, #tpu.memory_space<hbm>> -> memref<12800xi32, #tpu.memory_space<hbm>>
    tpu.wait_dma2 semaphore(%arg11 : memref<!tpu.dma_semaphore, #tpu.memory_space<semaphore_mem>>) src(%dma_wait3A_279 : memref<12800xi32, #tpu.memory_space<hbm>>) dst(%arg7 : memref<12800xi32, #tpu.memory_space<vmem>>)
    %dma_wait3A_280 = arith.constant 0 : i32
    %dma_wait3A_281 = tpu.memref_slice %arg4[%dma_wait3A_280] : memref<3200000xf32, #tpu.memory_space<hbm>> -> memref<1600xf32, #tpu.memory_space<hbm>>
    %dma_wait3A_282 = arith.constant 0 : i32
    %dma_wait3A_283 = tpu.memref_slice %arg4[%dma_wait3A_282] : memref<3200000xf32, #tpu.memory_space<hbm>> -> memref<1600xf32, #tpu.memory_space<hbm>>
    tpu.wait_dma2 semaphore(%arg13 : memref<!tpu.dma_semaphore, #tpu.memory_space<semaphore_mem>>) src(%arg9 : memref<1600xf32, #tpu.memory_space<vmem>>) dst(%dma_wait3A_283 : memref<1600xf32, #tpu.memory_space<hbm>>)
    %dma_wait3A_284 = arith.constant 0 : i32
    %dma_wait3A_285 = tpu.memref_slice %arg4[%dma_wait3A_284] : memref<3200000xf32, #tpu.memory_space<hbm>> -> memref<1600xf32, #tpu.memory_space<hbm>>
    %dma_wait3A_286 = arith.constant 0 : i32
    %dma_wait3A_287 = tpu.memref_slice %arg4[%dma_wait3A_286] : memref<3200000xf32, #tpu.memory_space<hbm>> -> memref<1600xf32, #tpu.memory_space<hbm>>
    tpu.wait_dma2 semaphore(%arg14 : memref<!tpu.dma_semaphore, #tpu.memory_space<semaphore_mem>>) src(%arg10 : memref<1600xf32, #tpu.memory_space<vmem>>) dst(%dma_wait3A_287 : memref<1600xf32, #tpu.memory_space<hbm>>)
    return
  }
}

</mosaic_0001>

<sc_bundles>
// kernel: kernel.3.cloned.1.call-start
scs
__scs_entry_jumppad:
0x0: {  	(pc) =	sbr.rel $0x88, $3  }
0x1: {  	(tag) =	ssettag $0x0;
	lr =	simm.s32 $0x1  }
0x2: {  	[smem:$0x3F9F] =	sst lr;
	_ =	strace $0xD0000000  }
0x3: {  	_ = 	snop  }
0x4: {  	_ = 	snop  }
0x5: {  	_ = 	snop  }
0x6: {  	_ = 	snop  }
0x7: {  	_ = 	snop  }
__scs_overlays_trampoline_lowered:
0x8: {  	[smem:$0x3FAE] =	sst s0  }
0x9: {  	[smem:$0x3FAF] =	sst s1  }
0xa: {  	[smem:$0x3FB0] =	sst s2  }
0xb: {  	[smem:$0x3FB1] =	sst s3  }
0xc: {  	[smem:$0x3FB2] =	sst s4  }
0xd: {  	[smem:$0x3FB3] =	sst s5  }
0xe: {  	[smem:$0x3FB4] =	sst s6  }
0xf: {  	[smem:$0x3FB5] =	sst s7  }
0x10: {  	[smem:$0x3FB6] =	sst s8  }
0x11: {  	[smem:$0x3FB7] =	sst s9;
	s0 =	simm.s32 @!p0 $0x0  }
0x12: {  	s1 =	sld [smem:$0x3F9D];
	s0 =	simm.s32 @p0 $0x1  }
0x13: {  	[smem:$0x3FB8] =	sst s0;
	s0 =	simm.s32 @!p1 $0x0  }
0x14: {  	s2 =	sld [smem:$0x3F9C];
	s0 =	simm.s32 @p1 $0x1  }
0x15: {  	[smem:$0x3FB9] =	sst s0;
	s0 =	simm.s32 @!p2 $0x0  }
0x16: {  	s3 =	sld [smem:$0x3FDB];
	s0 =	simm.s32 @p2 $0x1  }
0x17: {  	s4 =	simm.s32 $0x1BF5;
	[smem:$0x3FBB] =	sst s0  }
0x18: {  	s0 =	sld [smem:$0x3F9E];
	_ =	swait.ge [sflag:s4], $0x0  }
0x19: {  	s7 =	sld [smem:$0x3F9F]  }
0x1a: {  	s8 =	sadd.s32 $0xFFFFE003, lr  }
0x1b: {  	s9 =	sadd.s32 $0xFFFFFEF7, lr;
	s5 =	simm.s32 $0xFFFFFFFF;
	p2 =	slt.u32 s8, $0xFFFFF086  }
0x1c: {  	p1 =	slt.u32 s9, $0xF7A;
	s5 =	simm.s32 @!p2 $0x0  }
0x1d: {  	s5 =	simm.s32 @p1 $0x1;
	p0 =	seq.s32 s7, s2  }
0x1e: {  	s7 =	smul.u32 @!p0 $0xF7A, s2;
	p2 =	seq.s32 @!p0 s5, $0x0  }
0x1f: {  	s9 =	smul.u32 $0xF7A, s1;
	s8 =	simm.s32 @!p0 $0x1BF5;
	p2 =	por !p2, p0  }
0x20: {  	[sflag:s8] =	ssyncset.s32 @!p0 $0xFFFFF086;
	s6 =	sadd.s32 @!p0 s3, s7;
	s7 =	simm.s32 @!p0 $0x108  }
0x21: {  	s3 =	sadd.s32 s3, s9;
	s6 =	sadd.s32 @!p0 $0x88, s6;
	s7 =	simm.s32 @p2 $0x1082  }
0x22: {  	[simem:s7], [sflag:s8] =	dma.local @!p0 [hbm:s6], $0xF7A  }
0x23: {  	s9 =	sor.u32 $0xD0000000, s2;
	s6 =	simm.s32 $0x108;
	_ =	swait.ge @!p0 [sflag:s8], $0x0  }
0x24: {  	s3 =	sadd.s32 $0x88, s3;
	s6 =	simm.s32 @!p1 $0x1082;
	[sflag:s4] =	ssyncset.s32 $0xFFFFF086  }
0x25: {  	[simem:s6], [sflag:s4] =	dma.local [hbm:s3], $0xF7A  }
0x26: {  	[smem:$0x3F9F] =	sst s1;
	(tag) =	ssettag s2;
	_ =	strace s9  }
0x27: {  	s1 =	sld [smem:$0x3FAF]  }
0x28: {  	s2 =	sld [smem:$0x3FB0]  }
0x29: {  	s4 =	sld [smem:$0x3FB2]  }
0x2a: {  	p0 =	seq.s32 s5, $0x0;
	s5 =	sld [smem:$0x3FB3]  }
0x2b: {  	s6 =	sld [smem:$0x3FB4]  }
0x2c: {  	s7 =	sld [smem:$0x3FB5]  }
0x2d: {  	s3 =	simm.s32 $0x108;
	s8 =	sld [smem:$0x3FB6]  }
0x2e: {  	s3 =	simm.s32 @!p0 $0x1082;
	s9 =	sld [smem:$0x3FB7]  }
0x2f: {  	lr =	sadd.s32 s0, s3;
	s0 =	sld [smem:$0x3FAE]  }
0x30: {  	s3 =	sld [smem:$0x3FB1]  }
0x31: {  	[smem:$0x3FBA] =	sst s10  }
0x32: {  	s10 =	sld [smem:$0x3FB8];
	_ =	sdelay $0x3  }
0x33: {  	p0 =	seq.s32 s10, $0x1;
	s10 =	sld [smem:$0x3FBA];
	_ =	sdelay $0x3  }
0x34: {  	[smem:$0x3FBA] =	sst s10  }
0x35: {  	s10 =	sld [smem:$0x3FB9];
	_ =	sdelay $0x3  }
0x36: {  	p1 =	seq.s32 s10, $0x1;
	s10 =	sld [smem:$0x3FBA];
	_ =	sdelay $0x3  }
0x37: {  	[smem:$0x3FBA] =	sst s10  }
0x38: {  	s10 =	sld [smem:$0x3FBB]  }
0x39: {  	_ = 	snop;
	(pc) =	sbr.ind lr, $3  }
0x3a: {  	_ = 	snop  }
0x3b: {  	_ = 	snop  }
0x3c: {  	p2 =	seq.s32 s10, $0x1;
	s10 =	sld [smem:$0x3FBA]  }
0x3d: {  	_ =	shalt  }
0x3e: {  	_ =	shalt  }
0x3f: {  	_ =	shalt  }
0x40: {  	_ =	shalt  }
0x41: {  	_ =	shalt  }
0x42: {  	_ =	shalt  }
0x43: {  	_ =	shalt  }
0x44: {  	_ =	shalt  }
0x45: {  	_ =	shalt  }
0x46: {  	_ =	shalt  }
0x47: {  	_ =	shalt  }
0x48: {  	_ =	shalt  }
0x49: {  	_ =	shalt  }
0x4a: {  	_ =	shalt  }
0x4b: {  	_ =	shalt  }
0x4c: {  	_ =	shalt  }
0x4d: {  	_ =	shalt  }
0x4e: {  	_ =	shalt  }
0x4f: {  	_ =	shalt  }
0x50: {  	_ =	shalt  }
0x51: {  	_ =	shalt  }
0x52: {  	_ =	shalt  }
0x53: {  	_ =	shalt  }
0x54: {  	_ =	shalt  }
0x55: {  	_ =	shalt  }
0x56: {  	_ =	shalt  }
0x57: {  	_ =	shalt  }
0x58: {  	_ =	shalt  }
0x59: {  	_ =	shalt  }
0x5a: {  	_ =	shalt  }
0x5b: {  	_ =	shalt  }
0x5c: {  	_ =	shalt  }
0x5d: {  	_ =	shalt  }
0x5e: {  	_ =	shalt  }
0x5f: {  	_ =	shalt  }
0x60: {  	_ =	shalt  }
0x61: {  	_ =	shalt  }
0x62: {  	_ =	shalt  }
0x63: {  	_ =	shalt  }
0x64: {  	_ =	shalt  }
0x65: {  	_ =	shalt  }
0x66: {  	_ =	shalt  }
0x67: {  	_ =	shalt  }
0x68: {  	_ =	shalt  }
0x69: {  	_ =	shalt  }
0x6a: {  	_ =	shalt  }
0x6b: {  	_ =	shalt  }
0x6c: {  	_ =	shalt  }
0x6d: {  	_ =	shalt  }
0x6e: {  	_ =	shalt  }
0x6f: {  	_ =	shalt  }
0x70: {  	_ =	shalt  }
0x71: {  	_ =	shalt  }
0x72: {  	_ =	shalt  }
0x73: {  	_ =	shalt  }
0x74: {  	_ =	shalt  }
0x75: {  	_ =	shalt  }
0x76: {  	_ =	shalt  }
0x77: {  	_ =	shalt  }
0x78: {  	_ =	shalt  }
0x79: {  	_ =	shalt  }
0x7a: {  	_ =	shalt  }
0x7b: {  	_ =	shalt  }
0x7c: {  	_ =	shalt  }
0x7d: {  	_ =	shalt  }
0x7e: {  	_ =	shalt  }
0x7f: {  	_ =	shalt  }
0x80: {  	_ =	shalt  }
0x81: {  	_ =	shalt  }
0x82: {  	_ =	shalt  }
0x83: {  	_ =	shalt  }
0x84: {  	_ =	shalt  }
0x85: {  	_ =	shalt  }
0x86: {  	_ =	shalt  }
0x87: {  	_ =	shalt  }
.Lfunc_end0:
.L_simem_size_0:
called_computation_lowered:
.L_overlay_start_0:
0x88: {  	s2 =	sld [smem:$0x3FD9]  }
0x89: {  	s3 =	sld [smem:$0x3FFE];
	_ =	sdelay $0x1  }
0x8a: {  	s1 =	srdreg.scid  }
0x8b: {  	s0 =	sand.u32 $0x1, s1  }
0x8c: {  	s17 =	sshll.u32 s0, $0xA;
	s2 =	sadd.s32 s3, s2  }
0x8d: {  	s2 =	sadd.s32 s2, s17  }
0x8e: {  	[smem:$0x3FC6] =	sst s2  }
0x8f: {  	_ = 	snop  }
0x90: {  	s2 =	sld [smem:$0x3FD0];
	(tm) =	ssettm $0x1  }
0x91: {  	s18 =	sld [smem:$0x3FFB];
	_ =	sdelay $0x3  }
0x92: {  	_ =	strace s18  }
0x93: {  	s3 =	sld [smem:$0x3FFC];
	_ =	sdelay $0x3  }
0x94: {  	_ =	strace s3  }
0x95: {  	s3 =	sld [smem:$0x3FFD];
	_ =	sdelay $0x3  }
0x96: {  	_ =	strace s3  }
0x97: {  	_ =	strace $0x8FFFFFFF  }
0x98: {  	s19 =	sld [smem:$0x3FDB];
	_ =	sdelay $0x1  }
0x99: {  	s4 =	simm.s32 $_scs_section_size  }
0x9a: {  	s5 =	simm.s32 $_size__tile_overlayer_lowered;
	s6 =	simm.s32 $_tile_overlayer_lowered  }
0x9b: {  	s22 =	simm.s32 $0x1BFF;
	s21 =	sshll.u32 s6, $0x1;
	s3 =	sadd.s32 s4, s19  }
0x9c: {  	s7 =	simm.s32 $0x0;
	s20 =	sshll.u32 s5, $0x1;
	s5 =	sadd.s32 s21, s3  }
0x9d: {  	[timem:s7], [sflag:s22] =	dma.local [hbm:s5], s20  }
0x9e: {  	_ =	swait.ge [sflag:s22], s20  }
0x9f: {  	s4 =	ssub.s32 $0x0, s20;
	[sflag:s22] =	ssyncset.done $0x0  }
0xa0: {  	[sflag:s22] =	ssyncadd.s32 s4;
	_ =	sdelay $0x1  }
0xa1: {  	s23 =	simm.s32 $0x1B8B  }
0xa2: {  	_ =	swait.ge [sflag:s23], $0x1  }
0xa3: {  	[sflag:s23] =	ssyncset.done $0x0  }
0xa4: {  	s25 =	simm.s32 $0x1B8E;
	s24 =	sld [smem:$0x3FFE];
	[sflag:s23] =	ssyncadd.s32 $0xFFFFFFFF  }
0xa5: {  	s26 =	simm.s32 $execute0_lowered;
	[smem:$0x3FD2] =	sst s25  }
0xa6: {  	s5 =	sshll.u32 s26, $0x1;
	_ =	strace $0x80000046;
	[dreg:$0x1] =	wrdreg $0xFFFFFFFF  }
0xa7: {  	s28 =	simm.s32 $_size_execute0_lowered;
	s3 =	sadd.s32 s3, s5;
	[dreg:$0x0] =	wrdreg $0x0  }
0xa8: {  	s5 =	sshll.u32 s28, $0x1;
	[dreg:$0x2] =	wrdreg s3  }
0xa9: {  	[dreg:$0x3] =	wrdreg s5  }
0xaa: {  	[dreg:$0x4] =	wrdreg $0xC0  }
0xab: {  	_ =	task [dreg:s7], $0x5FFFF  }
0xac: {  	[dreg:$0x1] =	wrdreg $0xFFFFFFFF  }
0xad: {  	[dreg:$0x0] =	wrdreg $0x60  }
0xae: {  	[dreg:$0x2] =	wrdreg s2  }
0xaf: {  	[dreg:$0x3] =	wrdreg s24  }
0xb0: {  	[dreg:$0x4] =	wrdreg $0x9  }
0xb1: {  	_ =	task.clear_ibuf [dreg:s7], $0x5FFFF;
	_ =	strace $0x90000046  }
0xb2: {  	s29 =	simm.s32 $0x9;
	_ =	strace $0x80000048  }
0xb3: {  	_ =	swait.ge [sflag:s29], $0x1  }
0xb4: {  	[sflag:s29] =	ssyncadd.s32 $0xFFFFFFFF  }
0xb5: {  	_ =	strace $0x90000048  }
0xb6: {  	_ =	sfence  }
0xb7: {  	s30 =	sld [smem:$0x0];
	_ =	sdelay $0x2  }
0xb8: {  	s31 =	sshll.u32 s1, $0xD;
	s1 =	sshrl.u32 s1, $0x2  }
0xb9: {  	s3 =	sand.u32 $0x4000, s31;
	s1 =	sadd.s32 s1, s30  }
0xba: {  	s0 =	sor.u32 s3, s0;
	s1 =	sshll.u32 s1, $0x11  }
0xbb: {  	s0 =	sor.u32 s1, s0  }
0xbc: {  	s0 =	sadd.s32 $0x8F2B, s0  }
0xbd: {  	[sflag:s0] =	ssyncadd.remote.s32 $0x1  }
0xbe: {  	_ =	sfence.sel $0xFFFF  }
0xbf: {  	[dreg:$0x0] =	wrdreg $0xFFFFFFFF;
	(pc) =	sbr.abs _section_cstart, $3  }
0xc0: {  	[dreg:$0x1] =	wrdreg $0xFFFFFFFF  }
0xc1: {  	_ =	task.clear_ibuf [dreg:s7], $0x2FFFF;
	_ =	strace $0x9FFFFFFF  }
0xc2: {  	(tm) =	ssettm $0x7FFFFFFF  }
0xc3: {  	_ =	shalt  }
tec
execute0_lowered:
.L_overlay_start_1:
0x0: {  	(tag) =	ssettag $0x1  }
0x1: {  	s2 =	srdreg.scid  }
0x2: {  	s0 =	rddreg [dreg:$0x0];
	s5 =	sand.u32 $0x1, s2  }
0x3: {  	s1 =	rddreg [dreg:$0x1];
	s3 =	simm.s32 $0x0;
	s6 =	smul.u32 $0x186A0, s5  }
0x4: {  	s2 =	stileid.u32;
	[smem:$0x7FF] =	sst s3;
	s8 =	ssub.s32 $0x2, s5  }
0x5: {  	s7 =	smul.u32 $0x190, s2;
	s9 =	sshrl.u32 s8, $0x1;
	s6 =	sshrl.u32 s6, $0x3  }
0x6: {  	_ =	strace $0x80000047;
	s19 =	ssub.s32 s8, s9;
	s6 =	sadd.s32 s0, s6  }
0x7: {  	s7 =	sshrl.u32 s7, $0x3;
	s0 =	smax.u32 s19, $0x1;
	[dreg:$0x3] =	wrdreg s6  }
0x8: {  	s7 =	sadd.s32 s1, s7;
	[dreg:$0x16] =	wrdreg s0  }
0x9: {  	s6 =	sadd.s32 $0x186A, s6;
	[dreg:$0x4] =	wrdreg s7  }
0xa: {  	s20 =	sadd.s32 $0x186A, s7;
	[dreg:$0x5] =	wrdreg s6  }
0xb: {  	s21 =	sadd.s32 $0x30D4, s7;
	[dreg:$0x6] =	wrdreg s20  }
0xc: {  	s22 =	sadd.s32 $0x493E, s7;
	[dreg:$0x7] =	wrdreg s21  }
0xd: {  	s23 =	sadd.s32 $0x61A8, s7;
	[dreg:$0x8] =	wrdreg s22  }
0xe: {  	s24 =	sadd.s32 $0x7A12, s7;
	[dreg:$0x9] =	wrdreg s23  }
0xf: {  	s25 =	sadd.s32 $0x927C, s7;
	[dreg:$0xa] =	wrdreg s24  }
0x10: {  	s26 =	sadd.s32 $0xAAE6, s7;
	[dreg:$0xb] =	wrdreg s25  }
0x11: {  	s29 =	sadd.s32 $0xC350, s7;
	[dreg:$0xc] =	wrdreg s26  }
0x12: {  	s30 =	sadd.s32 $0xDBBA, s7;
	[dreg:$0xd] =	wrdreg s29  }
0x13: {  	s31 =	sadd.s32 $0xF424, s7;
	[dreg:$0xe] =	wrdreg s30  }
0x14: {  	s8 =	sadd.s32 $0x10C8E, s7;
	[dreg:$0xf] =	wrdreg s31  }
0x15: {  	s9 =	sadd.s32 $0x124F8, s7;
	[dreg:$0x10] =	wrdreg s8  }
0x16: {  	s10 =	sadd.s32 $0x13D62, s7;
	[dreg:$0x11] =	wrdreg s9  }
0x17: {  	s11 =	sadd.s32 $0x155CC, s7;
	[dreg:$0x12] =	wrdreg s10  }
0x18: {  	s12 =	sadd.s32 $0x16E36, s7;
	[dreg:$0x13] =	wrdreg s11  }
0x19: {  	s13 =	sadd.s32 $0x186A0, s7;
	[dreg:$0x14] =	wrdreg s12  }
0x1a: {  	s14 =	sadd.s32 $0x19F0A, s7;
	[dreg:$0x15] =	wrdreg s13  }
0x1b: {  	s15 =	sadd.s32 $0x1B774, s7;
	[dreg:$0x17] =	wrdreg s14  }
0x1c: {  	s16 =	sadd.s32 $0x1CFDE, s7;
	[dreg:$0x18] =	wrdreg s15  }
0x1d: {  	s28 =	simm.s32 $0x2;
	s17 =	sadd.s32 $0x1E848, s7;
	[dreg:$0x19] =	wrdreg s16  }
0x1e: {  	s4 =	sadd.s32 $0x186A00, s1;
	s18 =	sadd.s32 $0x200B2, s7;
	[dreg:$0x1a] =	wrdreg s17  }
0x1f: {  	s19 =	sadd.s32 $0x2191C, s7;
	s24 =	sshll.u32 s5, $0x2;
	[dreg:$0x1b] =	wrdreg s18  }
0x20: {  	[dreg:$0x1c] =	wrdreg s19;
	s20 =	sadd.s32 $0x23186, s7;
	s21 =	sadd.s32 $0x249F0, s7  }
0x21: {  	s22 =	sadd.s32 $0x2625A, s7;
	s23 =	sadd.s32 $0x27AC4, s7;
	[dreg:$0x1d] =	wrdreg s20  }
0x22: {  	s25 =	sadd.s32 $0x2932E, s7;
	s26 =	sadd.s32 $0x2AB98, s7;
	[dreg:$0x1e] =	wrdreg s21  }
0x23: {  	s29 =	sadd.s32 $0x2C402, s7;
	s30 =	sadd.s32 $0x2DC6C, s7;
	[dreg:$0x1f] =	wrdreg s22  }
0x24: {  	s31 =	sadd.s32 $0x2F4D6, s7;
	s17 =	simm.s32 $0xC380;
	[smem:$0x7F8] =	sst s23  }
0x25: {  	s12 =	simm.s32 $0x1A320;
	s13 =	simm.s32 $0x1A4B0;
	[smem:$0x7F9] =	sst s25  }
0x26: {  	s14 =	simm.s32 $0x1A640;
	s15 =	simm.s32 $0x1A7D0;
	[smem:$0x7FA] =	sst s26  }
0x27: {  	s5 =	simm.s32 $0x1A960;
	s6 =	simm.s32 $0x1AAF0;
	[smem:$0x7FB] =	sst s29  }
0x28: {  	s16 =	simm.s32 $0x1AC80;
	s18 =	simm.s32 $0x1AE10;
	[smem:$0x7FC] =	sst s30  }
0x29: {  	s19 =	simm.s32 $0x1AFA0;
	s8 =	simm.s32 $0x0;
	[smem:$0x7FD] =	sst s31  }
0x2a: {  	s20 =	simm.s32 $0x1B130;
	s21 =	simm.s32 $0x1B2C0;
	s22 =	simm.s32 $0x1B450  }
0x2b: {  	v0 =	vimm.bf16 $0.0e+00;
	s23 =	simm.s32 $0x1B5E0;
	s25 =	simm.s32 $0x1B770;
	s26 =	simm.s32 $0x1  }
.LBB2_1:
0x2c: {  	[smem:$0x7F7] =	sst s8  }
0x2d: {  	s0 =	rddreg [dreg:$0x3];
	s7 =	simm.s32 $0x5  }
0x2e: {  	[tilespmem:s3], [sflag:$0x5] =	stream.linear.gather [hbm4b:s0+s3], $0xC350, $0x38;
	[tilespmem:$0x1F800] =	vst v63  }
0x2f: {  	_ =	swait.ge [sflag:s7], $0xC350  }
0x30: {  	[sflag:s7] =	ssyncset.done $0x0  }
0x31: {  	s31 =	rddreg [dreg:$0x5];
	[sflag:s7] =	ssyncadd.s32 $0xFFFF3CB0  }
0x32: {  	[tilespmem:s17], [sflag:$0x5] =	stream.linear.gather [hbm4b:s31+s3], $0xC350, $0x38;
	[tilespmem:$0x1F800] =	vst v63  }
0x33: {  	_ =	swait.ge [sflag:s7], $0xC350  }
0x34: {  	[sflag:s7] =	ssyncset.done $0x0;
	s8 =	rddreg [dreg:$0x4]  }
0x35: {  	s9 =	simm.s32 $0x18700;
	s10 =	rddreg [dreg:$0x6];
	[sflag:s7] =	ssyncadd.s32 $0xFFFF3CB0  }
0x36: {  	[tilespmem:s9], [sflag:$0x1] =	stream.linear.gather [hbm4b:s8+s3], $0x190, $0x38;
	[tilespmem:$0x1F800] =	vst v63  }
0x37: {  	s11 =	simm.s32 $0x18890;
	s30 =	rddreg [dreg:$0x7]  }
0x38: {  	[tilespmem:s11], [sflag:$0x1] =	stream.linear.gather [hbm4b:s10+s3], $0x190, $0x38;
	[tilespmem:$0x1F800] =	vst v63  }
0x39: {  	s31 =	simm.s32 $0x18A20;
	s7 =	rddreg [dreg:$0x18]  }
0x3a: {  	[tilespmem:s31], [sflag:$0x1] =	stream.linear.gather [hbm4b:s30+s3], $0x190, $0x38;
	[tilespmem:$0x1F800] =	vst v63  }
0x3b: {  	s8 =	rddreg [dreg:$0x8];
	s9 =	simm.s32 $0x18BB0  }
0x3c: {  	[tilespmem:s9], [sflag:$0x1] =	stream.linear.gather [hbm4b:s8+s3], $0x190, $0x38;
	[tilespmem:$0x1F800] =	vst v63  }
0x3d: {  	s10 =	rddreg [dreg:$0x9];
	s11 =	simm.s32 $0x18D40  }
0x3e: {  	[tilespmem:s11], [sflag:$0x1] =	stream.linear.gather [hbm4b:s10+s3], $0x190, $0x38;
	[tilespmem:$0x1F800] =	vst v63  }
0x3f: {  	s30 =	rddreg [dreg:$0xa];
	s31 =	simm.s32 $0x18ED0  }
0x40: {  	[tilespmem:s31], [sflag:$0x1] =	stream.linear.gather [hbm4b:s30+s3], $0x190, $0x38;
	[tilespmem:$0x1F800] =	vst v63  }
0x41: {  	s8 =	rddreg [dreg:$0xb];
	s9 =	simm.s32 $0x19060  }
0x42: {  	[tilespmem:s9], [sflag:$0x1] =	stream.linear.gather [hbm4b:s8+s3], $0x190, $0x38;
	[tilespmem:$0x1F800] =	vst v63  }
0x43: {  	s10 =	rddreg [dreg:$0xc];
	s11 =	simm.s32 $0x191F0  }
0x44: {  	[tilespmem:s11], [sflag:$0x1] =	stream.linear.gather [hbm4b:s10+s3], $0x190, $0x38;
	[tilespmem:$0x1F800] =	vst v63  }
0x45: {  	s30 =	rddreg [dreg:$0xd];
	s31 =	simm.s32 $0x19380  }
0x46: {  	[tilespmem:s31], [sflag:$0x1] =	stream.linear.gather [hbm4b:s30+s3], $0x190, $0x38;
	[tilespmem:$0x1F800] =	vst v63  }
0x47: {  	s8 =	rddreg [dreg:$0xe];
	s9 =	simm.s32 $0x19510  }
0x48: {  	[tilespmem:s9], [sflag:$0x1] =	stream.linear.gather [hbm4b:s8+s3], $0x190, $0x38;
	[tilespmem:$0x1F800] =	vst v63  }
0x49: {  	s10 =	rddreg [dreg:$0xf];
	s11 =	simm.s32 $0x196A0  }
0x4a: {  	[tilespmem:s11], [sflag:$0x1] =	stream.linear.gather [hbm4b:s10+s3], $0x190, $0x38;
	[tilespmem:$0x1F800] =	vst v63  }
0x4b: {  	s30 =	rddreg [dreg:$0x10];
	s31 =	simm.s32 $0x19830  }
0x4c: {  	[tilespmem:s31], [sflag:$0x1] =	stream.linear.gather [hbm4b:s30+s3], $0x190, $0x38;
	[tilespmem:$0x1F800] =	vst v63  }
0x4d: {  	s8 =	rddreg [dreg:$0x11];
	s9 =	simm.s32 $0x199C0  }
0x4e: {  	[tilespmem:s9], [sflag:$0x1] =	stream.linear.gather [hbm4b:s8+s3], $0x190, $0x38;
	[tilespmem:$0x1F800] =	vst v63  }
0x4f: {  	s10 =	rddreg [dreg:$0x12];
	s11 =	simm.s32 $0x19B50  }
0x50: {  	[tilespmem:s11], [sflag:$0x1] =	stream.linear.gather [hbm4b:s10+s3], $0x190, $0x38;
	[tilespmem:$0x1F800] =	vst v63  }
0x51: {  	s30 =	rddreg [dreg:$0x13];
	s31 =	simm.s32 $0x19CE0  }
0x52: {  	[tilespmem:s31], [sflag:$0x1] =	stream.linear.gather [hbm4b:s30+s3], $0x190, $0x38;
	[tilespmem:$0x1F800] =	vst v63  }
0x53: {  	s8 =	rddreg [dreg:$0x14];
	s9 =	simm.s32 $0x19E70  }
0x54: {  	[tilespmem:s9], [sflag:$0x1] =	stream.linear.gather [hbm4b:s8+s3], $0x190, $0x38;
	[tilespmem:$0x1F800] =	vst v63  }
0x55: {  	s10 =	rddreg [dreg:$0x15];
	s11 =	simm.s32 $0x1A000  }
0x56: {  	[tilespmem:s11], [sflag:$0x1] =	stream.linear.gather [hbm4b:s10+s3], $0x190, $0x38;
	[tilespmem:$0x1F800] =	vst v63  }
0x57: {  	s30 =	rddreg [dreg:$0x17];
	s31 =	simm.s32 $0x1A190  }
0x58: {  	[tilespmem:s31], [sflag:$0x1] =	stream.linear.gather [hbm4b:s30+s3], $0x190, $0x38;
	[tilespmem:$0x1F800] =	vst v63  }
0x59: {  	s8 =	rddreg [dreg:$0x19]  }
0x5a: {  	[tilespmem:s12], [sflag:$0x1] =	stream.linear.gather [hbm4b:s7+s3], $0x190, $0x38;
	[tilespmem:$0x1F800] =	vst v63  }
0x5b: {  	s9 =	rddreg [dreg:$0x1a]  }
0x5c: {  	[tilespmem:s13], [sflag:$0x1] =	stream.linear.gather [hbm4b:s8+s3], $0x190, $0x38;
	[tilespmem:$0x1F800] =	vst v63  }
0x5d: {  	s10 =	rddreg [dreg:$0x1b]  }
0x5e: {  	[tilespmem:s14], [sflag:$0x1] =	stream.linear.gather [hbm4b:s9+s3], $0x190, $0x38;
	[tilespmem:$0x1F800] =	vst v63  }
0x5f: {  	s11 =	rddreg [dreg:$0x1c]  }
0x60: {  	[tilespmem:s15], [sflag:$0x1] =	stream.linear.gather [hbm4b:s10+s3], $0x190, $0x38;
	[tilespmem:$0x1F800] =	vst v63  }
0x61: {  	s30 =	rddreg [dreg:$0x1d]  }
0x62: {  	[tilespmem:s5], [sflag:$0x1] =	stream.linear.gather [hbm4b:s11+s3], $0x190, $0x38;
	[tilespmem:$0x1F800] =	vst v63  }
0x63: {  	s31 =	rddreg [dreg:$0x1e]  }
0x64: {  	[tilespmem:s6], [sflag:$0x1] =	stream.linear.gather [hbm4b:s30+s3], $0x190, $0x38;
	[tilespmem:$0x1F800] =	vst v63  }
0x65: {  	s7 =	rddreg [dreg:$0x1f]  }
0x66: {  	[tilespmem:s16], [sflag:$0x1] =	stream.linear.gather [hbm4b:s31+s3], $0x190, $0x38;
	[tilespmem:$0x1F800] =	vst v63  }
0x67: {  	s8 =	sld [smem:$0x7F8]  }
0x68: {  	[tilespmem:s18], [sflag:$0x1] =	stream.linear.gather [hbm4b:s7+s3], $0x190, $0x38;
	[tilespmem:$0x1F800] =	vst v63  }
0x69: {  	s9 =	sld [smem:$0x7F9]  }
0x6a: {  	[tilespmem:s19], [sflag:$0x1] =	stream.linear.gather [hbm4b:s8+s3], $0x190, $0x38;
	[tilespmem:$0x1F800] =	vst v63  }
0x6b: {  	s10 =	sld [smem:$0x7FA]  }
0x6c: {  	[tilespmem:s20], [sflag:$0x1] =	stream.linear.gather [hbm4b:s9+s3], $0x190, $0x38;
	[tilespmem:$0x1F800] =	vst v63  }
0x6d: {  	s11 =	sld [smem:$0x7FB]  }
0x6e: {  	[tilespmem:s21], [sflag:$0x1] =	stream.linear.gather [hbm4b:s10+s3], $0x190, $0x38;
	[tilespmem:$0x1F800] =	vst v63  }
0x6f: {  	s30 =	sld [smem:$0x7FC]  }
0x70: {  	[tilespmem:s22], [sflag:$0x1] =	stream.linear.gather [hbm4b:s11+s3], $0x190, $0x38;
	[tilespmem:$0x1F800] =	vst v63  }
0x71: {  	s31 =	sld [smem:$0x7FD]  }
0x72: {  	[tilespmem:s23], [sflag:$0x1] =	stream.linear.gather [hbm4b:s30+s3], $0x190, $0x38;
	[tilespmem:$0x1F800] =	vst v63  }
0x73: {  	s29 =	simm.s32 $0x0  }
0x74: {  	[tilespmem:s25], [sflag:$0x1] =	stream.linear.gather [hbm4b:s31+s3], $0x190, $0x38;
	[tilespmem:$0x1F800] =	vst v63  }
.LBB2_2:
0x75: {  	s0 =	sshll.u32 s29, $0x5  }
0x76: {  	s0 =	sand.u32 $0x60, s0  }
0x77: {  	s0 =	sor.u32 s0, s2  }
0x78: {  	s7 =	sshrl.u32 s29, $0x2;
	s8 =	sor.u32 $0x10, s0  }
0x79: {  	s7 =	smul.u32 $0x186A00, s7;
	s8 =	smin.u32 s8, $0x7C  }
0x7a: {  	s30 =	smul.u32 $0x190, s8;
	_ =	sdelay $0x1  }
0x7b: {  	s7 =	sadd.s32 s7, s30  }
0x7c: {  	s7 =	sshrl.u32 s7, $0x3  }
0x7d: {  	s10 =	simm.s32 $0x1B900;
	s7 =	sadd.s32 s1, s7  }
0x7e: {  	[tilespmem:s10], [sflag:$0x2] =	stream.linear.gather [hbm4b:s7+s3], $0x190, $0x38;
	[tilespmem:$0x1F800] =	vst v63  }
0x7f: {  	s9 =	simm.s32 $0x1BA90;
	s11 =	sadd.s32 $0x186A, s7  }
0x80: {  	[tilespmem:s9], [sflag:$0x2] =	stream.linear.gather [hbm4b:s11+s3], $0x190, $0x38;
	[tilespmem:$0x1F800] =	vst v63  }
0x81: {  	s10 =	sadd.s32 $0x30D4, s7;
	s11 =	simm.s32 $0x1BC20  }
0x82: {  	[tilespmem:s11], [sflag:$0x2] =	stream.linear.gather [hbm4b:s10+s3], $0x190, $0x38;
	[tilespmem:$0x1F800] =	vst v63  }
0x83: {  	s10 =	sadd.s32 $0x493E, s7;
	s11 =	simm.s32 $0x1BDB0  }
0x84: {  	[tilespmem:s11], [sflag:$0x2] =	stream.linear.gather [hbm4b:s10+s3], $0x190, $0x38;
	[tilespmem:$0x1F800] =	vst v63  }
0x85: {  	s10 =	sadd.s32 $0x61A8, s7;
	s11 =	simm.s32 $0x1BF40  }
0x86: {  	[tilespmem:s11], [sflag:$0x2] =	stream.linear.gather [hbm4b:s10+s3], $0x190, $0x38;
	[tilespmem:$0x1F800] =	vst v63  }
0x87: {  	s10 =	sadd.s32 $0x7A12, s7;
	s11 =	simm.s32 $0x1C0D0  }
0x88: {  	[tilespmem:s11], [sflag:$0x2] =	stream.linear.gather [hbm4b:s10+s3], $0x190, $0x38;
	[tilespmem:$0x1F800] =	vst v63  }
0x89: {  	s10 =	sadd.s32 $0x927C, s7;
	s11 =	simm.s32 $0x1C260  }
0x8a: {  	[tilespmem:s11], [sflag:$0x2] =	stream.linear.gather [hbm4b:s10+s3], $0x190, $0x38;
	[tilespmem:$0x1F800] =	vst v63  }
0x8b: {  	s10 =	sadd.s32 $0xAAE6, s7;
	s11 =	simm.s32 $0x1C3F0  }
0x8c: {  	[tilespmem:s11], [sflag:$0x2] =	stream.linear.gather [hbm4b:s10+s3], $0x190, $0x38;
	[tilespmem:$0x1F800] =	vst v63  }
0x8d: {  	s10 =	sadd.s32 $0xC350, s7;
	s11 =	simm.s32 $0x1C580  }
0x8e: {  	[tilespmem:s11], [sflag:$0x2] =	stream.linear.gather [hbm4b:s10+s3], $0x190, $0x38;
	[tilespmem:$0x1F800] =	vst v63  }
0x8f: {  	s10 =	sadd.s32 $0xDBBA, s7;
	s11 =	simm.s32 $0x1C710  }
0x90: {  	[tilespmem:s11], [sflag:$0x2] =	stream.linear.gather [hbm4b:s10+s3], $0x190, $0x38;
	[tilespmem:$0x1F800] =	vst v63  }
0x91: {  	s10 =	sadd.s32 $0xF424, s7;
	s11 =	simm.s32 $0x1C8A0  }
0x92: {  	[tilespmem:s11], [sflag:$0x2] =	stream.linear.gather [hbm4b:s10+s3], $0x190, $0x38;
	[tilespmem:$0x1F800] =	vst v63  }
0x93: {  	s10 =	sadd.s32 $0x10C8E, s7;
	s11 =	simm.s32 $0x1CA30  }
0x94: {  	[tilespmem:s11], [sflag:$0x2] =	stream.linear.gather [hbm4b:s10+s3], $0x190, $0x38;
	[tilespmem:$0x1F800] =	vst v63  }
0x95: {  	s10 =	sadd.s32 $0x124F8, s7;
	s11 =	simm.s32 $0x1CBC0  }
0x96: {  	[tilespmem:s11], [sflag:$0x2] =	stream.linear.gather [hbm4b:s10+s3], $0x190, $0x38;
	[tilespmem:$0x1F800] =	vst v63  }
0x97: {  	s10 =	sadd.s32 $0x13D62, s7;
	s11 =	simm.s32 $0x1CD50  }
0x98: {  	[tilespmem:s11], [sflag:$0x2] =	stream.linear.gather [hbm4b:s10+s3], $0x190, $0x38;
	[tilespmem:$0x1F800] =	vst v63  }
0x99: {  	s10 =	sadd.s32 $0x155CC, s7;
	s11 =	simm.s32 $0x1CEE0  }
0x9a: {  	[tilespmem:s11], [sflag:$0x2] =	stream.linear.gather [hbm4b:s10+s3], $0x190, $0x38;
	[tilespmem:$0x1F800] =	vst v63  }
0x9b: {  	s10 =	sadd.s32 $0x16E36, s7;
	s11 =	simm.s32 $0x1D070  }
0x9c: {  	[tilespmem:s11], [sflag:$0x2] =	stream.linear.gather [hbm4b:s10+s3], $0x190, $0x38;
	[tilespmem:$0x1F800] =	vst v63  }
0x9d: {  	s10 =	sadd.s32 $0x186A0, s7;
	s11 =	simm.s32 $0x1D200  }
0x9e: {  	[tilespmem:s11], [sflag:$0x2] =	stream.linear.gather [hbm4b:s10+s3], $0x190, $0x38;
	[tilespmem:$0x1F800] =	vst v63  }
0x9f: {  	s10 =	sadd.s32 $0x19F0A, s7;
	s11 =	simm.s32 $0x1D390  }
0xa0: {  	[tilespmem:s11], [sflag:$0x2] =	stream.linear.gather [hbm4b:s10+s3], $0x190, $0x38;
	[tilespmem:$0x1F800] =	vst v63  }
0xa1: {  	s10 =	sadd.s32 $0x1B774, s7;
	s11 =	simm.s32 $0x1D520  }
0xa2: {  	[tilespmem:s11], [sflag:$0x2] =	stream.linear.gather [hbm4b:s10+s3], $0x190, $0x38;
	[tilespmem:$0x1F800] =	vst v63  }
0xa3: {  	s10 =	sadd.s32 $0x1CFDE, s7;
	s11 =	simm.s32 $0x1D6B0  }
0xa4: {  	[tilespmem:s11], [sflag:$0x2] =	stream.linear.gather [hbm4b:s10+s3], $0x190, $0x38;
	[tilespmem:$0x1F800] =	vst v63  }
0xa5: {  	s10 =	sadd.s32 $0x1E848, s7;
	s11 =	simm.s32 $0x1D840  }
0xa6: {  	[tilespmem:s11], [sflag:$0x2] =	stream.linear.gather [hbm4b:s10+s3], $0x190, $0x38;
	[tilespmem:$0x1F800] =	vst v63  }
0xa7: {  	s10 =	sadd.s32 $0x200B2, s7;
	s11 =	simm.s32 $0x1D9D0  }
0xa8: {  	[tilespmem:s11], [sflag:$0x2] =	stream.linear.gather [hbm4b:s10+s3], $0x190, $0x38;
	[tilespmem:$0x1F800] =	vst v63  }
0xa9: {  	s10 =	sadd.s32 $0x2191C, s7;
	s11 =	simm.s32 $0x1DB60  }
0xaa: {  	[tilespmem:s11], [sflag:$0x2] =	stream.linear.gather [hbm4b:s10+s3], $0x190, $0x38;
	[tilespmem:$0x1F800] =	vst v63  }
0xab: {  	s10 =	sadd.s32 $0x23186, s7;
	s11 =	simm.s32 $0x1DCF0  }
0xac: {  	[tilespmem:s11], [sflag:$0x2] =	stream.linear.gather [hbm4b:s10+s3], $0x190, $0x38;
	[tilespmem:$0x1F800] =	vst v63  }
0xad: {  	s10 =	sadd.s32 $0x249F0, s7;
	s11 =	simm.s32 $0x1DE80  }
0xae: {  	[tilespmem:s11], [sflag:$0x2] =	stream.linear.gather [hbm4b:s10+s3], $0x190, $0x38;
	[tilespmem:$0x1F800] =	vst v63  }
0xaf: {  	s10 =	sadd.s32 $0x2625A, s7;
	s11 =	simm.s32 $0x1E010  }
0xb0: {  	[tilespmem:s11], [sflag:$0x2] =	stream.linear.gather [hbm4b:s10+s3], $0x190, $0x38;
	[tilespmem:$0x1F800] =	vst v63  }
0xb1: {  	s10 =	sadd.s32 $0x27AC4, s7;
	s11 =	simm.s32 $0x1E1A0  }
0xb2: {  	[tilespmem:s11], [sflag:$0x2] =	stream.linear.gather [hbm4b:s10+s3], $0x190, $0x38;
	[tilespmem:$0x1F800] =	vst v63  }
0xb3: {  	s10 =	sadd.s32 $0x2932E, s7;
	s11 =	simm.s32 $0x1E330  }
0xb4: {  	[tilespmem:s11], [sflag:$0x2] =	stream.linear.gather [hbm4b:s10+s3], $0x190, $0x38;
	[tilespmem:$0x1F800] =	vst v63  }
0xb5: {  	s10 =	sadd.s32 $0x2AB98, s7;
	s11 =	simm.s32 $0x1E4C0  }
0xb6: {  	[tilespmem:s11], [sflag:$0x2] =	stream.linear.gather [hbm4b:s10+s3], $0x190, $0x38;
	[tilespmem:$0x1F800] =	vst v63  }
0xb7: {  	s10 =	sadd.s32 $0x2C402, s7;
	s11 =	simm.s32 $0x1E650  }
0xb8: {  	[tilespmem:s11], [sflag:$0x2] =	stream.linear.gather [hbm4b:s10+s3], $0x190, $0x38;
	[tilespmem:$0x1F800] =	vst v63  }
0xb9: {  	s10 =	sadd.s32 $0x2DC6C, s7;
	s11 =	simm.s32 $0x1E7E0  }
0xba: {  	[tilespmem:s11], [sflag:$0x2] =	stream.linear.gather [hbm4b:s10+s3], $0x190, $0x38;
	[tilespmem:$0x1F800] =	vst v63  }
0xbb: {  	s9 =	simm.s32 $0x1E970;
	s7 =	sadd.s32 $0x2F4D6, s7  }
0xbc: {  	[tilespmem:s9], [sflag:$0x2] =	stream.linear.gather [hbm4b:s7+s3], $0x190, $0x38;
	[tilespmem:$0x1F800] =	vst v63  }
0xbd: {  	_ =	swait.ge [sflag:s26], $0x3200  }
0xbe: {  	p0 =	seq.s32 s29, $0x0;
	[sflag:s26] =	ssyncset.done $0x0  }
0xbf: {  	s7 =	simm.s32 @!p0 $0x3;
	[sflag:s26] =	ssyncadd.s32 $0xFFFFCE00  }
0xc0: {  	_ =	swait.ge @!p0 [sflag:s7], $0x640  }
0xc1: {  	[sflag:s7] =	ssyncset.done @!p0 $0x0  }
0xc2: {  	s10 =	simm.s32 $0x1A010;
	[sflag:s7] =	ssyncadd.s32 @!p0 $0xFFFFF9C0  }
0xc3: {  	v2 =	vld [tilespmem:s10+$0x15E0]  }
0xc4: {  	v3 =	vld [tilespmem:s10+$0x12C0]  }
0xc5: {  	v4 =	vld [tilespmem:s10+$0x1450]  }
0xc6: {  	v5 =	vld [tilespmem:s10+$0xFA0]  }
0xc7: {  	v6 =	vld [tilespmem:s10+$0x1130]  }
0xc8: {  	v9 =	vld [tilespmem:s10+$0xC80]  }
0xc9: {  	v10 =	vld [tilespmem:s10+$0xE10]  }
0xca: {  	v13 =	vld [tilespmem:s10+$0x960]  }
0xcb: {  	v14 =	vld [tilespmem:s10+$0x640]  }
0xcc: {  	v23 =	vld [tilespmem:s10+$0x7D0]  }
0xcd: {  	v26 =	vld [tilespmem:s10+$0x320]  }
0xce: {  	v27 =	vld [tilespmem:s10+$0x4B0]  }
0xcf: {  	v28 =	vld [tilespmem:s10+$0x0]  }
0xd0: {  	v29 =	vld [tilespmem:s10+$0x190]  }
0xd1: {  	v30 =	vld [tilespmem:s10+$0xFFFFFCE0]  }
0xd2: {  	v31 =	vld [tilespmem:s10+$0xFFFFF9C0]  }
0xd3: {  	v32 =	vld [tilespmem:s10+$0xFFFFFB50]  }
0xd4: {  	v33 =	vld [tilespmem:s10+$0xFFFFF6A0]  }
0xd5: {  	v34 =	vld [tilespmem:s10+$0xFFFFF830]  }
0xd6: {  	v35 =	vld [tilespmem:s10+$0xFFFFF380]  }
0xd7: {  	v36 =	vld [tilespmem:s10+$0xFFFFF510]  }
0xd8: {  	v37 =	vld [tilespmem:s10+$0xFFFFF060]  }
0xd9: {  	v38 =	vld [tilespmem:s10+$0xFFFFED40]  }
0xda: {  	v39 =	vld [tilespmem:s10+$0xFFFFEED0]  }
0xdb: {  	v40 =	vld [tilespmem:s10+$0xFFFFEA20]  }
0xdc: {  	v41 =	vld [tilespmem:s10+$0xFFFFEBB0]  }
0xdd: {  	v42 =	vld [tilespmem:s10+$0xFFFFE700]  }
0xde: {  	s31 =	simm.s32 $0x0;
	v1 =	vld.idx.msk [tilespmem:v2+s3+$0x0], $0xffff  }
0xdf: {  	s11 =	sand.u32 $0x1E0, s31;
	v43 =	vld [tilespmem:s10+$0xFFFFE890]  }
0xe0: {  	v44 =	vld [tilespmem:s11+$0x1B780]  }
0xe1: {  	v45 =	vld [tilespmem:s11+$0x1AB00]  }
0xe2: {  	v46 =	vld [tilespmem:s11+$0x19E80]  }
0xe3: {  	v47 =	vld [tilespmem:s11+$0x19200];
	[tilespmem:$0x1FFE0] =	vst v1  }
0xe4: {  	v1 =	vld.idx.msk [tilespmem:v2+s17+$0x0], $0xffff;
	_ =	sdelay $0x4  }
0xe5: {  	[tilespmem:$0x1FFC0] =	vst v1  }
0xe6: {  	v1 =	vld.idx.msk [tilespmem:v3+s3+$0x0], $0xffff;
	_ =	sdelay $0x4  }
0xe7: {  	[tilespmem:$0x1FE10] =	vst v1  }
0xe8: {  	v1 =	vld.idx.msk [tilespmem:v4+s3+$0x0], $0xffff;
	_ =	sdelay $0x4  }
0xe9: {  	[tilespmem:$0x1FE20] =	vst v1  }
0xea: {  	v1 =	vld.idx.msk [tilespmem:v3+s17+$0x0], $0xffff;
	_ =	sdelay $0x4  }
0xeb: {  	[tilespmem:$0x1FF80] =	vst v1  }
0xec: {  	v1 =	vld.idx.msk [tilespmem:v4+s17+$0x0], $0xffff;
	_ =	sdelay $0x4  }
0xed: {  	[tilespmem:$0x1FF90] =	vst v1  }
0xee: {  	v1 =	vld.idx.msk [tilespmem:v5+s3+$0x0], $0xffff;
	_ =	sdelay $0x4  }
0xef: {  	[tilespmem:$0x1FE30] =	vst v1  }
0xf0: {  	v1 =	vld.idx.msk [tilespmem:v6+s3+$0x0], $0xffff;
	_ =	sdelay $0x4  }
0xf1: {  	[tilespmem:$0x1FE40] =	vst v1  }
0xf2: {  	v1 =	vld.idx.msk [tilespmem:v5+s17+$0x0], $0xffff;
	_ =	sdelay $0x4  }
0xf3: {  	[tilespmem:$0x1FF60] =	vst v1  }
0xf4: {  	v1 =	vld.idx.msk [tilespmem:v6+s17+$0x0], $0xffff;
	_ =	sdelay $0x4  }
0xf5: {  	[tilespmem:$0x1FF70] =	vst v1  }
0xf6: {  	v1 =	vld.idx.msk [tilespmem:v9+s3+$0x0], $0xffff;
	_ =	sdelay $0x4  }
0xf7: {  	[tilespmem:$0x1FE50] =	vst v1  }
0xf8: {  	v1 =	vld.idx.msk [tilespmem:v10+s3+$0x0], $0xffff;
	_ =	sdelay $0x4  }
0xf9: {  	[tilespmem:$0x1FE60] =	vst v1  }
0xfa: {  	v1 =	vld.idx.msk [tilespmem:v9+s17+$0x0], $0xffff;
	_ =	sdelay $0x4  }
0xfb: {  	[tilespmem:$0x1FF10] =	vst v1  }
0xfc: {  	v1 =	vld.idx.msk [tilespmem:v10+s17+$0x0], $0xffff;
	_ =	sdelay $0x4  }
0xfd: {  	[tilespmem:$0x1FF20] =	vst v1  }
0xfe: {  	v1 =	vld.idx.msk [tilespmem:v13+s3+$0x0], $0xffff;
	_ =	sdelay $0x4  }
0xff: {  	[tilespmem:$0x1FFA0] =	vst v1  }
0x100: {  	v1 =	vld.idx.msk [tilespmem:v13+s17+$0x0], $0xffff;
	_ =	sdelay $0x4  }
0x101: {  	[tilespmem:$0x1FEF0] =	vst v1  }
0x102: {  	v1 =	vld.idx.msk [tilespmem:v14+s3+$0x0], $0xffff;
	_ =	sdelay $0x4  }
0x103: {  	[tilespmem:$0x1FE70] =	vst v1  }
0x104: {  	v1 =	vld.idx.msk [tilespmem:v23+s3+$0x0], $0xffff;
	_ =	sdelay $0x4  }
0x105: {  	[tilespmem:$0x1FE80] =	vst v1  }
0x106: {  	v1 =	vld.idx.msk [tilespmem:v14+s17+$0x0], $0xffff;
	_ =	sdelay $0x4  }
0x107: {  	[tilespmem:$0x1FE90] =	vst v1  }
0x108: {  	v1 =	vld.idx.msk [tilespmem:v23+s17+$0x0], $0xffff;
	_ =	sdelay $0x4  }
0x109: {  	[tilespmem:$0x1FEA0] =	vst v1  }
0x10a: {  	v1 =	vld.idx.msk [tilespmem:v26+s3+$0x0], $0xffff;
	_ =	sdelay $0x4  }
0x10b: {  	[tilespmem:$0x1FEB0] =	vst v1  }
0x10c: {  	v48 =	vld.idx.msk [tilespmem:v42+s17+$0x0], $0xffff  }
0x10d: {  	v49 =	vld.idx.msk [tilespmem:v43+s17+$0x0], $0xffff  }
0x10e: {  	v50 =	vld.idx.msk [tilespmem:v40+s17+$0x0], $0xffff  }
0x10f: {  	v51 =	vld.idx.msk [tilespmem:v41+s17+$0x0], $0xffff  }
0x110: {  	v52 =	vld.idx.msk [tilespmem:v38+s17+$0x0], $0xffff  }
0x111: {  	v53 =	vld.idx.msk [tilespmem:v39+s17+$0x0], $0xffff  }
0x112: {  	v54 =	vld.idx.msk [tilespmem:v37+s17+$0x0], $0xffff  }
0x113: {  	v55 =	vld.idx.msk [tilespmem:v35+s17+$0x0], $0xffff  }
0x114: {  	v56 =	vld.idx.msk [tilespmem:v36+s17+$0x0], $0xffff  }
0x115: {  	v57 =	vld.idx.msk [tilespmem:v33+s17+$0x0], $0xffff  }
0x116: {  	v58 =	vld.idx.msk [tilespmem:v34+s17+$0x0], $0xffff  }
0x117: {  	v59 =	vld.idx.msk [tilespmem:v31+s17+$0x0], $0xffff  }
0x118: {  	v60 =	vld.idx.msk [tilespmem:v32+s17+$0x0], $0xffff  }
0x119: {  	v61 =	vld.idx.msk [tilespmem:v30+s17+$0x0], $0xffff  }
0x11a: {  	v1 =	vld.idx.msk [tilespmem:v27+s3+$0x0], $0xffff  }
0x11b: {  	v62 =	vld.idx.msk [tilespmem:v46+s17+$0x0], $0xffff  }
0x11c: {  	v63 =	vld.idx.msk [tilespmem:v28+s17+$0x0], $0xffff  }
0x11d: {  	v7 =	vld.idx.msk [tilespmem:v29+s17+$0x0], $0xffff  }
0x11e: {  	v26 =	vld.idx.msk [tilespmem:v26+s17+$0x0], $0xffff  }
0x11f: {  	v16 =	vld.idx.msk [tilespmem:v27+s17+$0x0], $0xffff;
	[tilespmem:$0x1FEC0] =	vst v1  }
0x120: {  	v1 =	vld.idx.msk [tilespmem:v28+s3+$0x0], $0xffff;
	_ =	sdelay $0x4  }
0x121: {  	[tilespmem:$0x1FED0] =	vst v1  }
0x122: {  	v1 =	vld.idx.msk [tilespmem:v29+s3+$0x0], $0xffff;
	_ =	sdelay $0x4  }
0x123: {  	[tilespmem:$0x1FEE0] =	vst v1  }
0x124: {  	v1 =	vld.idx.msk [tilespmem:v45+s17+$0x0], $0xffff;
	_ =	sdelay $0x4  }
0x125: {  	[tilespmem:$0x1FF00] =	vst v1  }
0x126: {  	v1 =	vld.idx.msk [tilespmem:v30+s3+$0x0], $0xffff;
	_ =	sdelay $0x4  }
0x127: {  	[tilespmem:$0x1FF50] =	vst v1  }
0x128: {  	v1 =	vld.idx.msk [tilespmem:v31+s3+$0x0], $0xffff;
	_ =	sdelay $0x4  }
0x129: {  	[tilespmem:$0x1FF30] =	vst v1  }
0x12a: {  	v1 =	vld.idx.msk [tilespmem:v33+s3+$0x0], $0xffff;
	_ =	sdelay $0x4  }
0x12b: {  	v32 =	vld.idx.msk [tilespmem:v32+s3+$0x0], $0xffff;
	[tilespmem:$0x1FF40] =	vst v1  }
0x12c: {  	v1 =	vld.idx.msk [tilespmem:v44+s17+$0x0], $0xffff;
	_ =	sdelay $0x2  }
0x12d: {  	v33 =	vld.idx.msk [tilespmem:v34+s3+$0x0], $0xffff  }
0x12e: {  	v34 =	vld.idx.msk [tilespmem:v35+s3+$0x0], $0xffff  }
0x12f: {  	v35 =	vld.idx.msk [tilespmem:v36+s3+$0x0], $0xffff;
	[tilespmem:$0x1FFD0] =	vst v1  }
0x130: {  	v36 =	vld.idx.msk [tilespmem:v37+s3+$0x0], $0xffff  }
0x131: {  	v37 =	vld.idx.msk [tilespmem:v38+s3+$0x0], $0xffff  }
0x132: {  	v1 =	vld.idx.msk [tilespmem:v44+s3+$0x0], $0xffff  }
0x133: {  	v38 =	vld.idx.msk [tilespmem:v39+s3+$0x0], $0xffff  }
0x134: {  	v39 =	vld.idx.msk [tilespmem:v40+s3+$0x0], $0xffff  }
0x135: {  	v40 =	vld.idx.msk [tilespmem:v41+s3+$0x0], $0xffff  }
0x136: {  	v41 =	vld.idx.msk [tilespmem:v42+s3+$0x0], $0xffff  }
0x137: {  	v42 =	vld.idx.msk [tilespmem:v43+s3+$0x0], $0xffff;
	[tilespmem:$0x1FFF0] =	vst v1  }
0x138: {  	v1 =	vld.idx.msk [tilespmem:v45+s3+$0x0], $0xffff;
	_ =	sdelay $0x1  }
0x139: {  	v61 =	vmul.bf16 v62, v61;
	v62 =	vld [tilespmem:$0x1FE10]  }
0x13a: {  	v7 =	vmul.bf16 v7, v63;
	v63 =	vld [tilespmem:$0x1FE20]  }
0x13b: {  	v60 =	vmul.bf16 v60, v59;
	v59 =	vld [tilespmem:$0x1FE70]  }
0x13c: {  	v30 =	vld [tilespmem:s10+$0xFFFFE6F0];
	[tilespmem:$0x1FFB0] =	vst v1  }
0x13d: {  	v31 =	vld [tilespmem:s10+$0xFFFFE880]  }
0x13e: {  	v45 =	vld.idx.msk [tilespmem:v46+s3+$0x0], $0xffff  }
0x13f: {  	v46 =	vld.idx.msk [tilespmem:v47+s17+$0x0], $0xffff  }
0x140: {  	v1 =	vld [tilespmem:s10+$0xFFFFEA10]  }
0x141: {  	v47 =	vld.idx.msk [tilespmem:v47+s3+$0x0], $0xffff  }
0x142: {  	v3 =	vld [tilespmem:s10+$0xFFFFEBA0]  }
0x143: {  	v48 =	vmul.bf16 v49, v48;
	v2 =	vld [tilespmem:s10+$0xFFFFED30]  }
0x144: {  	v4 =	vld [tilespmem:s10+$0xFFFFF1E0]  }
0x145: {  	v50 =	vmul.bf16 v51, v50;
	v48 =	vadd.bf16 v0, v48;
	v5 =	vld [tilespmem:s10+$0xFFFFF500]  }
0x146: {  	v51 =	vld [tilespmem:s11+$0x1A000]  }
0x147: {  	v48 =	vadd.bf16 v50, v48;
	v50 =	vmul.bf16 v53, v52;
	v52 =	vld [tilespmem:s10+$0x180]  }
0x148: {  	v53 =	vld [tilespmem:s10+$0x310]  }
0x149: {  	v41 =	vmul.bf16 v42, v41;
	v42 =	vld [tilespmem:s10+$0x7C0]  }
0x14a: {  	v9 =	vld.idx.msk [tilespmem:v30+s3+$0x0], $0xffff  }
0x14b: {  	v48 =	vadd.bf16 v50, v48;
	v43 =	vld.idx.msk [tilespmem:v30+s17+$0x0], $0xffff;
	v46 =	vmul.bf16 v46, v54  }
0x14c: {  	v54 =	vld [tilespmem:s10+$0x4A0]  }
0x14d: {  	v46 =	vadd.bf16 v46, v48;
	v48 =	vmul.bf16 v56, v55;
	v56 =	vld [tilespmem:s10+$0x630]  }
0x14e: {  	v6 =	vld.idx.msk [tilespmem:v31+s3+$0x0], $0xffff  }
0x14f: {  	v44 =	vld.idx.msk [tilespmem:v31+s17+$0x0], $0xffff  }
0x150: {  	v12 =	vld.idx.msk [tilespmem:v1+s3+$0x0], $0xffff  }
0x151: {  	v17 =	vld.idx.msk [tilespmem:v1+s17+$0x0], $0xffff  }
0x152: {  	v1 =	vld [tilespmem:s10+$0xFFFFEEC0]  }
0x153: {  	v8 =	vld.idx.msk [tilespmem:v3+s3+$0x0], $0xffff  }
0x154: {  	v11 =	vld.idx.msk [tilespmem:v3+s17+$0x0], $0xffff  }
0x155: {  	v3 =	vld [tilespmem:s10+$0xFFFFF050]  }
0x156: {  	v14 =	vld.idx.msk [tilespmem:v2+s3+$0x0], $0xffff  }
0x157: {  	v20 =	vld.idx.msk [tilespmem:v2+s17+$0x0], $0xffff  }
0x158: {  	v2 =	vld [tilespmem:s11+$0x19380]  }
0x159: {  	v15 =	vld.idx.msk [tilespmem:v4+s3+$0x0], $0xffff  }
0x15a: {  	v21 =	vld.idx.msk [tilespmem:v4+s17+$0x0], $0xffff  }
0x15b: {  	v19 =	vld.idx.msk [tilespmem:v5+s3+$0x0], $0xffff  }
0x15c: {  	v24 =	vld.idx.msk [tilespmem:v5+s17+$0x0], $0xffff  }
0x15d: {  	v4 =	vld [tilespmem:s10+$0xFFFFFB40]  }
0x15e: {  	v55 =	vld.idx.msk [tilespmem:v51+s3+$0x0], $0xffff  }
0x15f: {  	v51 =	vld.idx.msk [tilespmem:v51+s17+$0x0], $0xffff  }
0x160: {  	v58 =	vmul.bf16 v58, v57;
	v57 =	vld.idx.msk [tilespmem:v52+s3+$0x0], $0xffff  }
0x161: {  	v52 =	vld.idx.msk [tilespmem:v52+s17+$0x0], $0xffff  }
0x162: {  	v39 =	vmul.bf16 v40, v39;
	v40 =	vadd.bf16 v0, v41;
	v41 =	vld.idx.msk [tilespmem:v53+s17+$0x0], $0xffff  }
0x163: {  	v34 =	vmul.bf16 v35, v34;
	v35 =	vld.idx.msk [tilespmem:v42+s17+$0x0], $0xffff;
	v46 =	vadd.bf16 v48, v46  }
0x164: {  	v48 =	vld.idx.msk [tilespmem:v53+s3+$0x0], $0xffff  }
0x165: {  	v46 =	vadd.bf16 v58, v46;
	v58 =	vmul.bf16 v63, v62;
	v62 =	vld [tilespmem:$0x1FE50]  }
0x166: {  	v63 =	vld [tilespmem:$0x1FE60]  }
0x167: {  	v46 =	vadd.bf16 v60, v46;
	v60 =	vld [tilespmem:$0x1FE30]  }
0x168: {  	v16 =	vmul.bf16 v16, v26;
	v26 =	vld.idx.msk [tilespmem:v54+s3+$0x0], $0xffff  }
0x169: {  	v37 =	vmul.bf16 v38, v37;
	v38 =	vadd.bf16 v39, v40;
	v39 =	vld.idx.msk [tilespmem:v54+s17+$0x0], $0xffff  }
0x16a: {  	v6 =	vmul.bf16 v6, v9;
	v9 =	vld.idx.msk [tilespmem:v42+s3+$0x0], $0xffff  }
0x16b: {  	v8 =	vmul.bf16 v8, v12;
	v12 =	vld [tilespmem:s11+$0x1AC80]  }
0x16c: {  	v46 =	vadd.bf16 v61, v46;
	v61 =	vld [tilespmem:$0x1FE40]  }
0x16d: {  	v54 =	vld.idx.msk [tilespmem:v56+s3+$0x0], $0xffff  }
0x16e: {  	v37 =	vadd.bf16 v37, v38;
	v38 =	vld.idx.msk [tilespmem:v56+s17+$0x0], $0xffff  }
0x16f: {  	v56 =	vld [tilespmem:s10+$0x950]  }
0x170: {  	v10 =	vld.idx.msk [tilespmem:v1+s3+$0x0], $0xffff  }
0x171: {  	v13 =	vld.idx.msk [tilespmem:v1+s17+$0x0], $0xffff  }
0x172: {  	v18 =	vld.idx.msk [tilespmem:v3+s3+$0x0], $0xffff  }
0x173: {  	v23 =	vld.idx.msk [tilespmem:v3+s17+$0x0], $0xffff  }
0x174: {  	v1 =	vld [tilespmem:s10+$0xFFFFF690]  }
0x175: {  	v22 =	vld.idx.msk [tilespmem:v2+s3+$0x0], $0xffff  }
0x176: {  	v28 =	vld.idx.msk [tilespmem:v2+s17+$0x0], $0xffff  }
0x177: {  	v2 =	vld [tilespmem:s10+$0xFFFFF820]  }
0x178: {  	v3 =	vld [tilespmem:s10+$0xFFFFF9B0]  }
0x179: {  	v49 =	vld.idx.msk [tilespmem:v4+s3+$0x0], $0xffff  }
0x17a: {  	v4 =	vld.idx.msk [tilespmem:v4+s17+$0x0], $0xffff  }
0x17b: {  	v7 =	vadd.bf16 v7, v46;
	v46 =	vmul.bf16 v63, v62;
	v62 =	vld [tilespmem:$0x1FEA0]  }
0x17c: {  	v6 =	vadd.bf16 v0, v6;
	v63 =	vld [tilespmem:$0x1FED0]  }
0x17d: {  	v53 =	vmul.bf16 v61, v60;
	v60 =	vld [tilespmem:$0x1FE80]  }
0x17e: {  	v6 =	vadd.bf16 v8, v6;
	v61 =	vld [tilespmem:$0x1FE90];
	v8 =	vmul.bf16 v10, v14  }
0x17f: {  	v10 =	vld [tilespmem:s10+$0xF90]  }
0x180: {  	v6 =	vadd.bf16 v8, v6;
	v8 =	vmul.bf16 v15, v18;
	v15 =	vld.idx.msk [tilespmem:v56+s3+$0x0], $0xffff  }
0x181: {  	v25 =	vld.idx.msk [tilespmem:v1+s3+$0x0], $0xffff  }
0x182: {  	v30 =	vld.idx.msk [tilespmem:v1+s17+$0x0], $0xffff  }
0x183: {  	v1 =	vld [tilespmem:s10+$0xFFFFFCD0]  }
0x184: {  	v5 =	vld.idx.msk [tilespmem:v2+s3+$0x0], $0xffff  }
0x185: {  	v27 =	vld.idx.msk [tilespmem:v2+s17+$0x0], $0xffff  }
0x186: {  	v2 =	vld [tilespmem:s10+$0xFFFFFE60]  }
0x187: {  	v40 =	vmul.bf16 v60, v59;
	v59 =	vld [tilespmem:$0x1FEB0]  }
0x188: {  	v60 =	vld [tilespmem:$0x1FEC0]  }
0x189: {  	v7 =	vadd.bf16 v16, v7;
	v16 =	vmul.bf16 v62, v61;
	v61 =	vld [tilespmem:$0x1FEF0]  }
0x18a: {  	v62 =	vld [tilespmem:$0x1FF00]  }
0x18b: {  	v29 =	vld.idx.msk [tilespmem:v3+s3+$0x0], $0xffff;
	v6 =	vadd.bf16 v8, v6;
	v8 =	vmul.bf16 v19, v22  }
0x18c: {  	v31 =	vld.idx.msk [tilespmem:v3+s17+$0x0], $0xffff  }
0x18d: {  	v6 =	vadd.bf16 v8, v6;
	v8 =	vld [tilespmem:s10+$0x12B0]  }
0x18e: {  	v59 =	vmul.bf16 v60, v59;
	v60 =	vld [tilespmem:$0x1FEE0]  }
0x18f: {  	v7 =	vadd.bf16 v16, v7;
	v5 =	vmul.bf16 v5, v25;
	v16 =	vmul.bf16 v62, v61;
	v61 =	vld [tilespmem:$0x1FF20]  }
0x190: {  	v62 =	vld [tilespmem:$0x1FF40]  }
0x191: {  	v5 =	vadd.bf16 v5, v6;
	v6 =	vmul.bf16 v49, v29;
	v49 =	vld [tilespmem:$0x1FFD0]  }
0x192: {  	v3 =	vld.idx.msk [tilespmem:v1+s3+$0x0], $0xffff  }
0x193: {  	v1 =	vld.idx.msk [tilespmem:v1+s17+$0x0], $0xffff  }
0x194: {  	v50 =	vld.idx.msk [tilespmem:v2+s3+$0x0], $0xffff  }
0x195: {  	v36 =	vmul.bf16 v47, v36;
	v47 =	vmul.bf16 v60, v63;
	v60 =	vld [tilespmem:$0x1FF10]  }
0x196: {  	v2 =	vld.idx.msk [tilespmem:v2+s17+$0x0], $0xffff  }
0x197: {  	v63 =	vadd.bf16 v36, v37;
	v36 =	vld [tilespmem:s10+$0xAE0];
	v37 =	vmul.bf16 v44, v43  }
0x198: {  	v43 =	vld [tilespmem:$0x1FF50]  }
0x199: {  	v11 =	vmul.bf16 v11, v17;
	v42 =	vadd.bf16 v0, v37;
	v3 =	vmul.bf16 v50, v3;
	v50 =	vld [tilespmem:s10+$0x15D0]  }
0x19a: {  	v5 =	vadd.bf16 v6, v5;
	v60 =	vmul.bf16 v61, v60;
	v61 =	vld [tilespmem:$0x1FF30]  }
0x19b: {  	v11 =	vadd.bf16 v11, v42;
	v42 =	vld [tilespmem:s10+$0x1440]  }
0x19c: {  	v3 =	vadd.bf16 v3, v5;
	v5 =	vmul.bf16 v57, v55;
	v55 =	vld [tilespmem:s10+$0x1760]  }
0x19d: {  	v7 =	vadd.bf16 v16, v7;
	v63 =	vadd.bf16 v34, v63;
	v57 =	vld [tilespmem:$0x1FFE0]  }
0x19e: {  	v34 =	vmul.bf16 v45, v43;
	v45 =	vld [tilespmem:$0x1FF60];
	v3 =	vadd.bf16 v5, v3;
	v5 =	vmul.bf16 v26, v48  }
0x19f: {  	v43 =	vld [tilespmem:$0x1FFA0];
	v16 =	vmul.bf16 v32, v61;
	v32 =	vmul.bf16 v33, v62  }
0x1a0: {  	v7 =	vadd.bf16 v60, v7;
	v60 =	vld [tilespmem:$0x1FF70]  }
0x1a1: {  	v3 =	vadd.bf16 v5, v3;
	v5 =	vmul.bf16 v9, v54;
	v9 =	vld.idx.msk [tilespmem:v10+s17+$0x0], $0xffff;
	v32 =	vadd.bf16 v32, v63  }
0x1a2: {  	v13 =	vmul.bf16 v13, v20;
	v33 =	vld [tilespmem:s10+$0xE00]  }
0x1a3: {  	v62 =	vld.idx.msk [tilespmem:v36+s3+$0x0], $0xffff;
	v44 =	vadd.bf16 v16, v32  }
0x1a4: {  	v11 =	vadd.bf16 v13, v11;
	v61 =	vmul.bf16 v21, v23;
	v63 =	vld.idx.msk [tilespmem:v56+s17+$0x0], $0xffff  }
0x1a5: {  	v17 =	vmul.bf16 v60, v45;
	v45 =	vld.idx.msk [tilespmem:v12+s3+$0x0], $0xffff;
	v14 =	vadd.bf16 v34, v44  }
0x1a6: {  	v28 =	vmul.bf16 v24, v28;
	v11 =	vadd.bf16 v61, v11;
	v44 =	vld [tilespmem:$0x1FFB0]  }
0x1a7: {  	v16 =	vld [tilespmem:s10+$0x1120];
	v14 =	vadd.bf16 v47, v14  }
0x1a8: {  	v37 =	vmul.bf16 v27, v30;
	v32 =	vld.idx.msk [tilespmem:v36+s17+$0x0], $0xffff;
	v11 =	vadd.bf16 v28, v11  }
0x1a9: {  	v36 =	vld [tilespmem:$0x1FF90];
	v14 =	vadd.bf16 v59, v14  }
0x1aa: {  	v4 =	vmul.bf16 v4, v31;
	v34 =	vld [tilespmem:$0x1FF80];
	v11 =	vadd.bf16 v37, v11  }
0x1ab: {  	v12 =	vld.idx.msk [tilespmem:v12+s17+$0x0], $0xffff;
	v22 =	vmul.bf16 v44, v43;
	v14 =	vadd.bf16 v40, v14  }
0x1ac: {  	v1 =	vmul.bf16 v2, v1;
	v4 =	vadd.bf16 v4, v11;
	v11 =	vld [tilespmem:$0x1FFC0]  }
0x1ad: {  	v3 =	vadd.bf16 v5, v3;
	v5 =	vmul.bf16 v62, v15;
	v62 =	vld.idx.msk [tilespmem:v8+s3+$0x0], $0xffff;
	v47 =	vadd.bf16 v22, v14  }
0x1ae: {  	v1 =	vadd.bf16 v1, v4;
	v4 =	vmul.bf16 v52, v51;
	v59 =	vld [tilespmem:$0x1FFF0]  }
0x1af: {  	v7 =	vadd.bf16 v17, v7;
	v6 =	vld.idx.msk [tilespmem:v33+s3+$0x0], $0xffff;
	v20 =	vmul.bf16 v36, v34;
	v13 =	vadd.bf16 v46, v47  }
0x1b0: {  	v2 =	vld.idx.msk [tilespmem:v33+s17+$0x0], $0xffff;
	v1 =	vadd.bf16 v4, v1;
	v4 =	vmul.bf16 v39, v41  }
0x1b1: {  	v56 =	vld.idx.msk [tilespmem:v16+s3+$0x0], $0xffff;
	v7 =	vadd.bf16 v20, v7;
	v11 =	vmul.bf16 v49, v11;
	v13 =	vadd.bf16 v53, v13  }
0x1b2: {  	v60 =	vld.idx.msk [tilespmem:v16+s17+$0x0], $0xffff;
	v1 =	vadd.bf16 v4, v1;
	v4 =	vmul.bf16 v35, v38  }
0x1b3: {  	v7 =	vadd.bf16 v11, v7;
	v11 =	vld.idx.msk [tilespmem:v10+s3+$0x0], $0xffff;
	v24 =	vmul.bf16 v59, v57;
	v10 =	vadd.bf16 v58, v13  }
0x1b4: {  	v5 =	vadd.bf16 v5, v3;
	v3 =	vld.idx.msk [tilespmem:v42+s17+$0x0], $0xffff;
	v17 =	vmul.bf16 v32, v63;
	v4 =	vadd.bf16 v4, v1  }
0x1b5: {  	s8 =	simm.s32 $0x1EE20;
	v63 =	vld.idx.msk [tilespmem:v42+s3+$0x0], $0xffff;
	v6 =	vmul.bf16 v6, v45;
	v61 =	vunpack.i.u.bf16.f32 v7;
	v10 =	vadd.bf16 v24, v10  }
0x1b6: {  	v1 =	vld.idx.msk [tilespmem:v8+s17+$0x0], $0xffff;
	v8 =	vmul.bf16 v2, v12;
	v7 =	vunpack.i.l.bf16.f32 v7;
	[tilespmem:s8+$0x1A0] =	vst v61;
	v4 =	vadd.bf16 v17, v4  }
0x1b7: {  	v6 =	vadd.bf16 v6, v5;
	v5 =	vld.idx.msk [tilespmem:v55+s3+$0x0], $0xffff;
	v9 =	vmul.bf16 v60, v9;
	[tilespmem:s8+$0x10] =	vst v7;
	v7 =	vunpack.i.l.bf16.f32 v10  }
0x1b8: {  	v2 =	vld.idx.msk [tilespmem:v50+s3+$0x0], $0xffff;
	v10 =	vunpack.i.u.bf16.f32 v10;
	[tilespmem:s8+$0xFFFFFCF0] =	vst v7;
	v7 =	vadd.bf16 v8, v4;
	v8 =	vmul.bf16 v56, v11  }
0x1b9: {  	[tilespmem:s8+$0xFFFFFE80] =	vst v10;
	v4 =	vld.idx.msk [tilespmem:v50+s17+$0x0], $0xffff  }
0x1ba: {  	s9 =	simm.s32 $0x0;
	s7 =	sshll.u32 s29, $0x1;
	s10 =	simm.s32 $0x1A030;
	v8 =	vadd.bf16 v8, v6;
	v7 =	vadd.bf16 v9, v7;
	v9 =	vmul.bf16 v63, v62;
	v6 =	vld.idx.msk [tilespmem:v55+s17+$0x0], $0xffff  }
.LBB2_3:
0x1bb: {  	v18 =	vld [tilespmem:s10+$0x15E0]  }
0x1bc: {  	v1 =	vmul.bf16 v3, v1;
	v30 =	vld [tilespmem:s10+$0x12C0];
	v8 =	vadd.bf16 v9, v8  }
0x1bd: {  	v3 =	vld [tilespmem:s10+$0x1450]  }
0x1be: {  	v1 =	vadd.bf16 v1, v7;
	v2 =	vmul.bf16 v5, v2;
	v32 =	vld [tilespmem:s10+$0xFA0]  }
0x1bf: {  	v33 =	vld [tilespmem:s10+$0x1130]  }
0x1c0: {  	v2 =	vadd.bf16 v2, v8;
	v4 =	vmul.bf16 v6, v4;
	v34 =	vld [tilespmem:s10+$0xC80]  }
0x1c1: {  	v35 =	vld [tilespmem:s10+$0xE10]  }
0x1c2: {  	v1 =	vadd.bf16 v4, v1;
	v4 =	vunpack.i.u.bf16.f32 v2;
	v2 =	vunpack.i.l.bf16.f32 v2;
	v36 =	vld [tilespmem:s10+$0x960]  }
0x1c3: {  	v37 =	vld [tilespmem:s10+$0x640];
	[tilespmem:s8+$0xFFFFFCE0] =	vst v2  }
0x1c4: {  	v2 =	vunpack.i.u.bf16.f32 v1;
	v1 =	vunpack.i.l.bf16.f32 v1;
	v38 =	vld [tilespmem:s10+$0x7D0];
	[tilespmem:s8+$0xFFFFFE70] =	vst v4  }
0x1c5: {  	v29 =	vld [tilespmem:s10+$0x320];
	[tilespmem:s8+$0x0] =	vst v1  }
0x1c6: {  	v28 =	vld [tilespmem:s10+$0x4B0];
	[tilespmem:s8+$0x190] =	vst v2  }
0x1c7: {  	v26 =	vld [tilespmem:s10+$0x0]  }
0x1c8: {  	v27 =	vld [tilespmem:s10+$0x190]  }
0x1c9: {  	v25 =	vld [tilespmem:s10+$0xFFFFFCE0]  }
0x1ca: {  	v24 =	vld [tilespmem:s10+$0xFFFFF9C0]  }
0x1cb: {  	v23 =	vld [tilespmem:s10+$0xFFFFFB50]  }
0x1cc: {  	v22 =	vld [tilespmem:s10+$0xFFFFF6A0]  }
0x1cd: {  	v20 =	vld [tilespmem:s10+$0xFFFFF830]  }
0x1ce: {  	v19 =	vld [tilespmem:s10+$0xFFFFF380]  }
0x1cf: {  	v17 =	vld [tilespmem:s10+$0xFFFFF510]  }
0x1d0: {  	v16 =	vld [tilespmem:s10+$0xFFFFF060]  }
0x1d1: {  	v15 =	vld [tilespmem:s10+$0xFFFFED40]  }
0x1d2: {  	v14 =	vld [tilespmem:s10+$0xFFFFEED0]  }
0x1d3: {  	v13 =	vld [tilespmem:s10+$0xFFFFEA20]  }
0x1d4: {  	v12 =	vld [tilespmem:s10+$0xFFFFEBB0]  }
0x1d5: {  	s31 =	sadd.s32 $0x20, s31;
	v9 =	vld [tilespmem:s10+$0xFFFFE700]  }
0x1d6: {  	s11 =	sand.u32 $0x1E0, s31;
	v10 =	vld [tilespmem:s10+$0xFFFFE890]  }
0x1d7: {  	v11 =	vld [tilespmem:s11+$0x1B780]  }
0x1d8: {  	v8 =	vld [tilespmem:s11+$0x1AB00]  }
0x1d9: {  	v7 =	vld [tilespmem:s11+$0x19E80]  }
0x1da: {  	v6 =	vld [tilespmem:s11+$0x19200]  }
0x1db: {  	v5 =	vld.idx.msk [tilespmem:v18+s3+$0x0], $0xffff  }
0x1dc: {  	v21 =	vld.idx.msk [tilespmem:v18+s17+$0x0], $0xffff  }
0x1dd: {  	v1 =	vld.idx.msk [tilespmem:v30+s3+$0x0], $0xffff  }
0x1de: {  	v2 =	vld.idx.msk [tilespmem:v3+s3+$0x0], $0xffff  }
0x1df: {  	v30 =	vld.idx.msk [tilespmem:v30+s17+$0x0], $0xffff  }
0x1e0: {  	v31 =	vld.idx.msk [tilespmem:v3+s17+$0x0], $0xffff  }
0x1e1: {  	v3 =	vld.idx.msk [tilespmem:v32+s3+$0x0], $0xffff  }
0x1e2: {  	v4 =	vld.idx.msk [tilespmem:v33+s3+$0x0], $0xffff  }
0x1e3: {  	v32 =	vld.idx.msk [tilespmem:v32+s17+$0x0], $0xffff  }
0x1e4: {  	v1 =	vmul.bf16 v2, v1;
	v33 =	vld.idx.msk [tilespmem:v33+s17+$0x0], $0xffff  }
0x1e5: {  	v39 =	vld.idx.msk [tilespmem:v34+s3+$0x0], $0xffff  }
0x1e6: {  	v40 =	vld.idx.msk [tilespmem:v35+s3+$0x0], $0xffff  }
0x1e7: {  	v34 =	vld.idx.msk [tilespmem:v34+s17+$0x0], $0xffff  }
0x1e8: {  	v2 =	vmul.bf16 v4, v3;
	v35 =	vld.idx.msk [tilespmem:v35+s17+$0x0], $0xffff  }
0x1e9: {  	s9 =	sadd.s32 $0x2, s9;
	v18 =	vld.idx.msk [tilespmem:v36+s3+$0x0], $0xffff  }
0x1ea: {  	p1 =	slt.u32 s9, $0x16;
	v36 =	vld.idx.msk [tilespmem:v36+s17+$0x0], $0xffff  }
0x1eb: {  	v4 =	vld.idx.msk [tilespmem:v37+s3+$0x0], $0xffff  }
0x1ec: {  	v3 =	vmul.bf16 v40, v39;
	v41 =	vld.idx.msk [tilespmem:v38+s3+$0x0], $0xffff  }
0x1ed: {  	v37 =	vld.idx.msk [tilespmem:v37+s17+$0x0], $0xffff  }
0x1ee: {  	v38 =	vld.idx.msk [tilespmem:v38+s17+$0x0], $0xffff  }
0x1ef: {  	v39 =	vld.idx.msk [tilespmem:v29+s3+$0x0], $0xffff  }
0x1f0: {  	v40 =	vld.idx.msk [tilespmem:v9+s17+$0x0], $0xffff  }
0x1f1: {  	v42 =	vld.idx.msk [tilespmem:v10+s17+$0x0], $0xffff  }
0x1f2: {  	v4 =	vmul.bf16 v41, v4;
	v43 =	vld.idx.msk [tilespmem:v13+s17+$0x0], $0xffff  }
0x1f3: {  	v41 =	vld.idx.msk [tilespmem:v12+s17+$0x0], $0xffff  }
0x1f4: {  	v44 =	vld.idx.msk [tilespmem:v15+s17+$0x0], $0xffff  }
0x1f5: {  	v45 =	vld.idx.msk [tilespmem:v14+s17+$0x0], $0xffff  }
0x1f6: {  	v46 =	vld.idx.msk [tilespmem:v16+s17+$0x0], $0xffff  }
0x1f7: {  	v40 =	vmul.bf16 v42, v40;
	v42 =	vld.idx.msk [tilespmem:v6+s17+$0x0], $0xffff  }
0x1f8: {  	v47 =	vld.idx.msk [tilespmem:v19+s17+$0x0], $0xffff  }
0x1f9: {  	v40 =	vadd.bf16 v0, v40;
	v41 =	vmul.bf16 v41, v43;
	v43 =	vld.idx.msk [tilespmem:v17+s17+$0x0], $0xffff  }
0x1fa: {  	v48 =	vld.idx.msk [tilespmem:v22+s17+$0x0], $0xffff  }
0x1fb: {  	v40 =	vadd.bf16 v41, v40;
	v41 =	vmul.bf16 v45, v44;
	v44 =	vld.idx.msk [tilespmem:v20+s17+$0x0], $0xffff  }
0x1fc: {  	v45 =	vld.idx.msk [tilespmem:v24+s17+$0x0], $0xffff  }
0x1fd: {  	v40 =	vadd.bf16 v41, v40;
	v41 =	vmul.bf16 v42, v46;
	v42 =	vld.idx.msk [tilespmem:v23+s17+$0x0], $0xffff  }
0x1fe: {  	v46 =	vld.idx.msk [tilespmem:v25+s17+$0x0], $0xffff  }
0x1ff: {  	v40 =	vadd.bf16 v41, v40;
	v41 =	vmul.bf16 v43, v47;
	v43 =	vld.idx.msk [tilespmem:v7+s17+$0x0], $0xffff  }
0x200: {  	v47 =	vld.idx.msk [tilespmem:v26+s17+$0x0], $0xffff  }
0x201: {  	v40 =	vadd.bf16 v41, v40;
	v41 =	vmul.bf16 v44, v48;
	v44 =	vld.idx.msk [tilespmem:v27+s17+$0x0], $0xffff  }
0x202: {  	v29 =	vld.idx.msk [tilespmem:v29+s17+$0x0], $0xffff  }
0x203: {  	v40 =	vadd.bf16 v41, v40;
	v41 =	vmul.bf16 v42, v45;
	v42 =	vld.idx.msk [tilespmem:v28+s17+$0x0], $0xffff  }
0x204: {  	v28 =	vld.idx.msk [tilespmem:v28+s3+$0x0], $0xffff  }
0x205: {  	v40 =	vadd.bf16 v41, v40;
	v41 =	vmul.bf16 v43, v46;
	v26 =	vld.idx.msk [tilespmem:v26+s3+$0x0], $0xffff  }
0x206: {  	v27 =	vld.idx.msk [tilespmem:v27+s3+$0x0], $0xffff  }
0x207: {  	v40 =	vadd.bf16 v41, v40;
	v41 =	vmul.bf16 v44, v47;
	v43 =	vld.idx.msk [tilespmem:v8+s17+$0x0], $0xffff  }
0x208: {  	v25 =	vld.idx.msk [tilespmem:v25+s3+$0x0], $0xffff  }
0x209: {  	v40 =	vadd.bf16 v41, v40;
	v29 =	vmul.bf16 v42, v29;
	v24 =	vld.idx.msk [tilespmem:v24+s3+$0x0], $0xffff  }
0x20a: {  	v28 =	vmul.bf16 v28, v39;
	v23 =	vld.idx.msk [tilespmem:v23+s3+$0x0], $0xffff  }
0x20b: {  	v37 =	vmul.bf16 v38, v37;
	v29 =	vadd.bf16 v29, v40;
	v22 =	vld.idx.msk [tilespmem:v22+s3+$0x0], $0xffff  }
0x20c: {  	v26 =	vmul.bf16 v27, v26;
	v20 =	vld.idx.msk [tilespmem:v20+s3+$0x0], $0xffff  }
0x20d: {  	v27 =	vadd.bf16 v37, v29;
	v29 =	vmul.bf16 v43, v36;
	v19 =	vld.idx.msk [tilespmem:v19+s3+$0x0], $0xffff  }
0x20e: {  	v17 =	vld.idx.msk [tilespmem:v17+s3+$0x0], $0xffff  }
0x20f: {  	v27 =	vadd.bf16 v29, v27;
	v29 =	vmul.bf16 v35, v34;
	v34 =	vld.idx.msk [tilespmem:v11+s17+$0x0], $0xffff  }
0x210: {  	v23 =	vmul.bf16 v23, v24;
	v16 =	vld.idx.msk [tilespmem:v16+s3+$0x0], $0xffff  }
0x211: {  	v24 =	vadd.bf16 v29, v27;
	v27 =	vmul.bf16 v33, v32;
	v15 =	vld.idx.msk [tilespmem:v15+s3+$0x0], $0xffff  }
0x212: {  	v20 =	vmul.bf16 v20, v22;
	v14 =	vld.idx.msk [tilespmem:v14+s3+$0x0], $0xffff  }
0x213: {  	v22 =	vadd.bf16 v27, v24;
	v24 =	vmul.bf16 v31, v30;
	v13 =	vld.idx.msk [tilespmem:v13+s3+$0x0], $0xffff  }
0x214: {  	v17 =	vmul.bf16 v17, v19;
	v12 =	vld.idx.msk [tilespmem:v12+s3+$0x0], $0xffff  }
0x215: {  	v19 =	vadd.bf16 v24, v22;
	v21 =	vmul.bf16 v34, v21;
	v9 =	vld.idx.msk [tilespmem:v9+s3+$0x0], $0xffff  }
0x216: {  	v10 =	vld.idx.msk [tilespmem:v10+s3+$0x0], $0xffff  }
0x217: {  	v19 =	vadd.bf16 v21, v19;
	v11 =	vld.idx.msk [tilespmem:v11+s3+$0x0], $0xffff  }
0x218: {  	v14 =	vmul.bf16 v14, v15;
	v8 =	vld.idx.msk [tilespmem:v8+s3+$0x0], $0xffff  }
0x219: {  	s8 =	sadd.s32 $0x20, s8;
	v15 =	vunpack.i.u.bf16.f32 v19;
	v19 =	vunpack.i.l.bf16.f32 v19;
	v7 =	vld.idx.msk [tilespmem:v7+s3+$0x0], $0xffff  }
0x21a: {  	v12 =	vmul.bf16 v12, v13;
	v6 =	vld.idx.msk [tilespmem:v6+s3+$0x0], $0xffff;
	[tilespmem:s8+$0x1A0] =	vst v15  }
0x21b: {  	v13 =	vld [tilespmem:s10+$0xFFFFE880];
	[tilespmem:s8+$0x10] =	vst v19  }
0x21c: {  	v9 =	vmul.bf16 v10, v9;
	v15 =	vld [tilespmem:s10+$0xFFFFE6F0]  }
0x21d: {  	v5 =	vmul.bf16 v11, v5;
	v10 =	vld [tilespmem:s10+$0xFFFFEA10]  }
0x21e: {  	v9 =	vadd.bf16 v0, v9;
	v8 =	vmul.bf16 v8, v18;
	v11 =	vld [tilespmem:s10+$0xFFFFEBA0]  }
0x21f: {  	v7 =	vmul.bf16 v7, v25;
	v18 =	vld [tilespmem:s10+$0xFFFFED30]  }
0x220: {  	v9 =	vadd.bf16 v12, v9;
	v6 =	vmul.bf16 v6, v16;
	v19 =	vld [tilespmem:s10+$0xFFFFEEC0]  }
0x221: {  	v12 =	vld [tilespmem:s10+$0xFFFFF050]  }
0x222: {  	v9 =	vadd.bf16 v14, v9;
	v16 =	vld [tilespmem:s10+$0xFFFFF1E0]  }
0x223: {  	v14 =	vld.idx.msk [tilespmem:v13+s3+$0x0], $0xffff  }
0x224: {  	v6 =	vadd.bf16 v6, v9;
	v21 =	vld.idx.msk [tilespmem:v15+s3+$0x0], $0xffff  }
0x225: {  	v9 =	vld.idx.msk [tilespmem:v15+s17+$0x0], $0xffff  }
0x226: {  	v6 =	vadd.bf16 v17, v6;
	v13 =	vld.idx.msk [tilespmem:v13+s17+$0x0], $0xffff  }
0x227: {  	v15 =	vld.idx.msk [tilespmem:v10+s3+$0x0], $0xffff  }
0x228: {  	v6 =	vadd.bf16 v20, v6;
	v17 =	vld.idx.msk [tilespmem:v11+s3+$0x0], $0xffff  }
0x229: {  	v10 =	vld.idx.msk [tilespmem:v10+s17+$0x0], $0xffff  }
0x22a: {  	v14 =	vmul.bf16 v14, v21;
	v6 =	vadd.bf16 v23, v6;
	v11 =	vld.idx.msk [tilespmem:v11+s17+$0x0], $0xffff  }
0x22b: {  	v20 =	vld [tilespmem:s11+$0x19380]  }
0x22c: {  	v14 =	vadd.bf16 v0, v14;
	v9 =	vmul.bf16 v13, v9;
	v6 =	vadd.bf16 v7, v6;
	v13 =	vld [tilespmem:s10+$0xFFFFF500]  }
0x22d: {  	v7 =	vld.idx.msk [tilespmem:v18+s3+$0x0], $0xffff  }
0x22e: {  	v9 =	vadd.bf16 v0, v9;
	v15 =	vmul.bf16 v17, v15;
	v6 =	vadd.bf16 v26, v6;
	v17 =	vld.idx.msk [tilespmem:v19+s3+$0x0], $0xffff  }
0x22f: {  	v18 =	vld.idx.msk [tilespmem:v18+s17+$0x0], $0xffff  }
0x230: {  	v14 =	vadd.bf16 v15, v14;
	v10 =	vmul.bf16 v11, v10;
	v6 =	vadd.bf16 v28, v6;
	v11 =	vld.idx.msk [tilespmem:v19+s17+$0x0], $0xffff  }
0x231: {  	v15 =	vld [tilespmem:s10+$0xFFFFF690]  }
0x232: {  	v9 =	vadd.bf16 v10, v9;
	v4 =	vadd.bf16 v4, v6;
	v10 =	vld [tilespmem:s10+$0xFFFFF820]  }
0x233: {  	v6 =	vld.idx.msk [tilespmem:v12+s3+$0x0], $0xffff  }
0x234: {  	v7 =	vmul.bf16 v17, v7;
	v4 =	vadd.bf16 v8, v4;
	v17 =	vld.idx.msk [tilespmem:v16+s3+$0x0], $0xffff  }
0x235: {  	v8 =	vld.idx.msk [tilespmem:v12+s17+$0x0], $0xffff  }
0x236: {  	v7 =	vadd.bf16 v7, v14;
	v11 =	vmul.bf16 v11, v18;
	v3 =	vadd.bf16 v3, v4;
	v12 =	vld.idx.msk [tilespmem:v16+s17+$0x0], $0xffff  }
0x237: {  	v4 =	vld [tilespmem:s10+$0xFFFFF9B0]  }
0x238: {  	v9 =	vadd.bf16 v11, v9;
	v2 =	vadd.bf16 v2, v3;
	v11 =	vld [tilespmem:s10+$0xFFFFFB40]  }
0x239: {  	v3 =	vld.idx.msk [tilespmem:v20+s3+$0x0], $0xffff  }
0x23a: {  	v6 =	vmul.bf16 v17, v6;
	v1 =	vadd.bf16 v1, v2;
	v14 =	vld.idx.msk [tilespmem:v20+s17+$0x0], $0xffff  }
0x23b: {  	v2 =	vld.idx.msk [tilespmem:v13+s3+$0x0], $0xffff  }
0x23c: {  	v6 =	vadd.bf16 v6, v7;
	v7 =	vmul.bf16 v12, v8;
	v1 =	vadd.bf16 v5, v1;
	v8 =	vld.idx.msk [tilespmem:v13+s17+$0x0], $0xffff  }
0x23d: {  	v5 =	vld [tilespmem:s10+$0xFFFFFCD0]  }
0x23e: {  	v7 =	vadd.bf16 v7, v9;
	v12 =	vunpack.i.u.bf16.f32 v1;
	v1 =	vunpack.i.l.bf16.f32 v1;
	v9 =	vld [tilespmem:s10+$0xFFFFFE60]  }
0x23f: {  	v13 =	vld.idx.msk [tilespmem:v15+s3+$0x0], $0xffff;
	[tilespmem:s8+$0xFFFFFCF0] =	vst v1  }
0x240: {  	v1 =	vld.idx.msk [tilespmem:v10+s3+$0x0], $0xffff;
	[tilespmem:s8+$0xFFFFFE80] =	vst v12  }
0x241: {  	v2 =	vmul.bf16 v2, v3;
	v3 =	vld.idx.msk [tilespmem:v15+s17+$0x0], $0xffff  }
0x242: {  	v8 =	vmul.bf16 v8, v14;
	v10 =	vld.idx.msk [tilespmem:v10+s17+$0x0], $0xffff  }
0x243: {  	v2 =	vadd.bf16 v2, v6;
	v6 =	vld [tilespmem:s11+$0x1A000]  }
0x244: {  	v7 =	vadd.bf16 v8, v7;
	v8 =	vld [tilespmem:s10+$0x180]  }
0x245: {  	v12 =	vld.idx.msk [tilespmem:v4+s3+$0x0], $0xffff  }
0x246: {  	v1 =	vmul.bf16 v1, v13;
	v13 =	vld.idx.msk [tilespmem:v11+s3+$0x0], $0xffff  }
0x247: {  	v4 =	vld.idx.msk [tilespmem:v4+s17+$0x0], $0xffff  }
0x248: {  	v1 =	vadd.bf16 v1, v2;
	v2 =	vmul.bf16 v10, v3;
	v3 =	vld.idx.msk [tilespmem:v11+s17+$0x0], $0xffff  }
0x249: {  	v10 =	vld [tilespmem:s10+$0x310]  }
0x24a: {  	v2 =	vadd.bf16 v2, v7;
	v7 =	vld [tilespmem:s10+$0x4A0]  }
0x24b: {  	v11 =	vld.idx.msk [tilespmem:v5+s3+$0x0], $0xffff  }
0x24c: {  	v12 =	vmul.bf16 v13, v12;
	v13 =	vld.idx.msk [tilespmem:v9+s3+$0x0], $0xffff  }
0x24d: {  	v5 =	vld.idx.msk [tilespmem:v5+s17+$0x0], $0xffff  }
0x24e: {  	v1 =	vadd.bf16 v12, v1;
	v3 =	vmul.bf16 v3, v4;
	v4 =	vld.idx.msk [tilespmem:v9+s17+$0x0], $0xffff  }
0x24f: {  	v9 =	vld [tilespmem:s10+$0x630]  }
0x250: {  	v2 =	vadd.bf16 v3, v2;
	v3 =	vld [tilespmem:s10+$0x7C0]  }
0x251: {  	v12 =	vld.idx.msk [tilespmem:v6+s3+$0x0], $0xffff  }
0x252: {  	v11 =	vmul.bf16 v13, v11;
	v6 =	vld.idx.msk [tilespmem:v6+s17+$0x0], $0xffff  }
0x253: {  	v13 =	vld.idx.msk [tilespmem:v8+s3+$0x0], $0xffff  }
0x254: {  	v1 =	vadd.bf16 v11, v1;
	v4 =	vmul.bf16 v4, v5;
	v5 =	vld.idx.msk [tilespmem:v8+s17+$0x0], $0xffff  }
0x255: {  	v8 =	vld [tilespmem:s10+$0x950]  }
0x256: {  	v2 =	vadd.bf16 v4, v2;
	v4 =	vld [tilespmem:s10+$0xAE0]  }
0x257: {  	v11 =	vld.idx.msk [tilespmem:v10+s3+$0x0], $0xffff  }
0x258: {  	v14 =	vld.idx.msk [tilespmem:v7+s3+$0x0], $0xffff  }
0x259: {  	v12 =	vmul.bf16 v13, v12;
	v10 =	vld.idx.msk [tilespmem:v10+s17+$0x0], $0xffff  }
0x25a: {  	v5 =	vmul.bf16 v5, v6;
	v6 =	vld.idx.msk [tilespmem:v7+s17+$0x0], $0xffff  }
0x25b: {  	v1 =	vadd.bf16 v12, v1;
	v7 =	vld [tilespmem:s11+$0x1AC80]  }
0x25c: {  	v2 =	vadd.bf16 v5, v2;
	v5 =	vld [tilespmem:s10+$0xE00]  }
0x25d: {  	v12 =	vld.idx.msk [tilespmem:v9+s3+$0x0], $0xffff  }
0x25e: {  	v11 =	vmul.bf16 v14, v11;
	v13 =	vld.idx.msk [tilespmem:v3+s3+$0x0], $0xffff  }
0x25f: {  	v9 =	vld.idx.msk [tilespmem:v9+s17+$0x0], $0xffff  }
0x260: {  	v1 =	vadd.bf16 v11, v1;
	v6 =	vmul.bf16 v6, v10;
	v3 =	vld.idx.msk [tilespmem:v3+s17+$0x0], $0xffff  }
0x261: {  	v10 =	vld [tilespmem:s10+$0xF90]  }
0x262: {  	v2 =	vadd.bf16 v6, v2;
	v6 =	vld [tilespmem:s10+$0x1120]  }
0x263: {  	v11 =	vld.idx.msk [tilespmem:v8+s3+$0x0], $0xffff  }
0x264: {  	v12 =	vmul.bf16 v13, v12;
	v13 =	vld.idx.msk [tilespmem:v4+s3+$0x0], $0xffff  }
0x265: {  	v8 =	vld.idx.msk [tilespmem:v8+s17+$0x0], $0xffff  }
0x266: {  	v1 =	vadd.bf16 v12, v1;
	v3 =	vmul.bf16 v3, v9;
	v4 =	vld.idx.msk [tilespmem:v4+s17+$0x0], $0xffff  }
0x267: {  	v9 =	vld [tilespmem:s10+$0x12B0]  }
0x268: {  	v2 =	vadd.bf16 v3, v2;
	v3 =	vld [tilespmem:s10+$0x1440]  }
0x269: {  	v12 =	vld.idx.msk [tilespmem:v7+s3+$0x0], $0xffff  }
0x26a: {  	v11 =	vmul.bf16 v13, v11;
	v7 =	vld.idx.msk [tilespmem:v7+s17+$0x0], $0xffff  }
0x26b: {  	v13 =	vld.idx.msk [tilespmem:v5+s3+$0x0], $0xffff  }
0x26c: {  	v1 =	vadd.bf16 v11, v1;
	v4 =	vmul.bf16 v4, v8;
	v5 =	vld.idx.msk [tilespmem:v5+s17+$0x0], $0xffff  }
0x26d: {  	v11 =	vld [tilespmem:s10+$0x15D0]  }
0x26e: {  	v2 =	vadd.bf16 v4, v2;
	v14 =	vld [tilespmem:s10+$0x1760]  }
0x26f: {  	v4 =	vld.idx.msk [tilespmem:v10+s3+$0x0], $0xffff  }
0x270: {  	v8 =	vld.idx.msk [tilespmem:v6+s3+$0x0], $0xffff  }
0x271: {  	v12 =	vmul.bf16 v13, v12;
	v10 =	vld.idx.msk [tilespmem:v10+s17+$0x0], $0xffff  }
0x272: {  	v5 =	vmul.bf16 v5, v7;
	v6 =	vld.idx.msk [tilespmem:v6+s17+$0x0], $0xffff  }
0x273: {  	v7 =	vadd.bf16 v12, v1;
	v12 =	vld.idx.msk [tilespmem:v9+s3+$0x0], $0xffff  }
0x274: {  	v13 =	vadd.bf16 v5, v2;
	v15 =	vld.idx.msk [tilespmem:v3+s3+$0x0], $0xffff  }
0x275: {  	v1 =	vld.idx.msk [tilespmem:v9+s17+$0x0], $0xffff  }
.Ltmp0:
0x276: {  	v4 =	vmul.bf16 v8, v4;
	v3 =	vld.idx.msk [tilespmem:v3+s17+$0x0], $0xffff;
	(pc) =	sbr.rel @p1 .LBB2_3-.Ltmp0, $4  }
0x277: {  	v2 =	vld.idx.msk [tilespmem:v11+s3+$0x0], $0xffff  }
0x278: {  	v8 =	vadd.bf16 v4, v7;
	v6 =	vmul.bf16 v6, v10;
	v5 =	vld.idx.msk [tilespmem:v14+s3+$0x0], $0xffff  }
0x279: {  	v4 =	vld.idx.msk [tilespmem:v11+s17+$0x0], $0xffff  }
0x27a: {  	s10 =	sadd.s32 $0x20, s10;
	v7 =	vadd.bf16 v6, v13;
	v9 =	vmul.bf16 v15, v12;
	v6 =	vld.idx.msk [tilespmem:v14+s17+$0x0], $0xffff  }
0x27b: {  	_ =	sdelay $0x1  }
0x27c: {  	v1 =	vmul.bf16 v3, v1;
	v8 =	vadd.bf16 v9, v8;
	v2 =	vmul.bf16 v5, v2;
	_ =	sdelay $0x1  }
0x27d: {  	v1 =	vadd.bf16 v1, v7;
	v2 =	vadd.bf16 v2, v8;
	v3 =	vmul.bf16 v6, v4;
	_ =	sdelay $0x1  }
0x27e: {  	v1 =	vadd.bf16 v3, v1;
	v3 =	vunpack.i.l.bf16.f32 v2  }
0x27f: {  	v2 =	vunpack.i.u.bf16.f32 v2;
	[tilespmem:s8+$0xFFFFFCE0] =	vst v3  }
0x280: {  	[tilespmem:s8+$0xFFFFFE70] =	vst v2;
	v3 =	vunpack.i.l.bf16.f32 v1  }
0x281: {  	v1 =	vunpack.i.u.bf16.f32 v1;
	[tilespmem:s8+$0x0] =	vst v3  }
0x282: {  	[tilespmem:s8+$0x190] =	vst v1  }
0x283: {  	v1 =	vld [tilespmem:$0x18880]  }
0x284: {  	v2 =	vld [tilespmem:$0x18A10]  }
0x285: {  	v3 =	vld [tilespmem:$0x18BA0]  }
0x286: {  	v4 =	vld [tilespmem:$0x18D30]  }
0x287: {  	v7 =	vld [tilespmem:$0x18EC0]  }
0x288: {  	v8 =	vld [tilespmem:$0x19050]  }
0x289: {  	v11 =	vld [tilespmem:$0x191E0]  }
0x28a: {  	v12 =	vld [tilespmem:$0x19370]  }
0x28b: {  	v15 =	vld [tilespmem:$0x19500]  }
0x28c: {  	v16 =	vld [tilespmem:$0x19690]  }
0x28d: {  	v19 =	vld [tilespmem:$0x19820]  }
0x28e: {  	v20 =	vld [tilespmem:$0x199B0]  }
0x28f: {  	v23 =	vld [tilespmem:$0x19B40]  }
0x290: {  	v24 =	vld [tilespmem:$0x19CD0]  }
0x291: {  	v27 =	vld [tilespmem:$0x19E60]  }
0x292: {  	v28 =	vld [tilespmem:$0x19FF0]  }
0x293: {  	v31 =	vld [tilespmem:$0x1A180]  }
0x294: {  	v32 =	vld [tilespmem:$0x1A310]  }
0x295: {  	v35 =	vld [tilespmem:$0x1A4A0]  }
0x296: {  	v36 =	vld [tilespmem:$0x1A630]  }
0x297: {  	v39 =	vld [tilespmem:$0x1A7C0]  }
0x298: {  	v40 =	vld [tilespmem:$0x1A950]  }
0x299: {  	v43 =	vld [tilespmem:$0x1AAE0]  }
0x29a: {  	v44 =	vld [tilespmem:$0x1AC70]  }
0x29b: {  	v56 =	vld [tilespmem:$0x1B440]  }
0x29c: {  	v57 =	vld [tilespmem:$0x1B5D0]  }
0x29d: {  	v60 =	vld [tilespmem:$0x1B760]  }
0x29e: {  	v61 =	vld [tilespmem:$0x1B8F0]  }
0x29f: {  	v5 =	vld.idx.msk [tilespmem:v1+s3+$0x0], $0xffff  }
0x2a0: {  	v6 =	vld.idx.msk [tilespmem:v2+s3+$0x0], $0xffff  }
0x2a1: {  	v1 =	vld.idx.msk [tilespmem:v1+s17+$0x0], $0xffff  }
0x2a2: {  	v2 =	vld.idx.msk [tilespmem:v2+s17+$0x0], $0xffff  }
0x2a3: {  	v9 =	vld.idx.msk [tilespmem:v3+s3+$0x0], $0xffff  }
0x2a4: {  	v10 =	vld.idx.msk [tilespmem:v4+s3+$0x0], $0xffff  }
0x2a5: {  	v3 =	vld.idx.msk [tilespmem:v3+s17+$0x0], $0xffff  }
0x2a6: {  	v4 =	vld.idx.msk [tilespmem:v4+s17+$0x0], $0xffff  }
0x2a7: {  	v13 =	vld.idx.msk [tilespmem:v7+s3+$0x0], $0xffff  }
0x2a8: {  	v14 =	vld.idx.msk [tilespmem:v8+s3+$0x0], $0xffff  }
0x2a9: {  	v7 =	vld.idx.msk [tilespmem:v7+s17+$0x0], $0xffff  }
0x2aa: {  	v8 =	vld.idx.msk [tilespmem:v8+s17+$0x0], $0xffff  }
0x2ab: {  	v17 =	vld.idx.msk [tilespmem:v11+s3+$0x0], $0xffff  }
0x2ac: {  	v18 =	vld.idx.msk [tilespmem:v12+s3+$0x0], $0xffff  }
0x2ad: {  	v11 =	vld.idx.msk [tilespmem:v11+s17+$0x0], $0xffff  }
0x2ae: {  	v12 =	vld.idx.msk [tilespmem:v12+s17+$0x0], $0xffff  }
0x2af: {  	v21 =	vld.idx.msk [tilespmem:v15+s3+$0x0], $0xffff  }
0x2b0: {  	v22 =	vld.idx.msk [tilespmem:v16+s3+$0x0], $0xffff  }
0x2b1: {  	v15 =	vld.idx.msk [tilespmem:v15+s17+$0x0], $0xffff  }
0x2b2: {  	v16 =	vld.idx.msk [tilespmem:v16+s17+$0x0], $0xffff  }
0x2b3: {  	v25 =	vld.idx.msk [tilespmem:v19+s3+$0x0], $0xffff  }
0x2b4: {  	v26 =	vld.idx.msk [tilespmem:v20+s3+$0x0], $0xffff  }
0x2b5: {  	v19 =	vld.idx.msk [tilespmem:v19+s17+$0x0], $0xffff  }
0x2b6: {  	v20 =	vld.idx.msk [tilespmem:v20+s17+$0x0], $0xffff  }
0x2b7: {  	v29 =	vld.idx.msk [tilespmem:v23+s3+$0x0], $0xffff  }
0x2b8: {  	v30 =	vld.idx.msk [tilespmem:v24+s3+$0x0], $0xffff  }
0x2b9: {  	v23 =	vld.idx.msk [tilespmem:v23+s17+$0x0], $0xffff  }
0x2ba: {  	v24 =	vld.idx.msk [tilespmem:v24+s17+$0x0], $0xffff  }
0x2bb: {  	v33 =	vld.idx.msk [tilespmem:v27+s3+$0x0], $0xffff  }
0x2bc: {  	v34 =	vld.idx.msk [tilespmem:v28+s3+$0x0], $0xffff  }
0x2bd: {  	v27 =	vld.idx.msk [tilespmem:v27+s17+$0x0], $0xffff  }
0x2be: {  	v28 =	vld.idx.msk [tilespmem:v28+s17+$0x0], $0xffff  }
0x2bf: {  	v37 =	vld.idx.msk [tilespmem:v31+s3+$0x0], $0xffff  }
0x2c0: {  	v38 =	vld.idx.msk [tilespmem:v32+s3+$0x0], $0xffff  }
0x2c1: {  	v31 =	vld.idx.msk [tilespmem:v31+s17+$0x0], $0xffff  }
0x2c2: {  	v32 =	vld.idx.msk [tilespmem:v32+s17+$0x0], $0xffff  }
0x2c3: {  	v41 =	vld.idx.msk [tilespmem:v35+s3+$0x0], $0xffff  }
0x2c4: {  	v42 =	vld.idx.msk [tilespmem:v36+s3+$0x0], $0xffff  }
0x2c5: {  	v35 =	vld.idx.msk [tilespmem:v35+s17+$0x0], $0xffff  }
0x2c6: {  	v36 =	vld.idx.msk [tilespmem:v36+s17+$0x0], $0xffff  }
0x2c7: {  	v45 =	vld.idx.msk [tilespmem:v39+s3+$0x0], $0xffff;
	v5 =	vmul.bf16 v6, v5  }
0x2c8: {  	v46 =	vld.idx.msk [tilespmem:v40+s3+$0x0], $0xffff;
	v1 =	vmul.bf16 v2, v1  }
0x2c9: {  	v39 =	vld.idx.msk [tilespmem:v39+s17+$0x0], $0xffff;
	v9 =	vmul.bf16 v10, v9;
	v5 =	vadd.bf16 v0, v5  }
0x2ca: {  	v40 =	vld.idx.msk [tilespmem:v40+s17+$0x0], $0xffff;
	v3 =	vmul.bf16 v4, v3;
	v1 =	vadd.bf16 v0, v1  }
0x2cb: {  	v53 =	vld.idx.msk [tilespmem:v43+s17+$0x0], $0xffff;
	v5 =	vadd.bf16 v9, v5;
	v9 =	vmul.bf16 v14, v13  }
0x2cc: {  	v62 =	vld.idx.msk [tilespmem:v56+s3+$0x0], $0xffff;
	v1 =	vadd.bf16 v3, v1;
	v3 =	vmul.bf16 v8, v7  }
0x2cd: {  	v6 =	vld [tilespmem:$0x1AE00];
	v8 =	vmul.bf16 v18, v17;
	v5 =	vadd.bf16 v9, v5  }
0x2ce: {  	v2 =	vld [tilespmem:$0x1AF90];
	v1 =	vadd.bf16 v3, v1;
	v3 =	vmul.bf16 v12, v11  }
0x2cf: {  	v10 =	vld.idx.msk [tilespmem:v43+s3+$0x0], $0xffff;
	v5 =	vadd.bf16 v8, v5;
	v8 =	vmul.bf16 v22, v21  }
0x2d0: {  	v4 =	vld.idx.msk [tilespmem:v44+s3+$0x0], $0xffff;
	v1 =	vadd.bf16 v3, v1;
	v3 =	vmul.bf16 v16, v15  }
0x2d1: {  	v63 =	vld.idx.msk [tilespmem:v57+s3+$0x0], $0xffff;
	v5 =	vadd.bf16 v8, v5;
	v8 =	vmul.bf16 v26, v25  }
0x2d2: {  	v9 =	vld [tilespmem:$0x1B120];
	v1 =	vadd.bf16 v3, v1;
	v3 =	vmul.bf16 v20, v19  }
0x2d3: {  	v11 =	vld [tilespmem:$0x1B2B0];
	v5 =	vadd.bf16 v8, v5;
	v8 =	vmul.bf16 v30, v29  }
0x2d4: {  	v7 =	vld.idx.msk [tilespmem:v44+s17+$0x0], $0xffff;
	v1 =	vadd.bf16 v3, v1;
	v3 =	vmul.bf16 v24, v23  }
0x2d5: {  	v4 =	vmul.bf16 v4, v10;
	v10 =	vld.idx.msk [tilespmem:v60+s3+$0x0], $0xffff;
	v5 =	vadd.bf16 v8, v5;
	v8 =	vmul.bf16 v34, v33  }
0x2d6: {  	v54 =	vld.idx.msk [tilespmem:v6+s3+$0x0], $0xffff;
	v1 =	vadd.bf16 v3, v1;
	v3 =	vmul.bf16 v28, v27  }
0x2d7: {  	v55 =	vld.idx.msk [tilespmem:v2+s3+$0x0], $0xffff;
	v5 =	vadd.bf16 v8, v5;
	v8 =	vmul.bf16 v38, v37  }
0x2d8: {  	v6 =	vld.idx.msk [tilespmem:v6+s17+$0x0], $0xffff;
	v1 =	vadd.bf16 v3, v1;
	v3 =	vmul.bf16 v32, v31  }
0x2d9: {  	v2 =	vld.idx.msk [tilespmem:v2+s17+$0x0], $0xffff;
	v5 =	vadd.bf16 v8, v5;
	v8 =	vmul.bf16 v42, v41  }
0x2da: {  	v58 =	vld.idx.msk [tilespmem:v9+s3+$0x0], $0xffff;
	v1 =	vadd.bf16 v3, v1;
	v3 =	vmul.bf16 v36, v35  }
0x2db: {  	v59 =	vld.idx.msk [tilespmem:v11+s3+$0x0], $0xffff;
	v5 =	vadd.bf16 v8, v5;
	v8 =	vmul.bf16 v46, v45  }
0x2dc: {  	v9 =	vld.idx.msk [tilespmem:v9+s17+$0x0], $0xffff;
	v1 =	vadd.bf16 v3, v1;
	v3 =	vmul.bf16 v40, v39  }
0x2dd: {  	v11 =	vld.idx.msk [tilespmem:v11+s17+$0x0], $0xffff;
	v5 =	vadd.bf16 v8, v5  }
0x2de: {  	v8 =	vld.idx.msk [tilespmem:v56+s17+$0x0], $0xffff;
	v1 =	vadd.bf16 v3, v1;
	v3 =	vmul.bf16 v7, v53  }
0x2df: {  	v7 =	vld.idx.msk [tilespmem:v57+s17+$0x0], $0xffff;
	v4 =	vadd.bf16 v4, v5;
	v5 =	vmul.bf16 v55, v54  }
0x2e0: {  	v2 =	vmul.bf16 v2, v6;
	v1 =	vadd.bf16 v3, v1;
	v3 =	vld.idx.msk [tilespmem:v61+s3+$0x0], $0xffff  }
0x2e1: {  	v6 =	vld.idx.msk [tilespmem:v60+s17+$0x0], $0xffff;
	v4 =	vadd.bf16 v5, v4;
	v5 =	vmul.bf16 v59, v58  }
0x2e2: {  	v1 =	vadd.bf16 v2, v1;
	v2 =	vmul.bf16 v11, v9;
	v9 =	vld.idx.msk [tilespmem:v61+s17+$0x0], $0xffff  }
0x2e3: {  	v4 =	vadd.bf16 v5, v4;
	v5 =	vmul.bf16 v63, v62  }
0x2e4: {  	v1 =	vadd.bf16 v2, v1  }
0x2e5: {  	v3 =	vmul.bf16 v3, v10;
	v2 =	vadd.bf16 v5, v4;
	v4 =	vmul.bf16 v7, v8;
	_ =	sdelay $0x1  }
0x2e6: {  	s9 =	sand.u32 $0x38, s7;
	v1 =	vadd.bf16 v4, v1;
	v2 =	vadd.bf16 v3, v2;
	v3 =	vmul.bf16 v9, v6  }
0x2e7: {  	s0 =	smul.u32 $0x190, s0;
	s8 =	sor.u32 s24, s9  }
0x2e8: {  	s31 =	smul.u32 $0xC350, s8;
	v1 =	vadd.bf16 v3, v1;
	v3 =	vunpack.i.l.bf16.f32 v2  }
0x2e9: {  	v2 =	vunpack.i.u.bf16.f32 v2;
	[tilespmem:$0x1EC80] =	vst v3  }
0x2ea: {  	s0 =	sadd.s32 s0, s31;
	[tilespmem:$0x1EE10] =	vst v2;
	v3 =	vunpack.i.l.bf16.f32 v1  }
0x2eb: {  	s0 =	sshrl.u32 s0, $0x3;
	v1 =	vunpack.i.u.bf16.f32 v1;
	[tilespmem:$0x1EFA0] =	vst v3  }
0x2ec: {  	s10 =	simm.s32 $0x1EB00;
	s0 =	sadd.s32 s4, s0;
	[tilespmem:$0x1F130] =	vst v1  }
0x2ed: {  	[hbm4b:s0+s3] =	stream.linear.scatter [tilespmem:s10], [sflag:$0x3], $0x190, $0x38;
	[tilespmem:$0x1F800] =	vst v63  }
0x2ee: {  	s9 =	simm.s32 $0x1EC90;
	s11 =	sadd.s32 $0x186A, s0  }
0x2ef: {  	[hbm4b:s11+s3] =	stream.linear.scatter [tilespmem:s9], [sflag:$0x3], $0x190, $0x38;
	[tilespmem:$0x1F800] =	vst v63  }
0x2f0: {  	s9 =	smin.u32 s7, $0x3D  }
0x2f1: {  	s10 =	sadd.s32 $0x30D4, s0;
	s11 =	simm.s32 $0x1EE20;
	s7 =	sadd.s32 $0x2, s9  }
0x2f2: {  	[hbm4b:s10+s3] =	stream.linear.scatter [tilespmem:s11], [sflag:$0x3], $0x190, $0x38;
	[tilespmem:$0x1F800] =	vst v63  }
0x2f3: {  	s10 =	sshll.u32 s7, $0x4  }
0x2f4: {  	s8 =	sand.u32 $0x70, s10  }
0x2f5: {  	s7 =	sshrl.u32 s7, $0x3;
	s8 =	sor.u32 s2, s8  }
0x2f6: {  	s7 =	smul.u32 $0x186A00, s7;
	s8 =	smin.u32 s8, $0x7C  }
0x2f7: {  	s0 =	sadd.s32 $0x493E, s0;
	s11 =	simm.s32 $0x1EFB0;
	s8 =	smul.u32 $0x190, s8  }
0x2f8: {  	[hbm4b:s0+s3] =	stream.linear.scatter [tilespmem:s11], [sflag:$0x3], $0x190, $0x38;
	[tilespmem:$0x1F800] =	vst v63  }
0x2f9: {  	s8 =	sadd.s32 s7, s8  }
0x2fa: {  	s0 =	sshrl.u32 s8, $0x3  }
0x2fb: {  	s9 =	simm.s32 $0x18700;
	s0 =	sadd.s32 s1, s0  }
0x2fc: {  	[tilespmem:s9], [sflag:$0x1] =	stream.linear.gather [hbm4b:s0+s3], $0x190, $0x38;
	[tilespmem:$0x1F800] =	vst v63  }
0x2fd: {  	s11 =	simm.s32 $0x18890;
	s10 =	sadd.s32 $0x186A, s0  }
0x2fe: {  	[tilespmem:s11], [sflag:$0x1] =	stream.linear.gather [hbm4b:s10+s3], $0x190, $0x38;
	[tilespmem:$0x1F800] =	vst v63  }
0x2ff: {  	s8 =	sadd.s32 $0x30D4, s0;
	s9 =	simm.s32 $0x18A20  }
0x300: {  	[tilespmem:s9], [sflag:$0x1] =	stream.linear.gather [hbm4b:s8+s3], $0x190, $0x38;
	[tilespmem:$0x1F800] =	vst v63  }
0x301: {  	s10 =	sadd.s32 $0x493E, s0;
	s11 =	simm.s32 $0x18BB0  }
0x302: {  	[tilespmem:s11], [sflag:$0x1] =	stream.linear.gather [hbm4b:s10+s3], $0x190, $0x38;
	[tilespmem:$0x1F800] =	vst v63  }
0x303: {  	s8 =	sadd.s32 $0x61A8, s0;
	s9 =	simm.s32 $0x18D40  }
0x304: {  	[tilespmem:s9], [sflag:$0x1] =	stream.linear.gather [hbm4b:s8+s3], $0x190, $0x38;
	[tilespmem:$0x1F800] =	vst v63  }
0x305: {  	s10 =	sadd.s32 $0x7A12, s0;
	s11 =	simm.s32 $0x18ED0  }
0x306: {  	[tilespmem:s11], [sflag:$0x1] =	stream.linear.gather [hbm4b:s10+s3], $0x190, $0x38;
	[tilespmem:$0x1F800] =	vst v63  }
0x307: {  	s8 =	sadd.s32 $0x927C, s0;
	s9 =	simm.s32 $0x19060  }
0x308: {  	[tilespmem:s9], [sflag:$0x1] =	stream.linear.gather [hbm4b:s8+s3], $0x190, $0x38;
	[tilespmem:$0x1F800] =	vst v63  }
0x309: {  	s10 =	sadd.s32 $0xAAE6, s0;
	s11 =	simm.s32 $0x191F0  }
0x30a: {  	[tilespmem:s11], [sflag:$0x1] =	stream.linear.gather [hbm4b:s10+s3], $0x190, $0x38;
	[tilespmem:$0x1F800] =	vst v63  }
0x30b: {  	s8 =	sadd.s32 $0xC350, s0;
	s9 =	simm.s32 $0x19380  }
0x30c: {  	[tilespmem:s9], [sflag:$0x1] =	stream.linear.gather [hbm4b:s8+s3], $0x190, $0x38;
	[tilespmem:$0x1F800] =	vst v63  }
0x30d: {  	s10 =	sadd.s32 $0xDBBA, s0;
	s11 =	simm.s32 $0x19510  }
0x30e: {  	[tilespmem:s11], [sflag:$0x1] =	stream.linear.gather [hbm4b:s10+s3], $0x190, $0x38;
	[tilespmem:$0x1F800] =	vst v63  }
0x30f: {  	s8 =	sadd.s32 $0xF424, s0;
	s9 =	simm.s32 $0x196A0  }
0x310: {  	[tilespmem:s9], [sflag:$0x1] =	stream.linear.gather [hbm4b:s8+s3], $0x190, $0x38;
	[tilespmem:$0x1F800] =	vst v63  }
0x311: {  	s10 =	sadd.s32 $0x10C8E, s0;
	s11 =	simm.s32 $0x19830  }
0x312: {  	[tilespmem:s11], [sflag:$0x1] =	stream.linear.gather [hbm4b:s10+s3], $0x190, $0x38;
	[tilespmem:$0x1F800] =	vst v63  }
0x313: {  	s8 =	sadd.s32 $0x124F8, s0;
	s9 =	simm.s32 $0x199C0  }
0x314: {  	[tilespmem:s9], [sflag:$0x1] =	stream.linear.gather [hbm4b:s8+s3], $0x190, $0x38;
	[tilespmem:$0x1F800] =	vst v63  }
0x315: {  	s10 =	sadd.s32 $0x13D62, s0;
	s11 =	simm.s32 $0x19B50  }
0x316: {  	[tilespmem:s11], [sflag:$0x1] =	stream.linear.gather [hbm4b:s10+s3], $0x190, $0x38;
	[tilespmem:$0x1F800] =	vst v63  }
0x317: {  	s8 =	sadd.s32 $0x155CC, s0;
	s9 =	simm.s32 $0x19CE0  }
0x318: {  	[tilespmem:s9], [sflag:$0x1] =	stream.linear.gather [hbm4b:s8+s3], $0x190, $0x38;
	[tilespmem:$0x1F800] =	vst v63  }
0x319: {  	s10 =	sadd.s32 $0x16E36, s0;
	s11 =	simm.s32 $0x19E70  }
0x31a: {  	[tilespmem:s11], [sflag:$0x1] =	stream.linear.gather [hbm4b:s10+s3], $0x190, $0x38;
	[tilespmem:$0x1F800] =	vst v63  }
0x31b: {  	s8 =	sadd.s32 $0x186A0, s0;
	s9 =	simm.s32 $0x1A000  }
0x31c: {  	[tilespmem:s9], [sflag:$0x1] =	stream.linear.gather [hbm4b:s8+s3], $0x190, $0x38;
	[tilespmem:$0x1F800] =	vst v63  }
0x31d: {  	s10 =	sadd.s32 $0x19F0A, s0;
	s11 =	simm.s32 $0x1A190  }
0x31e: {  	[tilespmem:s11], [sflag:$0x1] =	stream.linear.gather [hbm4b:s10+s3], $0x190, $0x38;
	[tilespmem:$0x1F800] =	vst v63  }
0x31f: {  	s9 =	sadd.s32 $0x1B774, s0  }
0x320: {  	[tilespmem:s12], [sflag:$0x1] =	stream.linear.gather [hbm4b:s9+s3], $0x190, $0x38;
	[tilespmem:$0x1F800] =	vst v63  }
0x321: {  	s10 =	sadd.s32 $0x1CFDE, s0  }
0x322: {  	[tilespmem:s13], [sflag:$0x1] =	stream.linear.gather [hbm4b:s10+s3], $0x190, $0x38;
	[tilespmem:$0x1F800] =	vst v63  }
0x323: {  	s11 =	sadd.s32 $0x1E848, s0  }
0x324: {  	[tilespmem:s14], [sflag:$0x1] =	stream.linear.gather [hbm4b:s11+s3], $0x190, $0x38;
	[tilespmem:$0x1F800] =	vst v63  }
0x325: {  	s8 =	sadd.s32 $0x200B2, s0  }
0x326: {  	[tilespmem:s15], [sflag:$0x1] =	stream.linear.gather [hbm4b:s8+s3], $0x190, $0x38;
	[tilespmem:$0x1F800] =	vst v63  }
0x327: {  	s9 =	sadd.s32 $0x2191C, s0  }
0x328: {  	[tilespmem:s5], [sflag:$0x1] =	stream.linear.gather [hbm4b:s9+s3], $0x190, $0x38;
	[tilespmem:$0x1F800] =	vst v63  }
0x329: {  	s10 =	sadd.s32 $0x23186, s0  }
0x32a: {  	[tilespmem:s6], [sflag:$0x1] =	stream.linear.gather [hbm4b:s10+s3], $0x190, $0x38;
	[tilespmem:$0x1F800] =	vst v63  }
0x32b: {  	s11 =	sadd.s32 $0x249F0, s0  }
0x32c: {  	[tilespmem:s16], [sflag:$0x1] =	stream.linear.gather [hbm4b:s11+s3], $0x190, $0x38;
	[tilespmem:$0x1F800] =	vst v63  }
0x32d: {  	s8 =	sadd.s32 $0x2625A, s0  }
0x32e: {  	[tilespmem:s18], [sflag:$0x1] =	stream.linear.gather [hbm4b:s8+s3], $0x190, $0x38;
	[tilespmem:$0x1F800] =	vst v63  }
0x32f: {  	s9 =	sadd.s32 $0x27AC4, s0  }
0x330: {  	[tilespmem:s19], [sflag:$0x1] =	stream.linear.gather [hbm4b:s9+s3], $0x190, $0x38;
	[tilespmem:$0x1F800] =	vst v63  }
0x331: {  	s10 =	sadd.s32 $0x2932E, s0  }
0x332: {  	[tilespmem:s20], [sflag:$0x1] =	stream.linear.gather [hbm4b:s10+s3], $0x190, $0x38;
	[tilespmem:$0x1F800] =	vst v63  }
0x333: {  	s11 =	sadd.s32 $0x2AB98, s0  }
0x334: {  	[tilespmem:s21], [sflag:$0x1] =	stream.linear.gather [hbm4b:s11+s3], $0x190, $0x38;
	[tilespmem:$0x1F800] =	vst v63  }
0x335: {  	s8 =	sadd.s32 $0x2C402, s0  }
0x336: {  	[tilespmem:s22], [sflag:$0x1] =	stream.linear.gather [hbm4b:s8+s3], $0x190, $0x38;
	[tilespmem:$0x1F800] =	vst v63  }
0x337: {  	s9 =	sadd.s32 $0x2DC6C, s0  }
0x338: {  	[tilespmem:s23], [sflag:$0x1] =	stream.linear.gather [hbm4b:s9+s3], $0x190, $0x38;
	[tilespmem:$0x1F800] =	vst v63  }
0x339: {  	s0 =	sadd.s32 $0x2F4D6, s0  }
0x33a: {  	[tilespmem:s25], [sflag:$0x1] =	stream.linear.gather [hbm4b:s0+s3], $0x190, $0x38;
	[tilespmem:$0x1F800] =	vst v63  }
0x33b: {  	_ =	swait.ge [sflag:s28], $0x3200  }
0x33c: {  	[sflag:s28] =	ssyncset.done $0x0  }
0x33d: {  	s0 =	simm.s32 @!p0 $0x4;
	[sflag:s28] =	ssyncadd.s32 $0xFFFFCE00  }
0x33e: {  	_ =	swait.ge @!p0 [sflag:s0], $0x640  }
0x33f: {  	[sflag:s0] =	ssyncset.done @!p0 $0x0  }
0x340: {  	s10 =	simm.s32 $0x1D210;
	[sflag:s0] =	ssyncadd.s32 @!p0 $0xFFFFF9C0  }
0x341: {  	v2 =	vld [tilespmem:s10+$0x15E0]  }
0x342: {  	v3 =	vld [tilespmem:s10+$0x12C0]  }
0x343: {  	v4 =	vld [tilespmem:s10+$0x1450]  }
0x344: {  	v5 =	vld [tilespmem:s10+$0xFA0]  }
0x345: {  	v6 =	vld [tilespmem:s10+$0x1130]  }
0x346: {  	v9 =	vld [tilespmem:s10+$0xC80]  }
0x347: {  	v10 =	vld [tilespmem:s10+$0xE10]  }
0x348: {  	v16 =	vld [tilespmem:s10+$0x960]  }
0x349: {  	v17 =	vld [tilespmem:s10+$0x640]  }
0x34a: {  	v18 =	vld [tilespmem:s10+$0x7D0]  }
0x34b: {  	v19 =	vld [tilespmem:s10+$0x320]  }
0x34c: {  	v27 =	vld [tilespmem:s10+$0x4B0]  }
0x34d: {  	v28 =	vld [tilespmem:s10+$0x0]  }
0x34e: {  	v29 =	vld [tilespmem:s10+$0x190]  }
0x34f: {  	v30 =	vld [tilespmem:s10+$0xFFFFFCE0]  }
0x350: {  	v31 =	vld [tilespmem:s10+$0xFFFFF9C0]  }
0x351: {  	v32 =	vld [tilespmem:s10+$0xFFFFFB50]  }
0x352: {  	v33 =	vld [tilespmem:s10+$0xFFFFF6A0]  }
0x353: {  	v34 =	vld [tilespmem:s10+$0xFFFFF830]  }
0x354: {  	v35 =	vld [tilespmem:s10+$0xFFFFF380]  }
0x355: {  	v36 =	vld [tilespmem:s10+$0xFFFFF510]  }
0x356: {  	v37 =	vld [tilespmem:s10+$0xFFFFF060]  }
0x357: {  	v38 =	vld [tilespmem:s10+$0xFFFFED40]  }
0x358: {  	v39 =	vld [tilespmem:s10+$0xFFFFEED0]  }
0x359: {  	v40 =	vld [tilespmem:s10+$0xFFFFEA20]  }
0x35a: {  	v41 =	vld [tilespmem:s10+$0xFFFFEBB0]  }
0x35b: {  	v42 =	vld [tilespmem:s10+$0xFFFFE700]  }
0x35c: {  	s0 =	simm.s32 $0x0;
	v1 =	vld.idx.msk [tilespmem:v2+s3+$0x0], $0xffff  }
0x35d: {  	s11 =	sand.u32 $0x1E0, s0;
	v12 =	vld [tilespmem:s10+$0xFFFFE890]  }
0x35e: {  	v20 =	vld [tilespmem:s11+$0x1E980]  }
0x35f: {  	v21 =	vld [tilespmem:s11+$0x1DD00]  }
0x360: {  	v22 =	vld [tilespmem:s11+$0x1D080]  }
0x361: {  	v47 =	vld [tilespmem:s11+$0x1C400];
	[tilespmem:$0x1FDF0] =	vst v1  }
0x362: {  	v1 =	vld.idx.msk [tilespmem:v2+s17+$0x0], $0xffff;
	_ =	sdelay $0x4  }
0x363: {  	[tilespmem:$0x1FDD0] =	vst v1  }
0x364: {  	v1 =	vld.idx.msk [tilespmem:v3+s3+$0x0], $0xffff;
	_ =	sdelay $0x4  }
0x365: {  	[tilespmem:$0x1FC20] =	vst v1  }
0x366: {  	v1 =	vld.idx.msk [tilespmem:v4+s3+$0x0], $0xffff;
	_ =	sdelay $0x4  }
0x367: {  	[tilespmem:$0x1FC30] =	vst v1  }
0x368: {  	v1 =	vld.idx.msk [tilespmem:v3+s17+$0x0], $0xffff;
	_ =	sdelay $0x4  }
0x369: {  	[tilespmem:$0x1FD90] =	vst v1  }
0x36a: {  	v1 =	vld.idx.msk [tilespmem:v4+s17+$0x0], $0xffff;
	_ =	sdelay $0x4  }
0x36b: {  	[tilespmem:$0x1FDA0] =	vst v1  }
0x36c: {  	v1 =	vld.idx.msk [tilespmem:v5+s3+$0x0], $0xffff;
	_ =	sdelay $0x4  }
0x36d: {  	[tilespmem:$0x1FC40] =	vst v1  }
0x36e: {  	v1 =	vld.idx.msk [tilespmem:v6+s3+$0x0], $0xffff;
	_ =	sdelay $0x4  }
0x36f: {  	[tilespmem:$0x1FC50] =	vst v1  }
0x370: {  	v1 =	vld.idx.msk [tilespmem:v5+s17+$0x0], $0xffff;
	_ =	sdelay $0x4  }
0x371: {  	[tilespmem:$0x1FD70] =	vst v1  }
0x372: {  	v1 =	vld.idx.msk [tilespmem:v6+s17+$0x0], $0xffff;
	_ =	sdelay $0x4  }
0x373: {  	[tilespmem:$0x1FD80] =	vst v1  }
0x374: {  	v1 =	vld.idx.msk [tilespmem:v9+s3+$0x0], $0xffff;
	_ =	sdelay $0x4  }
0x375: {  	[tilespmem:$0x1FC60] =	vst v1  }
0x376: {  	v1 =	vld.idx.msk [tilespmem:v10+s3+$0x0], $0xffff;
	_ =	sdelay $0x4  }
0x377: {  	[tilespmem:$0x1FC70] =	vst v1  }
0x378: {  	v1 =	vld.idx.msk [tilespmem:v9+s17+$0x0], $0xffff;
	_ =	sdelay $0x4  }
0x379: {  	[tilespmem:$0x1FD20] =	vst v1  }
0x37a: {  	v1 =	vld.idx.msk [tilespmem:v10+s17+$0x0], $0xffff;
	_ =	sdelay $0x4  }
0x37b: {  	[tilespmem:$0x1FD30] =	vst v1  }
0x37c: {  	v1 =	vld.idx.msk [tilespmem:v16+s3+$0x0], $0xffff;
	_ =	sdelay $0x4  }
0x37d: {  	[tilespmem:$0x1FDB0] =	vst v1  }
0x37e: {  	v1 =	vld.idx.msk [tilespmem:v16+s17+$0x0], $0xffff;
	_ =	sdelay $0x4  }
0x37f: {  	[tilespmem:$0x1FD00] =	vst v1  }
0x380: {  	v1 =	vld.idx.msk [tilespmem:v17+s3+$0x0], $0xffff;
	_ =	sdelay $0x4  }
0x381: {  	[tilespmem:$0x1FC80] =	vst v1  }
0x382: {  	v1 =	vld.idx.msk [tilespmem:v18+s3+$0x0], $0xffff;
	_ =	sdelay $0x4  }
0x383: {  	[tilespmem:$0x1FC90] =	vst v1  }
0x384: {  	v1 =	vld.idx.msk [tilespmem:v17+s17+$0x0], $0xffff;
	_ =	sdelay $0x4  }
0x385: {  	[tilespmem:$0x1FCA0] =	vst v1  }
0x386: {  	v1 =	vld.idx.msk [tilespmem:v18+s17+$0x0], $0xffff;
	_ =	sdelay $0x4  }
0x387: {  	[tilespmem:$0x1FCB0] =	vst v1  }
0x388: {  	v1 =	vld.idx.msk [tilespmem:v19+s3+$0x0], $0xffff;
	_ =	sdelay $0x4  }
0x389: {  	[tilespmem:$0x1FCC0] =	vst v1  }
0x38a: {  	v48 =	vld.idx.msk [tilespmem:v42+s17+$0x0], $0xffff  }
0x38b: {  	v49 =	vld.idx.msk [tilespmem:v12+s17+$0x0], $0xffff  }
0x38c: {  	v50 =	vld.idx.msk [tilespmem:v40+s17+$0x0], $0xffff  }
0x38d: {  	v51 =	vld.idx.msk [tilespmem:v41+s17+$0x0], $0xffff  }
0x38e: {  	v52 =	vld.idx.msk [tilespmem:v38+s17+$0x0], $0xffff  }
0x38f: {  	v53 =	vld.idx.msk [tilespmem:v39+s17+$0x0], $0xffff  }
0x390: {  	v54 =	vld.idx.msk [tilespmem:v37+s17+$0x0], $0xffff  }
0x391: {  	v55 =	vld.idx.msk [tilespmem:v35+s17+$0x0], $0xffff  }
0x392: {  	v56 =	vld.idx.msk [tilespmem:v36+s17+$0x0], $0xffff  }
0x393: {  	v57 =	vld.idx.msk [tilespmem:v33+s17+$0x0], $0xffff  }
0x394: {  	v58 =	vld.idx.msk [tilespmem:v34+s17+$0x0], $0xffff  }
0x395: {  	v59 =	vld.idx.msk [tilespmem:v31+s17+$0x0], $0xffff  }
0x396: {  	v60 =	vld.idx.msk [tilespmem:v32+s17+$0x0], $0xffff  }
0x397: {  	v61 =	vld.idx.msk [tilespmem:v30+s17+$0x0], $0xffff  }
0x398: {  	v1 =	vld.idx.msk [tilespmem:v27+s3+$0x0], $0xffff  }
0x399: {  	v62 =	vld.idx.msk [tilespmem:v22+s17+$0x0], $0xffff  }
0x39a: {  	v63 =	vld.idx.msk [tilespmem:v28+s17+$0x0], $0xffff  }
0x39b: {  	v7 =	vld.idx.msk [tilespmem:v29+s17+$0x0], $0xffff  }
0x39c: {  	v26 =	vld.idx.msk [tilespmem:v19+s17+$0x0], $0xffff  }
0x39d: {  	v16 =	vld.idx.msk [tilespmem:v27+s17+$0x0], $0xffff;
	[tilespmem:$0x1FCD0] =	vst v1  }
0x39e: {  	v1 =	vld.idx.msk [tilespmem:v28+s3+$0x0], $0xffff;
	_ =	sdelay $0x4  }
0x39f: {  	[tilespmem:$0x1FCE0] =	vst v1  }
0x3a0: {  	v1 =	vld.idx.msk [tilespmem:v29+s3+$0x0], $0xffff;
	_ =	sdelay $0x4  }
0x3a1: {  	[tilespmem:$0x1FCF0] =	vst v1  }
0x3a2: {  	v1 =	vld.idx.msk [tilespmem:v21+s17+$0x0], $0xffff;
	_ =	sdelay $0x4  }
0x3a3: {  	[tilespmem:$0x1FD10] =	vst v1  }
0x3a4: {  	v1 =	vld.idx.msk [tilespmem:v30+s3+$0x0], $0xffff;
	_ =	sdelay $0x4  }
0x3a5: {  	[tilespmem:$0x1FD60] =	vst v1  }
0x3a6: {  	v1 =	vld.idx.msk [tilespmem:v31+s3+$0x0], $0xffff;
	_ =	sdelay $0x4  }
0x3a7: {  	[tilespmem:$0x1FD40] =	vst v1  }
0x3a8: {  	v1 =	vld.idx.msk [tilespmem:v33+s3+$0x0], $0xffff;
	_ =	sdelay $0x4  }
0x3a9: {  	v32 =	vld.idx.msk [tilespmem:v32+s3+$0x0], $0xffff;
	[tilespmem:$0x1FD50] =	vst v1  }
0x3aa: {  	v1 =	vld.idx.msk [tilespmem:v20+s17+$0x0], $0xffff;
	_ =	sdelay $0x2  }
0x3ab: {  	v33 =	vld.idx.msk [tilespmem:v34+s3+$0x0], $0xffff  }
0x3ac: {  	v34 =	vld.idx.msk [tilespmem:v35+s3+$0x0], $0xffff  }
0x3ad: {  	v35 =	vld.idx.msk [tilespmem:v36+s3+$0x0], $0xffff;
	[tilespmem:$0x1FDE0] =	vst v1  }
0x3ae: {  	v36 =	vld.idx.msk [tilespmem:v37+s3+$0x0], $0xffff  }
0x3af: {  	v37 =	vld.idx.msk [tilespmem:v38+s3+$0x0], $0xffff  }
0x3b0: {  	v1 =	vld.idx.msk [tilespmem:v20+s3+$0x0], $0xffff  }
0x3b1: {  	v38 =	vld.idx.msk [tilespmem:v39+s3+$0x0], $0xffff  }
0x3b2: {  	v39 =	vld.idx.msk [tilespmem:v40+s3+$0x0], $0xffff  }
0x3b3: {  	v40 =	vld.idx.msk [tilespmem:v41+s3+$0x0], $0xffff  }
0x3b4: {  	v41 =	vld.idx.msk [tilespmem:v42+s3+$0x0], $0xffff  }
0x3b5: {  	v42 =	vld.idx.msk [tilespmem:v12+s3+$0x0], $0xffff;
	[tilespmem:$0x1FE00] =	vst v1  }
0x3b6: {  	v1 =	vld.idx.msk [tilespmem:v21+s3+$0x0], $0xffff;
	_ =	sdelay $0x1  }
0x3b7: {  	v61 =	vmul.bf16 v62, v61;
	v62 =	vld [tilespmem:$0x1FC20]  }
0x3b8: {  	v7 =	vmul.bf16 v7, v63;
	v63 =	vld [tilespmem:$0x1FC30]  }
0x3b9: {  	v60 =	vmul.bf16 v60, v59;
	v59 =	vld [tilespmem:$0x1FC80]  }
0x3ba: {  	v30 =	vld [tilespmem:s10+$0xFFFFE6F0];
	[tilespmem:$0x1FDC0] =	vst v1  }
0x3bb: {  	v31 =	vld [tilespmem:s10+$0xFFFFE880]  }
0x3bc: {  	v45 =	vld.idx.msk [tilespmem:v22+s3+$0x0], $0xffff  }
0x3bd: {  	v46 =	vld.idx.msk [tilespmem:v47+s17+$0x0], $0xffff  }
0x3be: {  	v1 =	vld [tilespmem:s10+$0xFFFFEA10]  }
0x3bf: {  	v47 =	vld.idx.msk [tilespmem:v47+s3+$0x0], $0xffff  }
0x3c0: {  	v3 =	vld [tilespmem:s10+$0xFFFFEBA0]  }
0x3c1: {  	v48 =	vmul.bf16 v49, v48;
	v2 =	vld [tilespmem:s10+$0xFFFFED30]  }
0x3c2: {  	v4 =	vld [tilespmem:s10+$0xFFFFF1E0]  }
0x3c3: {  	v50 =	vmul.bf16 v51, v50;
	v48 =	vadd.bf16 v0, v48;
	v5 =	vld [tilespmem:s10+$0xFFFFF500]  }
0x3c4: {  	v51 =	vld [tilespmem:s11+$0x1D200]  }
0x3c5: {  	v48 =	vadd.bf16 v50, v48;
	v50 =	vmul.bf16 v53, v52;
	v52 =	vld [tilespmem:s10+$0x180]  }
0x3c6: {  	v53 =	vld [tilespmem:s10+$0x310]  }
0x3c7: {  	v41 =	vmul.bf16 v42, v41;
	v42 =	vld [tilespmem:s10+$0x7C0]  }
0x3c8: {  	v9 =	vld.idx.msk [tilespmem:v30+s3+$0x0], $0xffff  }
0x3c9: {  	v48 =	vadd.bf16 v50, v48;
	v43 =	vld.idx.msk [tilespmem:v30+s17+$0x0], $0xffff;
	v46 =	vmul.bf16 v46, v54  }
0x3ca: {  	v54 =	vld [tilespmem:s10+$0x4A0]  }
0x3cb: {  	v46 =	vadd.bf16 v46, v48;
	v48 =	vmul.bf16 v56, v55;
	v56 =	vld [tilespmem:s10+$0x630]  }
0x3cc: {  	v6 =	vld.idx.msk [tilespmem:v31+s3+$0x0], $0xffff  }
0x3cd: {  	v44 =	vld.idx.msk [tilespmem:v31+s17+$0x0], $0xffff  }
0x3ce: {  	v12 =	vld.idx.msk [tilespmem:v1+s3+$0x0], $0xffff  }
0x3cf: {  	v17 =	vld.idx.msk [tilespmem:v1+s17+$0x0], $0xffff  }
0x3d0: {  	v1 =	vld [tilespmem:s10+$0xFFFFEEC0]  }
0x3d1: {  	v8 =	vld.idx.msk [tilespmem:v3+s3+$0x0], $0xffff  }
0x3d2: {  	v11 =	vld.idx.msk [tilespmem:v3+s17+$0x0], $0xffff  }
0x3d3: {  	v3 =	vld [tilespmem:s10+$0xFFFFF050]  }
0x3d4: {  	v14 =	vld.idx.msk [tilespmem:v2+s3+$0x0], $0xffff  }
0x3d5: {  	v20 =	vld.idx.msk [tilespmem:v2+s17+$0x0], $0xffff  }
0x3d6: {  	v2 =	vld [tilespmem:s11+$0x1C580]  }
0x3d7: {  	v15 =	vld.idx.msk [tilespmem:v4+s3+$0x0], $0xffff  }
0x3d8: {  	v21 =	vld.idx.msk [tilespmem:v4+s17+$0x0], $0xffff  }
0x3d9: {  	v19 =	vld.idx.msk [tilespmem:v5+s3+$0x0], $0xffff  }
0x3da: {  	v24 =	vld.idx.msk [tilespmem:v5+s17+$0x0], $0xffff  }
0x3db: {  	v4 =	vld [tilespmem:s10+$0xFFFFFB40]  }
0x3dc: {  	v55 =	vld.idx.msk [tilespmem:v51+s3+$0x0], $0xffff  }
0x3dd: {  	v51 =	vld.idx.msk [tilespmem:v51+s17+$0x0], $0xffff  }
0x3de: {  	v58 =	vmul.bf16 v58, v57;
	v57 =	vld.idx.msk [tilespmem:v52+s3+$0x0], $0xffff  }
0x3df: {  	v52 =	vld.idx.msk [tilespmem:v52+s17+$0x0], $0xffff  }
0x3e0: {  	v39 =	vmul.bf16 v40, v39;
	v40 =	vadd.bf16 v0, v41;
	v41 =	vld.idx.msk [tilespmem:v53+s17+$0x0], $0xffff  }
0x3e1: {  	v34 =	vmul.bf16 v35, v34;
	v35 =	vld.idx.msk [tilespmem:v42+s17+$0x0], $0xffff;
	v46 =	vadd.bf16 v48, v46  }
0x3e2: {  	v48 =	vld.idx.msk [tilespmem:v53+s3+$0x0], $0xffff  }
0x3e3: {  	v46 =	vadd.bf16 v58, v46;
	v58 =	vmul.bf16 v63, v62;
	v62 =	vld [tilespmem:$0x1FC60]  }
0x3e4: {  	v63 =	vld [tilespmem:$0x1FC70]  }
0x3e5: {  	v46 =	vadd.bf16 v60, v46;
	v60 =	vld [tilespmem:$0x1FC40]  }
0x3e6: {  	v16 =	vmul.bf16 v16, v26;
	v26 =	vld.idx.msk [tilespmem:v54+s3+$0x0], $0xffff  }
0x3e7: {  	v37 =	vmul.bf16 v38, v37;
	v38 =	vadd.bf16 v39, v40;
	v39 =	vld.idx.msk [tilespmem:v54+s17+$0x0], $0xffff  }
0x3e8: {  	v6 =	vmul.bf16 v6, v9;
	v9 =	vld.idx.msk [tilespmem:v42+s3+$0x0], $0xffff  }
0x3e9: {  	v8 =	vmul.bf16 v8, v12;
	v12 =	vld [tilespmem:s11+$0x1DE80]  }
0x3ea: {  	v46 =	vadd.bf16 v61, v46;
	v61 =	vld [tilespmem:$0x1FC50]  }
0x3eb: {  	v54 =	vld.idx.msk [tilespmem:v56+s3+$0x0], $0xffff  }
0x3ec: {  	v37 =	vadd.bf16 v37, v38;
	v38 =	vld.idx.msk [tilespmem:v56+s17+$0x0], $0xffff  }
0x3ed: {  	v56 =	vld [tilespmem:s10+$0x950]  }
0x3ee: {  	v10 =	vld.idx.msk [tilespmem:v1+s3+$0x0], $0xffff  }
0x3ef: {  	v13 =	vld.idx.msk [tilespmem:v1+s17+$0x0], $0xffff  }
0x3f0: {  	v18 =	vld.idx.msk [tilespmem:v3+s3+$0x0], $0xffff  }
0x3f1: {  	v23 =	vld.idx.msk [tilespmem:v3+s17+$0x0], $0xffff  }
0x3f2: {  	v1 =	vld [tilespmem:s10+$0xFFFFF690]  }
0x3f3: {  	v22 =	vld.idx.msk [tilespmem:v2+s3+$0x0], $0xffff  }
0x3f4: {  	v28 =	vld.idx.msk [tilespmem:v2+s17+$0x0], $0xffff  }
0x3f5: {  	v2 =	vld [tilespmem:s10+$0xFFFFF820]  }
0x3f6: {  	v3 =	vld [tilespmem:s10+$0xFFFFF9B0]  }
0x3f7: {  	v49 =	vld.idx.msk [tilespmem:v4+s3+$0x0], $0xffff  }
0x3f8: {  	v4 =	vld.idx.msk [tilespmem:v4+s17+$0x0], $0xffff  }
0x3f9: {  	v7 =	vadd.bf16 v7, v46;
	v46 =	vmul.bf16 v63, v62;
	v62 =	vld [tilespmem:$0x1FCB0]  }
0x3fa: {  	v6 =	vadd.bf16 v0, v6;
	v63 =	vld [tilespmem:$0x1FCE0]  }
0x3fb: {  	v53 =	vmul.bf16 v61, v60;
	v60 =	vld [tilespmem:$0x1FC90]  }
0x3fc: {  	v6 =	vadd.bf16 v8, v6;
	v61 =	vld [tilespmem:$0x1FCA0];
	v8 =	vmul.bf16 v10, v14  }
0x3fd: {  	v10 =	vld [tilespmem:s10+$0xF90]  }
0x3fe: {  	v6 =	vadd.bf16 v8, v6;
	v8 =	vmul.bf16 v15, v18;
	v15 =	vld.idx.msk [tilespmem:v56+s3+$0x0], $0xffff  }
0x3ff: {  	v25 =	vld.idx.msk [tilespmem:v1+s3+$0x0], $0xffff  }
0x400: {  	v30 =	vld.idx.msk [tilespmem:v1+s17+$0x0], $0xffff  }
0x401: {  	v1 =	vld [tilespmem:s10+$0xFFFFFCD0]  }
0x402: {  	v5 =	vld.idx.msk [tilespmem:v2+s3+$0x0], $0xffff  }
0x403: {  	v27 =	vld.idx.msk [tilespmem:v2+s17+$0x0], $0xffff  }
0x404: {  	v2 =	vld [tilespmem:s10+$0xFFFFFE60]  }
0x405: {  	v40 =	vmul.bf16 v60, v59;
	v59 =	vld [tilespmem:$0x1FCC0]  }
0x406: {  	v60 =	vld [tilespmem:$0x1FCD0]  }
0x407: {  	v7 =	vadd.bf16 v16, v7;
	v16 =	vmul.bf16 v62, v61;
	v61 =	vld [tilespmem:$0x1FD00]  }
0x408: {  	v62 =	vld [tilespmem:$0x1FD10]  }
0x409: {  	v29 =	vld.idx.msk [tilespmem:v3+s3+$0x0], $0xffff;
	v6 =	vadd.bf16 v8, v6;
	v8 =	vmul.bf16 v19, v22  }
0x40a: {  	v31 =	vld.idx.msk [tilespmem:v3+s17+$0x0], $0xffff  }
0x40b: {  	v6 =	vadd.bf16 v8, v6;
	v8 =	vld [tilespmem:s10+$0x12B0]  }
0x40c: {  	v59 =	vmul.bf16 v60, v59;
	v60 =	vld [tilespmem:$0x1FCF0]  }
0x40d: {  	v7 =	vadd.bf16 v16, v7;
	v5 =	vmul.bf16 v5, v25;
	v16 =	vmul.bf16 v62, v61;
	v61 =	vld [tilespmem:$0x1FD30]  }
0x40e: {  	v62 =	vld [tilespmem:$0x1FD50]  }
0x40f: {  	v5 =	vadd.bf16 v5, v6;
	v6 =	vmul.bf16 v49, v29;
	v49 =	vld [tilespmem:$0x1FDE0]  }
0x410: {  	v3 =	vld.idx.msk [tilespmem:v1+s3+$0x0], $0xffff  }
0x411: {  	v1 =	vld.idx.msk [tilespmem:v1+s17+$0x0], $0xffff  }
0x412: {  	v50 =	vld.idx.msk [tilespmem:v2+s3+$0x0], $0xffff  }
0x413: {  	v36 =	vmul.bf16 v47, v36;
	v47 =	vmul.bf16 v60, v63;
	v60 =	vld [tilespmem:$0x1FD20]  }
0x414: {  	v2 =	vld.idx.msk [tilespmem:v2+s17+$0x0], $0xffff  }
0x415: {  	v63 =	vadd.bf16 v36, v37;
	v36 =	vld [tilespmem:s10+$0xAE0];
	v37 =	vmul.bf16 v44, v43  }
0x416: {  	v43 =	vld [tilespmem:$0x1FD60]  }
0x417: {  	v11 =	vmul.bf16 v11, v17;
	v42 =	vadd.bf16 v0, v37;
	v3 =	vmul.bf16 v50, v3;
	v50 =	vld [tilespmem:s10+$0x15D0]  }
0x418: {  	v5 =	vadd.bf16 v6, v5;
	v60 =	vmul.bf16 v61, v60;
	v61 =	vld [tilespmem:$0x1FD40]  }
0x419: {  	v11 =	vadd.bf16 v11, v42;
	v42 =	vld [tilespmem:s10+$0x1440]  }
0x41a: {  	v3 =	vadd.bf16 v3, v5;
	v5 =	vmul.bf16 v57, v55;
	v55 =	vld [tilespmem:s10+$0x1760]  }
0x41b: {  	v7 =	vadd.bf16 v16, v7;
	v63 =	vadd.bf16 v34, v63;
	v57 =	vld [tilespmem:$0x1FDF0]  }
0x41c: {  	v34 =	vmul.bf16 v45, v43;
	v45 =	vld [tilespmem:$0x1FD70];
	v3 =	vadd.bf16 v5, v3;
	v5 =	vmul.bf16 v26, v48  }
0x41d: {  	v43 =	vld [tilespmem:$0x1FDB0];
	v16 =	vmul.bf16 v32, v61;
	v32 =	vmul.bf16 v33, v62  }
0x41e: {  	v7 =	vadd.bf16 v60, v7;
	v60 =	vld [tilespmem:$0x1FD80]  }
0x41f: {  	v3 =	vadd.bf16 v5, v3;
	v5 =	vmul.bf16 v9, v54;
	v9 =	vld.idx.msk [tilespmem:v10+s17+$0x0], $0xffff;
	v32 =	vadd.bf16 v32, v63  }
0x420: {  	v13 =	vmul.bf16 v13, v20;
	v33 =	vld [tilespmem:s10+$0xE00]  }
0x421: {  	v62 =	vld.idx.msk [tilespmem:v36+s3+$0x0], $0xffff;
	v44 =	vadd.bf16 v16, v32  }
0x422: {  	v11 =	vadd.bf16 v13, v11;
	v61 =	vmul.bf16 v21, v23;
	v63 =	vld.idx.msk [tilespmem:v56+s17+$0x0], $0xffff  }
0x423: {  	v17 =	vmul.bf16 v60, v45;
	v45 =	vld.idx.msk [tilespmem:v12+s3+$0x0], $0xffff;
	v14 =	vadd.bf16 v34, v44  }
0x424: {  	v28 =	vmul.bf16 v24, v28;
	v11 =	vadd.bf16 v61, v11;
	v44 =	vld [tilespmem:$0x1FDC0]  }
0x425: {  	v16 =	vld [tilespmem:s10+$0x1120];
	v14 =	vadd.bf16 v47, v14  }
0x426: {  	v37 =	vmul.bf16 v27, v30;
	v32 =	vld.idx.msk [tilespmem:v36+s17+$0x0], $0xffff;
	v11 =	vadd.bf16 v28, v11  }
0x427: {  	v36 =	vld [tilespmem:$0x1FDA0];
	v14 =	vadd.bf16 v59, v14  }
0x428: {  	v4 =	vmul.bf16 v4, v31;
	v34 =	vld [tilespmem:$0x1FD90];
	v11 =	vadd.bf16 v37, v11  }
0x429: {  	v12 =	vld.idx.msk [tilespmem:v12+s17+$0x0], $0xffff;
	v22 =	vmul.bf16 v44, v43;
	v14 =	vadd.bf16 v40, v14  }
0x42a: {  	v1 =	vmul.bf16 v2, v1;
	v4 =	vadd.bf16 v4, v11;
	v11 =	vld [tilespmem:$0x1FDD0]  }
0x42b: {  	v3 =	vadd.bf16 v5, v3;
	v5 =	vmul.bf16 v62, v15;
	v62 =	vld.idx.msk [tilespmem:v8+s3+$0x0], $0xffff;
	v47 =	vadd.bf16 v22, v14  }
0x42c: {  	v1 =	vadd.bf16 v1, v4;
	v4 =	vmul.bf16 v52, v51;
	v59 =	vld [tilespmem:$0x1FE00]  }
0x42d: {  	v7 =	vadd.bf16 v17, v7;
	v6 =	vld.idx.msk [tilespmem:v33+s3+$0x0], $0xffff;
	v20 =	vmul.bf16 v36, v34;
	v13 =	vadd.bf16 v46, v47  }
0x42e: {  	v2 =	vld.idx.msk [tilespmem:v33+s17+$0x0], $0xffff;
	v1 =	vadd.bf16 v4, v1;
	v4 =	vmul.bf16 v39, v41  }
0x42f: {  	v56 =	vld.idx.msk [tilespmem:v16+s3+$0x0], $0xffff;
	v7 =	vadd.bf16 v20, v7;
	v11 =	vmul.bf16 v49, v11;
	v13 =	vadd.bf16 v53, v13  }
0x430: {  	v60 =	vld.idx.msk [tilespmem:v16+s17+$0x0], $0xffff;
	v1 =	vadd.bf16 v4, v1;
	v4 =	vmul.bf16 v35, v38  }
0x431: {  	v7 =	vadd.bf16 v11, v7;
	v11 =	vld.idx.msk [tilespmem:v10+s3+$0x0], $0xffff;
	v24 =	vmul.bf16 v59, v57;
	v10 =	vadd.bf16 v58, v13  }
0x432: {  	v5 =	vadd.bf16 v5, v3;
	v3 =	vld.idx.msk [tilespmem:v42+s17+$0x0], $0xffff;
	v17 =	vmul.bf16 v32, v63;
	v4 =	vadd.bf16 v4, v1  }
0x433: {  	s7 =	simm.s32 $0x1F4A0;
	v63 =	vld.idx.msk [tilespmem:v42+s3+$0x0], $0xffff;
	v6 =	vmul.bf16 v6, v45;
	v61 =	vunpack.i.u.bf16.f32 v7;
	v10 =	vadd.bf16 v24, v10  }
0x434: {  	v1 =	vld.idx.msk [tilespmem:v8+s17+$0x0], $0xffff;
	v8 =	vmul.bf16 v2, v12;
	v7 =	vunpack.i.l.bf16.f32 v7;
	[tilespmem:s7+$0x1A0] =	vst v61;
	v4 =	vadd.bf16 v17, v4  }
0x435: {  	v6 =	vadd.bf16 v6, v5;
	v5 =	vld.idx.msk [tilespmem:v55+s3+$0x0], $0xffff;
	v9 =	vmul.bf16 v60, v9;
	[tilespmem:s7+$0x10] =	vst v7;
	v7 =	vunpack.i.l.bf16.f32 v10  }
0x436: {  	v2 =	vld.idx.msk [tilespmem:v50+s3+$0x0], $0xffff;
	v10 =	vunpack.i.u.bf16.f32 v10;
	[tilespmem:s7+$0xFFFFFCF0] =	vst v7;
	v7 =	vadd.bf16 v8, v4;
	v8 =	vmul.bf16 v56, v11  }
0x437: {  	[tilespmem:s7+$0xFFFFFE80] =	vst v10;
	v4 =	vld.idx.msk [tilespmem:v50+s17+$0x0], $0xffff  }
0x438: {  	s8 =	simm.s32 $0x0;
	s9 =	simm.s32 $0x1D230;
	v8 =	vadd.bf16 v8, v6;
	v7 =	vadd.bf16 v9, v7;
	v9 =	vmul.bf16 v63, v62;
	v6 =	vld.idx.msk [tilespmem:v55+s17+$0x0], $0xffff  }
.LBB2_5:
0x439: {  	v18 =	vld [tilespmem:s9+$0x15E0]  }
0x43a: {  	v1 =	vmul.bf16 v3, v1;
	v30 =	vld [tilespmem:s9+$0x12C0];
	v8 =	vadd.bf16 v9, v8  }
0x43b: {  	v3 =	vld [tilespmem:s9+$0x1450]  }
0x43c: {  	v1 =	vadd.bf16 v1, v7;
	v2 =	vmul.bf16 v5, v2;
	v32 =	vld [tilespmem:s9+$0xFA0]  }
0x43d: {  	v33 =	vld [tilespmem:s9+$0x1130]  }
0x43e: {  	v2 =	vadd.bf16 v2, v8;
	v4 =	vmul.bf16 v6, v4;
	v34 =	vld [tilespmem:s9+$0xC80]  }
0x43f: {  	v35 =	vld [tilespmem:s9+$0xE10]  }
0x440: {  	v1 =	vadd.bf16 v4, v1;
	v4 =	vunpack.i.u.bf16.f32 v2;
	v2 =	vunpack.i.l.bf16.f32 v2;
	v36 =	vld [tilespmem:s9+$0x960]  }
0x441: {  	v37 =	vld [tilespmem:s9+$0x640];
	[tilespmem:s7+$0xFFFFFCE0] =	vst v2  }
0x442: {  	v2 =	vunpack.i.u.bf16.f32 v1;
	v1 =	vunpack.i.l.bf16.f32 v1;
	v38 =	vld [tilespmem:s9+$0x7D0];
	[tilespmem:s7+$0xFFFFFE70] =	vst v4  }
0x443: {  	v29 =	vld [tilespmem:s9+$0x320];
	[tilespmem:s7+$0x0] =	vst v1  }
0x444: {  	v28 =	vld [tilespmem:s9+$0x4B0];
	[tilespmem:s7+$0x190] =	vst v2  }
0x445: {  	v26 =	vld [tilespmem:s9+$0x0]  }
0x446: {  	v27 =	vld [tilespmem:s9+$0x190]  }
0x447: {  	v25 =	vld [tilespmem:s9+$0xFFFFFCE0]  }
0x448: {  	v24 =	vld [tilespmem:s9+$0xFFFFF9C0]  }
0x449: {  	v23 =	vld [tilespmem:s9+$0xFFFFFB50]  }
0x44a: {  	v22 =	vld [tilespmem:s9+$0xFFFFF6A0]  }
0x44b: {  	v20 =	vld [tilespmem:s9+$0xFFFFF830]  }
0x44c: {  	v19 =	vld [tilespmem:s9+$0xFFFFF380]  }
0x44d: {  	v17 =	vld [tilespmem:s9+$0xFFFFF510]  }
0x44e: {  	v16 =	vld [tilespmem:s9+$0xFFFFF060]  }
0x44f: {  	v15 =	vld [tilespmem:s9+$0xFFFFED40]  }
0x450: {  	v14 =	vld [tilespmem:s9+$0xFFFFEED0]  }
0x451: {  	v13 =	vld [tilespmem:s9+$0xFFFFEA20]  }
0x452: {  	v12 =	vld [tilespmem:s9+$0xFFFFEBB0]  }
0x453: {  	s0 =	sadd.s32 $0x20, s0;
	v9 =	vld [tilespmem:s9+$0xFFFFE700]  }
0x454: {  	s10 =	sand.u32 $0x1E0, s0;
	v10 =	vld [tilespmem:s9+$0xFFFFE890]  }
0x455: {  	v11 =	vld [tilespmem:s10+$0x1E980]  }
0x456: {  	v8 =	vld [tilespmem:s10+$0x1DD00]  }
0x457: {  	v7 =	vld [tilespmem:s10+$0x1D080]  }
0x458: {  	v6 =	vld [tilespmem:s10+$0x1C400]  }
0x459: {  	v5 =	vld.idx.msk [tilespmem:v18+s3+$0x0], $0xffff  }
0x45a: {  	v21 =	vld.idx.msk [tilespmem:v18+s17+$0x0], $0xffff  }
0x45b: {  	v1 =	vld.idx.msk [tilespmem:v30+s3+$0x0], $0xffff  }
0x45c: {  	v2 =	vld.idx.msk [tilespmem:v3+s3+$0x0], $0xffff  }
0x45d: {  	v30 =	vld.idx.msk [tilespmem:v30+s17+$0x0], $0xffff  }
0x45e: {  	v31 =	vld.idx.msk [tilespmem:v3+s17+$0x0], $0xffff  }
0x45f: {  	v3 =	vld.idx.msk [tilespmem:v32+s3+$0x0], $0xffff  }
0x460: {  	v4 =	vld.idx.msk [tilespmem:v33+s3+$0x0], $0xffff  }
0x461: {  	v32 =	vld.idx.msk [tilespmem:v32+s17+$0x0], $0xffff  }
0x462: {  	v1 =	vmul.bf16 v2, v1;
	v33 =	vld.idx.msk [tilespmem:v33+s17+$0x0], $0xffff  }
0x463: {  	v39 =	vld.idx.msk [tilespmem:v34+s3+$0x0], $0xffff  }
0x464: {  	v40 =	vld.idx.msk [tilespmem:v35+s3+$0x0], $0xffff  }
0x465: {  	v34 =	vld.idx.msk [tilespmem:v34+s17+$0x0], $0xffff  }
0x466: {  	v2 =	vmul.bf16 v4, v3;
	v35 =	vld.idx.msk [tilespmem:v35+s17+$0x0], $0xffff  }
0x467: {  	s8 =	sadd.s32 $0x2, s8;
	v18 =	vld.idx.msk [tilespmem:v36+s3+$0x0], $0xffff  }
0x468: {  	p0 =	slt.u32 s8, $0x16;
	v36 =	vld.idx.msk [tilespmem:v36+s17+$0x0], $0xffff  }
0x469: {  	v4 =	vld.idx.msk [tilespmem:v37+s3+$0x0], $0xffff  }
0x46a: {  	v3 =	vmul.bf16 v40, v39;
	v41 =	vld.idx.msk [tilespmem:v38+s3+$0x0], $0xffff  }
0x46b: {  	v37 =	vld.idx.msk [tilespmem:v37+s17+$0x0], $0xffff  }
0x46c: {  	v38 =	vld.idx.msk [tilespmem:v38+s17+$0x0], $0xffff  }
0x46d: {  	v39 =	vld.idx.msk [tilespmem:v29+s3+$0x0], $0xffff  }
0x46e: {  	v40 =	vld.idx.msk [tilespmem:v9+s17+$0x0], $0xffff  }
0x46f: {  	v42 =	vld.idx.msk [tilespmem:v10+s17+$0x0], $0xffff  }
0x470: {  	v4 =	vmul.bf16 v41, v4;
	v43 =	vld.idx.msk [tilespmem:v13+s17+$0x0], $0xffff  }
0x471: {  	v41 =	vld.idx.msk [tilespmem:v12+s17+$0x0], $0xffff  }
0x472: {  	v44 =	vld.idx.msk [tilespmem:v15+s17+$0x0], $0xffff  }
0x473: {  	v45 =	vld.idx.msk [tilespmem:v14+s17+$0x0], $0xffff  }
0x474: {  	v46 =	vld.idx.msk [tilespmem:v16+s17+$0x0], $0xffff  }
0x475: {  	v40 =	vmul.bf16 v42, v40;
	v42 =	vld.idx.msk [tilespmem:v6+s17+$0x0], $0xffff  }
0x476: {  	v47 =	vld.idx.msk [tilespmem:v19+s17+$0x0], $0xffff  }
0x477: {  	v40 =	vadd.bf16 v0, v40;
	v41 =	vmul.bf16 v41, v43;
	v43 =	vld.idx.msk [tilespmem:v17+s17+$0x0], $0xffff  }
0x478: {  	v48 =	vld.idx.msk [tilespmem:v22+s17+$0x0], $0xffff  }
0x479: {  	v40 =	vadd.bf16 v41, v40;
	v41 =	vmul.bf16 v45, v44;
	v44 =	vld.idx.msk [tilespmem:v20+s17+$0x0], $0xffff  }
0x47a: {  	v45 =	vld.idx.msk [tilespmem:v24+s17+$0x0], $0xffff  }
0x47b: {  	v40 =	vadd.bf16 v41, v40;
	v41 =	vmul.bf16 v42, v46;
	v42 =	vld.idx.msk [tilespmem:v23+s17+$0x0], $0xffff  }
0x47c: {  	v46 =	vld.idx.msk [tilespmem:v25+s17+$0x0], $0xffff  }
0x47d: {  	v40 =	vadd.bf16 v41, v40;
	v41 =	vmul.bf16 v43, v47;
	v43 =	vld.idx.msk [tilespmem:v7+s17+$0x0], $0xffff  }
0x47e: {  	v47 =	vld.idx.msk [tilespmem:v26+s17+$0x0], $0xffff  }
0x47f: {  	v40 =	vadd.bf16 v41, v40;
	v41 =	vmul.bf16 v44, v48;
	v44 =	vld.idx.msk [tilespmem:v27+s17+$0x0], $0xffff  }
0x480: {  	v29 =	vld.idx.msk [tilespmem:v29+s17+$0x0], $0xffff  }
0x481: {  	v40 =	vadd.bf16 v41, v40;
	v41 =	vmul.bf16 v42, v45;
	v42 =	vld.idx.msk [tilespmem:v28+s17+$0x0], $0xffff  }
0x482: {  	v28 =	vld.idx.msk [tilespmem:v28+s3+$0x0], $0xffff  }
0x483: {  	v40 =	vadd.bf16 v41, v40;
	v41 =	vmul.bf16 v43, v46;
	v26 =	vld.idx.msk [tilespmem:v26+s3+$0x0], $0xffff  }
0x484: {  	v27 =	vld.idx.msk [tilespmem:v27+s3+$0x0], $0xffff  }
0x485: {  	v40 =	vadd.bf16 v41, v40;
	v41 =	vmul.bf16 v44, v47;
	v43 =	vld.idx.msk [tilespmem:v8+s17+$0x0], $0xffff  }
0x486: {  	v25 =	vld.idx.msk [tilespmem:v25+s3+$0x0], $0xffff  }
0x487: {  	v40 =	vadd.bf16 v41, v40;
	v29 =	vmul.bf16 v42, v29;
	v24 =	vld.idx.msk [tilespmem:v24+s3+$0x0], $0xffff  }
0x488: {  	v28 =	vmul.bf16 v28, v39;
	v23 =	vld.idx.msk [tilespmem:v23+s3+$0x0], $0xffff  }
0x489: {  	v37 =	vmul.bf16 v38, v37;
	v29 =	vadd.bf16 v29, v40;
	v22 =	vld.idx.msk [tilespmem:v22+s3+$0x0], $0xffff  }
0x48a: {  	v26 =	vmul.bf16 v27, v26;
	v20 =	vld.idx.msk [tilespmem:v20+s3+$0x0], $0xffff  }
0x48b: {  	v27 =	vadd.bf16 v37, v29;
	v29 =	vmul.bf16 v43, v36;
	v19 =	vld.idx.msk [tilespmem:v19+s3+$0x0], $0xffff  }
0x48c: {  	v17 =	vld.idx.msk [tilespmem:v17+s3+$0x0], $0xffff  }
0x48d: {  	v27 =	vadd.bf16 v29, v27;
	v29 =	vmul.bf16 v35, v34;
	v34 =	vld.idx.msk [tilespmem:v11+s17+$0x0], $0xffff  }
0x48e: {  	v23 =	vmul.bf16 v23, v24;
	v16 =	vld.idx.msk [tilespmem:v16+s3+$0x0], $0xffff  }
0x48f: {  	v24 =	vadd.bf16 v29, v27;
	v27 =	vmul.bf16 v33, v32;
	v15 =	vld.idx.msk [tilespmem:v15+s3+$0x0], $0xffff  }
0x490: {  	v20 =	vmul.bf16 v20, v22;
	v14 =	vld.idx.msk [tilespmem:v14+s3+$0x0], $0xffff  }
0x491: {  	v22 =	vadd.bf16 v27, v24;
	v24 =	vmul.bf16 v31, v30;
	v13 =	vld.idx.msk [tilespmem:v13+s3+$0x0], $0xffff  }
0x492: {  	v17 =	vmul.bf16 v17, v19;
	v12 =	vld.idx.msk [tilespmem:v12+s3+$0x0], $0xffff  }
0x493: {  	v19 =	vadd.bf16 v24, v22;
	v21 =	vmul.bf16 v34, v21;
	v9 =	vld.idx.msk [tilespmem:v9+s3+$0x0], $0xffff  }
0x494: {  	v10 =	vld.idx.msk [tilespmem:v10+s3+$0x0], $0xffff  }
0x495: {  	v19 =	vadd.bf16 v21, v19;
	v11 =	vld.idx.msk [tilespmem:v11+s3+$0x0], $0xffff  }
0x496: {  	v14 =	vmul.bf16 v14, v15;
	v8 =	vld.idx.msk [tilespmem:v8+s3+$0x0], $0xffff  }
0x497: {  	s7 =	sadd.s32 $0x20, s7;
	v15 =	vunpack.i.u.bf16.f32 v19;
	v19 =	vunpack.i.l.bf16.f32 v19;
	v7 =	vld.idx.msk [tilespmem:v7+s3+$0x0], $0xffff  }
0x498: {  	v12 =	vmul.bf16 v12, v13;
	v6 =	vld.idx.msk [tilespmem:v6+s3+$0x0], $0xffff;
	[tilespmem:s7+$0x1A0] =	vst v15  }
0x499: {  	v13 =	vld [tilespmem:s9+$0xFFFFE880];
	[tilespmem:s7+$0x10] =	vst v19  }
0x49a: {  	v9 =	vmul.bf16 v10, v9;
	v15 =	vld [tilespmem:s9+$0xFFFFE6F0]  }
0x49b: {  	v5 =	vmul.bf16 v11, v5;
	v10 =	vld [tilespmem:s9+$0xFFFFEA10]  }
0x49c: {  	v9 =	vadd.bf16 v0, v9;
	v8 =	vmul.bf16 v8, v18;
	v11 =	vld [tilespmem:s9+$0xFFFFEBA0]  }
0x49d: {  	v7 =	vmul.bf16 v7, v25;
	v18 =	vld [tilespmem:s9+$0xFFFFED30]  }
0x49e: {  	v9 =	vadd.bf16 v12, v9;
	v6 =	vmul.bf16 v6, v16;
	v19 =	vld [tilespmem:s9+$0xFFFFEEC0]  }
0x49f: {  	v12 =	vld [tilespmem:s9+$0xFFFFF050]  }
0x4a0: {  	v9 =	vadd.bf16 v14, v9;
	v16 =	vld [tilespmem:s9+$0xFFFFF1E0]  }
0x4a1: {  	v14 =	vld.idx.msk [tilespmem:v13+s3+$0x0], $0xffff  }
0x4a2: {  	v6 =	vadd.bf16 v6, v9;
	v21 =	vld.idx.msk [tilespmem:v15+s3+$0x0], $0xffff  }
0x4a3: {  	v9 =	vld.idx.msk [tilespmem:v15+s17+$0x0], $0xffff  }
0x4a4: {  	v6 =	vadd.bf16 v17, v6;
	v13 =	vld.idx.msk [tilespmem:v13+s17+$0x0], $0xffff  }
0x4a5: {  	v15 =	vld.idx.msk [tilespmem:v10+s3+$0x0], $0xffff  }
0x4a6: {  	v6 =	vadd.bf16 v20, v6;
	v17 =	vld.idx.msk [tilespmem:v11+s3+$0x0], $0xffff  }
0x4a7: {  	v10 =	vld.idx.msk [tilespmem:v10+s17+$0x0], $0xffff  }
0x4a8: {  	v14 =	vmul.bf16 v14, v21;
	v6 =	vadd.bf16 v23, v6;
	v11 =	vld.idx.msk [tilespmem:v11+s17+$0x0], $0xffff  }
0x4a9: {  	v20 =	vld [tilespmem:s10+$0x1C580]  }
0x4aa: {  	v14 =	vadd.bf16 v0, v14;
	v9 =	vmul.bf16 v13, v9;
	v6 =	vadd.bf16 v7, v6;
	v13 =	vld [tilespmem:s9+$0xFFFFF500]  }
0x4ab: {  	v7 =	vld.idx.msk [tilespmem:v18+s3+$0x0], $0xffff  }
0x4ac: {  	v9 =	vadd.bf16 v0, v9;
	v15 =	vmul.bf16 v17, v15;
	v6 =	vadd.bf16 v26, v6;
	v17 =	vld.idx.msk [tilespmem:v19+s3+$0x0], $0xffff  }
0x4ad: {  	v18 =	vld.idx.msk [tilespmem:v18+s17+$0x0], $0xffff  }
0x4ae: {  	v14 =	vadd.bf16 v15, v14;
	v10 =	vmul.bf16 v11, v10;
	v6 =	vadd.bf16 v28, v6;
	v11 =	vld.idx.msk [tilespmem:v19+s17+$0x0], $0xffff  }
0x4af: {  	v15 =	vld [tilespmem:s9+$0xFFFFF690]  }
0x4b0: {  	v9 =	vadd.bf16 v10, v9;
	v4 =	vadd.bf16 v4, v6;
	v10 =	vld [tilespmem:s9+$0xFFFFF820]  }
0x4b1: {  	v6 =	vld.idx.msk [tilespmem:v12+s3+$0x0], $0xffff  }
0x4b2: {  	v7 =	vmul.bf16 v17, v7;
	v4 =	vadd.bf16 v8, v4;
	v17 =	vld.idx.msk [tilespmem:v16+s3+$0x0], $0xffff  }
0x4b3: {  	v8 =	vld.idx.msk [tilespmem:v12+s17+$0x0], $0xffff  }
0x4b4: {  	v7 =	vadd.bf16 v7, v14;
	v11 =	vmul.bf16 v11, v18;
	v3 =	vadd.bf16 v3, v4;
	v12 =	vld.idx.msk [tilespmem:v16+s17+$0x0], $0xffff  }
0x4b5: {  	v4 =	vld [tilespmem:s9+$0xFFFFF9B0]  }
0x4b6: {  	v9 =	vadd.bf16 v11, v9;
	v2 =	vadd.bf16 v2, v3;
	v11 =	vld [tilespmem:s9+$0xFFFFFB40]  }
0x4b7: {  	v3 =	vld.idx.msk [tilespmem:v20+s3+$0x0], $0xffff  }
0x4b8: {  	v6 =	vmul.bf16 v17, v6;
	v1 =	vadd.bf16 v1, v2;
	v14 =	vld.idx.msk [tilespmem:v20+s17+$0x0], $0xffff  }
0x4b9: {  	v2 =	vld.idx.msk [tilespmem:v13+s3+$0x0], $0xffff  }
0x4ba: {  	v6 =	vadd.bf16 v6, v7;
	v7 =	vmul.bf16 v12, v8;
	v1 =	vadd.bf16 v5, v1;
	v8 =	vld.idx.msk [tilespmem:v13+s17+$0x0], $0xffff  }
0x4bb: {  	v5 =	vld [tilespmem:s9+$0xFFFFFCD0]  }
0x4bc: {  	v7 =	vadd.bf16 v7, v9;
	v12 =	vunpack.i.u.bf16.f32 v1;
	v1 =	vunpack.i.l.bf16.f32 v1;
	v9 =	vld [tilespmem:s9+$0xFFFFFE60]  }
0x4bd: {  	v13 =	vld.idx.msk [tilespmem:v15+s3+$0x0], $0xffff;
	[tilespmem:s7+$0xFFFFFCF0] =	vst v1  }
0x4be: {  	v1 =	vld.idx.msk [tilespmem:v10+s3+$0x0], $0xffff;
	[tilespmem:s7+$0xFFFFFE80] =	vst v12  }
0x4bf: {  	v2 =	vmul.bf16 v2, v3;
	v3 =	vld.idx.msk [tilespmem:v15+s17+$0x0], $0xffff  }
0x4c0: {  	v8 =	vmul.bf16 v8, v14;
	v10 =	vld.idx.msk [tilespmem:v10+s17+$0x0], $0xffff  }
0x4c1: {  	v2 =	vadd.bf16 v2, v6;
	v6 =	vld [tilespmem:s10+$0x1D200]  }
0x4c2: {  	v7 =	vadd.bf16 v8, v7;
	v8 =	vld [tilespmem:s9+$0x180]  }
0x4c3: {  	v12 =	vld.idx.msk [tilespmem:v4+s3+$0x0], $0xffff  }
0x4c4: {  	v1 =	vmul.bf16 v1, v13;
	v13 =	vld.idx.msk [tilespmem:v11+s3+$0x0], $0xffff  }
0x4c5: {  	v4 =	vld.idx.msk [tilespmem:v4+s17+$0x0], $0xffff  }
0x4c6: {  	v1 =	vadd.bf16 v1, v2;
	v2 =	vmul.bf16 v10, v3;
	v3 =	vld.idx.msk [tilespmem:v11+s17+$0x0], $0xffff  }
0x4c7: {  	v10 =	vld [tilespmem:s9+$0x310]  }
0x4c8: {  	v2 =	vadd.bf16 v2, v7;
	v7 =	vld [tilespmem:s9+$0x4A0]  }
0x4c9: {  	v11 =	vld.idx.msk [tilespmem:v5+s3+$0x0], $0xffff  }
0x4ca: {  	v12 =	vmul.bf16 v13, v12;
	v13 =	vld.idx.msk [tilespmem:v9+s3+$0x0], $0xffff  }
0x4cb: {  	v5 =	vld.idx.msk [tilespmem:v5+s17+$0x0], $0xffff  }
0x4cc: {  	v1 =	vadd.bf16 v12, v1;
	v3 =	vmul.bf16 v3, v4;
	v4 =	vld.idx.msk [tilespmem:v9+s17+$0x0], $0xffff  }
0x4cd: {  	v9 =	vld [tilespmem:s9+$0x630]  }
0x4ce: {  	v2 =	vadd.bf16 v3, v2;
	v3 =	vld [tilespmem:s9+$0x7C0]  }
0x4cf: {  	v12 =	vld.idx.msk [tilespmem:v6+s3+$0x0], $0xffff  }
0x4d0: {  	v11 =	vmul.bf16 v13, v11;
	v6 =	vld.idx.msk [tilespmem:v6+s17+$0x0], $0xffff  }
0x4d1: {  	v13 =	vld.idx.msk [tilespmem:v8+s3+$0x0], $0xffff  }
0x4d2: {  	v1 =	vadd.bf16 v11, v1;
	v4 =	vmul.bf16 v4, v5;
	v5 =	vld.idx.msk [tilespmem:v8+s17+$0x0], $0xffff  }
0x4d3: {  	v8 =	vld [tilespmem:s9+$0x950]  }
0x4d4: {  	v2 =	vadd.bf16 v4, v2;
	v4 =	vld [tilespmem:s9+$0xAE0]  }
0x4d5: {  	v11 =	vld.idx.msk [tilespmem:v10+s3+$0x0], $0xffff  }
0x4d6: {  	v14 =	vld.idx.msk [tilespmem:v7+s3+$0x0], $0xffff  }
0x4d7: {  	v12 =	vmul.bf16 v13, v12;
	v10 =	vld.idx.msk [tilespmem:v10+s17+$0x0], $0xffff  }
0x4d8: {  	v5 =	vmul.bf16 v5, v6;
	v6 =	vld.idx.msk [tilespmem:v7+s17+$0x0], $0xffff  }
0x4d9: {  	v1 =	vadd.bf16 v12, v1;
	v7 =	vld [tilespmem:s10+$0x1DE80]  }
0x4da: {  	v2 =	vadd.bf16 v5, v2;
	v5 =	vld [tilespmem:s9+$0xE00]  }
0x4db: {  	v12 =	vld.idx.msk [tilespmem:v9+s3+$0x0], $0xffff  }
0x4dc: {  	v11 =	vmul.bf16 v14, v11;
	v13 =	vld.idx.msk [tilespmem:v3+s3+$0x0], $0xffff  }
0x4dd: {  	v9 =	vld.idx.msk [tilespmem:v9+s17+$0x0], $0xffff  }
0x4de: {  	v1 =	vadd.bf16 v11, v1;
	v6 =	vmul.bf16 v6, v10;
	v3 =	vld.idx.msk [tilespmem:v3+s17+$0x0], $0xffff  }
0x4df: {  	v10 =	vld [tilespmem:s9+$0xF90]  }
0x4e0: {  	v2 =	vadd.bf16 v6, v2;
	v6 =	vld [tilespmem:s9+$0x1120]  }
0x4e1: {  	v11 =	vld.idx.msk [tilespmem:v8+s3+$0x0], $0xffff  }
0x4e2: {  	v12 =	vmul.bf16 v13, v12;
	v13 =	vld.idx.msk [tilespmem:v4+s3+$0x0], $0xffff  }
0x4e3: {  	v8 =	vld.idx.msk [tilespmem:v8+s17+$0x0], $0xffff  }
0x4e4: {  	v1 =	vadd.bf16 v12, v1;
	v3 =	vmul.bf16 v3, v9;
	v4 =	vld.idx.msk [tilespmem:v4+s17+$0x0], $0xffff  }
0x4e5: {  	v9 =	vld [tilespmem:s9+$0x12B0]  }
0x4e6: {  	v2 =	vadd.bf16 v3, v2;
	v3 =	vld [tilespmem:s9+$0x1440]  }
0x4e7: {  	v12 =	vld.idx.msk [tilespmem:v7+s3+$0x0], $0xffff  }
0x4e8: {  	v11 =	vmul.bf16 v13, v11;
	v7 =	vld.idx.msk [tilespmem:v7+s17+$0x0], $0xffff  }
0x4e9: {  	v13 =	vld.idx.msk [tilespmem:v5+s3+$0x0], $0xffff  }
0x4ea: {  	v1 =	vadd.bf16 v11, v1;
	v4 =	vmul.bf16 v4, v8;
	v5 =	vld.idx.msk [tilespmem:v5+s17+$0x0], $0xffff  }
0x4eb: {  	v11 =	vld [tilespmem:s9+$0x15D0]  }
0x4ec: {  	v2 =	vadd.bf16 v4, v2;
	v14 =	vld [tilespmem:s9+$0x1760]  }
0x4ed: {  	v4 =	vld.idx.msk [tilespmem:v10+s3+$0x0], $0xffff  }
0x4ee: {  	v8 =	vld.idx.msk [tilespmem:v6+s3+$0x0], $0xffff  }
0x4ef: {  	v12 =	vmul.bf16 v13, v12;
	v10 =	vld.idx.msk [tilespmem:v10+s17+$0x0], $0xffff  }
0x4f0: {  	v5 =	vmul.bf16 v5, v7;
	v6 =	vld.idx.msk [tilespmem:v6+s17+$0x0], $0xffff  }
0x4f1: {  	v7 =	vadd.bf16 v12, v1;
	v12 =	vld.idx.msk [tilespmem:v9+s3+$0x0], $0xffff  }
0x4f2: {  	v13 =	vadd.bf16 v5, v2;
	v15 =	vld.idx.msk [tilespmem:v3+s3+$0x0], $0xffff  }
0x4f3: {  	v1 =	vld.idx.msk [tilespmem:v9+s17+$0x0], $0xffff  }
.Ltmp1:
0x4f4: {  	v4 =	vmul.bf16 v8, v4;
	v3 =	vld.idx.msk [tilespmem:v3+s17+$0x0], $0xffff;
	(pc) =	sbr.rel @p0 .LBB2_5-.Ltmp1, $4  }
0x4f5: {  	v2 =	vld.idx.msk [tilespmem:v11+s3+$0x0], $0xffff  }
0x4f6: {  	v8 =	vadd.bf16 v4, v7;
	v6 =	vmul.bf16 v6, v10;
	v5 =	vld.idx.msk [tilespmem:v14+s3+$0x0], $0xffff  }
0x4f7: {  	v4 =	vld.idx.msk [tilespmem:v11+s17+$0x0], $0xffff  }
0x4f8: {  	s9 =	sadd.s32 $0x20, s9;
	v7 =	vadd.bf16 v6, v13;
	v9 =	vmul.bf16 v15, v12;
	v6 =	vld.idx.msk [tilespmem:v14+s17+$0x0], $0xffff  }
0x4f9: {  	_ =	sdelay $0x1  }
0x4fa: {  	v1 =	vmul.bf16 v3, v1;
	v8 =	vadd.bf16 v9, v8;
	v2 =	vmul.bf16 v5, v2;
	_ =	sdelay $0x1  }
0x4fb: {  	v1 =	vadd.bf16 v1, v7;
	v2 =	vadd.bf16 v2, v8;
	v3 =	vmul.bf16 v6, v4;
	_ =	sdelay $0x1  }
0x4fc: {  	v1 =	vadd.bf16 v3, v1;
	v3 =	vunpack.i.l.bf16.f32 v2  }
0x4fd: {  	v2 =	vunpack.i.u.bf16.f32 v2;
	[tilespmem:s7+$0xFFFFFCE0] =	vst v3  }
0x4fe: {  	[tilespmem:s7+$0xFFFFFE70] =	vst v2;
	v3 =	vunpack.i.l.bf16.f32 v1  }
0x4ff: {  	v1 =	vunpack.i.u.bf16.f32 v1;
	[tilespmem:s7+$0x0] =	vst v3  }
0x500: {  	[tilespmem:s7+$0x190] =	vst v1  }
0x501: {  	v1 =	vld [tilespmem:$0x1BA80]  }
0x502: {  	v2 =	vld [tilespmem:$0x1BC10]  }
0x503: {  	v3 =	vld [tilespmem:$0x1BDA0]  }
0x504: {  	v48 =	vld [tilespmem:$0x1BF30]  }
0x505: {  	v51 =	vld [tilespmem:$0x1C0C0]  }
0x506: {  	v52 =	vld [tilespmem:$0x1C250]  }
0x507: {  	v11 =	vld [tilespmem:$0x1C3E0]  }
0x508: {  	v12 =	vld [tilespmem:$0x1C570]  }
0x509: {  	v15 =	vld [tilespmem:$0x1C700]  }
0x50a: {  	v16 =	vld [tilespmem:$0x1C890]  }
0x50b: {  	v19 =	vld [tilespmem:$0x1CA20]  }
0x50c: {  	v20 =	vld [tilespmem:$0x1CBB0]  }
0x50d: {  	v23 =	vld [tilespmem:$0x1CD40]  }
0x50e: {  	v24 =	vld [tilespmem:$0x1CED0]  }
0x50f: {  	v27 =	vld [tilespmem:$0x1D060]  }
0x510: {  	v28 =	vld [tilespmem:$0x1D1F0]  }
0x511: {  	v31 =	vld [tilespmem:$0x1D380]  }
0x512: {  	v32 =	vld [tilespmem:$0x1D510]  }
0x513: {  	v35 =	vld [tilespmem:$0x1D6A0]  }
0x514: {  	v36 =	vld [tilespmem:$0x1D830]  }
0x515: {  	v39 =	vld [tilespmem:$0x1D9C0]  }
0x516: {  	v40 =	vld [tilespmem:$0x1DB50]  }
0x517: {  	v43 =	vld [tilespmem:$0x1DCE0]  }
0x518: {  	v44 =	vld [tilespmem:$0x1DE70]  }
0x519: {  	v54 =	vld [tilespmem:$0x1E000]  }
0x51a: {  	v59 =	vld [tilespmem:$0x1E320]  }
0x51b: {  	v60 =	vld [tilespmem:$0x1E4B0]  }
0x51c: {  	v49 =	vld.idx.msk [tilespmem:v1+s3+$0x0], $0xffff  }
0x51d: {  	v50 =	vld.idx.msk [tilespmem:v2+s3+$0x0], $0xffff  }
0x51e: {  	v1 =	vld.idx.msk [tilespmem:v1+s17+$0x0], $0xffff  }
0x51f: {  	v2 =	vld.idx.msk [tilespmem:v2+s17+$0x0], $0xffff  }
0x520: {  	v53 =	vld.idx.msk [tilespmem:v3+s3+$0x0], $0xffff  }
0x521: {  	v10 =	vld.idx.msk [tilespmem:v48+s3+$0x0], $0xffff  }
0x522: {  	v3 =	vld.idx.msk [tilespmem:v3+s17+$0x0], $0xffff  }
0x523: {  	v4 =	vld.idx.msk [tilespmem:v48+s17+$0x0], $0xffff  }
0x524: {  	v13 =	vld.idx.msk [tilespmem:v51+s3+$0x0], $0xffff  }
0x525: {  	v14 =	vld.idx.msk [tilespmem:v52+s3+$0x0], $0xffff  }
0x526: {  	v7 =	vld.idx.msk [tilespmem:v51+s17+$0x0], $0xffff  }
0x527: {  	v8 =	vld.idx.msk [tilespmem:v52+s17+$0x0], $0xffff  }
0x528: {  	v17 =	vld.idx.msk [tilespmem:v11+s3+$0x0], $0xffff  }
0x529: {  	v18 =	vld.idx.msk [tilespmem:v12+s3+$0x0], $0xffff  }
0x52a: {  	v11 =	vld.idx.msk [tilespmem:v11+s17+$0x0], $0xffff  }
0x52b: {  	v12 =	vld.idx.msk [tilespmem:v12+s17+$0x0], $0xffff  }
0x52c: {  	v21 =	vld.idx.msk [tilespmem:v15+s3+$0x0], $0xffff  }
0x52d: {  	v22 =	vld.idx.msk [tilespmem:v16+s3+$0x0], $0xffff  }
0x52e: {  	v15 =	vld.idx.msk [tilespmem:v15+s17+$0x0], $0xffff  }
0x52f: {  	v16 =	vld.idx.msk [tilespmem:v16+s17+$0x0], $0xffff  }
0x530: {  	v25 =	vld.idx.msk [tilespmem:v19+s3+$0x0], $0xffff  }
0x531: {  	v26 =	vld.idx.msk [tilespmem:v20+s3+$0x0], $0xffff  }
0x532: {  	v19 =	vld.idx.msk [tilespmem:v19+s17+$0x0], $0xffff  }
0x533: {  	v20 =	vld.idx.msk [tilespmem:v20+s17+$0x0], $0xffff  }
0x534: {  	v29 =	vld.idx.msk [tilespmem:v23+s3+$0x0], $0xffff  }
0x535: {  	v30 =	vld.idx.msk [tilespmem:v24+s3+$0x0], $0xffff  }
0x536: {  	v23 =	vld.idx.msk [tilespmem:v23+s17+$0x0], $0xffff  }
0x537: {  	v24 =	vld.idx.msk [tilespmem:v24+s17+$0x0], $0xffff  }
0x538: {  	v33 =	vld.idx.msk [tilespmem:v27+s3+$0x0], $0xffff  }
0x539: {  	v34 =	vld.idx.msk [tilespmem:v28+s3+$0x0], $0xffff  }
0x53a: {  	v27 =	vld.idx.msk [tilespmem:v27+s17+$0x0], $0xffff  }
0x53b: {  	v28 =	vld.idx.msk [tilespmem:v28+s17+$0x0], $0xffff  }
0x53c: {  	v37 =	vld.idx.msk [tilespmem:v31+s3+$0x0], $0xffff  }
0x53d: {  	v38 =	vld.idx.msk [tilespmem:v32+s3+$0x0], $0xffff  }
0x53e: {  	v31 =	vld.idx.msk [tilespmem:v31+s17+$0x0], $0xffff  }
0x53f: {  	v32 =	vld.idx.msk [tilespmem:v32+s17+$0x0], $0xffff  }
0x540: {  	v41 =	vld.idx.msk [tilespmem:v35+s3+$0x0], $0xffff  }
0x541: {  	v42 =	vld.idx.msk [tilespmem:v36+s3+$0x0], $0xffff  }
0x542: {  	v35 =	vld.idx.msk [tilespmem:v35+s17+$0x0], $0xffff  }
0x543: {  	v36 =	vld.idx.msk [tilespmem:v36+s17+$0x0], $0xffff  }
0x544: {  	v45 =	vld.idx.msk [tilespmem:v39+s3+$0x0], $0xffff  }
0x545: {  	v46 =	vld.idx.msk [tilespmem:v40+s3+$0x0], $0xffff;
	v5 =	vmul.bf16 v50, v49  }
0x546: {  	v39 =	vld.idx.msk [tilespmem:v39+s17+$0x0], $0xffff;
	v1 =	vmul.bf16 v2, v1  }
0x547: {  	v40 =	vld.idx.msk [tilespmem:v40+s17+$0x0], $0xffff;
	v9 =	vmul.bf16 v10, v53;
	v5 =	vadd.bf16 v0, v5  }
0x548: {  	v56 =	vld.idx.msk [tilespmem:v43+s17+$0x0], $0xffff;
	v3 =	vmul.bf16 v4, v3;
	v1 =	vadd.bf16 v0, v1  }
0x549: {  	v57 =	vld.idx.msk [tilespmem:v44+s17+$0x0], $0xffff;
	v55 =	vmul.bf16 v14, v13;
	v5 =	vadd.bf16 v9, v5  }
0x54a: {  	v62 =	vld.idx.msk [tilespmem:v54+s3+$0x0], $0xffff;
	v1 =	vadd.bf16 v3, v1;
	v3 =	vmul.bf16 v8, v7  }
0x54b: {  	v6 =	vld.idx.msk [tilespmem:v54+s17+$0x0], $0xffff;
	v58 =	vmul.bf16 v18, v17;
	v5 =	vadd.bf16 v55, v5  }
0x54c: {  	v47 =	vld.idx.msk [tilespmem:v60+s3+$0x0], $0xffff;
	v1 =	vadd.bf16 v3, v1;
	v3 =	vmul.bf16 v12, v11  }
0x54d: {  	v2 =	vld [tilespmem:$0x1E190];
	v61 =	vmul.bf16 v22, v21;
	v5 =	vadd.bf16 v58, v5  }
0x54e: {  	v10 =	vld.idx.msk [tilespmem:v43+s3+$0x0], $0xffff;
	v1 =	vadd.bf16 v3, v1;
	v3 =	vmul.bf16 v16, v15  }
0x54f: {  	v4 =	vld.idx.msk [tilespmem:v44+s3+$0x0], $0xffff;
	v25 =	vmul.bf16 v26, v25;
	v5 =	vadd.bf16 v61, v5  }
0x550: {  	v26 =	vmul.bf16 v30, v29;
	v29 =	vld [tilespmem:$0x1E640];
	v1 =	vadd.bf16 v3, v1;
	v3 =	vmul.bf16 v20, v19  }
0x551: {  	v30 =	vld [tilespmem:$0x1E7D0];
	v5 =	vadd.bf16 v25, v5  }
0x552: {  	v44 =	vld.idx.msk [tilespmem:v59+s3+$0x0], $0xffff;
	v1 =	vadd.bf16 v3, v1;
	v3 =	vmul.bf16 v24, v23  }
0x553: {  	v43 =	vmul.bf16 v34, v33;
	v49 =	vld [tilespmem:$0x1E960];
	v5 =	vadd.bf16 v26, v5  }
0x554: {  	v50 =	vld [tilespmem:$0x1EAF0];
	v1 =	vadd.bf16 v3, v1;
	v3 =	vmul.bf16 v28, v27  }
0x555: {  	v48 =	vmul.bf16 v38, v37;
	v9 =	vld.idx.msk [tilespmem:v59+s17+$0x0], $0xffff;
	v5 =	vadd.bf16 v43, v5  }
0x556: {  	v11 =	vld.idx.msk [tilespmem:v60+s17+$0x0], $0xffff;
	v1 =	vadd.bf16 v3, v1;
	v3 =	vmul.bf16 v32, v31  }
0x557: {  	v51 =	vmul.bf16 v42, v41;
	v63 =	vld.idx.msk [tilespmem:v2+s3+$0x0], $0xffff;
	v5 =	vadd.bf16 v48, v5  }
0x558: {  	v2 =	vld.idx.msk [tilespmem:v2+s17+$0x0], $0xffff;
	v1 =	vadd.bf16 v3, v1;
	v3 =	vmul.bf16 v36, v35  }
0x559: {  	v52 =	vmul.bf16 v46, v45;
	v53 =	vld.idx.msk [tilespmem:v29+s3+$0x0], $0xffff;
	v5 =	vadd.bf16 v51, v5  }
0x55a: {  	v54 =	vld.idx.msk [tilespmem:v30+s3+$0x0], $0xffff;
	v1 =	vadd.bf16 v3, v1;
	v3 =	vmul.bf16 v40, v39  }
0x55b: {  	v4 =	vmul.bf16 v4, v10;
	v55 =	vld.idx.msk [tilespmem:v29+s17+$0x0], $0xffff;
	v5 =	vadd.bf16 v52, v5  }
0x55c: {  	v58 =	vld.idx.msk [tilespmem:v49+s3+$0x0], $0xffff;
	v1 =	vadd.bf16 v3, v1;
	v3 =	vmul.bf16 v57, v56  }
0x55d: {  	v56 =	vld.idx.msk [tilespmem:v30+s17+$0x0], $0xffff;
	v57 =	vmul.bf16 v63, v62;
	v4 =	vadd.bf16 v4, v5  }
0x55e: {  	v1 =	vadd.bf16 v3, v1;
	v3 =	vld.idx.msk [tilespmem:v50+s3+$0x0], $0xffff  }
0x55f: {  	v59 =	vmul.bf16 v47, v44;
	v60 =	vld.idx.msk [tilespmem:v49+s17+$0x0], $0xffff;
	v2 =	vmul.bf16 v2, v6;
	v4 =	vadd.bf16 v57, v4  }
0x560: {  	v61 =	vld.idx.msk [tilespmem:v50+s17+$0x0], $0xffff;
	v62 =	vmul.bf16 v54, v53  }
0x561: {  	v1 =	vadd.bf16 v2, v1;
	v2 =	vmul.bf16 v11, v9;
	v4 =	vadd.bf16 v59, v4  }
0x562: {  	v63 =	vmul.bf16 v56, v55  }
0x563: {  	v1 =	vadd.bf16 v2, v1;
	v3 =	vmul.bf16 v3, v58;
	v2 =	vadd.bf16 v62, v4;
	_ =	sdelay $0x1  }
0x564: {  	v1 =	vadd.bf16 v63, v1;
	v2 =	vadd.bf16 v3, v2;
	v3 =	vmul.bf16 v61, v60;
	_ =	sdelay $0x1  }
0x565: {  	v1 =	vadd.bf16 v3, v1;
	v3 =	vunpack.i.l.bf16.f32 v2  }
0x566: {  	v2 =	vunpack.i.u.bf16.f32 v2;
	[tilespmem:$0x1F300] =	vst v3  }
0x567: {  	s0 =	sadd.s32 s31, s30;
	[tilespmem:$0x1F490] =	vst v2;
	v3 =	vunpack.i.l.bf16.f32 v1  }
0x568: {  	s0 =	sshrl.u32 s0, $0x3;
	v1 =	vunpack.i.u.bf16.f32 v1;
	[tilespmem:$0x1F620] =	vst v3  }
0x569: {  	s9 =	simm.s32 $0x1F180;
	s29 =	sadd.s32 $0x1, s29;
	s0 =	sadd.s32 s4, s0;
	[tilespmem:$0x1F7B0] =	vst v1  }
0x56a: {  	[hbm4b:s0+s3] =	stream.linear.scatter [tilespmem:s9], [sflag:$0x4], $0x190, $0x38;
	[tilespmem:$0x1F800] =	vst v63  }
0x56b: {  	s8 =	simm.s32 $0x1F310;
	p0 =	sne.s32 s29, $0x20;
	s10 =	sadd.s32 $0x186A, s0  }
0x56c: {  	[hbm4b:s10+s3] =	stream.linear.scatter [tilespmem:s8], [sflag:$0x4], $0x190, $0x38;
	[tilespmem:$0x1F800] =	vst v63  }
.Ltmp2:
0x56d: {  	_ = 	snop;
	(pc) =	sbr.rel @p0 .LBB2_2-.Ltmp2, $4  }
0x56e: {  	s30 =	simm.s32 $0x1F4A0;
	s11 =	sadd.s32 $0x30D4, s0  }
0x56f: {  	[hbm4b:s11+s3] =	stream.linear.scatter [tilespmem:s30], [sflag:$0x4], $0x190, $0x38;
	[tilespmem:$0x1F800] =	vst v63  }
0x570: {  	s31 =	simm.s32 $0x1F630;
	s0 =	sadd.s32 $0x493E, s0  }
0x571: {  	[hbm4b:s0+s3] =	stream.linear.scatter [tilespmem:s31], [sflag:$0x4], $0x190, $0x38;
	[tilespmem:$0x1F800] =	vst v63  }
0x572: {  	_ =	swait.ge [sflag:s26], $0x3200  }
0x573: {  	[sflag:s26] =	ssyncset.done $0x0  }
0x574: {  	s0 =	simm.s32 $0x3;
	[sflag:s26] =	ssyncadd.s32 $0xFFFFCE00  }
0x575: {  	_ =	swait.ge [sflag:s0], $0x640  }
0x576: {  	[sflag:s0] =	ssyncset.done $0x0  }
0x577: {  	s7 =	simm.s32 $0x4;
	[sflag:s0] =	ssyncadd.s32 $0xFFFFF9C0  }
0x578: {  	_ =	swait.ge [sflag:s7], $0x640  }
0x579: {  	s8 =	sld [smem:$0x7F7];
	_ =	sdelay $0x2  }
0x57a: {  	s31 =	rddreg [dreg:$0x16];
	s8 =	sadd.s32 $0x1, s8  }
0x57b: {  	p0 =	sne.s32 s8, s31  }
.Ltmp3:
0x57c: {  	_ = 	snop;
	(pc) =	sbr.rel @p0 .LBB2_1-.Ltmp3, $3  }
0x57d: {  	_ =	sdelay $0x1  }
0x57e: {  	[sflag:s7] =	ssyncset.done $0x0  }
0x57f: {  	[sflag:s7] =	ssyncadd.s32 $0xFFFFF9C0  }
0x580: {  	_ =	sfence.sel $0x180000  }
0x581: {  	[bflag:$0x0] =	sbarrier.arrive $0xFFFF  }
0x582: {  	_ =	strace $0x90000047  }
0x583: {  	[bflag:$0x2] =	sbarrier.arrive $0xFFFF  }
0x584: {  	p0 =	sne.s32 s2, $0x0;
	s0 =	rddreg [dreg:$0x2]  }
0x585: {  	s0 =	sadd.s32 @!p0 $0x100000, s0  }
0x586: {  	[sflag:s0] =	ssyncadd.tile.s32 @!p0 $0x1;
	_ =	shalt  }
.Lfunc_end2:
_tile_overlayer_lowered:
.L_overlay_start_2:
0x587: {  	(tag) =	ssettag $0x2  }
0x588: {  	s0 =	rddreg [dreg:$0x0];
	s2 =	stileid.u32  }
0x589: {  	s1 =	rddreg [dreg:$0x1];
	p0 =	sne.s32 s2, $0x0  }
0x58a: {  	s3 =	rddreg [dreg:$0x2];
	[bflag:$0x3] =	sbarrier.arrive $0xFFFF;
	s2 =	simm.s32 @!p0 $0x1C05  }
0x58b: {  	[timem:s3], [sflag:s2] =	dma.local @!p0 [hbm:s0], s1  }
0x58c: {  	s0 =	simm.s32 @!p0 $0x5  }
0x58d: {  	_ =	swait.ge @!p0 [sflag:s0], s1  }
0x58e: {  	s1 =	ssub.s32 @!p0 $0x0, s1;
	[sflag:s0] =	ssyncset.done @!p0 $0x0  }
0x58f: {  	[sflag:s0] =	ssyncadd.s32 @!p0 s1  }
0x590: {  	[bflag:$0x3] =	sbarrier.arrive $0xFFFF  }
0x591: {  	_ =	shalt  }

</sc_bundles>
